<compile_context>
chip_gen: v7x
topology: tpu7x:2x2x1
jax: 0.10.2.dev20260603
libtpu: 0.0.44.dev20260713+nightly
codegen_flags: <defaults>
</compile_context>

<pallas_src>
import jax
import jax.numpy as jnp
from jax import lax
from jax.experimental import pallas as pl
from jax.experimental.pallas import tpu as pltpu
from jax.experimental.pallas import tpu_sc as plsc

NG = 100000
NSUB = 10000
NE = 160000
DM = 128
DF = 128
DMSG = 16
NBATCH = 2048
DZ = DM + DF
DH = 128

NC, NSC, LANES = 2, 16, 16
NW = NC * NSC
DHALF = DZ // NC

_f32 = jnp.float32
_i32 = jnp.int32


def _sc_mesh():
    return plsc.VectorSubcoreMesh(core_axis_name="c", subcore_axis_name="s",
                                  num_cores=NC, num_subcores=NSC)


_P0_K = 80
_P0_NBLK = NSUB // _P0_K


def _p0_body(nid_hbm, mem_hbm, x_hbm, lut_hbm, m_hbm, xg_hbm, lu_hbm,
             idx_v, mbuf, xbuf, lubuf, lut_tbl, sem):
    c = lax.axis_index("c")
    s = lax.axis_index("s")
    wid = s * NC + c
    pltpu.sync_copy(lut_hbm, lut_tbl)
    nblk = jnp.where(wid < _P0_NBLK - (_P0_NBLK // NW) * NW,
                     _P0_NBLK // NW + 1, _P0_NBLK // NW)

    def blk(i, carry):
        r0 = (wid + NW * i) * _P0_K
        pltpu.sync_copy(nid_hbm.at[pl.ds(r0, _P0_K)], idx_v)
        pltpu.async_copy(mem_hbm.at[idx_v], mbuf, sem).wait()
        pltpu.sync_copy(mbuf, m_hbm.at[pl.ds(r0, _P0_K), :])
        pltpu.async_copy(x_hbm.at[idx_v], xbuf, sem).wait()
        pltpu.sync_copy(xbuf, xg_hbm.at[pl.ds(r0, _P0_K), :])
        for j in range(_P0_K // LANES):
            sl = pl.ds(j * LANES, LANES)
            lubuf[sl] = plsc.load_gather(lut_tbl, [idx_v[sl]])
        pltpu.sync_copy(lubuf, lu_hbm.at[pl.ds(r0, _P0_K)])
        return carry

    lax.fori_loop(0, nblk, blk, 0)


def _p0(n_id, mem_table, x, last_update_table):
    return pl.kernel(
        _p0_body,
        out_type=(jax.ShapeDtypeStruct((NSUB, DM), _f32),
                  jax.ShapeDtypeStruct((NSUB, DF), _f32),
                  jax.ShapeDtypeStruct((NSUB,), _f32)),
        mesh=_sc_mesh(),
        compiler_params=pltpu.CompilerParams(needs_layout_passes=False),
        scratch_types=[
            pltpu.VMEM((_P0_K,), _i32),
            pltpu.VMEM((_P0_K, DM), _f32),
            pltpu.VMEM((_P0_K, DF), _f32),
            pltpu.VMEM((_P0_K,), _f32),
            pltpu.VMEM((NG,), _f32),
            pltpu.SemaphoreType.DMA,
        ],
    )(n_id, mem_table, x, last_update_table)


_P1T_BN = 2000


def _p1t_body(m_ref, xg_ref, lu_ref, a1, a2, wt_ref, s1, s2, zw_ref, zself_ref):
    mm = m_ref[...]
    xx = xg_ref[...]
    zw_ref[...] = mm @ a1[...] + xx @ a2[...] - lu_ref[...] * wt_ref[...]
    zself_ref[...] = mm @ s1[...] + xx @ s2[...]


def _p1t(m, xg, lu2, W_msg, W_self):
    nb = NSUB // _P1T_BN
    return pl.pallas_call(
        _p1t_body,
        grid=(NC, nb),
        in_specs=[
            pl.BlockSpec((_P1T_BN, DM), lambda c, i: (i, 0)),
            pl.BlockSpec((_P1T_BN, DF), lambda c, i: (i, 0)),
            pl.BlockSpec((_P1T_BN, 1), lambda c, i: (i, 0)),
            pl.BlockSpec((DM, DHALF), lambda c, i: (0, c)),
            pl.BlockSpec((DF, DHALF), lambda c, i: (0, c)),
            pl.BlockSpec((1, DHALF), lambda c, i: (0, c)),
            pl.BlockSpec((DM, DHALF), lambda c, i: (0, c)),
            pl.BlockSpec((DF, DHALF), lambda c, i: (0, c)),
        ],
        out_specs=(
            pl.BlockSpec((_P1T_BN, DHALF), lambda c, i: (c * (NSUB // _P1T_BN) + i, 0)),
            pl.BlockSpec((_P1T_BN, DHALF), lambda c, i: (i, c)),
        ),
        out_shape=(jax.ShapeDtypeStruct((NC * NSUB, DHALF), _f32),
                   jax.ShapeDtypeStruct((NSUB, DZ), _f32)),
    )(m, xg, lu2, W_msg[:DM], W_msg[DM:DZ], W_msg[DZ + DMSG].reshape(1, DZ),
      W_self[:DM], W_self[DM:])


_P1E_BE = 2000


def _p1e_body(msg_ref, c_ref, bm_ref, eb_ref):
    eb_ref[...] = msg_ref[...] @ c_ref[...] + bm_ref[...]


def _p1e(msg, W_msg, b_msg):
    ne = NE // _P1E_BE
    return pl.pallas_call(
        _p1e_body,
        grid=(ne,),
        in_specs=[
            pl.BlockSpec((_P1E_BE, DMSG), lambda i: (i, 0)),
            pl.BlockSpec((DMSG, DZ), lambda i: (0, 0)),
            pl.BlockSpec((1, DZ), lambda i: (0, 0)),
        ],
        out_specs=pl.BlockSpec((_P1E_BE, DZ), lambda i: (i, 0)),
        out_shape=jax.ShapeDtypeStruct((NE, DZ), _f32),
    )(msg, W_msg[DZ:DZ + DMSG], b_msg.reshape(1, DZ))


_P2_K = 128
_P2_NBLK = NE // _P2_K
_P2_WAVE = 3
_P2_NWAVES = 26
_P2_EXTRA0 = _P2_NWAVES * _P2_WAVE * NSC
_P2_R0 = 624
_P2_CHUNKS = 5


def _p2_body(zw_hbm, eb_hbm, srce_hbm, dste_hbm, t_hbm, wt_hbm, agg_hbm, *scr):
    W = _P2_WAVE
    sidx = scr[0:W]
    didx = scr[W:2 * W]
    buf = scr[2 * W:3 * W]
    tbuf = scr[3 * W:4 * W]
    wtbuf = scr[4 * W]
    aggsh = scr[4 * W + 1]
    lsem = scr[4 * W + 2:5 * W + 2]
    gsem = scr[5 * W + 2:6 * W + 2]
    c = lax.axis_index("c")
    s = lax.axis_index("s")
    pltpu.sync_copy(wt_hbm.at[pl.ds(c * DHALF, DHALF)], wtbuf)
    wvs = [wtbuf[pl.ds(j * LANES, LANES)] for j in range(DHALF // LANES)]

    def zrow(r, carry):
        for j in range(DHALF // LANES):
            buf[0][r, pl.ds(j * LANES, LANES)] = jnp.zeros((LANES,), _f32)
        return carry

    lax.fori_loop(0, _P2_K, zrow, 0)
    r0 = s * _P2_R0
    for k in range(_P2_CHUNKS):
        pltpu.sync_copy(buf[0], aggsh.at[pl.ds(r0 + k * _P2_K, _P2_K), :])
    plsc.subcore_barrier()

    zoff = c * NSUB

    def fire_loads(k, e0):
        return [
            pltpu.async_copy(srce_hbm.at[pl.ds(e0, _P2_K)], sidx[k], lsem[k]),
            pltpu.async_copy(dste_hbm.at[pl.ds(e0, _P2_K)], didx[k], lsem[k]),
            pltpu.async_copy(
                eb_hbm.at[pl.ds(e0, _P2_K), pl.ds(c * DHALF, DHALF)], buf[k],
                lsem[k]),
            pltpu.async_copy(t_hbm.at[pl.ds(e0, _P2_K)],
                             tbuf[k].at[pl.ds(0, _P2_K)], lsem[k]),
        ]

    def compute_block(k):
        def rrow(r, carry2):
            tv = tbuf[k][pl.ds(r, LANES)][0]
            for j in range(DHALF // LANES):
                sl2 = pl.ds(j * LANES, LANES)
                buf[k][r, sl2] = jnp.maximum(buf[k][r, sl2] + tv * wvs[j], 0.0)
            return carry2

        lax.fori_loop(0, _P2_K, rrow, 0)

    def wait_loads(k):
        pltpu.make_async_copy(srce_hbm.at[pl.ds(0, _P2_K)], sidx[k],
                              lsem[k]).wait()
        pltpu.make_async_copy(dste_hbm.at[pl.ds(0, _P2_K)], didx[k],
                              lsem[k]).wait()
        pltpu.make_async_copy(eb_hbm.at[pl.ds(0, _P2_K), pl.ds(0, DHALF)],
                              buf[k], lsem[k]).wait()
        pltpu.make_async_copy(t_hbm.at[pl.ds(0, _P2_K)],
                              tbuf[k].at[pl.ds(0, _P2_K)], lsem[k]).wait()

    for k in range(W):
        fire_loads(k, (s + NSC * k) * _P2_K)

    def wave(g, carry):
        gds = []
        for k in range(W):
            wait_loads(k)
            for j in range(_P2_K // LANES):
                sl = pl.ds(j * LANES, LANES)
                sidx[k][sl] = sidx[k][sl] + zoff
            gds.append(pltpu.async_copy(zw_hbm.at[sidx[k]], buf[k], gsem[k],
                                        add=True))
        for k in range(W):
            gds[k].wait()
            compute_block(k)
            pltpu.sync_copy(buf[k], aggsh.at[didx[k]], add=True)
            nb = s + NSC * (W * (g + 1) + k)
            e0n = jnp.where(g + 1 < _P2_NWAVES, nb * _P2_K, 0)
            fire_loads(k, e0n)
        return carry

    lax.fori_loop(0, _P2_NWAVES, wave, 0)
    for k in range(W):
        wait_loads(k)

    def tail(i, carry):
        e0 = (_P2_EXTRA0 + s) * _P2_K
        for d in fire_loads(0, e0):
            d.wait()
        for j in range(_P2_K // LANES):
            sl = pl.ds(j * LANES, LANES)
            sidx[0][sl] = sidx[0][sl] + zoff
        pltpu.async_copy(zw_hbm.at[sidx[0]], buf[0], gsem[0], add=True).wait()
        compute_block(0)
        pltpu.sync_copy(buf[0], aggsh.at[didx[0]], add=True)
        return carry

    lax.fori_loop(0, jnp.where(s < _P2_NBLK - _P2_EXTRA0, 1, 0), tail, 0)
    plsc.subcore_barrier()

    for k in range(_P2_CHUNKS):
        pltpu.sync_copy(aggsh.at[pl.ds(r0 + k * _P2_K, _P2_K), :], buf[0])
        pltpu.sync_copy(buf[0],
                        agg_hbm.at[pl.ds(c * NSUB + r0 + k * _P2_K, _P2_K), :])


def _p2(zw_st, eb_st, src_e, dst_e, t, wt):
    W = _P2_WAVE
    scratch = (
        [pltpu.VMEM((_P2_K,), _i32) for _ in range(W)]
        + [pltpu.VMEM((_P2_K,), _i32) for _ in range(W)]
        + [pltpu.VMEM((_P2_K, DHALF), _f32) for _ in range(W)]
        + [pltpu.VMEM((_P2_K + LANES,), _f32) for _ in range(W)]
        + [pltpu.VMEM((DHALF,), _f32)]
        + [pltpu.VMEM_SHARED((NSUB, DHALF), _f32)]
        + [pltpu.SemaphoreType.DMA for _ in range(2 * W)]
    )
    return pl.kernel(
        _p2_body,
        out_type=jax.ShapeDtypeStruct((NC * NSUB, DHALF), _f32),
        mesh=_sc_mesh(),
        compiler_params=pltpu.CompilerParams(needs_layout_passes=False),
        scratch_types=scratch,
    )(zw_st, eb_st, src_e, dst_e, t, wt)


_P3_BN = 2000


def _p3_body(zself_ref, agg_ref, znew_ref):
    znew_ref[...] = jnp.maximum(zself_ref[...] + agg_ref[...], 0.0)


def _p3(zself, agg_st):
    nb = NSUB // _P3_BN
    return pl.pallas_call(
        _p3_body,
        grid=(NC, nb),
        in_specs=[
            pl.BlockSpec((_P3_BN, DHALF), lambda c, i: (i, c)),
            pl.BlockSpec((_P3_BN, DHALF), lambda c, i: (c * (NSUB // _P3_BN) + i, 0)),
        ],
        out_specs=pl.BlockSpec((_P3_BN, DHALF), lambda c, i: (i, c)),
        out_shape=jax.ShapeDtypeStruct((NSUB, DZ), _f32),
    )(zself, agg_st)


_P4_PB = NBATCH // NW
_P4_H = 32


def _p4_body(src_hbm, dst_hbm, nd_hbm, idmap_hbm, znew_hbm, m_hbm,
             zs_hbm, zd_hbm, znd_hbm, ms_hbm, md_hbm,
             idmap_tbl, iidx, gbuf, zrows, mrows, sem):
    c = lax.axis_index("c")
    s = lax.axis_index("s")
    wid = s * NC + c
    pltpu.sync_copy(idmap_hbm, idmap_tbl)

    def do(idx_hbm, zout, mout):
        for h in range(_P4_PB // _P4_H):
            b0 = wid * _P4_PB + h * _P4_H
            pltpu.sync_copy(idx_hbm.at[pl.ds(b0, _P4_H)], iidx)
            for j in range(_P4_H // LANES):
                sl = pl.ds(j * LANES, LANES)
                gbuf[sl] = plsc.load_gather(idmap_tbl, [iidx[sl]])
            pltpu.async_copy(znew_hbm.at[gbuf], zrows, sem).wait()
            pltpu.sync_copy(zrows, zout.at[pl.ds(b0, _P4_H), :])
            if mout is not None:
                pltpu.async_copy(m_hbm.at[gbuf], mrows, sem).wait()
                pltpu.sync_copy(mrows, mout.at[pl.ds(b0, _P4_H), :])

    do(src_hbm, zs_hbm, ms_hbm)
    do(dst_hbm, zd_hbm, md_hbm)
    do(nd_hbm, znd_hbm, None)


def _p4(src, dst, neg_dst, id_mapper, znew, m):
    return pl.kernel(
        _p4_body,
        out_type=(jax.ShapeDtypeStruct((NBATCH, DZ), _f32),
                  jax.ShapeDtypeStruct((NBATCH, DZ), _f32),
                  jax.ShapeDtypeStruct((NBATCH, DZ), _f32),
                  jax.ShapeDtypeStruct((NBATCH, DM), _f32),
                  jax.ShapeDtypeStruct((NBATCH, DM), _f32)),
        mesh=_sc_mesh(),
        compiler_params=pltpu.CompilerParams(needs_layout_passes=False),
        scratch_types=[
            pltpu.VMEM((NG,), _i32),
            pltpu.VMEM((_P4_H,), _i32),
            pltpu.VMEM((_P4_H,), _i32),
            pltpu.VMEM((_P4_H, DZ), _f32),
            pltpu.VMEM((_P4_H, DM), _f32),
            pltpu.SemaphoreType.DMA,
        ],
    )(src, dst, neg_dst, id_mapper, znew, m)


def _p5_body(zs_ref, zd_ref, znd_ref, w1t, w1b, b1_ref, w2_ref, b2_ref,
             pos_ref, neg_ref):
    zs = zs_ref[...]
    b2 = b2_ref[0, 0]
    hp = jnp.maximum(zs @ w1t[...] + zd_ref[...] @ w1b[...] + b1_ref[...], 0.0)
    pos_ref[...] = hp @ w2_ref[...] + b2
    hn = jnp.maximum(zs @ w1t[...] + znd_ref[...] @ w1b[...] + b1_ref[...], 0.0)
    neg_ref[...] = hn @ w2_ref[...] + b2


def _p5(zs, zd, znd, W1, b1, W2, b2):
    return pl.pallas_call(
        _p5_body,
        out_shape=(jax.ShapeDtypeStruct((NBATCH, 1), _f32),
                   jax.ShapeDtypeStruct((NBATCH, 1), _f32)),
    )(zs, zd, znd, W1[:DZ], W1[DZ:], b1.reshape(1, DH), W2,
      b2.reshape(1, 1))


def kernel(src, dst, neg_dst, x, n_id, msg, t, edge_index, id_mapper,
           mem_table, last_update_table, W_msg, b_msg, W_self, W1, b1, W2, b2):
    src_e = edge_index[0]
    dst_e = edge_index[1]
    m, xg, lu = _p0(n_id, mem_table, x, last_update_table)
    zw_st, zself = _p1t(m, xg, lu.reshape(NSUB, 1), W_msg, W_self)
    eb_st = _p1e(msg, W_msg, b_msg)
    agg_st = _p2(zw_st, eb_st, src_e, dst_e, t, W_msg[DZ + DMSG])
    znew = _p3(zself, agg_st)
    zs, zd, znd, ms, md = _p4(src, dst, neg_dst, id_mapper, znew, m)
    pos, neg = _p5(zs, zd, znd, W1, b1, W2, b2)
    return pos, neg, ms, md

# --- scband reference (transcript-rebuilt; emitter-appended) ---
"""Pipeline reference for scband-generic-model-28312424415456 (READ-ONLY COPY).

The authoritative reference and input builder live on the scoring server;
editing this copy changes nothing except your own understanding.
"""

import jax, jax.numpy as jnp
import numpy as np

N_GLOBAL = 100000
N_SUB = 10000
E = 160000
D_MEM = 128
D_FEAT = 128
D_MSG = 16
B = 2048
D_Z = D_MEM + D_FEAT
D_HID = 128


def setup_inputs(seed: int = 0) -> dict:
    key = jax.random.key(seed)
    ks = jax.random.split(key, 24)
    inp = {}
    # forward tensor args (flattened TemporalData batch)
    inp['src'] = jax.random.randint(ks[0], (B,), 0, N_GLOBAL)
    inp['dst'] = jax.random.randint(ks[1], (B,), 0, N_GLOBAL)
    inp['neg_dst'] = jax.random.randint(ks[2], (B,), 0, N_GLOBAL)
    inp['x'] = jax.random.normal(ks[3], (N_GLOBAL, D_FEAT), dtype=jnp.float32)
    inp['n_id'] = jax.random.randint(ks[4], (N_SUB,), 0, N_GLOBAL)
    inp['msg'] = jax.random.normal(ks[5], (E, D_MSG), dtype=jnp.float32)
    inp['t'] = jax.random.uniform(ks[6], (E,), dtype=jnp.float32)
    inp['edge_index'] = jax.random.randint(ks[7], (2, E), 0, N_SUB)
    inp['id_mapper'] = jax.random.randint(ks[8], (N_GLOBAL,), 0, N_SUB)
    # learned parameters / state
    inp['mem_table'] = jax.random.normal(ks[9], (N_GLOBAL, D_MEM), dtype=jnp.float32)
    inp['last_update_table'] = jax.random.uniform(ks[10], (N_GLOBAL,), dtype=jnp.float32)
    inp['W_msg'] = jax.random.normal(ks[11], (D_Z + D_MSG + 1, D_Z), dtype=jnp.float32) * 0.05
    inp['b_msg'] = jnp.zeros((D_Z,), dtype=jnp.float32)
    inp['W_self'] = jax.random.normal(ks[12], (D_Z, D_Z), dtype=jnp.float32) * 0.05
    inp['W1'] = jax.random.normal(ks[13], (2 * D_Z, D_HID), dtype=jnp.float32) * 0.05
    inp['b1'] = jnp.zeros((D_HID,), dtype=jnp.float32)
    inp['W2'] = jax.random.normal(ks[14], (D_HID, 1), dtype=jnp.float32) * 0.05
    inp['b2'] = jnp.zeros((1,), dtype=jnp.float32)
    return inp


def reference(src, dst, neg_dst, x, n_id, msg, t, edge_index, id_mapper,
              mem_table, last_update_table, W_msg, b_msg, W_self, W1, b1, W2, b2):
    # memory(n_id) -> (m, last_update)
    m = jnp.take(mem_table, n_id, axis=0)
    last_update = jnp.take(last_update_table, n_id, axis=0)
    # z = cat(memory, node features)
    z = jnp.concatenate([m, jnp.take(x, n_id, axis=0)], axis=-1)
    # single TGN-style message-passing layer: gnn_layer(z, last_update, edge_index, t, msg)
    src_e = edge_index[0]
    dst_e = edge_index[1]
    rel_t = t - jnp.take(last_update, src_e, axis=0)
    msg_in = jnp.concatenate([jnp.take(z, src_e, axis=0), msg, rel_t[:, None]], axis=-1)
    h = jax.nn.relu(msg_in @ W_msg + b_msg)
    agg = jax.ops.segment_sum(h, dst_e, num_segments=N_SUB)
    z = jax.nn.relu(z @ W_self + agg)  # gnn_act applied after layer

    def readout(zs, zd):
        hc = jnp.concatenate([zs, zd], axis=-1)
        return jax.nn.relu(hc @ W1 + b1) @ W2 + b2

    s = jnp.take(id_mapper, src, axis=0)
    d = jnp.take(id_mapper, dst, axis=0)
    nd = jnp.take(id_mapper, neg_dst, axis=0)
    pos_out = readout(jnp.take(z, s, axis=0), jnp.take(z, d, axis=0))
    neg_out = readout(jnp.take(z, s, axis=0), jnp.take(z, nd, axis=0))
    return (pos_out, neg_out, jnp.take(m, s, axis=0), jnp.take(m, d, axis=0))

if __name__ == "__main__":
    import jax
    _d = setup_inputs()
    print(jax.jit(kernel)(*tuple(_d.values())))

</pallas_src>

<mosaic_0001>
#map = affine_map<(d0, d1) -> (0)>
#map1 = affine_map<(d0, d1) -> (0, 0)>
module attributes {stable_mosaic.version = 14 : i64} {
  func.func @_p0_body(%arg0: i32, %arg1: i32, %arg2: memref<10000xi32, #tpu.memory_space<hbm>>, %arg3: memref<100000x128xf32, #tpu.memory_space<hbm>>, %arg4: memref<100000x128xf32, #tpu.memory_space<hbm>>, %arg5: memref<100000xf32, #tpu.memory_space<hbm>>, %arg6: memref<10000x128xf32, #tpu.memory_space<hbm>>, %arg7: memref<10000x128xf32, #tpu.memory_space<hbm>>, %arg8: memref<10000xf32, #tpu.memory_space<hbm>>, %arg9: memref<80xi32, #tpu.memory_space<vmem>>, %arg10: memref<80x128xf32, #tpu.memory_space<vmem>>, %arg11: memref<80x128xf32, #tpu.memory_space<vmem>>, %arg12: memref<80xf32, #tpu.memory_space<vmem>>, %arg13: memref<100000xf32, #tpu.memory_space<vmem>>, %arg14: memref<!tpu.dma_semaphore, #tpu.memory_space<semaphore_mem>>) attributes {dimension_semantics = [#tpu.dimension_semantics<core_parallel>, #tpu.dimension_semantics<subcore_parallel>], iteration_bounds = array<i64: 2, 16>, scalar_prefetch = 0 : i64, scratch_operands = 6 : i64, tpu.core_type = #tpu.core_type<sc_vector_subcore>, window_params = [{transform_indices = #map}, {transform_indices = #map1}, {transform_indices = #map1}, {transform_indices = #map}, {transform_indices = #map1}, {transform_indices = #map1}, {transform_indices = #map}]} {
    %mul3A = arith.constant 2 : i32
    %mul3A_0 = arith.muli %arg1, %mul3A : i32
    %add3A = arith.addi %mul3A_0, %arg0 : i32
    "tpu.region"() ({
      %run_scoped3A = tpu.sem_alloc : memref<!tpu.dma_semaphore, #tpu.memory_space<semaphore_mem>>
      tpu.enqueue_dma source(%arg5 : memref<100000xf32, #tpu.memory_space<hbm>>) target(%arg13 : memref<100000xf32, #tpu.memory_space<vmem>>) target_semaphore(%run_scoped3A : memref<!tpu.dma_semaphore, #tpu.memory_space<semaphore_mem>>)
      tpu.wait_dma2 semaphore(%run_scoped3A : memref<!tpu.dma_semaphore, #tpu.memory_space<semaphore_mem>>) src(%arg5 : memref<100000xf32, #tpu.memory_space<hbm>>) dst(%arg13 : memref<100000xf32, #tpu.memory_space<vmem>>)
      tpu.yield
    }) : () -> ()
    %lt3A = arith.constant 29 : i32
    %lt3A_1 = arith.cmpi slt, %add3A, %lt3A : i32
    %jit3A = arith.constant 4 : i32
    %jit3A_2 = arith.constant 3 : i32
    %select_n3A = arith.select %lt3A_1, %jit3A, %jit3A_2 : i32
    %while3A = arith.constant 0 : i32
    %while3A_3 = arith.constant 0 : i32
    %while3A_4 = arith.subi %select_n3A, %while3A_3 : i32
    %while3A_5 = arith.addi %while3A_3, %while3A_4 : i32
    %while3A_6 = arith.constant 1 : i32
    %while3A_7 = arith.divsi %while3A_4, %while3A_6 : i32
    %while3A_8 = arith.muli %while3A_7, %while3A_6 : i32
    %while3A_9 = arith.addi %while3A_3, %while3A_8 : i32
    %while3A_10 = arith.constant 1 : i32
    scf.for %while3A_12 = %while3A_3 to %while3A_9 step %while3A_10  : i32 {
      %mul3A_13 = arith.constant 32 : i32
      %mul3A_14 = arith.muli %mul3A_13, %while3A_12 : i32
      %add3A_15 = arith.addi %add3A, %mul3A_14 : i32
      %mul3A_16 = arith.constant 80 : i32
      %mul3A_17 = arith.muli %add3A_15, %mul3A_16 : i32
      "tpu.region"() ({
        %run_scoped3A = tpu.sem_alloc : memref<!tpu.dma_semaphore, #tpu.memory_space<semaphore_mem>>
        %dma_start3A_50 = tpu.memref_slice %arg2[%mul3A_17] : memref<10000xi32, #tpu.memory_space<hbm>> -> memref<80xi32, #tpu.memory_space<hbm>>
        %dma_start3A_51 = tpu.memref_slice %arg2[%mul3A_17] : memref<10000xi32, #tpu.memory_space<hbm>> -> memref<80xi32, #tpu.memory_space<hbm>>
        tpu.enqueue_dma source(%dma_start3A_51 : memref<80xi32, #tpu.memory_space<hbm>>) target(%arg9 : memref<80xi32, #tpu.memory_space<vmem>>) target_semaphore(%run_scoped3A : memref<!tpu.dma_semaphore, #tpu.memory_space<semaphore_mem>>)
        %dma_wait3A_52 = tpu.memref_slice %arg2[%mul3A_17] : memref<10000xi32, #tpu.memory_space<hbm>> -> memref<80xi32, #tpu.memory_space<hbm>>
        %dma_wait3A_53 = tpu.memref_slice %arg2[%mul3A_17] : memref<10000xi32, #tpu.memory_space<hbm>> -> memref<80xi32, #tpu.memory_space<hbm>>
        tpu.wait_dma2 semaphore(%run_scoped3A : memref<!tpu.dma_semaphore, #tpu.memory_space<semaphore_mem>>) src(%dma_wait3A_53 : memref<80xi32, #tpu.memory_space<hbm>>) dst(%arg9 : memref<80xi32, #tpu.memory_space<vmem>>)
        tpu.yield
      }) : () -> ()
      %dma_start3A = arith.constant 0 : i32
      %dma_start3A_18 = arith.constant 0 : i32
      %dma_start3A_19 = tpu.memref_slice %arg3[%dma_start3A, %dma_start3A_18] : memref<100000x128xf32, #tpu.memory_space<hbm>> -> memref<100000x128xf32, #tpu.memory_space<hbm>>
      tpu.enqueue_indirect_dma source(%dma_start3A_19 : memref<100000x128xf32, #tpu.memory_space<hbm>>) target(%arg10 : memref<80x128xf32, #tpu.memory_space<vmem>>) offsets(%arg9 : memref<80xi32, #tpu.memory_space<vmem>>) semaphore(%arg14 : memref<!tpu.dma_semaphore, #tpu.memory_space<semaphore_mem>>)
      %dma_wait3A = arith.constant 0 : i32
      %dma_wait3A_20 = arith.constant 0 : i32
      %dma_wait3A_21 = tpu.memref_slice %arg3[%dma_wait3A, %dma_wait3A_20] : memref<100000x128xf32, #tpu.memory_space<hbm>> -> memref<100000x128xf32, #tpu.memory_space<hbm>>
      tpu.wait_indirect_dma semaphore(%arg14 : memref<!tpu.dma_semaphore, #tpu.memory_space<semaphore_mem>>) src(%dma_wait3A_21 : memref<100000x128xf32, #tpu.memory_space<hbm>>) dst(%arg10 : memref<80x128xf32, #tpu.memory_space<vmem>>)
      "tpu.region"() ({
        %run_scoped3A = tpu.sem_alloc : memref<!tpu.dma_semaphore, #tpu.memory_space<semaphore_mem>>
        %dma_start3A_50 = arith.constant 0 : i32
        %dma_start3A_51 = tpu.memref_slice %arg6[%mul3A_17, %dma_start3A_50] : memref<10000x128xf32, #tpu.memory_space<hbm>> -> memref<80x128xf32, #tpu.memory_space<hbm>>
        %dma_start3A_52 = arith.constant 0 : i32
        %dma_start3A_53 = tpu.memref_slice %arg6[%mul3A_17, %dma_start3A_52] : memref<10000x128xf32, #tpu.memory_space<hbm>> -> memref<80x128xf32, #tpu.memory_space<hbm>>
        tpu.enqueue_dma source(%arg10 : memref<80x128xf32, #tpu.memory_space<vmem>>) target(%dma_start3A_53 : memref<80x128xf32, #tpu.memory_space<hbm>>) target_semaphore(%run_scoped3A : memref<!tpu.dma_semaphore, #tpu.memory_space<semaphore_mem>>)
        %dma_wait3A_54 = arith.constant 0 : i32
        %dma_wait3A_55 = tpu.memref_slice %arg6[%mul3A_17, %dma_wait3A_54] : memref<10000x128xf32, #tpu.memory_space<hbm>> -> memref<80x128xf32, #tpu.memory_space<hbm>>
        %dma_wait3A_56 = arith.constant 0 : i32
        %dma_wait3A_57 = tpu.memref_slice %arg6[%mul3A_17, %dma_wait3A_56] : memref<10000x128xf32, #tpu.memory_space<hbm>> -> memref<80x128xf32, #tpu.memory_space<hbm>>
        tpu.wait_dma2 semaphore(%run_scoped3A : memref<!tpu.dma_semaphore, #tpu.memory_space<semaphore_mem>>) src(%arg10 : memref<80x128xf32, #tpu.memory_space<vmem>>) dst(%dma_wait3A_57 : memref<80x128xf32, #tpu.memory_space<hbm>>)
        tpu.yield
      }) : () -> ()
      %dma_start3A_22 = arith.constant 0 : i32
      %dma_start3A_23 = arith.constant 0 : i32
      %dma_start3A_24 = tpu.memref_slice %arg4[%dma_start3A_22, %dma_start3A_23] : memref<100000x128xf32, #tpu.memory_space<hbm>> -> memref<100000x128xf32, #tpu.memory_space<hbm>>
      tpu.enqueue_indirect_dma source(%dma_start3A_24 : memref<100000x128xf32, #tpu.memory_space<hbm>>) target(%arg11 : memref<80x128xf32, #tpu.memory_space<vmem>>) offsets(%arg9 : memref<80xi32, #tpu.memory_space<vmem>>) semaphore(%arg14 : memref<!tpu.dma_semaphore, #tpu.memory_space<semaphore_mem>>)
      %dma_wait3A_25 = arith.constant 0 : i32
      %dma_wait3A_26 = arith.constant 0 : i32
      %dma_wait3A_27 = tpu.memref_slice %arg4[%dma_wait3A_25, %dma_wait3A_26] : memref<100000x128xf32, #tpu.memory_space<hbm>> -> memref<100000x128xf32, #tpu.memory_space<hbm>>
      tpu.wait_indirect_dma semaphore(%arg14 : memref<!tpu.dma_semaphore, #tpu.memory_space<semaphore_mem>>) src(%dma_wait3A_27 : memref<100000x128xf32, #tpu.memory_space<hbm>>) dst(%arg11 : memref<80x128xf32, #tpu.memory_space<vmem>>)
      "tpu.region"() ({
        %run_scoped3A = tpu.sem_alloc : memref<!tpu.dma_semaphore, #tpu.memory_space<semaphore_mem>>
        %dma_start3A_50 = arith.constant 0 : i32
        %dma_start3A_51 = tpu.memref_slice %arg7[%mul3A_17, %dma_start3A_50] : memref<10000x128xf32, #tpu.memory_space<hbm>> -> memref<80x128xf32, #tpu.memory_space<hbm>>
        %dma_start3A_52 = arith.constant 0 : i32
        %dma_start3A_53 = tpu.memref_slice %arg7[%mul3A_17, %dma_start3A_52] : memref<10000x128xf32, #tpu.memory_space<hbm>> -> memref<80x128xf32, #tpu.memory_space<hbm>>
        tpu.enqueue_dma source(%arg11 : memref<80x128xf32, #tpu.memory_space<vmem>>) target(%dma_start3A_53 : memref<80x128xf32, #tpu.memory_space<hbm>>) target_semaphore(%run_scoped3A : memref<!tpu.dma_semaphore, #tpu.memory_space<semaphore_mem>>)
        %dma_wait3A_54 = arith.constant 0 : i32
        %dma_wait3A_55 = tpu.memref_slice %arg7[%mul3A_17, %dma_wait3A_54] : memref<10000x128xf32, #tpu.memory_space<hbm>> -> memref<80x128xf32, #tpu.memory_space<hbm>>
        %dma_wait3A_56 = arith.constant 0 : i32
        %dma_wait3A_57 = tpu.memref_slice %arg7[%mul3A_17, %dma_wait3A_56] : memref<10000x128xf32, #tpu.memory_space<hbm>> -> memref<80x128xf32, #tpu.memory_space<hbm>>
        tpu.wait_dma2 semaphore(%run_scoped3A : memref<!tpu.dma_semaphore, #tpu.memory_space<semaphore_mem>>) src(%arg11 : memref<80x128xf32, #tpu.memory_space<vmem>>) dst(%dma_wait3A_57 : memref<80x128xf32, #tpu.memory_space<hbm>>)
        tpu.yield
      }) : () -> ()
      %get3A = arith.constant 0 : index
      %get3A_28 = tpu.vector_load %arg9[%get3A] {strides = array<i32>} : memref<80xi32, #tpu.memory_space<vmem>>, vector<16xi32>,
      %gather3A = tpu.vector_load_idx %arg13[%get3A_28] : memref<100000xf32, #tpu.memory_space<vmem>>[vector<16xi32>], vector<16xf32>,
      %swap3A = arith.constant 0 : index
      %swap3A_29 = tpu.vector_load %arg12[%swap3A] {strides = array<i32>} : memref<80xf32, #tpu.memory_space<vmem>>, vector<16xf32>,
      tpu.vector_store %arg12[%swap3A], %gather3A {strides = array<i32>} : memref<80xf32, #tpu.memory_space<vmem>>, vector<16xf32>,
      %get3A_30 = arith.constant 16 : index
      %get3A_31 = tpu.vector_load %arg9[%get3A_30] {strides = array<i32>} : memref<80xi32, #tpu.memory_space<vmem>>, vector<16xi32>,
      %gather3A_32 = tpu.vector_load_idx %arg13[%get3A_31] : memref<100000xf32, #tpu.memory_space<vmem>>[vector<16xi32>], vector<16xf32>,
      %swap3A_33 = arith.constant 16 : index
      %swap3A_34 = tpu.vector_load %arg12[%swap3A_33] {strides = array<i32>} : memref<80xf32, #tpu.memory_space<vmem>>, vector<16xf32>,
      tpu.vector_store %arg12[%swap3A_33], %gather3A_32 {strides = array<i32>} : memref<80xf32, #tpu.memory_space<vmem>>, vector<16xf32>,
      %get3A_35 = arith.constant 32 : index
      %get3A_36 = tpu.vector_load %arg9[%get3A_35] {strides = array<i32>} : memref<80xi32, #tpu.memory_space<vmem>>, vector<16xi32>,
      %gather3A_37 = tpu.vector_load_idx %arg13[%get3A_36] : memref<100000xf32, #tpu.memory_space<vmem>>[vector<16xi32>], vector<16xf32>,
      %swap3A_38 = arith.constant 32 : index
      %swap3A_39 = tpu.vector_load %arg12[%swap3A_38] {strides = array<i32>} : memref<80xf32, #tpu.memory_space<vmem>>, vector<16xf32>,
      tpu.vector_store %arg12[%swap3A_38], %gather3A_37 {strides = array<i32>} : memref<80xf32, #tpu.memory_space<vmem>>, vector<16xf32>,
      %get3A_40 = arith.constant 48 : index
      %get3A_41 = tpu.vector_load %arg9[%get3A_40] {strides = array<i32>} : memref<80xi32, #tpu.memory_space<vmem>>, vector<16xi32>,
      %gather3A_42 = tpu.vector_load_idx %arg13[%get3A_41] : memref<100000xf32, #tpu.memory_space<vmem>>[vector<16xi32>], vector<16xf32>,
      %swap3A_43 = arith.constant 48 : index
      %swap3A_44 = tpu.vector_load %arg12[%swap3A_43] {strides = array<i32>} : memref<80xf32, #tpu.memory_space<vmem>>, vector<16xf32>,
      tpu.vector_store %arg12[%swap3A_43], %gather3A_42 {strides = array<i32>} : memref<80xf32, #tpu.memory_space<vmem>>, vector<16xf32>,
      %get3A_45 = arith.constant 64 : index
      %get3A_46 = tpu.vector_load %arg9[%get3A_45] {strides = array<i32>} : memref<80xi32, #tpu.memory_space<vmem>>, vector<16xi32>,
      %gather3A_47 = tpu.vector_load_idx %arg13[%get3A_46] : memref<100000xf32, #tpu.memory_space<vmem>>[vector<16xi32>], vector<16xf32>,
      %swap3A_48 = arith.constant 64 : index
      %swap3A_49 = tpu.vector_load %arg12[%swap3A_48] {strides = array<i32>} : memref<80xf32, #tpu.memory_space<vmem>>, vector<16xf32>,
      tpu.vector_store %arg12[%swap3A_48], %gather3A_47 {strides = array<i32>} : memref<80xf32, #tpu.memory_space<vmem>>, vector<16xf32>,
      "tpu.region"() ({
        %run_scoped3A = tpu.sem_alloc : memref<!tpu.dma_semaphore, #tpu.memory_space<semaphore_mem>>
        %dma_start3A_50 = tpu.memref_slice %arg8[%mul3A_17] : memref<10000xf32, #tpu.memory_space<hbm>> -> memref<80xf32, #tpu.memory_space<hbm>>
        %dma_start3A_51 = tpu.memref_slice %arg8[%mul3A_17] : memref<10000xf32, #tpu.memory_space<hbm>> -> memref<80xf32, #tpu.memory_space<hbm>>
        tpu.enqueue_dma source(%arg12 : memref<80xf32, #tpu.memory_space<vmem>>) target(%dma_start3A_51 : memref<80xf32, #tpu.memory_space<hbm>>) target_semaphore(%run_scoped3A : memref<!tpu.dma_semaphore, #tpu.memory_space<semaphore_mem>>)
        %dma_wait3A_52 = tpu.memref_slice %arg8[%mul3A_17] : memref<10000xf32, #tpu.memory_space<hbm>> -> memref<80xf32, #tpu.memory_space<hbm>>
        %dma_wait3A_53 = tpu.memref_slice %arg8[%mul3A_17] : memref<10000xf32, #tpu.memory_space<hbm>> -> memref<80xf32, #tpu.memory_space<hbm>>
        tpu.wait_dma2 semaphore(%run_scoped3A : memref<!tpu.dma_semaphore, #tpu.memory_space<semaphore_mem>>) src(%arg12 : memref<80xf32, #tpu.memory_space<vmem>>) dst(%dma_wait3A_53 : memref<80xf32, #tpu.memory_space<hbm>>)
        tpu.yield
      }) : () -> ()
    }
    %while3A_11 = arith.constant 1 : i32
    scf.for %while3A_12 = %while3A_9 to %while3A_5 step %while3A_11  : i32 {
      %mul3A_13 = arith.constant 32 : i32
      %mul3A_14 = arith.muli %mul3A_13, %while3A_12 : i32
      %add3A_15 = arith.addi %add3A, %mul3A_14 : i32
      %mul3A_16 = arith.constant 80 : i32
      %mul3A_17 = arith.muli %add3A_15, %mul3A_16 : i32
      "tpu.region"() ({
        %run_scoped3A = tpu.sem_alloc : memref<!tpu.dma_semaphore, #tpu.memory_space<semaphore_mem>>
        %dma_start3A_50 = tpu.memref_slice %arg2[%mul3A_17] : memref<10000xi32, #tpu.memory_space<hbm>> -> memref<80xi32, #tpu.memory_space<hbm>>
        %dma_start3A_51 = tpu.memref_slice %arg2[%mul3A_17] : memref<10000xi32, #tpu.memory_space<hbm>> -> memref<80xi32, #tpu.memory_space<hbm>>
        tpu.enqueue_dma source(%dma_start3A_51 : memref<80xi32, #tpu.memory_space<hbm>>) target(%arg9 : memref<80xi32, #tpu.memory_space<vmem>>) target_semaphore(%run_scoped3A : memref<!tpu.dma_semaphore, #tpu.memory_space<semaphore_mem>>)
        %dma_wait3A_52 = tpu.memref_slice %arg2[%mul3A_17] : memref<10000xi32, #tpu.memory_space<hbm>> -> memref<80xi32, #tpu.memory_space<hbm>>
        %dma_wait3A_53 = tpu.memref_slice %arg2[%mul3A_17] : memref<10000xi32, #tpu.memory_space<hbm>> -> memref<80xi32, #tpu.memory_space<hbm>>
        tpu.wait_dma2 semaphore(%run_scoped3A : memref<!tpu.dma_semaphore, #tpu.memory_space<semaphore_mem>>) src(%dma_wait3A_53 : memref<80xi32, #tpu.memory_space<hbm>>) dst(%arg9 : memref<80xi32, #tpu.memory_space<vmem>>)
        tpu.yield
      }) : () -> ()
      %dma_start3A = arith.constant 0 : i32
      %dma_start3A_18 = arith.constant 0 : i32
      %dma_start3A_19 = tpu.memref_slice %arg3[%dma_start3A, %dma_start3A_18] : memref<100000x128xf32, #tpu.memory_space<hbm>> -> memref<100000x128xf32, #tpu.memory_space<hbm>>
      tpu.enqueue_indirect_dma source(%dma_start3A_19 : memref<100000x128xf32, #tpu.memory_space<hbm>>) target(%arg10 : memref<80x128xf32, #tpu.memory_space<vmem>>) offsets(%arg9 : memref<80xi32, #tpu.memory_space<vmem>>) semaphore(%arg14 : memref<!tpu.dma_semaphore, #tpu.memory_space<semaphore_mem>>)
      %dma_wait3A = arith.constant 0 : i32
      %dma_wait3A_20 = arith.constant 0 : i32
      %dma_wait3A_21 = tpu.memref_slice %arg3[%dma_wait3A, %dma_wait3A_20] : memref<100000x128xf32, #tpu.memory_space<hbm>> -> memref<100000x128xf32, #tpu.memory_space<hbm>>
      tpu.wait_indirect_dma semaphore(%arg14 : memref<!tpu.dma_semaphore, #tpu.memory_space<semaphore_mem>>) src(%dma_wait3A_21 : memref<100000x128xf32, #tpu.memory_space<hbm>>) dst(%arg10 : memref<80x128xf32, #tpu.memory_space<vmem>>)
      "tpu.region"() ({
        %run_scoped3A = tpu.sem_alloc : memref<!tpu.dma_semaphore, #tpu.memory_space<semaphore_mem>>
        %dma_start3A_50 = arith.constant 0 : i32
        %dma_start3A_51 = tpu.memref_slice %arg6[%mul3A_17, %dma_start3A_50] : memref<10000x128xf32, #tpu.memory_space<hbm>> -> memref<80x128xf32, #tpu.memory_space<hbm>>
        %dma_start3A_52 = arith.constant 0 : i32
        %dma_start3A_53 = tpu.memref_slice %arg6[%mul3A_17, %dma_start3A_52] : memref<10000x128xf32, #tpu.memory_space<hbm>> -> memref<80x128xf32, #tpu.memory_space<hbm>>
        tpu.enqueue_dma source(%arg10 : memref<80x128xf32, #tpu.memory_space<vmem>>) target(%dma_start3A_53 : memref<80x128xf32, #tpu.memory_space<hbm>>) target_semaphore(%run_scoped3A : memref<!tpu.dma_semaphore, #tpu.memory_space<semaphore_mem>>)
        %dma_wait3A_54 = arith.constant 0 : i32
        %dma_wait3A_55 = tpu.memref_slice %arg6[%mul3A_17, %dma_wait3A_54] : memref<10000x128xf32, #tpu.memory_space<hbm>> -> memref<80x128xf32, #tpu.memory_space<hbm>>
        %dma_wait3A_56 = arith.constant 0 : i32
        %dma_wait3A_57 = tpu.memref_slice %arg6[%mul3A_17, %dma_wait3A_56] : memref<10000x128xf32, #tpu.memory_space<hbm>> -> memref<80x128xf32, #tpu.memory_space<hbm>>
        tpu.wait_dma2 semaphore(%run_scoped3A : memref<!tpu.dma_semaphore, #tpu.memory_space<semaphore_mem>>) src(%arg10 : memref<80x128xf32, #tpu.memory_space<vmem>>) dst(%dma_wait3A_57 : memref<80x128xf32, #tpu.memory_space<hbm>>)
        tpu.yield
      }) : () -> ()
      %dma_start3A_22 = arith.constant 0 : i32
      %dma_start3A_23 = arith.constant 0 : i32
      %dma_start3A_24 = tpu.memref_slice %arg4[%dma_start3A_22, %dma_start3A_23] : memref<100000x128xf32, #tpu.memory_space<hbm>> -> memref<100000x128xf32, #tpu.memory_space<hbm>>
      tpu.enqueue_indirect_dma source(%dma_start3A_24 : memref<100000x128xf32, #tpu.memory_space<hbm>>) target(%arg11 : memref<80x128xf32, #tpu.memory_space<vmem>>) offsets(%arg9 : memref<80xi32, #tpu.memory_space<vmem>>) semaphore(%arg14 : memref<!tpu.dma_semaphore, #tpu.memory_space<semaphore_mem>>)
      %dma_wait3A_25 = arith.constant 0 : i32
      %dma_wait3A_26 = arith.constant 0 : i32
      %dma_wait3A_27 = tpu.memref_slice %arg4[%dma_wait3A_25, %dma_wait3A_26] : memref<100000x128xf32, #tpu.memory_space<hbm>> -> memref<100000x128xf32, #tpu.memory_space<hbm>>
      tpu.wait_indirect_dma semaphore(%arg14 : memref<!tpu.dma_semaphore, #tpu.memory_space<semaphore_mem>>) src(%dma_wait3A_27 : memref<100000x128xf32, #tpu.memory_space<hbm>>) dst(%arg11 : memref<80x128xf32, #tpu.memory_space<vmem>>)
      "tpu.region"() ({
        %run_scoped3A = tpu.sem_alloc : memref<!tpu.dma_semaphore, #tpu.memory_space<semaphore_mem>>
        %dma_start3A_50 = arith.constant 0 : i32
        %dma_start3A_51 = tpu.memref_slice %arg7[%mul3A_17, %dma_start3A_50] : memref<10000x128xf32, #tpu.memory_space<hbm>> -> memref<80x128xf32, #tpu.memory_space<hbm>>
        %dma_start3A_52 = arith.constant 0 : i32
        %dma_start3A_53 = tpu.memref_slice %arg7[%mul3A_17, %dma_start3A_52] : memref<10000x128xf32, #tpu.memory_space<hbm>> -> memref<80x128xf32, #tpu.memory_space<hbm>>
        tpu.enqueue_dma source(%arg11 : memref<80x128xf32, #tpu.memory_space<vmem>>) target(%dma_start3A_53 : memref<80x128xf32, #tpu.memory_space<hbm>>) target_semaphore(%run_scoped3A : memref<!tpu.dma_semaphore, #tpu.memory_space<semaphore_mem>>)
        %dma_wait3A_54 = arith.constant 0 : i32
        %dma_wait3A_55 = tpu.memref_slice %arg7[%mul3A_17, %dma_wait3A_54] : memref<10000x128xf32, #tpu.memory_space<hbm>> -> memref<80x128xf32, #tpu.memory_space<hbm>>
        %dma_wait3A_56 = arith.constant 0 : i32
        %dma_wait3A_57 = tpu.memref_slice %arg7[%mul3A_17, %dma_wait3A_56] : memref<10000x128xf32, #tpu.memory_space<hbm>> -> memref<80x128xf32, #tpu.memory_space<hbm>>
        tpu.wait_dma2 semaphore(%run_scoped3A : memref<!tpu.dma_semaphore, #tpu.memory_space<semaphore_mem>>) src(%arg11 : memref<80x128xf32, #tpu.memory_space<vmem>>) dst(%dma_wait3A_57 : memref<80x128xf32, #tpu.memory_space<hbm>>)
        tpu.yield
      }) : () -> ()
      %get3A = arith.constant 0 : index
      %get3A_28 = tpu.vector_load %arg9[%get3A] {strides = array<i32>} : memref<80xi32, #tpu.memory_space<vmem>>, vector<16xi32>,
      %gather3A = tpu.vector_load_idx %arg13[%get3A_28] : memref<100000xf32, #tpu.memory_space<vmem>>[vector<16xi32>], vector<16xf32>,
      %swap3A = arith.constant 0 : index
      %swap3A_29 = tpu.vector_load %arg12[%swap3A] {strides = array<i32>} : memref<80xf32, #tpu.memory_space<vmem>>, vector<16xf32>,
      tpu.vector_store %arg12[%swap3A], %gather3A {strides = array<i32>} : memref<80xf32, #tpu.memory_space<vmem>>, vector<16xf32>,
      %get3A_30 = arith.constant 16 : index
      %get3A_31 = tpu.vector_load %arg9[%get3A_30] {strides = array<i32>} : memref<80xi32, #tpu.memory_space<vmem>>, vector<16xi32>,
      %gather3A_32 = tpu.vector_load_idx %arg13[%get3A_31] : memref<100000xf32, #tpu.memory_space<vmem>>[vector<16xi32>], vector<16xf32>,
      %swap3A_33 = arith.constant 16 : index
      %swap3A_34 = tpu.vector_load %arg12[%swap3A_33] {strides = array<i32>} : memref<80xf32, #tpu.memory_space<vmem>>, vector<16xf32>,
      tpu.vector_store %arg12[%swap3A_33], %gather3A_32 {strides = array<i32>} : memref<80xf32, #tpu.memory_space<vmem>>, vector<16xf32>,
      %get3A_35 = arith.constant 32 : index
      %get3A_36 = tpu.vector_load %arg9[%get3A_35] {strides = array<i32>} : memref<80xi32, #tpu.memory_space<vmem>>, vector<16xi32>,
      %gather3A_37 = tpu.vector_load_idx %arg13[%get3A_36] : memref<100000xf32, #tpu.memory_space<vmem>>[vector<16xi32>], vector<16xf32>,
      %swap3A_38 = arith.constant 32 : index
      %swap3A_39 = tpu.vector_load %arg12[%swap3A_38] {strides = array<i32>} : memref<80xf32, #tpu.memory_space<vmem>>, vector<16xf32>,
      tpu.vector_store %arg12[%swap3A_38], %gather3A_37 {strides = array<i32>} : memref<80xf32, #tpu.memory_space<vmem>>, vector<16xf32>,
      %get3A_40 = arith.constant 48 : index
      %get3A_41 = tpu.vector_load %arg9[%get3A_40] {strides = array<i32>} : memref<80xi32, #tpu.memory_space<vmem>>, vector<16xi32>,
      %gather3A_42 = tpu.vector_load_idx %arg13[%get3A_41] : memref<100000xf32, #tpu.memory_space<vmem>>[vector<16xi32>], vector<16xf32>,
      %swap3A_43 = arith.constant 48 : index
      %swap3A_44 = tpu.vector_load %arg12[%swap3A_43] {strides = array<i32>} : memref<80xf32, #tpu.memory_space<vmem>>, vector<16xf32>,
      tpu.vector_store %arg12[%swap3A_43], %gather3A_42 {strides = array<i32>} : memref<80xf32, #tpu.memory_space<vmem>>, vector<16xf32>,
      %get3A_45 = arith.constant 64 : index
      %get3A_46 = tpu.vector_load %arg9[%get3A_45] {strides = array<i32>} : memref<80xi32, #tpu.memory_space<vmem>>, vector<16xi32>,
      %gather3A_47 = tpu.vector_load_idx %arg13[%get3A_46] : memref<100000xf32, #tpu.memory_space<vmem>>[vector<16xi32>], vector<16xf32>,
      %swap3A_48 = arith.constant 64 : index
      %swap3A_49 = tpu.vector_load %arg12[%swap3A_48] {strides = array<i32>} : memref<80xf32, #tpu.memory_space<vmem>>, vector<16xf32>,
      tpu.vector_store %arg12[%swap3A_48], %gather3A_47 {strides = array<i32>} : memref<80xf32, #tpu.memory_space<vmem>>, vector<16xf32>,
      "tpu.region"() ({
        %run_scoped3A = tpu.sem_alloc : memref<!tpu.dma_semaphore, #tpu.memory_space<semaphore_mem>>
        %dma_start3A_50 = tpu.memref_slice %arg8[%mul3A_17] : memref<10000xf32, #tpu.memory_space<hbm>> -> memref<80xf32, #tpu.memory_space<hbm>>
        %dma_start3A_51 = tpu.memref_slice %arg8[%mul3A_17] : memref<10000xf32, #tpu.memory_space<hbm>> -> memref<80xf32, #tpu.memory_space<hbm>>
        tpu.enqueue_dma source(%arg12 : memref<80xf32, #tpu.memory_space<vmem>>) target(%dma_start3A_51 : memref<80xf32, #tpu.memory_space<hbm>>) target_semaphore(%run_scoped3A : memref<!tpu.dma_semaphore, #tpu.memory_space<semaphore_mem>>)
        %dma_wait3A_52 = tpu.memref_slice %arg8[%mul3A_17] : memref<10000xf32, #tpu.memory_space<hbm>> -> memref<80xf32, #tpu.memory_space<hbm>>
        %dma_wait3A_53 = tpu.memref_slice %arg8[%mul3A_17] : memref<10000xf32, #tpu.memory_space<hbm>> -> memref<80xf32, #tpu.memory_space<hbm>>
        tpu.wait_dma2 semaphore(%run_scoped3A : memref<!tpu.dma_semaphore, #tpu.memory_space<semaphore_mem>>) src(%arg12 : memref<80xf32, #tpu.memory_space<vmem>>) dst(%dma_wait3A_53 : memref<80xf32, #tpu.memory_space<hbm>>)
        tpu.yield
      }) : () -> ()
    }
    return
  }
}

#map = affine_map<(d0, d1) -> (0)>
#map1 = affine_map<(d0, d1) -> (0, 0)>
module attributes {stable_mosaic.version = 14 : i64} {
  func.func @_p4_body(%arg0: i32, %arg1: i32, %arg2: memref<2048xi32, #tpu.memory_space<hbm>>, %arg3: memref<2048xi32, #tpu.memory_space<hbm>>, %arg4: memref<2048xi32, #tpu.memory_space<hbm>>, %arg5: memref<100000xi32, #tpu.memory_space<hbm>>, %arg6: memref<10000x256xf32, #tpu.memory_space<hbm>>, %arg7: memref<10000x128xf32, #tpu.memory_space<hbm>>, %arg8: memref<2048x256xf32, #tpu.memory_space<hbm>>, %arg9: memref<2048x256xf32, #tpu.memory_space<hbm>>, %arg10: memref<2048x256xf32, #tpu.memory_space<hbm>>, %arg11: memref<2048x128xf32, #tpu.memory_space<hbm>>, %arg12: memref<2048x128xf32, #tpu.memory_space<hbm>>, %arg13: memref<100000xi32, #tpu.memory_space<vmem>>, %arg14: memref<32xi32, #tpu.memory_space<vmem>>, %arg15: memref<32xi32, #tpu.memory_space<vmem>>, %arg16: memref<32x256xf32, #tpu.memory_space<vmem>>, %arg17: memref<32x128xf32, #tpu.memory_space<vmem>>, %arg18: memref<!tpu.dma_semaphore, #tpu.memory_space<semaphore_mem>>) attributes {dimension_semantics = [#tpu.dimension_semantics<core_parallel>, #tpu.dimension_semantics<subcore_parallel>], iteration_bounds = array<i64: 2, 16>, scalar_prefetch = 0 : i64, scratch_operands = 6 : i64, tpu.core_type = #tpu.core_type<sc_vector_subcore>, window_params = [{transform_indices = #map}, {transform_indices = #map}, {transform_indices = #map}, {transform_indices = #map}, {transform_indices = #map1}, {transform_indices = #map1}, {transform_indices = #map1}, {transform_indices = #map1}, {transform_indices = #map1}, {transform_indices = #map1}, {transform_indices = #map1}]} {
    %mul3A = arith.constant 2 : i32
    %mul3A_0 = arith.muli %arg1, %mul3A : i32
    %add3A = arith.addi %mul3A_0, %arg0 : i32
    "tpu.region"() ({
      %run_scoped3A = tpu.sem_alloc : memref<!tpu.dma_semaphore, #tpu.memory_space<semaphore_mem>>
      tpu.enqueue_dma source(%arg5 : memref<100000xi32, #tpu.memory_space<hbm>>) target(%arg13 : memref<100000xi32, #tpu.memory_space<vmem>>) target_semaphore(%run_scoped3A : memref<!tpu.dma_semaphore, #tpu.memory_space<semaphore_mem>>)
      tpu.wait_dma2 semaphore(%run_scoped3A : memref<!tpu.dma_semaphore, #tpu.memory_space<semaphore_mem>>) src(%arg5 : memref<100000xi32, #tpu.memory_space<hbm>>) dst(%arg13 : memref<100000xi32, #tpu.memory_space<vmem>>)
      tpu.yield
    }) : () -> ()
    %mul3A_1 = arith.constant 64 : i32
    %mul3A_2 = arith.muli %add3A, %mul3A_1 : i32
    %add3A_3 = arith.constant 0 : i32
    %add3A_4 = arith.addi %mul3A_2, %add3A_3 : i32
    "tpu.region"() ({
      %run_scoped3A = tpu.sem_alloc : memref<!tpu.dma_semaphore, #tpu.memory_space<semaphore_mem>>
      %dma_start3A_140 = tpu.memref_slice %arg2[%add3A_4] : memref<2048xi32, #tpu.memory_space<hbm>> -> memref<32xi32, #tpu.memory_space<hbm>>
      %dma_start3A_141 = tpu.memref_slice %arg2[%add3A_4] : memref<2048xi32, #tpu.memory_space<hbm>> -> memref<32xi32, #tpu.memory_space<hbm>>
      tpu.enqueue_dma source(%dma_start3A_141 : memref<32xi32, #tpu.memory_space<hbm>>) target(%arg14 : memref<32xi32, #tpu.memory_space<vmem>>) target_semaphore(%run_scoped3A : memref<!tpu.dma_semaphore, #tpu.memory_space<semaphore_mem>>)
      %dma_wait3A_142 = tpu.memref_slice %arg2[%add3A_4] : memref<2048xi32, #tpu.memory_space<hbm>> -> memref<32xi32, #tpu.memory_space<hbm>>
      %dma_wait3A_143 = tpu.memref_slice %arg2[%add3A_4] : memref<2048xi32, #tpu.memory_space<hbm>> -> memref<32xi32, #tpu.memory_space<hbm>>
      tpu.wait_dma2 semaphore(%run_scoped3A : memref<!tpu.dma_semaphore, #tpu.memory_space<semaphore_mem>>) src(%dma_wait3A_143 : memref<32xi32, #tpu.memory_space<hbm>>) dst(%arg14 : memref<32xi32, #tpu.memory_space<vmem>>)
      tpu.yield
    }) : () -> ()
    %get3A = arith.constant 0 : index
    %get3A_5 = tpu.vector_load %arg14[%get3A] {strides = array<i32>} : memref<32xi32, #tpu.memory_space<vmem>>, vector<16xi32>,
    %gather3A = tpu.vector_load_idx %arg13[%get3A_5] : memref<100000xi32, #tpu.memory_space<vmem>>[vector<16xi32>], vector<16xi32>,
    %swap3A = arith.constant 0 : index
    %swap3A_6 = tpu.vector_load %arg15[%swap3A] {strides = array<i32>} : memref<32xi32, #tpu.memory_space<vmem>>, vector<16xi32>,
    tpu.vector_store %arg15[%swap3A], %gather3A {strides = array<i32>} : memref<32xi32, #tpu.memory_space<vmem>>, vector<16xi32>,
    %get3A_7 = arith.constant 16 : index
    %get3A_8 = tpu.vector_load %arg14[%get3A_7] {strides = array<i32>} : memref<32xi32, #tpu.memory_space<vmem>>, vector<16xi32>,
    %gather3A_9 = tpu.vector_load_idx %arg13[%get3A_8] : memref<100000xi32, #tpu.memory_space<vmem>>[vector<16xi32>], vector<16xi32>,
    %swap3A_10 = arith.constant 16 : index
    %swap3A_11 = tpu.vector_load %arg15[%swap3A_10] {strides = array<i32>} : memref<32xi32, #tpu.memory_space<vmem>>, vector<16xi32>,
    tpu.vector_store %arg15[%swap3A_10], %gather3A_9 {strides = array<i32>} : memref<32xi32, #tpu.memory_space<vmem>>, vector<16xi32>,
    %dma_start3A = arith.constant 0 : i32
    %dma_start3A_12 = arith.constant 0 : i32
    %dma_start3A_13 = tpu.memref_slice %arg6[%dma_start3A, %dma_start3A_12] : memref<10000x256xf32, #tpu.memory_space<hbm>> -> memref<10000x256xf32, #tpu.memory_space<hbm>>
    tpu.enqueue_indirect_dma source(%dma_start3A_13 : memref<10000x256xf32, #tpu.memory_space<hbm>>) target(%arg16 : memref<32x256xf32, #tpu.memory_space<vmem>>) offsets(%arg15 : memref<32xi32, #tpu.memory_space<vmem>>) semaphore(%arg18 : memref<!tpu.dma_semaphore, #tpu.memory_space<semaphore_mem>>)
    %dma_wait3A = arith.constant 0 : i32
    %dma_wait3A_14 = arith.constant 0 : i32
    %dma_wait3A_15 = tpu.memref_slice %arg6[%dma_wait3A, %dma_wait3A_14] : memref<10000x256xf32, #tpu.memory_space<hbm>> -> memref<10000x256xf32, #tpu.memory_space<hbm>>
    tpu.wait_indirect_dma semaphore(%arg18 : memref<!tpu.dma_semaphore, #tpu.memory_space<semaphore_mem>>) src(%dma_wait3A_15 : memref<10000x256xf32, #tpu.memory_space<hbm>>) dst(%arg16 : memref<32x256xf32, #tpu.memory_space<vmem>>)
    "tpu.region"() ({
      %run_scoped3A = tpu.sem_alloc : memref<!tpu.dma_semaphore, #tpu.memory_space<semaphore_mem>>
      %dma_start3A_140 = arith.constant 0 : i32
      %dma_start3A_141 = tpu.memref_slice %arg8[%add3A_4, %dma_start3A_140] : memref<2048x256xf32, #tpu.memory_space<hbm>> -> memref<32x256xf32, #tpu.memory_space<hbm>>
      %dma_start3A_142 = arith.constant 0 : i32
      %dma_start3A_143 = tpu.memref_slice %arg8[%add3A_4, %dma_start3A_142] : memref<2048x256xf32, #tpu.memory_space<hbm>> -> memref<32x256xf32, #tpu.memory_space<hbm>>
      tpu.enqueue_dma source(%arg16 : memref<32x256xf32, #tpu.memory_space<vmem>>) target(%dma_start3A_143 : memref<32x256xf32, #tpu.memory_space<hbm>>) target_semaphore(%run_scoped3A : memref<!tpu.dma_semaphore, #tpu.memory_space<semaphore_mem>>)
      %dma_wait3A_144 = arith.constant 0 : i32
      %dma_wait3A_145 = tpu.memref_slice %arg8[%add3A_4, %dma_wait3A_144] : memref<2048x256xf32, #tpu.memory_space<hbm>> -> memref<32x256xf32, #tpu.memory_space<hbm>>
      %dma_wait3A_146 = arith.constant 0 : i32
      %dma_wait3A_147 = tpu.memref_slice %arg8[%add3A_4, %dma_wait3A_146] : memref<2048x256xf32, #tpu.memory_space<hbm>> -> memref<32x256xf32, #tpu.memory_space<hbm>>
      tpu.wait_dma2 semaphore(%run_scoped3A : memref<!tpu.dma_semaphore, #tpu.memory_space<semaphore_mem>>) src(%arg16 : memref<32x256xf32, #tpu.memory_space<vmem>>) dst(%dma_wait3A_147 : memref<32x256xf32, #tpu.memory_space<hbm>>)
      tpu.yield
    }) : () -> ()
    %dma_start3A_16 = arith.constant 0 : i32
    %dma_start3A_17 = arith.constant 0 : i32
    %dma_start3A_18 = tpu.memref_slice %arg7[%dma_start3A_16, %dma_start3A_17] : memref<10000x128xf32, #tpu.memory_space<hbm>> -> memref<10000x128xf32, #tpu.memory_space<hbm>>
    tpu.enqueue_indirect_dma source(%dma_start3A_18 : memref<10000x128xf32, #tpu.memory_space<hbm>>) target(%arg17 : memref<32x128xf32, #tpu.memory_space<vmem>>) offsets(%arg15 : memref<32xi32, #tpu.memory_space<vmem>>) semaphore(%arg18 : memref<!tpu.dma_semaphore, #tpu.memory_space<semaphore_mem>>)
    %dma_wait3A_19 = arith.constant 0 : i32
    %dma_wait3A_20 = arith.constant 0 : i32
    %dma_wait3A_21 = tpu.memref_slice %arg7[%dma_wait3A_19, %dma_wait3A_20] : memref<10000x128xf32, #tpu.memory_space<hbm>> -> memref<10000x128xf32, #tpu.memory_space<hbm>>
    tpu.wait_indirect_dma semaphore(%arg18 : memref<!tpu.dma_semaphore, #tpu.memory_space<semaphore_mem>>) src(%dma_wait3A_21 : memref<10000x128xf32, #tpu.memory_space<hbm>>) dst(%arg17 : memref<32x128xf32, #tpu.memory_space<vmem>>)
    "tpu.region"() ({
      %run_scoped3A = tpu.sem_alloc : memref<!tpu.dma_semaphore, #tpu.memory_space<semaphore_mem>>
      %dma_start3A_140 = arith.constant 0 : i32
      %dma_start3A_141 = tpu.memref_slice %arg11[%add3A_4, %dma_start3A_140] : memref<2048x128xf32, #tpu.memory_space<hbm>> -> memref<32x128xf32, #tpu.memory_space<hbm>>
      %dma_start3A_142 = arith.constant 0 : i32
      %dma_start3A_143 = tpu.memref_slice %arg11[%add3A_4, %dma_start3A_142] : memref<2048x128xf32, #tpu.memory_space<hbm>> -> memref<32x128xf32, #tpu.memory_space<hbm>>
      tpu.enqueue_dma source(%arg17 : memref<32x128xf32, #tpu.memory_space<vmem>>) target(%dma_start3A_143 : memref<32x128xf32, #tpu.memory_space<hbm>>) target_semaphore(%run_scoped3A : memref<!tpu.dma_semaphore, #tpu.memory_space<semaphore_mem>>)
      %dma_wait3A_144 = arith.constant 0 : i32
      %dma_wait3A_145 = tpu.memref_slice %arg11[%add3A_4, %dma_wait3A_144] : memref<2048x128xf32, #tpu.memory_space<hbm>> -> memref<32x128xf32, #tpu.memory_space<hbm>>
      %dma_wait3A_146 = arith.constant 0 : i32
      %dma_wait3A_147 = tpu.memref_slice %arg11[%add3A_4, %dma_wait3A_146] : memref<2048x128xf32, #tpu.memory_space<hbm>> -> memref<32x128xf32, #tpu.memory_space<hbm>>
      tpu.wait_dma2 semaphore(%run_scoped3A : memref<!tpu.dma_semaphore, #tpu.memory_space<semaphore_mem>>) src(%arg17 : memref<32x128xf32, #tpu.memory_space<vmem>>) dst(%dma_wait3A_147 : memref<32x128xf32, #tpu.memory_space<hbm>>)
      tpu.yield
    }) : () -> ()
    %mul3A_22 = arith.constant 64 : i32
    %mul3A_23 = arith.muli %add3A, %mul3A_22 : i32
    %add3A_24 = arith.constant 32 : i32
    %add3A_25 = arith.addi %mul3A_23, %add3A_24 : i32
    "tpu.region"() ({
      %run_scoped3A = tpu.sem_alloc : memref<!tpu.dma_semaphore, #tpu.memory_space<semaphore_mem>>
      %dma_start3A_140 = tpu.memref_slice %arg2[%add3A_25] : memref<2048xi32, #tpu.memory_space<hbm>> -> memref<32xi32, #tpu.memory_space<hbm>>
      %dma_start3A_141 = tpu.memref_slice %arg2[%add3A_25] : memref<2048xi32, #tpu.memory_space<hbm>> -> memref<32xi32, #tpu.memory_space<hbm>>
      tpu.enqueue_dma source(%dma_start3A_141 : memref<32xi32, #tpu.memory_space<hbm>>) target(%arg14 : memref<32xi32, #tpu.memory_space<vmem>>) target_semaphore(%run_scoped3A : memref<!tpu.dma_semaphore, #tpu.memory_space<semaphore_mem>>)
      %dma_wait3A_142 = tpu.memref_slice %arg2[%add3A_25] : memref<2048xi32, #tpu.memory_space<hbm>> -> memref<32xi32, #tpu.memory_space<hbm>>
      %dma_wait3A_143 = tpu.memref_slice %arg2[%add3A_25] : memref<2048xi32, #tpu.memory_space<hbm>> -> memref<32xi32, #tpu.memory_space<hbm>>
      tpu.wait_dma2 semaphore(%run_scoped3A : memref<!tpu.dma_semaphore, #tpu.memory_space<semaphore_mem>>) src(%dma_wait3A_143 : memref<32xi32, #tpu.memory_space<hbm>>) dst(%arg14 : memref<32xi32, #tpu.memory_space<vmem>>)
      tpu.yield
    }) : () -> ()
    %get3A_26 = arith.constant 0 : index
    %get3A_27 = tpu.vector_load %arg14[%get3A_26] {strides = array<i32>} : memref<32xi32, #tpu.memory_space<vmem>>, vector<16xi32>,
    %gather3A_28 = tpu.vector_load_idx %arg13[%get3A_27] : memref<100000xi32, #tpu.memory_space<vmem>>[vector<16xi32>], vector<16xi32>,
    %swap3A_29 = arith.constant 0 : index
    %swap3A_30 = tpu.vector_load %arg15[%swap3A_29] {strides = array<i32>} : memref<32xi32, #tpu.memory_space<vmem>>, vector<16xi32>,
    tpu.vector_store %arg15[%swap3A_29], %gather3A_28 {strides = array<i32>} : memref<32xi32, #tpu.memory_space<vmem>>, vector<16xi32>,
    %get3A_31 = arith.constant 16 : index
    %get3A_32 = tpu.vector_load %arg14[%get3A_31] {strides = array<i32>} : memref<32xi32, #tpu.memory_space<vmem>>, vector<16xi32>,
    %gather3A_33 = tpu.vector_load_idx %arg13[%get3A_32] : memref<100000xi32, #tpu.memory_space<vmem>>[vector<16xi32>], vector<16xi32>,
    %swap3A_34 = arith.constant 16 : index
    %swap3A_35 = tpu.vector_load %arg15[%swap3A_34] {strides = array<i32>} : memref<32xi32, #tpu.memory_space<vmem>>, vector<16xi32>,
    tpu.vector_store %arg15[%swap3A_34], %gather3A_33 {strides = array<i32>} : memref<32xi32, #tpu.memory_space<vmem>>, vector<16xi32>,
    %dma_start3A_36 = arith.constant 0 : i32
    %dma_start3A_37 = arith.constant 0 : i32
    %dma_start3A_38 = tpu.memref_slice %arg6[%dma_start3A_36, %dma_start3A_37] : memref<10000x256xf32, #tpu.memory_space<hbm>> -> memref<10000x256xf32, #tpu.memory_space<hbm>>
    tpu.enqueue_indirect_dma source(%dma_start3A_38 : memref<10000x256xf32, #tpu.memory_space<hbm>>) target(%arg16 : memref<32x256xf32, #tpu.memory_space<vmem>>) offsets(%arg15 : memref<32xi32, #tpu.memory_space<vmem>>) semaphore(%arg18 : memref<!tpu.dma_semaphore, #tpu.memory_space<semaphore_mem>>)
    %dma_wait3A_39 = arith.constant 0 : i32
    %dma_wait3A_40 = arith.constant 0 : i32
    %dma_wait3A_41 = tpu.memref_slice %arg6[%dma_wait3A_39, %dma_wait3A_40] : memref<10000x256xf32, #tpu.memory_space<hbm>> -> memref<10000x256xf32, #tpu.memory_space<hbm>>
    tpu.wait_indirect_dma semaphore(%arg18 : memref<!tpu.dma_semaphore, #tpu.memory_space<semaphore_mem>>) src(%dma_wait3A_41 : memref<10000x256xf32, #tpu.memory_space<hbm>>) dst(%arg16 : memref<32x256xf32, #tpu.memory_space<vmem>>)
    "tpu.region"() ({
      %run_scoped3A = tpu.sem_alloc : memref<!tpu.dma_semaphore, #tpu.memory_space<semaphore_mem>>
      %dma_start3A_140 = arith.constant 0 : i32
      %dma_start3A_141 = tpu.memref_slice %arg8[%add3A_25, %dma_start3A_140] : memref<2048x256xf32, #tpu.memory_space<hbm>> -> memref<32x256xf32, #tpu.memory_space<hbm>>
      %dma_start3A_142 = arith.constant 0 : i32
      %dma_start3A_143 = tpu.memref_slice %arg8[%add3A_25, %dma_start3A_142] : memref<2048x256xf32, #tpu.memory_space<hbm>> -> memref<32x256xf32, #tpu.memory_space<hbm>>
      tpu.enqueue_dma source(%arg16 : memref<32x256xf32, #tpu.memory_space<vmem>>) target(%dma_start3A_143 : memref<32x256xf32, #tpu.memory_space<hbm>>) target_semaphore(%run_scoped3A : memref<!tpu.dma_semaphore, #tpu.memory_space<semaphore_mem>>)
      %dma_wait3A_144 = arith.constant 0 : i32
      %dma_wait3A_145 = tpu.memref_slice %arg8[%add3A_25, %dma_wait3A_144] : memref<2048x256xf32, #tpu.memory_space<hbm>> -> memref<32x256xf32, #tpu.memory_space<hbm>>
      %dma_wait3A_146 = arith.constant 0 : i32
      %dma_wait3A_147 = tpu.memref_slice %arg8[%add3A_25, %dma_wait3A_146] : memref<2048x256xf32, #tpu.memory_space<hbm>> -> memref<32x256xf32, #tpu.memory_space<hbm>>
      tpu.wait_dma2 semaphore(%run_scoped3A : memref<!tpu.dma_semaphore, #tpu.memory_space<semaphore_mem>>) src(%arg16 : memref<32x256xf32, #tpu.memory_space<vmem>>) dst(%dma_wait3A_147 : memref<32x256xf32, #tpu.memory_space<hbm>>)
      tpu.yield
    }) : () -> ()
    %dma_start3A_42 = arith.constant 0 : i32
    %dma_start3A_43 = arith.constant 0 : i32
    %dma_start3A_44 = tpu.memref_slice %arg7[%dma_start3A_42, %dma_start3A_43] : memref<10000x128xf32, #tpu.memory_space<hbm>> -> memref<10000x128xf32, #tpu.memory_space<hbm>>
    tpu.enqueue_indirect_dma source(%dma_start3A_44 : memref<10000x128xf32, #tpu.memory_space<hbm>>) target(%arg17 : memref<32x128xf32, #tpu.memory_space<vmem>>) offsets(%arg15 : memref<32xi32, #tpu.memory_space<vmem>>) semaphore(%arg18 : memref<!tpu.dma_semaphore, #tpu.memory_space<semaphore_mem>>)
    %dma_wait3A_45 = arith.constant 0 : i32
    %dma_wait3A_46 = arith.constant 0 : i32
    %dma_wait3A_47 = tpu.memref_slice %arg7[%dma_wait3A_45, %dma_wait3A_46] : memref<10000x128xf32, #tpu.memory_space<hbm>> -> memref<10000x128xf32, #tpu.memory_space<hbm>>
    tpu.wait_indirect_dma semaphore(%arg18 : memref<!tpu.dma_semaphore, #tpu.memory_space<semaphore_mem>>) src(%dma_wait3A_47 : memref<10000x128xf32, #tpu.memory_space<hbm>>) dst(%arg17 : memref<32x128xf32, #tpu.memory_space<vmem>>)
    "tpu.region"() ({
      %run_scoped3A = tpu.sem_alloc : memref<!tpu.dma_semaphore, #tpu.memory_space<semaphore_mem>>
      %dma_start3A_140 = arith.constant 0 : i32
      %dma_start3A_141 = tpu.memref_slice %arg11[%add3A_25, %dma_start3A_140] : memref<2048x128xf32, #tpu.memory_space<hbm>> -> memref<32x128xf32, #tpu.memory_space<hbm>>
      %dma_start3A_142 = arith.constant 0 : i32
      %dma_start3A_143 = tpu.memref_slice %arg11[%add3A_25, %dma_start3A_142] : memref<2048x128xf32, #tpu.memory_space<hbm>> -> memref<32x128xf32, #tpu.memory_space<hbm>>
      tpu.enqueue_dma source(%arg17 : memref<32x128xf32, #tpu.memory_space<vmem>>) target(%dma_start3A_143 : memref<32x128xf32, #tpu.memory_space<hbm>>) target_semaphore(%run_scoped3A : memref<!tpu.dma_semaphore, #tpu.memory_space<semaphore_mem>>)
      %dma_wait3A_144 = arith.constant 0 : i32
      %dma_wait3A_145 = tpu.memref_slice %arg11[%add3A_25, %dma_wait3A_144] : memref<2048x128xf32, #tpu.memory_space<hbm>> -> memref<32x128xf32, #tpu.memory_space<hbm>>
      %dma_wait3A_146 = arith.constant 0 : i32
      %dma_wait3A_147 = tpu.memref_slice %arg11[%add3A_25, %dma_wait3A_146] : memref<2048x128xf32, #tpu.memory_space<hbm>> -> memref<32x128xf32, #tpu.memory_space<hbm>>
      tpu.wait_dma2 semaphore(%run_scoped3A : memref<!tpu.dma_semaphore, #tpu.memory_space<semaphore_mem>>) src(%arg17 : memref<32x128xf32, #tpu.memory_space<vmem>>) dst(%dma_wait3A_147 : memref<32x128xf32, #tpu.memory_space<hbm>>)
      tpu.yield
    }) : () -> ()
    %mul3A_48 = arith.constant 64 : i32
    %mul3A_49 = arith.muli %add3A, %mul3A_48 : i32
    %add3A_50 = arith.constant 0 : i32
    %add3A_51 = arith.addi %mul3A_49, %add3A_50 : i32
    "tpu.region"() ({
      %run_scoped3A = tpu.sem_alloc : memref<!tpu.dma_semaphore, #tpu.memory_space<semaphore_mem>>
      %dma_start3A_140 = tpu.memref_slice %arg3[%add3A_51] : memref<2048xi32, #tpu.memory_space<hbm>> -> memref<32xi32, #tpu.memory_space<hbm>>
      %dma_start3A_141 = tpu.memref_slice %arg3[%add3A_51] : memref<2048xi32, #tpu.memory_space<hbm>> -> memref<32xi32, #tpu.memory_space<hbm>>
      tpu.enqueue_dma source(%dma_start3A_141 : memref<32xi32, #tpu.memory_space<hbm>>) target(%arg14 : memref<32xi32, #tpu.memory_space<vmem>>) target_semaphore(%run_scoped3A : memref<!tpu.dma_semaphore, #tpu.memory_space<semaphore_mem>>)
      %dma_wait3A_142 = tpu.memref_slice %arg3[%add3A_51] : memref<2048xi32, #tpu.memory_space<hbm>> -> memref<32xi32, #tpu.memory_space<hbm>>
      %dma_wait3A_143 = tpu.memref_slice %arg3[%add3A_51] : memref<2048xi32, #tpu.memory_space<hbm>> -> memref<32xi32, #tpu.memory_space<hbm>>
      tpu.wait_dma2 semaphore(%run_scoped3A : memref<!tpu.dma_semaphore, #tpu.memory_space<semaphore_mem>>) src(%dma_wait3A_143 : memref<32xi32, #tpu.memory_space<hbm>>) dst(%arg14 : memref<32xi32, #tpu.memory_space<vmem>>)
      tpu.yield
    }) : () -> ()
    %get3A_52 = arith.constant 0 : index
    %get3A_53 = tpu.vector_load %arg14[%get3A_52] {strides = array<i32>} : memref<32xi32, #tpu.memory_space<vmem>>, vector<16xi32>,
    %gather3A_54 = tpu.vector_load_idx %arg13[%get3A_53] : memref<100000xi32, #tpu.memory_space<vmem>>[vector<16xi32>], vector<16xi32>,
    %swap3A_55 = arith.constant 0 : index
    %swap3A_56 = tpu.vector_load %arg15[%swap3A_55] {strides = array<i32>} : memref<32xi32, #tpu.memory_space<vmem>>, vector<16xi32>,
    tpu.vector_store %arg15[%swap3A_55], %gather3A_54 {strides = array<i32>} : memref<32xi32, #tpu.memory_space<vmem>>, vector<16xi32>,
    %get3A_57 = arith.constant 16 : index
    %get3A_58 = tpu.vector_load %arg14[%get3A_57] {strides = array<i32>} : memref<32xi32, #tpu.memory_space<vmem>>, vector<16xi32>,
    %gather3A_59 = tpu.vector_load_idx %arg13[%get3A_58] : memref<100000xi32, #tpu.memory_space<vmem>>[vector<16xi32>], vector<16xi32>,
    %swap3A_60 = arith.constant 16 : index
    %swap3A_61 = tpu.vector_load %arg15[%swap3A_60] {strides = array<i32>} : memref<32xi32, #tpu.memory_space<vmem>>, vector<16xi32>,
    tpu.vector_store %arg15[%swap3A_60], %gather3A_59 {strides = array<i32>} : memref<32xi32, #tpu.memory_space<vmem>>, vector<16xi32>,
    %dma_start3A_62 = arith.constant 0 : i32
    %dma_start3A_63 = arith.constant 0 : i32
    %dma_start3A_64 = tpu.memref_slice %arg6[%dma_start3A_62, %dma_start3A_63] : memref<10000x256xf32, #tpu.memory_space<hbm>> -> memref<10000x256xf32, #tpu.memory_space<hbm>>
    tpu.enqueue_indirect_dma source(%dma_start3A_64 : memref<10000x256xf32, #tpu.memory_space<hbm>>) target(%arg16 : memref<32x256xf32, #tpu.memory_space<vmem>>) offsets(%arg15 : memref<32xi32, #tpu.memory_space<vmem>>) semaphore(%arg18 : memref<!tpu.dma_semaphore, #tpu.memory_space<semaphore_mem>>)
    %dma_wait3A_65 = arith.constant 0 : i32
    %dma_wait3A_66 = arith.constant 0 : i32
    %dma_wait3A_67 = tpu.memref_slice %arg6[%dma_wait3A_65, %dma_wait3A_66] : memref<10000x256xf32, #tpu.memory_space<hbm>> -> memref<10000x256xf32, #tpu.memory_space<hbm>>
    tpu.wait_indirect_dma semaphore(%arg18 : memref<!tpu.dma_semaphore, #tpu.memory_space<semaphore_mem>>) src(%dma_wait3A_67 : memref<10000x256xf32, #tpu.memory_space<hbm>>) dst(%arg16 : memref<32x256xf32, #tpu.memory_space<vmem>>)
    "tpu.region"() ({
      %run_scoped3A = tpu.sem_alloc : memref<!tpu.dma_semaphore, #tpu.memory_space<semaphore_mem>>
      %dma_start3A_140 = arith.constant 0 : i32
      %dma_start3A_141 = tpu.memref_slice %arg9[%add3A_51, %dma_start3A_140] : memref<2048x256xf32, #tpu.memory_space<hbm>> -> memref<32x256xf32, #tpu.memory_space<hbm>>
      %dma_start3A_142 = arith.constant 0 : i32
      %dma_start3A_143 = tpu.memref_slice %arg9[%add3A_51, %dma_start3A_142] : memref<2048x256xf32, #tpu.memory_space<hbm>> -> memref<32x256xf32, #tpu.memory_space<hbm>>
      tpu.enqueue_dma source(%arg16 : memref<32x256xf32, #tpu.memory_space<vmem>>) target(%dma_start3A_143 : memref<32x256xf32, #tpu.memory_space<hbm>>) target_semaphore(%run_scoped3A : memref<!tpu.dma_semaphore, #tpu.memory_space<semaphore_mem>>)
      %dma_wait3A_144 = arith.constant 0 : i32
      %dma_wait3A_145 = tpu.memref_slice %arg9[%add3A_51, %dma_wait3A_144] : memref<2048x256xf32, #tpu.memory_space<hbm>> -> memref<32x256xf32, #tpu.memory_space<hbm>>
      %dma_wait3A_146 = arith.constant 0 : i32
      %dma_wait3A_147 = tpu.memref_slice %arg9[%add3A_51, %dma_wait3A_146] : memref<2048x256xf32, #tpu.memory_space<hbm>> -> memref<32x256xf32, #tpu.memory_space<hbm>>
      tpu.wait_dma2 semaphore(%run_scoped3A : memref<!tpu.dma_semaphore, #tpu.memory_space<semaphore_mem>>) src(%arg16 : memref<32x256xf32, #tpu.memory_space<vmem>>) dst(%dma_wait3A_147 : memref<32x256xf32, #tpu.memory_space<hbm>>)
      tpu.yield
    }) : () -> ()
    %dma_start3A_68 = arith.constant 0 : i32
    %dma_start3A_69 = arith.constant 0 : i32
    %dma_start3A_70 = tpu.memref_slice %arg7[%dma_start3A_68, %dma_start3A_69] : memref<10000x128xf32, #tpu.memory_space<hbm>> -> memref<10000x128xf32, #tpu.memory_space<hbm>>
    tpu.enqueue_indirect_dma source(%dma_start3A_70 : memref<10000x128xf32, #tpu.memory_space<hbm>>) target(%arg17 : memref<32x128xf32, #tpu.memory_space<vmem>>) offsets(%arg15 : memref<32xi32, #tpu.memory_space<vmem>>) semaphore(%arg18 : memref<!tpu.dma_semaphore, #tpu.memory_space<semaphore_mem>>)
    %dma_wait3A_71 = arith.constant 0 : i32
    %dma_wait3A_72 = arith.constant 0 : i32
    %dma_wait3A_73 = tpu.memref_slice %arg7[%dma_wait3A_71, %dma_wait3A_72] : memref<10000x128xf32, #tpu.memory_space<hbm>> -> memref<10000x128xf32, #tpu.memory_space<hbm>>
    tpu.wait_indirect_dma semaphore(%arg18 : memref<!tpu.dma_semaphore, #tpu.memory_space<semaphore_mem>>) src(%dma_wait3A_73 : memref<10000x128xf32, #tpu.memory_space<hbm>>) dst(%arg17 : memref<32x128xf32, #tpu.memory_space<vmem>>)
    "tpu.region"() ({
      %run_scoped3A = tpu.sem_alloc : memref<!tpu.dma_semaphore, #tpu.memory_space<semaphore_mem>>
      %dma_start3A_140 = arith.constant 0 : i32
      %dma_start3A_141 = tpu.memref_slice %arg12[%add3A_51, %dma_start3A_140] : memref<2048x128xf32, #tpu.memory_space<hbm>> -> memref<32x128xf32, #tpu.memory_space<hbm>>
      %dma_start3A_142 = arith.constant 0 : i32
      %dma_start3A_143 = tpu.memref_slice %arg12[%add3A_51, %dma_start3A_142] : memref<2048x128xf32, #tpu.memory_space<hbm>> -> memref<32x128xf32, #tpu.memory_space<hbm>>
      tpu.enqueue_dma source(%arg17 : memref<32x128xf32, #tpu.memory_space<vmem>>) target(%dma_start3A_143 : memref<32x128xf32, #tpu.memory_space<hbm>>) target_semaphore(%run_scoped3A : memref<!tpu.dma_semaphore, #tpu.memory_space<semaphore_mem>>)
      %dma_wait3A_144 = arith.constant 0 : i32
      %dma_wait3A_145 = tpu.memref_slice %arg12[%add3A_51, %dma_wait3A_144] : memref<2048x128xf32, #tpu.memory_space<hbm>> -> memref<32x128xf32, #tpu.memory_space<hbm>>
      %dma_wait3A_146 = arith.constant 0 : i32
      %dma_wait3A_147 = tpu.memref_slice %arg12[%add3A_51, %dma_wait3A_146] : memref<2048x128xf32, #tpu.memory_space<hbm>> -> memref<32x128xf32, #tpu.memory_space<hbm>>
      tpu.wait_dma2 semaphore(%run_scoped3A : memref<!tpu.dma_semaphore, #tpu.memory_space<semaphore_mem>>) src(%arg17 : memref<32x128xf32, #tpu.memory_space<vmem>>) dst(%dma_wait3A_147 : memref<32x128xf32, #tpu.memory_space<hbm>>)
      tpu.yield
    }) : () -> ()
    %mul3A_74 = arith.constant 64 : i32
    %mul3A_75 = arith.muli %add3A, %mul3A_74 : i32
    %add3A_76 = arith.constant 32 : i32
    %add3A_77 = arith.addi %mul3A_75, %add3A_76 : i32
    "tpu.region"() ({
      %run_scoped3A = tpu.sem_alloc : memref<!tpu.dma_semaphore, #tpu.memory_space<semaphore_mem>>
      %dma_start3A_140 = tpu.memref_slice %arg3[%add3A_77] : memref<2048xi32, #tpu.memory_space<hbm>> -> memref<32xi32, #tpu.memory_space<hbm>>
      %dma_start3A_141 = tpu.memref_slice %arg3[%add3A_77] : memref<2048xi32, #tpu.memory_space<hbm>> -> memref<32xi32, #tpu.memory_space<hbm>>
      tpu.enqueue_dma source(%dma_start3A_141 : memref<32xi32, #tpu.memory_space<hbm>>) target(%arg14 : memref<32xi32, #tpu.memory_space<vmem>>) target_semaphore(%run_scoped3A : memref<!tpu.dma_semaphore, #tpu.memory_space<semaphore_mem>>)
      %dma_wait3A_142 = tpu.memref_slice %arg3[%add3A_77] : memref<2048xi32, #tpu.memory_space<hbm>> -> memref<32xi32, #tpu.memory_space<hbm>>
      %dma_wait3A_143 = tpu.memref_slice %arg3[%add3A_77] : memref<2048xi32, #tpu.memory_space<hbm>> -> memref<32xi32, #tpu.memory_space<hbm>>
      tpu.wait_dma2 semaphore(%run_scoped3A : memref<!tpu.dma_semaphore, #tpu.memory_space<semaphore_mem>>) src(%dma_wait3A_143 : memref<32xi32, #tpu.memory_space<hbm>>) dst(%arg14 : memref<32xi32, #tpu.memory_space<vmem>>)
      tpu.yield
    }) : () -> ()
    %get3A_78 = arith.constant 0 : index
    %get3A_79 = tpu.vector_load %arg14[%get3A_78] {strides = array<i32>} : memref<32xi32, #tpu.memory_space<vmem>>, vector<16xi32>,
    %gather3A_80 = tpu.vector_load_idx %arg13[%get3A_79] : memref<100000xi32, #tpu.memory_space<vmem>>[vector<16xi32>], vector<16xi32>,
    %swap3A_81 = arith.constant 0 : index
    %swap3A_82 = tpu.vector_load %arg15[%swap3A_81] {strides = array<i32>} : memref<32xi32, #tpu.memory_space<vmem>>, vector<16xi32>,
    tpu.vector_store %arg15[%swap3A_81], %gather3A_80 {strides = array<i32>} : memref<32xi32, #tpu.memory_space<vmem>>, vector<16xi32>,
    %get3A_83 = arith.constant 16 : index
    %get3A_84 = tpu.vector_load %arg14[%get3A_83] {strides = array<i32>} : memref<32xi32, #tpu.memory_space<vmem>>, vector<16xi32>,
    %gather3A_85 = tpu.vector_load_idx %arg13[%get3A_84] : memref<100000xi32, #tpu.memory_space<vmem>>[vector<16xi32>], vector<16xi32>,
    %swap3A_86 = arith.constant 16 : index
    %swap3A_87 = tpu.vector_load %arg15[%swap3A_86] {strides = array<i32>} : memref<32xi32, #tpu.memory_space<vmem>>, vector<16xi32>,
    tpu.vector_store %arg15[%swap3A_86], %gather3A_85 {strides = array<i32>} : memref<32xi32, #tpu.memory_space<vmem>>, vector<16xi32>,
    %dma_start3A_88 = arith.constant 0 : i32
    %dma_start3A_89 = arith.constant 0 : i32
    %dma_start3A_90 = tpu.memref_slice %arg6[%dma_start3A_88, %dma_start3A_89] : memref<10000x256xf32, #tpu.memory_space<hbm>> -> memref<10000x256xf32, #tpu.memory_space<hbm>>
    tpu.enqueue_indirect_dma source(%dma_start3A_90 : memref<10000x256xf32, #tpu.memory_space<hbm>>) target(%arg16 : memref<32x256xf32, #tpu.memory_space<vmem>>) offsets(%arg15 : memref<32xi32, #tpu.memory_space<vmem>>) semaphore(%arg18 : memref<!tpu.dma_semaphore, #tpu.memory_space<semaphore_mem>>)
    %dma_wait3A_91 = arith.constant 0 : i32
    %dma_wait3A_92 = arith.constant 0 : i32
    %dma_wait3A_93 = tpu.memref_slice %arg6[%dma_wait3A_91, %dma_wait3A_92] : memref<10000x256xf32, #tpu.memory_space<hbm>> -> memref<10000x256xf32, #tpu.memory_space<hbm>>
    tpu.wait_indirect_dma semaphore(%arg18 : memref<!tpu.dma_semaphore, #tpu.memory_space<semaphore_mem>>) src(%dma_wait3A_93 : memref<10000x256xf32, #tpu.memory_space<hbm>>) dst(%arg16 : memref<32x256xf32, #tpu.memory_space<vmem>>)
    "tpu.region"() ({
      %run_scoped3A = tpu.sem_alloc : memref<!tpu.dma_semaphore, #tpu.memory_space<semaphore_mem>>
      %dma_start3A_140 = arith.constant 0 : i32
      %dma_start3A_141 = tpu.memref_slice %arg9[%add3A_77, %dma_start3A_140] : memref<2048x256xf32, #tpu.memory_space<hbm>> -> memref<32x256xf32, #tpu.memory_space<hbm>>
      %dma_start3A_142 = arith.constant 0 : i32
      %dma_start3A_143 = tpu.memref_slice %arg9[%add3A_77, %dma_start3A_142] : memref<2048x256xf32, #tpu.memory_space<hbm>> -> memref<32x256xf32, #tpu.memory_space<hbm>>
      tpu.enqueue_dma source(%arg16 : memref<32x256xf32, #tpu.memory_space<vmem>>) target(%dma_start3A_143 : memref<32x256xf32, #tpu.memory_space<hbm>>) target_semaphore(%run_scoped3A : memref<!tpu.dma_semaphore, #tpu.memory_space<semaphore_mem>>)
      %dma_wait3A_144 = arith.constant 0 : i32
      %dma_wait3A_145 = tpu.memref_slice %arg9[%add3A_77, %dma_wait3A_144] : memref<2048x256xf32, #tpu.memory_space<hbm>> -> memref<32x256xf32, #tpu.memory_space<hbm>>
      %dma_wait3A_146 = arith.constant 0 : i32
      %dma_wait3A_147 = tpu.memref_slice %arg9[%add3A_77, %dma_wait3A_146] : memref<2048x256xf32, #tpu.memory_space<hbm>> -> memref<32x256xf32, #tpu.memory_space<hbm>>
      tpu.wait_dma2 semaphore(%run_scoped3A : memref<!tpu.dma_semaphore, #tpu.memory_space<semaphore_mem>>) src(%arg16 : memref<32x256xf32, #tpu.memory_space<vmem>>) dst(%dma_wait3A_147 : memref<32x256xf32, #tpu.memory_space<hbm>>)
      tpu.yield
    }) : () -> ()
    %dma_start3A_94 = arith.constant 0 : i32
    %dma_start3A_95 = arith.constant 0 : i32
    %dma_start3A_96 = tpu.memref_slice %arg7[%dma_start3A_94, %dma_start3A_95] : memref<10000x128xf32, #tpu.memory_space<hbm>> -> memref<10000x128xf32, #tpu.memory_space<hbm>>
    tpu.enqueue_indirect_dma source(%dma_start3A_96 : memref<10000x128xf32, #tpu.memory_space<hbm>>) target(%arg17 : memref<32x128xf32, #tpu.memory_space<vmem>>) offsets(%arg15 : memref<32xi32, #tpu.memory_space<vmem>>) semaphore(%arg18 : memref<!tpu.dma_semaphore, #tpu.memory_space<semaphore_mem>>)
    %dma_wait3A_97 = arith.constant 0 : i32
    %dma_wait3A_98 = arith.constant 0 : i32
    %dma_wait3A_99 = tpu.memref_slice %arg7[%dma_wait3A_97, %dma_wait3A_98] : memref<10000x128xf32, #tpu.memory_space<hbm>> -> memref<10000x128xf32, #tpu.memory_space<hbm>>
    tpu.wait_indirect_dma semaphore(%arg18 : memref<!tpu.dma_semaphore, #tpu.memory_space<semaphore_mem>>) src(%dma_wait3A_99 : memref<10000x128xf32, #tpu.memory_space<hbm>>) dst(%arg17 : memref<32x128xf32, #tpu.memory_space<vmem>>)
    "tpu.region"() ({
      %run_scoped3A = tpu.sem_alloc : memref<!tpu.dma_semaphore, #tpu.memory_space<semaphore_mem>>
      %dma_start3A_140 = arith.constant 0 : i32
      %dma_start3A_141 = tpu.memref_slice %arg12[%add3A_77, %dma_start3A_140] : memref<2048x128xf32, #tpu.memory_space<hbm>> -> memref<32x128xf32, #tpu.memory_space<hbm>>
      %dma_start3A_142 = arith.constant 0 : i32
      %dma_start3A_143 = tpu.memref_slice %arg12[%add3A_77, %dma_start3A_142] : memref<2048x128xf32, #tpu.memory_space<hbm>> -> memref<32x128xf32, #tpu.memory_space<hbm>>
      tpu.enqueue_dma source(%arg17 : memref<32x128xf32, #tpu.memory_space<vmem>>) target(%dma_start3A_143 : memref<32x128xf32, #tpu.memory_space<hbm>>) target_semaphore(%run_scoped3A : memref<!tpu.dma_semaphore, #tpu.memory_space<semaphore_mem>>)
      %dma_wait3A_144 = arith.constant 0 : i32
      %dma_wait3A_145 = tpu.memref_slice %arg12[%add3A_77, %dma_wait3A_144] : memref<2048x128xf32, #tpu.memory_space<hbm>> -> memref<32x128xf32, #tpu.memory_space<hbm>>
      %dma_wait3A_146 = arith.constant 0 : i32
      %dma_wait3A_147 = tpu.memref_slice %arg12[%add3A_77, %dma_wait3A_146] : memref<2048x128xf32, #tpu.memory_space<hbm>> -> memref<32x128xf32, #tpu.memory_space<hbm>>
      tpu.wait_dma2 semaphore(%run_scoped3A : memref<!tpu.dma_semaphore, #tpu.memory_space<semaphore_mem>>) src(%arg17 : memref<32x128xf32, #tpu.memory_space<vmem>>) dst(%dma_wait3A_147 : memref<32x128xf32, #tpu.memory_space<hbm>>)
      tpu.yield
    }) : () -> ()
    %mul3A_100 = arith.constant 64 : i32
    %mul3A_101 = arith.muli %add3A, %mul3A_100 : i32
    %add3A_102 = arith.constant 0 : i32
    %add3A_103 = arith.addi %mul3A_101, %add3A_102 : i32
    "tpu.region"() ({
      %run_scoped3A = tpu.sem_alloc : memref<!tpu.dma_semaphore, #tpu.memory_space<semaphore_mem>>
      %dma_start3A_140 = tpu.memref_slice %arg4[%add3A_103] : memref<2048xi32, #tpu.memory_space<hbm>> -> memref<32xi32, #tpu.memory_space<hbm>>
      %dma_start3A_141 = tpu.memref_slice %arg4[%add3A_103] : memref<2048xi32, #tpu.memory_space<hbm>> -> memref<32xi32, #tpu.memory_space<hbm>>
      tpu.enqueue_dma source(%dma_start3A_141 : memref<32xi32, #tpu.memory_space<hbm>>) target(%arg14 : memref<32xi32, #tpu.memory_space<vmem>>) target_semaphore(%run_scoped3A : memref<!tpu.dma_semaphore, #tpu.memory_space<semaphore_mem>>)
      %dma_wait3A_142 = tpu.memref_slice %arg4[%add3A_103] : memref<2048xi32, #tpu.memory_space<hbm>> -> memref<32xi32, #tpu.memory_space<hbm>>
      %dma_wait3A_143 = tpu.memref_slice %arg4[%add3A_103] : memref<2048xi32, #tpu.memory_space<hbm>> -> memref<32xi32, #tpu.memory_space<hbm>>
      tpu.wait_dma2 semaphore(%run_scoped3A : memref<!tpu.dma_semaphore, #tpu.memory_space<semaphore_mem>>) src(%dma_wait3A_143 : memref<32xi32, #tpu.memory_space<hbm>>) dst(%arg14 : memref<32xi32, #tpu.memory_space<vmem>>)
      tpu.yield
    }) : () -> ()
    %get3A_104 = arith.constant 0 : index
    %get3A_105 = tpu.vector_load %arg14[%get3A_104] {strides = array<i32>} : memref<32xi32, #tpu.memory_space<vmem>>, vector<16xi32>,
    %gather3A_106 = tpu.vector_load_idx %arg13[%get3A_105] : memref<100000xi32, #tpu.memory_space<vmem>>[vector<16xi32>], vector<16xi32>,
    %swap3A_107 = arith.constant 0 : index
    %swap3A_108 = tpu.vector_load %arg15[%swap3A_107] {strides = array<i32>} : memref<32xi32, #tpu.memory_space<vmem>>, vector<16xi32>,
    tpu.vector_store %arg15[%swap3A_107], %gather3A_106 {strides = array<i32>} : memref<32xi32, #tpu.memory_space<vmem>>, vector<16xi32>,
    %get3A_109 = arith.constant 16 : index
    %get3A_110 = tpu.vector_load %arg14[%get3A_109] {strides = array<i32>} : memref<32xi32, #tpu.memory_space<vmem>>, vector<16xi32>,
    %gather3A_111 = tpu.vector_load_idx %arg13[%get3A_110] : memref<100000xi32, #tpu.memory_space<vmem>>[vector<16xi32>], vector<16xi32>,
    %swap3A_112 = arith.constant 16 : index
    %swap3A_113 = tpu.vector_load %arg15[%swap3A_112] {strides = array<i32>} : memref<32xi32, #tpu.memory_space<vmem>>, vector<16xi32>,
    tpu.vector_store %arg15[%swap3A_112], %gather3A_111 {strides = array<i32>} : memref<32xi32, #tpu.memory_space<vmem>>, vector<16xi32>,
    %dma_start3A_114 = arith.constant 0 : i32
    %dma_start3A_115 = arith.constant 0 : i32
    %dma_start3A_116 = tpu.memref_slice %arg6[%dma_start3A_114, %dma_start3A_115] : memref<10000x256xf32, #tpu.memory_space<hbm>> -> memref<10000x256xf32, #tpu.memory_space<hbm>>
    tpu.enqueue_indirect_dma source(%dma_start3A_116 : memref<10000x256xf32, #tpu.memory_space<hbm>>) target(%arg16 : memref<32x256xf32, #tpu.memory_space<vmem>>) offsets(%arg15 : memref<32xi32, #tpu.memory_space<vmem>>) semaphore(%arg18 : memref<!tpu.dma_semaphore, #tpu.memory_space<semaphore_mem>>)
    %dma_wait3A_117 = arith.constant 0 : i32
    %dma_wait3A_118 = arith.constant 0 : i32
    %dma_wait3A_119 = tpu.memref_slice %arg6[%dma_wait3A_117, %dma_wait3A_118] : memref<10000x256xf32, #tpu.memory_space<hbm>> -> memref<10000x256xf32, #tpu.memory_space<hbm>>
    tpu.wait_indirect_dma semaphore(%arg18 : memref<!tpu.dma_semaphore, #tpu.memory_space<semaphore_mem>>) src(%dma_wait3A_119 : memref<10000x256xf32, #tpu.memory_space<hbm>>) dst(%arg16 : memref<32x256xf32, #tpu.memory_space<vmem>>)
    "tpu.region"() ({
      %run_scoped3A = tpu.sem_alloc : memref<!tpu.dma_semaphore, #tpu.memory_space<semaphore_mem>>
      %dma_start3A_140 = arith.constant 0 : i32
      %dma_start3A_141 = tpu.memref_slice %arg10[%add3A_103, %dma_start3A_140] : memref<2048x256xf32, #tpu.memory_space<hbm>> -> memref<32x256xf32, #tpu.memory_space<hbm>>
      %dma_start3A_142 = arith.constant 0 : i32
      %dma_start3A_143 = tpu.memref_slice %arg10[%add3A_103, %dma_start3A_142] : memref<2048x256xf32, #tpu.memory_space<hbm>> -> memref<32x256xf32, #tpu.memory_space<hbm>>
      tpu.enqueue_dma source(%arg16 : memref<32x256xf32, #tpu.memory_space<vmem>>) target(%dma_start3A_143 : memref<32x256xf32, #tpu.memory_space<hbm>>) target_semaphore(%run_scoped3A : memref<!tpu.dma_semaphore, #tpu.memory_space<semaphore_mem>>)
      %dma_wait3A_144 = arith.constant 0 : i32
      %dma_wait3A_145 = tpu.memref_slice %arg10[%add3A_103, %dma_wait3A_144] : memref<2048x256xf32, #tpu.memory_space<hbm>> -> memref<32x256xf32, #tpu.memory_space<hbm>>
      %dma_wait3A_146 = arith.constant 0 : i32
      %dma_wait3A_147 = tpu.memref_slice %arg10[%add3A_103, %dma_wait3A_146] : memref<2048x256xf32, #tpu.memory_space<hbm>> -> memref<32x256xf32, #tpu.memory_space<hbm>>
      tpu.wait_dma2 semaphore(%run_scoped3A : memref<!tpu.dma_semaphore, #tpu.memory_space<semaphore_mem>>) src(%arg16 : memref<32x256xf32, #tpu.memory_space<vmem>>) dst(%dma_wait3A_147 : memref<32x256xf32, #tpu.memory_space<hbm>>)
      tpu.yield
    }) : () -> ()
    %mul3A_120 = arith.constant 64 : i32
    %mul3A_121 = arith.muli %add3A, %mul3A_120 : i32
    %add3A_122 = arith.constant 32 : i32
    %add3A_123 = arith.addi %mul3A_121, %add3A_122 : i32
    "tpu.region"() ({
      %run_scoped3A = tpu.sem_alloc : memref<!tpu.dma_semaphore, #tpu.memory_space<semaphore_mem>>
      %dma_start3A_140 = tpu.memref_slice %arg4[%add3A_123] : memref<2048xi32, #tpu.memory_space<hbm>> -> memref<32xi32, #tpu.memory_space<hbm>>
      %dma_start3A_141 = tpu.memref_slice %arg4[%add3A_123] : memref<2048xi32, #tpu.memory_space<hbm>> -> memref<32xi32, #tpu.memory_space<hbm>>
      tpu.enqueue_dma source(%dma_start3A_141 : memref<32xi32, #tpu.memory_space<hbm>>) target(%arg14 : memref<32xi32, #tpu.memory_space<vmem>>) target_semaphore(%run_scoped3A : memref<!tpu.dma_semaphore, #tpu.memory_space<semaphore_mem>>)
      %dma_wait3A_142 = tpu.memref_slice %arg4[%add3A_123] : memref<2048xi32, #tpu.memory_space<hbm>> -> memref<32xi32, #tpu.memory_space<hbm>>
      %dma_wait3A_143 = tpu.memref_slice %arg4[%add3A_123] : memref<2048xi32, #tpu.memory_space<hbm>> -> memref<32xi32, #tpu.memory_space<hbm>>
      tpu.wait_dma2 semaphore(%run_scoped3A : memref<!tpu.dma_semaphore, #tpu.memory_space<semaphore_mem>>) src(%dma_wait3A_143 : memref<32xi32, #tpu.memory_space<hbm>>) dst(%arg14 : memref<32xi32, #tpu.memory_space<vmem>>)
      tpu.yield
    }) : () -> ()
    %get3A_124 = arith.constant 0 : index
    %get3A_125 = tpu.vector_load %arg14[%get3A_124] {strides = array<i32>} : memref<32xi32, #tpu.memory_space<vmem>>, vector<16xi32>,
    %gather3A_126 = tpu.vector_load_idx %arg13[%get3A_125] : memref<100000xi32, #tpu.memory_space<vmem>>[vector<16xi32>], vector<16xi32>,
    %swap3A_127 = arith.constant 0 : index
    %swap3A_128 = tpu.vector_load %arg15[%swap3A_127] {strides = array<i32>} : memref<32xi32, #tpu.memory_space<vmem>>, vector<16xi32>,
    tpu.vector_store %arg15[%swap3A_127], %gather3A_126 {strides = array<i32>} : memref<32xi32, #tpu.memory_space<vmem>>, vector<16xi32>,
    %get3A_129 = arith.constant 16 : index
    %get3A_130 = tpu.vector_load %arg14[%get3A_129] {strides = array<i32>} : memref<32xi32, #tpu.memory_space<vmem>>, vector<16xi32>,
    %gather3A_131 = tpu.vector_load_idx %arg13[%get3A_130] : memref<100000xi32, #tpu.memory_space<vmem>>[vector<16xi32>], vector<16xi32>,
    %swap3A_132 = arith.constant 16 : index
    %swap3A_133 = tpu.vector_load %arg15[%swap3A_132] {strides = array<i32>} : memref<32xi32, #tpu.memory_space<vmem>>, vector<16xi32>,
    tpu.vector_store %arg15[%swap3A_132], %gather3A_131 {strides = array<i32>} : memref<32xi32, #tpu.memory_space<vmem>>, vector<16xi32>,
    %dma_start3A_134 = arith.constant 0 : i32
    %dma_start3A_135 = arith.constant 0 : i32
    %dma_start3A_136 = tpu.memref_slice %arg6[%dma_start3A_134, %dma_start3A_135] : memref<10000x256xf32, #tpu.memory_space<hbm>> -> memref<10000x256xf32, #tpu.memory_space<hbm>>
    tpu.enqueue_indirect_dma source(%dma_start3A_136 : memref<10000x256xf32, #tpu.memory_space<hbm>>) target(%arg16 : memref<32x256xf32, #tpu.memory_space<vmem>>) offsets(%arg15 : memref<32xi32, #tpu.memory_space<vmem>>) semaphore(%arg18 : memref<!tpu.dma_semaphore, #tpu.memory_space<semaphore_mem>>)
    %dma_wait3A_137 = arith.constant 0 : i32
    %dma_wait3A_138 = arith.constant 0 : i32
    %dma_wait3A_139 = tpu.memref_slice %arg6[%dma_wait3A_137, %dma_wait3A_138] : memref<10000x256xf32, #tpu.memory_space<hbm>> -> memref<10000x256xf32, #tpu.memory_space<hbm>>
    tpu.wait_indirect_dma semaphore(%arg18 : memref<!tpu.dma_semaphore, #tpu.memory_space<semaphore_mem>>) src(%dma_wait3A_139 : memref<10000x256xf32, #tpu.memory_space<hbm>>) dst(%arg16 : memref<32x256xf32, #tpu.memory_space<vmem>>)
    "tpu.region"() ({
      %run_scoped3A = tpu.sem_alloc : memref<!tpu.dma_semaphore, #tpu.memory_space<semaphore_mem>>
      %dma_start3A_140 = arith.constant 0 : i32
      %dma_start3A_141 = tpu.memref_slice %arg10[%add3A_123, %dma_start3A_140] : memref<2048x256xf32, #tpu.memory_space<hbm>> -> memref<32x256xf32, #tpu.memory_space<hbm>>
      %dma_start3A_142 = arith.constant 0 : i32
      %dma_start3A_143 = tpu.memref_slice %arg10[%add3A_123, %dma_start3A_142] : memref<2048x256xf32, #tpu.memory_space<hbm>> -> memref<32x256xf32, #tpu.memory_space<hbm>>
      tpu.enqueue_dma source(%arg16 : memref<32x256xf32, #tpu.memory_space<vmem>>) target(%dma_start3A_143 : memref<32x256xf32, #tpu.memory_space<hbm>>) target_semaphore(%run_scoped3A : memref<!tpu.dma_semaphore, #tpu.memory_space<semaphore_mem>>)
      %dma_wait3A_144 = arith.constant 0 : i32
      %dma_wait3A_145 = tpu.memref_slice %arg10[%add3A_123, %dma_wait3A_144] : memref<2048x256xf32, #tpu.memory_space<hbm>> -> memref<32x256xf32, #tpu.memory_space<hbm>>
      %dma_wait3A_146 = arith.constant 0 : i32
      %dma_wait3A_147 = tpu.memref_slice %arg10[%add3A_123, %dma_wait3A_146] : memref<2048x256xf32, #tpu.memory_space<hbm>> -> memref<32x256xf32, #tpu.memory_space<hbm>>
      tpu.wait_dma2 semaphore(%run_scoped3A : memref<!tpu.dma_semaphore, #tpu.memory_space<semaphore_mem>>) src(%arg16 : memref<32x256xf32, #tpu.memory_space<vmem>>) dst(%dma_wait3A_147 : memref<32x256xf32, #tpu.memory_space<hbm>>)
      tpu.yield
    }) : () -> ()
    return
  }
}

#map = affine_map<(d0, d1) -> (0, 0)>
#map1 = affine_map<(d0, d1) -> (0)>
module attributes {stable_mosaic.version = 14 : i64} {
  func.func @_p2_body(%arg0: i32, %arg1: i32, %arg2: memref<20000x128xf32, #tpu.memory_space<hbm>>, %arg3: memref<160000x256xf32, #tpu.memory_space<hbm>>, %arg4: memref<160000xi32, #tpu.memory_space<hbm>>, %arg5: memref<160000xi32, #tpu.memory_space<hbm>>, %arg6: memref<160000xf32, #tpu.memory_space<hbm>>, %arg7: memref<256xf32, #tpu.memory_space<hbm>>, %arg8: memref<20000x128xf32, #tpu.memory_space<hbm>>, %arg9: memref<128xi32, #tpu.memory_space<vmem>>, %arg10: memref<128xi32, #tpu.memory_space<vmem>>, %arg11: memref<128xi32, #tpu.memory_space<vmem>>, %arg12: memref<128xi32, #tpu.memory_space<vmem>>, %arg13: memref<128xi32, #tpu.memory_space<vmem>>, %arg14: memref<128xi32, #tpu.memory_space<vmem>>, %arg15: memref<128x128xf32, #tpu.memory_space<vmem>>, %arg16: memref<128x128xf32, #tpu.memory_space<vmem>>, %arg17: memref<128x128xf32, #tpu.memory_space<vmem>>, %arg18: memref<144xf32, #tpu.memory_space<vmem>>, %arg19: memref<144xf32, #tpu.memory_space<vmem>>, %arg20: memref<144xf32, #tpu.memory_space<vmem>>, %arg21: memref<128xf32, #tpu.memory_space<vmem>>, %arg22: memref<10000x128xf32, #tpu.memory_space<vmem_shared>>, %arg23: memref<!tpu.dma_semaphore, #tpu.memory_space<semaphore_mem>>, %arg24: memref<!tpu.dma_semaphore, #tpu.memory_space<semaphore_mem>>, %arg25: memref<!tpu.dma_semaphore, #tpu.memory_space<semaphore_mem>>, %arg26: memref<!tpu.dma_semaphore, #tpu.memory_space<semaphore_mem>>, %arg27: memref<!tpu.dma_semaphore, #tpu.memory_space<semaphore_mem>>, %arg28: memref<!tpu.dma_semaphore, #tpu.memory_space<semaphore_mem>>) attributes {dimension_semantics = [#tpu.dimension_semantics<core_parallel>, #tpu.dimension_semantics<subcore_parallel>], iteration_bounds = array<i64: 2, 16>, scalar_prefetch = 0 : i64, scratch_operands = 20 : i64, tpu.core_type = #tpu.core_type<sc_vector_subcore>, window_params = [{transform_indices = #map}, {transform_indices = #map}, {transform_indices = #map1}, {transform_indices = #map1}, {transform_indices = #map1}, {transform_indices = #map1}, {transform_indices = #map}]} {
    %mul3A = arith.constant 128 : i32
    %mul3A_0 = arith.muli %arg0, %mul3A : i32
    "tpu.region"() ({
      %run_scoped3A = tpu.sem_alloc : memref<!tpu.dma_semaphore, #tpu.memory_space<semaphore_mem>>
      %dma_start3A_205 = tpu.memref_slice %arg7[%mul3A_0] : memref<256xf32, #tpu.memory_space<hbm>> -> memref<128xf32, #tpu.memory_space<hbm>>
      %dma_start3A_206 = tpu.memref_slice %arg7[%mul3A_0] : memref<256xf32, #tpu.memory_space<hbm>> -> memref<128xf32, #tpu.memory_space<hbm>>
      tpu.enqueue_dma source(%dma_start3A_206 : memref<128xf32, #tpu.memory_space<hbm>>) target(%arg21 : memref<128xf32, #tpu.memory_space<vmem>>) target_semaphore(%run_scoped3A : memref<!tpu.dma_semaphore, #tpu.memory_space<semaphore_mem>>)
      %dma_wait3A_207 = tpu.memref_slice %arg7[%mul3A_0] : memref<256xf32, #tpu.memory_space<hbm>> -> memref<128xf32, #tpu.memory_space<hbm>>
      %dma_wait3A_208 = tpu.memref_slice %arg7[%mul3A_0] : memref<256xf32, #tpu.memory_space<hbm>> -> memref<128xf32, #tpu.memory_space<hbm>>
      tpu.wait_dma2 semaphore(%run_scoped3A : memref<!tpu.dma_semaphore, #tpu.memory_space<semaphore_mem>>) src(%dma_wait3A_208 : memref<128xf32, #tpu.memory_space<hbm>>) dst(%arg21 : memref<128xf32, #tpu.memory_space<vmem>>)
      tpu.yield
    }) : () -> ()
    %get3A = arith.constant 0 : index
    %get3A_1 = tpu.vector_load %arg21[%get3A] {strides = array<i32>} : memref<128xf32, #tpu.memory_space<vmem>>, vector<16xf32>,
    %get3A_2 = arith.constant 16 : index
    %get3A_3 = tpu.vector_load %arg21[%get3A_2] {strides = array<i32>} : memref<128xf32, #tpu.memory_space<vmem>>, vector<16xf32>,
    %get3A_4 = arith.constant 32 : index
    %get3A_5 = tpu.vector_load %arg21[%get3A_4] {strides = array<i32>} : memref<128xf32, #tpu.memory_space<vmem>>, vector<16xf32>,
    %get3A_6 = arith.constant 48 : index
    %get3A_7 = tpu.vector_load %arg21[%get3A_6] {strides = array<i32>} : memref<128xf32, #tpu.memory_space<vmem>>, vector<16xf32>,
    %get3A_8 = arith.constant 64 : index
    %get3A_9 = tpu.vector_load %arg21[%get3A_8] {strides = array<i32>} : memref<128xf32, #tpu.memory_space<vmem>>, vector<16xf32>,
    %get3A_10 = arith.constant 80 : index
    %get3A_11 = tpu.vector_load %arg21[%get3A_10] {strides = array<i32>} : memref<128xf32, #tpu.memory_space<vmem>>, vector<16xf32>,
    %get3A_12 = arith.constant 96 : index
    %get3A_13 = tpu.vector_load %arg21[%get3A_12] {strides = array<i32>} : memref<128xf32, #tpu.memory_space<vmem>>, vector<16xf32>,
    %get3A_14 = arith.constant 112 : index
    %get3A_15 = tpu.vector_load %arg21[%get3A_14] {strides = array<i32>} : memref<128xf32, #tpu.memory_space<vmem>>, vector<16xf32>,
    %scan3A = arith.constant 0 : i32
    %scan3A_16 = arith.constant 0 : i32
    %scan3A_17 = arith.constant 128 : i32
    %scan3A_18 = arith.addi %scan3A_16, %scan3A_17 : i32
    %scan3A_19 = arith.constant 1 : i32
    scf.for %scan3A_205 = %scan3A_16 to %scan3A_18 step %scan3A_19  : i32 {
      %broadcast_in_dim3A = arith.constant 0.000000e+00 : f32
      %broadcast_in_dim3A_206 = vector.broadcast %broadcast_in_dim3A : f32 to vector<16xf32>
      %swap3A = arith.index_cast %scan3A_205 : i32 to index
      %swap3A_207 = arith.constant 0 : index
      %swap3A_208 = tpu.vector_load %arg15[%swap3A, %swap3A_207] {strides = array<i32>} : memref<128x128xf32, #tpu.memory_space<vmem>>, vector<16xf32>,
      tpu.vector_store %arg15[%swap3A, %swap3A_207], %broadcast_in_dim3A_206 {strides = array<i32>} : memref<128x128xf32, #tpu.memory_space<vmem>>, vector<16xf32>,
      %broadcast_in_dim3A_209 = arith.constant 0.000000e+00 : f32
      %broadcast_in_dim3A_210 = vector.broadcast %broadcast_in_dim3A_209 : f32 to vector<16xf32>
      %swap3A_211 = arith.index_cast %scan3A_205 : i32 to index
      %swap3A_212 = arith.constant 16 : index
      %swap3A_213 = tpu.vector_load %arg15[%swap3A_211, %swap3A_212] {strides = array<i32>} : memref<128x128xf32, #tpu.memory_space<vmem>>, vector<16xf32>,
      tpu.vector_store %arg15[%swap3A_211, %swap3A_212], %broadcast_in_dim3A_210 {strides = array<i32>} : memref<128x128xf32, #tpu.memory_space<vmem>>, vector<16xf32>,
      %broadcast_in_dim3A_214 = arith.constant 0.000000e+00 : f32
      %broadcast_in_dim3A_215 = vector.broadcast %broadcast_in_dim3A_214 : f32 to vector<16xf32>
      %swap3A_216 = arith.index_cast %scan3A_205 : i32 to index
      %swap3A_217 = arith.constant 32 : index
      %swap3A_218 = tpu.vector_load %arg15[%swap3A_216, %swap3A_217] {strides = array<i32>} : memref<128x128xf32, #tpu.memory_space<vmem>>, vector<16xf32>,
      tpu.vector_store %arg15[%swap3A_216, %swap3A_217], %broadcast_in_dim3A_215 {strides = array<i32>} : memref<128x128xf32, #tpu.memory_space<vmem>>, vector<16xf32>,
      %broadcast_in_dim3A_219 = arith.constant 0.000000e+00 : f32
      %broadcast_in_dim3A_220 = vector.broadcast %broadcast_in_dim3A_219 : f32 to vector<16xf32>
      %swap3A_221 = arith.index_cast %scan3A_205 : i32 to index
      %swap3A_222 = arith.constant 48 : index
      %swap3A_223 = tpu.vector_load %arg15[%swap3A_221, %swap3A_222] {strides = array<i32>} : memref<128x128xf32, #tpu.memory_space<vmem>>, vector<16xf32>,
      tpu.vector_store %arg15[%swap3A_221, %swap3A_222], %broadcast_in_dim3A_220 {strides = array<i32>} : memref<128x128xf32, #tpu.memory_space<vmem>>, vector<16xf32>,
      %broadcast_in_dim3A_224 = arith.constant 0.000000e+00 : f32
      %broadcast_in_dim3A_225 = vector.broadcast %broadcast_in_dim3A_224 : f32 to vector<16xf32>
      %swap3A_226 = arith.index_cast %scan3A_205 : i32 to index
      %swap3A_227 = arith.constant 64 : index
      %swap3A_228 = tpu.vector_load %arg15[%swap3A_226, %swap3A_227] {strides = array<i32>} : memref<128x128xf32, #tpu.memory_space<vmem>>, vector<16xf32>,
      tpu.vector_store %arg15[%swap3A_226, %swap3A_227], %broadcast_in_dim3A_225 {strides = array<i32>} : memref<128x128xf32, #tpu.memory_space<vmem>>, vector<16xf32>,
      %broadcast_in_dim3A_229 = arith.constant 0.000000e+00 : f32
      %broadcast_in_dim3A_230 = vector.broadcast %broadcast_in_dim3A_229 : f32 to vector<16xf32>
      %swap3A_231 = arith.index_cast %scan3A_205 : i32 to index
      %swap3A_232 = arith.constant 80 : index
      %swap3A_233 = tpu.vector_load %arg15[%swap3A_231, %swap3A_232] {strides = array<i32>} : memref<128x128xf32, #tpu.memory_space<vmem>>, vector<16xf32>,
      tpu.vector_store %arg15[%swap3A_231, %swap3A_232], %broadcast_in_dim3A_230 {strides = array<i32>} : memref<128x128xf32, #tpu.memory_space<vmem>>, vector<16xf32>,
      %broadcast_in_dim3A_234 = arith.constant 0.000000e+00 : f32
      %broadcast_in_dim3A_235 = vector.broadcast %broadcast_in_dim3A_234 : f32 to vector<16xf32>
      %swap3A_236 = arith.index_cast %scan3A_205 : i32 to index
      %swap3A_237 = arith.constant 96 : index
      %swap3A_238 = tpu.vector_load %arg15[%swap3A_236, %swap3A_237] {strides = array<i32>} : memref<128x128xf32, #tpu.memory_space<vmem>>, vector<16xf32>,
      tpu.vector_store %arg15[%swap3A_236, %swap3A_237], %broadcast_in_dim3A_235 {strides = array<i32>} : memref<128x128xf32, #tpu.memory_space<vmem>>, vector<16xf32>,
      %broadcast_in_dim3A_239 = arith.constant 0.000000e+00 : f32
      %broadcast_in_dim3A_240 = vector.broadcast %broadcast_in_dim3A_239 : f32 to vector<16xf32>
      %swap3A_241 = arith.index_cast %scan3A_205 : i32 to index
      %swap3A_242 = arith.constant 112 : index
      %swap3A_243 = tpu.vector_load %arg15[%swap3A_241, %swap3A_242] {strides = array<i32>} : memref<128x128xf32, #tpu.memory_space<vmem>>, vector<16xf32>,
      tpu.vector_store %arg15[%swap3A_241, %swap3A_242], %broadcast_in_dim3A_240 {strides = array<i32>} : memref<128x128xf32, #tpu.memory_space<vmem>>, vector<16xf32>,
    }
    %scan3A_20 = arith.constant 128 : i32
    %mul3A_21 = arith.constant 624 : i32
    %mul3A_22 = arith.muli %arg1, %mul3A_21 : i32
    %add3A = arith.constant 0 : i32
    %add3A_23 = arith.addi %mul3A_22, %add3A : i32
    "tpu.region"() ({
      %run_scoped3A = tpu.sem_alloc : memref<!tpu.dma_semaphore, #tpu.memory_space<semaphore_mem>>
      %dma_start3A_205 = arith.constant 0 : i32
      %dma_start3A_206 = tpu.memref_slice %arg22[%add3A_23, %dma_start3A_205] : memref<10000x128xf32, #tpu.memory_space<vmem_shared>> -> memref<128x128xf32, #tpu.memory_space<vmem_shared>>
      %dma_start3A_207 = arith.constant 0 : i32
      %dma_start3A_208 = tpu.memref_slice %arg22[%add3A_23, %dma_start3A_207] : memref<10000x128xf32, #tpu.memory_space<vmem_shared>> -> memref<128x128xf32, #tpu.memory_space<vmem_shared>>
      tpu.enqueue_dma source(%arg15 : memref<128x128xf32, #tpu.memory_space<vmem>>) target(%dma_start3A_208 : memref<128x128xf32, #tpu.memory_space<vmem_shared>>) target_semaphore(%run_scoped3A : memref<!tpu.dma_semaphore, #tpu.memory_space<semaphore_mem>>)
      %dma_wait3A_209 = arith.constant 0 : i32
      %dma_wait3A_210 = tpu.memref_slice %arg22[%add3A_23, %dma_wait3A_209] : memref<10000x128xf32, #tpu.memory_space<vmem_shared>> -> memref<128x128xf32, #tpu.memory_space<vmem_shared>>
      %dma_wait3A_211 = arith.constant 0 : i32
      %dma_wait3A_212 = tpu.memref_slice %arg22[%add3A_23, %dma_wait3A_211] : memref<10000x128xf32, #tpu.memory_space<vmem_shared>> -> memref<128x128xf32, #tpu.memory_space<vmem_shared>>
      tpu.wait_dma2 semaphore(%run_scoped3A : memref<!tpu.dma_semaphore, #tpu.memory_space<semaphore_mem>>) src(%arg15 : memref<128x128xf32, #tpu.memory_space<vmem>>) dst(%dma_wait3A_212 : memref<128x128xf32, #tpu.memory_space<vmem_shared>>)
      tpu.yield
    }) : () -> ()
    %add3A_24 = arith.constant 128 : i32
    %add3A_25 = arith.addi %mul3A_22, %add3A_24 : i32
    "tpu.region"() ({
      %run_scoped3A = tpu.sem_alloc : memref<!tpu.dma_semaphore, #tpu.memory_space<semaphore_mem>>
      %dma_start3A_205 = arith.constant 0 : i32
      %dma_start3A_206 = tpu.memref_slice %arg22[%add3A_25, %dma_start3A_205] : memref<10000x128xf32, #tpu.memory_space<vmem_shared>> -> memref<128x128xf32, #tpu.memory_space<vmem_shared>>
      %dma_start3A_207 = arith.constant 0 : i32
      %dma_start3A_208 = tpu.memref_slice %arg22[%add3A_25, %dma_start3A_207] : memref<10000x128xf32, #tpu.memory_space<vmem_shared>> -> memref<128x128xf32, #tpu.memory_space<vmem_shared>>
      tpu.enqueue_dma source(%arg15 : memref<128x128xf32, #tpu.memory_space<vmem>>) target(%dma_start3A_208 : memref<128x128xf32, #tpu.memory_space<vmem_shared>>) target_semaphore(%run_scoped3A : memref<!tpu.dma_semaphore, #tpu.memory_space<semaphore_mem>>)
      %dma_wait3A_209 = arith.constant 0 : i32
      %dma_wait3A_210 = tpu.memref_slice %arg22[%add3A_25, %dma_wait3A_209] : memref<10000x128xf32, #tpu.memory_space<vmem_shared>> -> memref<128x128xf32, #tpu.memory_space<vmem_shared>>
      %dma_wait3A_211 = arith.constant 0 : i32
      %dma_wait3A_212 = tpu.memref_slice %arg22[%add3A_25, %dma_wait3A_211] : memref<10000x128xf32, #tpu.memory_space<vmem_shared>> -> memref<128x128xf32, #tpu.memory_space<vmem_shared>>
      tpu.wait_dma2 semaphore(%run_scoped3A : memref<!tpu.dma_semaphore, #tpu.memory_space<semaphore_mem>>) src(%arg15 : memref<128x128xf32, #tpu.memory_space<vmem>>) dst(%dma_wait3A_212 : memref<128x128xf32, #tpu.memory_space<vmem_shared>>)
      tpu.yield
    }) : () -> ()
    %add3A_26 = arith.constant 256 : i32
    %add3A_27 = arith.addi %mul3A_22, %add3A_26 : i32
    "tpu.region"() ({
      %run_scoped3A = tpu.sem_alloc : memref<!tpu.dma_semaphore, #tpu.memory_space<semaphore_mem>>
      %dma_start3A_205 = arith.constant 0 : i32
      %dma_start3A_206 = tpu.memref_slice %arg22[%add3A_27, %dma_start3A_205] : memref<10000x128xf32, #tpu.memory_space<vmem_shared>> -> memref<128x128xf32, #tpu.memory_space<vmem_shared>>
      %dma_start3A_207 = arith.constant 0 : i32
      %dma_start3A_208 = tpu.memref_slice %arg22[%add3A_27, %dma_start3A_207] : memref<10000x128xf32, #tpu.memory_space<vmem_shared>> -> memref<128x128xf32, #tpu.memory_space<vmem_shared>>
      tpu.enqueue_dma source(%arg15 : memref<128x128xf32, #tpu.memory_space<vmem>>) target(%dma_start3A_208 : memref<128x128xf32, #tpu.memory_space<vmem_shared>>) target_semaphore(%run_scoped3A : memref<!tpu.dma_semaphore, #tpu.memory_space<semaphore_mem>>)
      %dma_wait3A_209 = arith.constant 0 : i32
      %dma_wait3A_210 = tpu.memref_slice %arg22[%add3A_27, %dma_wait3A_209] : memref<10000x128xf32, #tpu.memory_space<vmem_shared>> -> memref<128x128xf32, #tpu.memory_space<vmem_shared>>
      %dma_wait3A_211 = arith.constant 0 : i32
      %dma_wait3A_212 = tpu.memref_slice %arg22[%add3A_27, %dma_wait3A_211] : memref<10000x128xf32, #tpu.memory_space<vmem_shared>> -> memref<128x128xf32, #tpu.memory_space<vmem_shared>>
      tpu.wait_dma2 semaphore(%run_scoped3A : memref<!tpu.dma_semaphore, #tpu.memory_space<semaphore_mem>>) src(%arg15 : memref<128x128xf32, #tpu.memory_space<vmem>>) dst(%dma_wait3A_212 : memref<128x128xf32, #tpu.memory_space<vmem_shared>>)
      tpu.yield
    }) : () -> ()
    %add3A_28 = arith.constant 384 : i32
    %add3A_29 = arith.addi %mul3A_22, %add3A_28 : i32
    "tpu.region"() ({
      %run_scoped3A = tpu.sem_alloc : memref<!tpu.dma_semaphore, #tpu.memory_space<semaphore_mem>>
      %dma_start3A_205 = arith.constant 0 : i32
      %dma_start3A_206 = tpu.memref_slice %arg22[%add3A_29, %dma_start3A_205] : memref<10000x128xf32, #tpu.memory_space<vmem_shared>> -> memref<128x128xf32, #tpu.memory_space<vmem_shared>>
      %dma_start3A_207 = arith.constant 0 : i32
      %dma_start3A_208 = tpu.memref_slice %arg22[%add3A_29, %dma_start3A_207] : memref<10000x128xf32, #tpu.memory_space<vmem_shared>> -> memref<128x128xf32, #tpu.memory_space<vmem_shared>>
      tpu.enqueue_dma source(%arg15 : memref<128x128xf32, #tpu.memory_space<vmem>>) target(%dma_start3A_208 : memref<128x128xf32, #tpu.memory_space<vmem_shared>>) target_semaphore(%run_scoped3A : memref<!tpu.dma_semaphore, #tpu.memory_space<semaphore_mem>>)
      %dma_wait3A_209 = arith.constant 0 : i32
      %dma_wait3A_210 = tpu.memref_slice %arg22[%add3A_29, %dma_wait3A_209] : memref<10000x128xf32, #tpu.memory_space<vmem_shared>> -> memref<128x128xf32, #tpu.memory_space<vmem_shared>>
      %dma_wait3A_211 = arith.constant 0 : i32
      %dma_wait3A_212 = tpu.memref_slice %arg22[%add3A_29, %dma_wait3A_211] : memref<10000x128xf32, #tpu.memory_space<vmem_shared>> -> memref<128x128xf32, #tpu.memory_space<vmem_shared>>
      tpu.wait_dma2 semaphore(%run_scoped3A : memref<!tpu.dma_semaphore, #tpu.memory_space<semaphore_mem>>) src(%arg15 : memref<128x128xf32, #tpu.memory_space<vmem>>) dst(%dma_wait3A_212 : memref<128x128xf32, #tpu.memory_space<vmem_shared>>)
      tpu.yield
    }) : () -> ()
    %add3A_30 = arith.constant 512 : i32
    %add3A_31 = arith.addi %mul3A_22, %add3A_30 : i32
    "tpu.region"() ({
      %run_scoped3A = tpu.sem_alloc : memref<!tpu.dma_semaphore, #tpu.memory_space<semaphore_mem>>
      %dma_start3A_205 = arith.constant 0 : i32
      %dma_start3A_206 = tpu.memref_slice %arg22[%add3A_31, %dma_start3A_205] : memref<10000x128xf32, #tpu.memory_space<vmem_shared>> -> memref<128x128xf32, #tpu.memory_space<vmem_shared>>
      %dma_start3A_207 = arith.constant 0 : i32
      %dma_start3A_208 = tpu.memref_slice %arg22[%add3A_31, %dma_start3A_207] : memref<10000x128xf32, #tpu.memory_space<vmem_shared>> -> memref<128x128xf32, #tpu.memory_space<vmem_shared>>
      tpu.enqueue_dma source(%arg15 : memref<128x128xf32, #tpu.memory_space<vmem>>) target(%dma_start3A_208 : memref<128x128xf32, #tpu.memory_space<vmem_shared>>) target_semaphore(%run_scoped3A : memref<!tpu.dma_semaphore, #tpu.memory_space<semaphore_mem>>)
      %dma_wait3A_209 = arith.constant 0 : i32
      %dma_wait3A_210 = tpu.memref_slice %arg22[%add3A_31, %dma_wait3A_209] : memref<10000x128xf32, #tpu.memory_space<vmem_shared>> -> memref<128x128xf32, #tpu.memory_space<vmem_shared>>
      %dma_wait3A_211 = arith.constant 0 : i32
      %dma_wait3A_212 = tpu.memref_slice %arg22[%add3A_31, %dma_wait3A_211] : memref<10000x128xf32, #tpu.memory_space<vmem_shared>> -> memref<128x128xf32, #tpu.memory_space<vmem_shared>>
      tpu.wait_dma2 semaphore(%run_scoped3A : memref<!tpu.dma_semaphore, #tpu.memory_space<semaphore_mem>>) src(%arg15 : memref<128x128xf32, #tpu.memory_space<vmem>>) dst(%dma_wait3A_212 : memref<128x128xf32, #tpu.memory_space<vmem_shared>>)
      tpu.yield
    }) : () -> ()
    %barrier3A = arith.constant 0 : index
    tpu.barrier barrier_id(%barrier3A)
    %mul3A_32 = arith.constant 10000 : i32
    %mul3A_33 = arith.muli %arg0, %mul3A_32 : i32
    %add3A_34 = arith.constant 0 : i32
    %add3A_35 = arith.addi %arg1, %add3A_34 : i32
    %mul3A_36 = arith.constant 128 : i32
    %mul3A_37 = arith.muli %add3A_35, %mul3A_36 : i32
    %dma_start3A = tpu.memref_slice %arg4[%mul3A_37] : memref<160000xi32, #tpu.memory_space<hbm>> -> memref<128xi32, #tpu.memory_space<hbm>>
    %dma_start3A_38 = tpu.memref_slice %arg4[%mul3A_37] : memref<160000xi32, #tpu.memory_space<hbm>> -> memref<128xi32, #tpu.memory_space<hbm>>
    tpu.enqueue_dma source(%dma_start3A_38 : memref<128xi32, #tpu.memory_space<hbm>>) target(%arg9 : memref<128xi32, #tpu.memory_space<vmem>>) target_semaphore(%arg23 : memref<!tpu.dma_semaphore, #tpu.memory_space<semaphore_mem>>)
    %dma_start3A_39 = tpu.memref_slice %arg5[%mul3A_37] : memref<160000xi32, #tpu.memory_space<hbm>> -> memref<128xi32, #tpu.memory_space<hbm>>
    %dma_start3A_40 = tpu.memref_slice %arg5[%mul3A_37] : memref<160000xi32, #tpu.memory_space<hbm>> -> memref<128xi32, #tpu.memory_space<hbm>>
    tpu.enqueue_dma source(%dma_start3A_40 : memref<128xi32, #tpu.memory_space<hbm>>) target(%arg12 : memref<128xi32, #tpu.memory_space<vmem>>) target_semaphore(%arg23 : memref<!tpu.dma_semaphore, #tpu.memory_space<semaphore_mem>>)
    %mul3A_41 = arith.constant 128 : i32
    %mul3A_42 = arith.muli %arg0, %mul3A_41 : i32
    %dma_start3A_43 = tpu.memref_slice %arg3[%mul3A_37, %mul3A_42] : memref<160000x256xf32, #tpu.memory_space<hbm>> -> memref<128x128xf32, #tpu.memory_space<hbm>>
    %dma_start3A_44 = tpu.memref_slice %arg3[%mul3A_37, %mul3A_42] : memref<160000x256xf32, #tpu.memory_space<hbm>> -> memref<128x128xf32, #tpu.memory_space<hbm>>
    tpu.enqueue_dma source(%dma_start3A_44 : memref<128x128xf32, #tpu.memory_space<hbm>>) target(%arg15 : memref<128x128xf32, #tpu.memory_space<vmem>>) target_semaphore(%arg23 : memref<!tpu.dma_semaphore, #tpu.memory_space<semaphore_mem>>)
    %dma_start3A_45 = arith.constant 0 : i32
    %dma_start3A_46 = tpu.memref_slice %arg18[%dma_start3A_45] : memref<144xf32, #tpu.memory_space<vmem>> -> memref<128xf32, #tpu.memory_space<vmem>>
    %dma_start3A_47 = tpu.memref_slice %arg6[%mul3A_37] : memref<160000xf32, #tpu.memory_space<hbm>> -> memref<128xf32, #tpu.memory_space<hbm>>
    %dma_start3A_48 = arith.constant 0 : i32
    %dma_start3A_49 = tpu.memref_slice %arg18[%dma_start3A_48] : memref<144xf32, #tpu.memory_space<vmem>> -> memref<128xf32, #tpu.memory_space<vmem>>
    %dma_start3A_50 = tpu.memref_slice %arg6[%mul3A_37] : memref<160000xf32, #tpu.memory_space<hbm>> -> memref<128xf32, #tpu.memory_space<hbm>>
    tpu.enqueue_dma source(%dma_start3A_50 : memref<128xf32, #tpu.memory_space<hbm>>) target(%dma_start3A_49 : memref<128xf32, #tpu.memory_space<vmem>>) target_semaphore(%arg23 : memref<!tpu.dma_semaphore, #tpu.memory_space<semaphore_mem>>)
    %add3A_51 = arith.constant 16 : i32
    %add3A_52 = arith.addi %arg1, %add3A_51 : i32
    %mul3A_53 = arith.constant 128 : i32
    %mul3A_54 = arith.muli %add3A_52, %mul3A_53 : i32
    %dma_start3A_55 = tpu.memref_slice %arg4[%mul3A_54] : memref<160000xi32, #tpu.memory_space<hbm>> -> memref<128xi32, #tpu.memory_space<hbm>>
    %dma_start3A_56 = tpu.memref_slice %arg4[%mul3A_54] : memref<160000xi32, #tpu.memory_space<hbm>> -> memref<128xi32, #tpu.memory_space<hbm>>
    tpu.enqueue_dma source(%dma_start3A_56 : memref<128xi32, #tpu.memory_space<hbm>>) target(%arg10 : memref<128xi32, #tpu.memory_space<vmem>>) target_semaphore(%arg24 : memref<!tpu.dma_semaphore, #tpu.memory_space<semaphore_mem>>)
    %dma_start3A_57 = tpu.memref_slice %arg5[%mul3A_54] : memref<160000xi32, #tpu.memory_space<hbm>> -> memref<128xi32, #tpu.memory_space<hbm>>
    %dma_start3A_58 = tpu.memref_slice %arg5[%mul3A_54] : memref<160000xi32, #tpu.memory_space<hbm>> -> memref<128xi32, #tpu.memory_space<hbm>>
    tpu.enqueue_dma source(%dma_start3A_58 : memref<128xi32, #tpu.memory_space<hbm>>) target(%arg13 : memref<128xi32, #tpu.memory_space<vmem>>) target_semaphore(%arg24 : memref<!tpu.dma_semaphore, #tpu.memory_space<semaphore_mem>>)
    %mul3A_59 = arith.constant 128 : i32
    %mul3A_60 = arith.muli %arg0, %mul3A_59 : i32
    %dma_start3A_61 = tpu.memref_slice %arg3[%mul3A_54, %mul3A_60] : memref<160000x256xf32, #tpu.memory_space<hbm>> -> memref<128x128xf32, #tpu.memory_space<hbm>>
    %dma_start3A_62 = tpu.memref_slice %arg3[%mul3A_54, %mul3A_60] : memref<160000x256xf32, #tpu.memory_space<hbm>> -> memref<128x128xf32, #tpu.memory_space<hbm>>
    tpu.enqueue_dma source(%dma_start3A_62 : memref<128x128xf32, #tpu.memory_space<hbm>>) target(%arg16 : memref<128x128xf32, #tpu.memory_space<vmem>>) target_semaphore(%arg24 : memref<!tpu.dma_semaphore, #tpu.memory_space<semaphore_mem>>)
    %dma_start3A_63 = arith.constant 0 : i32
    %dma_start3A_64 = tpu.memref_slice %arg19[%dma_start3A_63] : memref<144xf32, #tpu.memory_space<vmem>> -> memref<128xf32, #tpu.memory_space<vmem>>
    %dma_start3A_65 = tpu.memref_slice %arg6[%mul3A_54] : memref<160000xf32, #tpu.memory_space<hbm>> -> memref<128xf32, #tpu.memory_space<hbm>>
    %dma_start3A_66 = arith.constant 0 : i32
    %dma_start3A_67 = tpu.memref_slice %arg19[%dma_start3A_66] : memref<144xf32, #tpu.memory_space<vmem>> -> memref<128xf32, #tpu.memory_space<vmem>>
    %dma_start3A_68 = tpu.memref_slice %arg6[%mul3A_54] : memref<160000xf32, #tpu.memory_space<hbm>> -> memref<128xf32, #tpu.memory_space<hbm>>
    tpu.enqueue_dma source(%dma_start3A_68 : memref<128xf32, #tpu.memory_space<hbm>>) target(%dma_start3A_67 : memref<128xf32, #tpu.memory_space<vmem>>) target_semaphore(%arg24 : memref<!tpu.dma_semaphore, #tpu.memory_space<semaphore_mem>>)
    %add3A_69 = arith.constant 32 : i32
    %add3A_70 = arith.addi %arg1, %add3A_69 : i32
    %mul3A_71 = arith.constant 128 : i32
    %mul3A_72 = arith.muli %add3A_70, %mul3A_71 : i32
    %dma_start3A_73 = tpu.memref_slice %arg4[%mul3A_72] : memref<160000xi32, #tpu.memory_space<hbm>> -> memref<128xi32, #tpu.memory_space<hbm>>
    %dma_start3A_74 = tpu.memref_slice %arg4[%mul3A_72] : memref<160000xi32, #tpu.memory_space<hbm>> -> memref<128xi32, #tpu.memory_space<hbm>>
    tpu.enqueue_dma source(%dma_start3A_74 : memref<128xi32, #tpu.memory_space<hbm>>) target(%arg11 : memref<128xi32, #tpu.memory_space<vmem>>) target_semaphore(%arg25 : memref<!tpu.dma_semaphore, #tpu.memory_space<semaphore_mem>>)
    %dma_start3A_75 = tpu.memref_slice %arg5[%mul3A_72] : memref<160000xi32, #tpu.memory_space<hbm>> -> memref<128xi32, #tpu.memory_space<hbm>>
    %dma_start3A_76 = tpu.memref_slice %arg5[%mul3A_72] : memref<160000xi32, #tpu.memory_space<hbm>> -> memref<128xi32, #tpu.memory_space<hbm>>
    tpu.enqueue_dma source(%dma_start3A_76 : memref<128xi32, #tpu.memory_space<hbm>>) target(%arg14 : memref<128xi32, #tpu.memory_space<vmem>>) target_semaphore(%arg25 : memref<!tpu.dma_semaphore, #tpu.memory_space<semaphore_mem>>)
    %mul3A_77 = arith.constant 128 : i32
    %mul3A_78 = arith.muli %arg0, %mul3A_77 : i32
    %dma_start3A_79 = tpu.memref_slice %arg3[%mul3A_72, %mul3A_78] : memref<160000x256xf32, #tpu.memory_space<hbm>> -> memref<128x128xf32, #tpu.memory_space<hbm>>
    %dma_start3A_80 = tpu.memref_slice %arg3[%mul3A_72, %mul3A_78] : memref<160000x256xf32, #tpu.memory_space<hbm>> -> memref<128x128xf32, #tpu.memory_space<hbm>>
    tpu.enqueue_dma source(%dma_start3A_80 : memref<128x128xf32, #tpu.memory_space<hbm>>) target(%arg17 : memref<128x128xf32, #tpu.memory_space<vmem>>) target_semaphore(%arg25 : memref<!tpu.dma_semaphore, #tpu.memory_space<semaphore_mem>>)
    %dma_start3A_81 = arith.constant 0 : i32
    %dma_start3A_82 = tpu.memref_slice %arg20[%dma_start3A_81] : memref<144xf32, #tpu.memory_space<vmem>> -> memref<128xf32, #tpu.memory_space<vmem>>
    %dma_start3A_83 = tpu.memref_slice %arg6[%mul3A_72] : memref<160000xf32, #tpu.memory_space<hbm>> -> memref<128xf32, #tpu.memory_space<hbm>>
    %dma_start3A_84 = arith.constant 0 : i32
    %dma_start3A_85 = tpu.memref_slice %arg20[%dma_start3A_84] : memref<144xf32, #tpu.memory_space<vmem>> -> memref<128xf32, #tpu.memory_space<vmem>>
    %dma_start3A_86 = tpu.memref_slice %arg6[%mul3A_72] : memref<160000xf32, #tpu.memory_space<hbm>> -> memref<128xf32, #tpu.memory_space<hbm>>
    tpu.enqueue_dma source(%dma_start3A_86 : memref<128xf32, #tpu.memory_space<hbm>>) target(%dma_start3A_85 : memref<128xf32, #tpu.memory_space<vmem>>) target_semaphore(%arg25 : memref<!tpu.dma_semaphore, #tpu.memory_space<semaphore_mem>>)
    %scan3A_87 = arith.constant 0 : i32
    %scan3A_88 = arith.constant 0 : i32
    %scan3A_89 = arith.constant 26 : i32
    %scan3A_90 = arith.addi %scan3A_88, %scan3A_89 : i32
    %scan3A_91 = arith.constant 1 : i32
    scf.for %scan3A_205 = %scan3A_88 to %scan3A_90 step %scan3A_91  : i32 {
      %dma_wait3A_206 = arith.constant 0 : i32
      %dma_wait3A_207 = tpu.memref_slice %arg4[%dma_wait3A_206] : memref<160000xi32, #tpu.memory_space<hbm>> -> memref<128xi32, #tpu.memory_space<hbm>>
      %dma_wait3A_208 = arith.constant 0 : i32
      %dma_wait3A_209 = tpu.memref_slice %arg4[%dma_wait3A_208] : memref<160000xi32, #tpu.memory_space<hbm>> -> memref<128xi32, #tpu.memory_space<hbm>>
      tpu.wait_dma2 semaphore(%arg23 : memref<!tpu.dma_semaphore, #tpu.memory_space<semaphore_mem>>) src(%dma_wait3A_209 : memref<128xi32, #tpu.memory_space<hbm>>) dst(%arg9 : memref<128xi32, #tpu.memory_space<vmem>>)
      %dma_wait3A_210 = arith.constant 0 : i32
      %dma_wait3A_211 = tpu.memref_slice %arg5[%dma_wait3A_210] : memref<160000xi32, #tpu.memory_space<hbm>> -> memref<128xi32, #tpu.memory_space<hbm>>
      %dma_wait3A_212 = arith.constant 0 : i32
      %dma_wait3A_213 = tpu.memref_slice %arg5[%dma_wait3A_212] : memref<160000xi32, #tpu.memory_space<hbm>> -> memref<128xi32, #tpu.memory_space<hbm>>
      tpu.wait_dma2 semaphore(%arg23 : memref<!tpu.dma_semaphore, #tpu.memory_space<semaphore_mem>>) src(%dma_wait3A_213 : memref<128xi32, #tpu.memory_space<hbm>>) dst(%arg12 : memref<128xi32, #tpu.memory_space<vmem>>)
      %dma_wait3A_214 = arith.constant 0 : i32
      %dma_wait3A_215 = arith.constant 0 : i32
      %dma_wait3A_216 = tpu.memref_slice %arg3[%dma_wait3A_214, %dma_wait3A_215] : memref<160000x256xf32, #tpu.memory_space<hbm>> -> memref<128x128xf32, #tpu.memory_space<hbm>>
      %dma_wait3A_217 = arith.constant 0 : i32
      %dma_wait3A_218 = arith.constant 0 : i32
      %dma_wait3A_219 = tpu.memref_slice %arg3[%dma_wait3A_217, %dma_wait3A_218] : memref<160000x256xf32, #tpu.memory_space<hbm>> -> memref<128x128xf32, #tpu.memory_space<hbm>>
      tpu.wait_dma2 semaphore(%arg23 : memref<!tpu.dma_semaphore, #tpu.memory_space<semaphore_mem>>) src(%dma_wait3A_219 : memref<128x128xf32, #tpu.memory_space<hbm>>) dst(%arg15 : memref<128x128xf32, #tpu.memory_space<vmem>>)
      %dma_wait3A_220 = arith.constant 0 : i32
      %dma_wait3A_221 = tpu.memref_slice %arg18[%dma_wait3A_220] : memref<144xf32, #tpu.memory_space<vmem>> -> memref<128xf32, #tpu.memory_space<vmem>>
      %dma_wait3A_222 = arith.constant 0 : i32
      %dma_wait3A_223 = tpu.memref_slice %arg6[%dma_wait3A_222] : memref<160000xf32, #tpu.memory_space<hbm>> -> memref<128xf32, #tpu.memory_space<hbm>>
      %dma_wait3A_224 = arith.constant 0 : i32
      %dma_wait3A_225 = tpu.memref_slice %arg18[%dma_wait3A_224] : memref<144xf32, #tpu.memory_space<vmem>> -> memref<128xf32, #tpu.memory_space<vmem>>
      %dma_wait3A_226 = arith.constant 0 : i32
      %dma_wait3A_227 = tpu.memref_slice %arg6[%dma_wait3A_226] : memref<160000xf32, #tpu.memory_space<hbm>> -> memref<128xf32, #tpu.memory_space<hbm>>
      tpu.wait_dma2 semaphore(%arg23 : memref<!tpu.dma_semaphore, #tpu.memory_space<semaphore_mem>>) src(%dma_wait3A_227 : memref<128xf32, #tpu.memory_space<hbm>>) dst(%dma_wait3A_225 : memref<128xf32, #tpu.memory_space<vmem>>)
      %get3A_228 = arith.constant 0 : index
      %get3A_229 = tpu.vector_load %arg9[%get3A_228] {strides = array<i32>} : memref<128xi32, #tpu.memory_space<vmem>>, vector<16xi32>,
      %add3A_230 = vector.broadcast %mul3A_33 : i32 to vector<16xi32>
      %add3A_231 = arith.addi %get3A_229, %add3A_230 : vector<16xi32>
      %swap3A = arith.constant 0 : index
      %swap3A_232 = tpu.vector_load %arg9[%swap3A] {strides = array<i32>} : memref<128xi32, #tpu.memory_space<vmem>>, vector<16xi32>,
      tpu.vector_store %arg9[%swap3A], %add3A_231 {strides = array<i32>} : memref<128xi32, #tpu.memory_space<vmem>>, vector<16xi32>,
      %get3A_233 = arith.constant 16 : index
      %get3A_234 = tpu.vector_load %arg9[%get3A_233] {strides = array<i32>} : memref<128xi32, #tpu.memory_space<vmem>>, vector<16xi32>,
      %add3A_235 = vector.broadcast %mul3A_33 : i32 to vector<16xi32>
      %add3A_236 = arith.addi %get3A_234, %add3A_235 : vector<16xi32>
      %swap3A_237 = arith.constant 16 : index
      %swap3A_238 = tpu.vector_load %arg9[%swap3A_237] {strides = array<i32>} : memref<128xi32, #tpu.memory_space<vmem>>, vector<16xi32>,
      tpu.vector_store %arg9[%swap3A_237], %add3A_236 {strides = array<i32>} : memref<128xi32, #tpu.memory_space<vmem>>, vector<16xi32>,
      %get3A_239 = arith.constant 32 : index
      %get3A_240 = tpu.vector_load %arg9[%get3A_239] {strides = array<i32>} : memref<128xi32, #tpu.memory_space<vmem>>, vector<16xi32>,
      %add3A_241 = vector.broadcast %mul3A_33 : i32 to vector<16xi32>
      %add3A_242 = arith.addi %get3A_240, %add3A_241 : vector<16xi32>
      %swap3A_243 = arith.constant 32 : index
      %swap3A_244 = tpu.vector_load %arg9[%swap3A_243] {strides = array<i32>} : memref<128xi32, #tpu.memory_space<vmem>>, vector<16xi32>,
      tpu.vector_store %arg9[%swap3A_243], %add3A_242 {strides = array<i32>} : memref<128xi32, #tpu.memory_space<vmem>>, vector<16xi32>,
      %get3A_245 = arith.constant 48 : index
      %get3A_246 = tpu.vector_load %arg9[%get3A_245] {strides = array<i32>} : memref<128xi32, #tpu.memory_space<vmem>>, vector<16xi32>,
      %add3A_247 = vector.broadcast %mul3A_33 : i32 to vector<16xi32>
      %add3A_248 = arith.addi %get3A_246, %add3A_247 : vector<16xi32>
      %swap3A_249 = arith.constant 48 : index
      %swap3A_250 = tpu.vector_load %arg9[%swap3A_249] {strides = array<i32>} : memref<128xi32, #tpu.memory_space<vmem>>, vector<16xi32>,
      tpu.vector_store %arg9[%swap3A_249], %add3A_248 {strides = array<i32>} : memref<128xi32, #tpu.memory_space<vmem>>, vector<16xi32>,
      %get3A_251 = arith.constant 64 : index
      %get3A_252 = tpu.vector_load %arg9[%get3A_251] {strides = array<i32>} : memref<128xi32, #tpu.memory_space<vmem>>, vector<16xi32>,
      %add3A_253 = vector.broadcast %mul3A_33 : i32 to vector<16xi32>
      %add3A_254 = arith.addi %get3A_252, %add3A_253 : vector<16xi32>
      %swap3A_255 = arith.constant 64 : index
      %swap3A_256 = tpu.vector_load %arg9[%swap3A_255] {strides = array<i32>} : memref<128xi32, #tpu.memory_space<vmem>>, vector<16xi32>,
      tpu.vector_store %arg9[%swap3A_255], %add3A_254 {strides = array<i32>} : memref<128xi32, #tpu.memory_space<vmem>>, vector<16xi32>,
      %get3A_257 = arith.constant 80 : index
      %get3A_258 = tpu.vector_load %arg9[%get3A_257] {strides = array<i32>} : memref<128xi32, #tpu.memory_space<vmem>>, vector<16xi32>,
      %add3A_259 = vector.broadcast %mul3A_33 : i32 to vector<16xi32>
      %add3A_260 = arith.addi %get3A_258, %add3A_259 : vector<16xi32>
      %swap3A_261 = arith.constant 80 : index
      %swap3A_262 = tpu.vector_load %arg9[%swap3A_261] {strides = array<i32>} : memref<128xi32, #tpu.memory_space<vmem>>, vector<16xi32>,
      tpu.vector_store %arg9[%swap3A_261], %add3A_260 {strides = array<i32>} : memref<128xi32, #tpu.memory_space<vmem>>, vector<16xi32>,
      %get3A_263 = arith.constant 96 : index
      %get3A_264 = tpu.vector_load %arg9[%get3A_263] {strides = array<i32>} : memref<128xi32, #tpu.memory_space<vmem>>, vector<16xi32>,
      %add3A_265 = vector.broadcast %mul3A_33 : i32 to vector<16xi32>
      %add3A_266 = arith.addi %get3A_264, %add3A_265 : vector<16xi32>
      %swap3A_267 = arith.constant 96 : index
      %swap3A_268 = tpu.vector_load %arg9[%swap3A_267] {strides = array<i32>} : memref<128xi32, #tpu.memory_space<vmem>>, vector<16xi32>,
      tpu.vector_store %arg9[%swap3A_267], %add3A_266 {strides = array<i32>} : memref<128xi32, #tpu.memory_space<vmem>>, vector<16xi32>,
      %get3A_269 = arith.constant 112 : index
      %get3A_270 = tpu.vector_load %arg9[%get3A_269] {strides = array<i32>} : memref<128xi32, #tpu.memory_space<vmem>>, vector<16xi32>,
      %add3A_271 = vector.broadcast %mul3A_33 : i32 to vector<16xi32>
      %add3A_272 = arith.addi %get3A_270, %add3A_271 : vector<16xi32>
      %swap3A_273 = arith.constant 112 : index
      %swap3A_274 = tpu.vector_load %arg9[%swap3A_273] {strides = array<i32>} : memref<128xi32, #tpu.memory_space<vmem>>, vector<16xi32>,
      tpu.vector_store %arg9[%swap3A_273], %add3A_272 {strides = array<i32>} : memref<128xi32, #tpu.memory_space<vmem>>, vector<16xi32>,
      %dma_start3A_275 = arith.constant 0 : i32
      %dma_start3A_276 = arith.constant 0 : i32
      %dma_start3A_277 = tpu.memref_slice %arg2[%dma_start3A_275, %dma_start3A_276] : memref<20000x128xf32, #tpu.memory_space<hbm>> -> memref<20000x128xf32, #tpu.memory_space<hbm>>
      tpu.enqueue_indirect_dma source(%dma_start3A_277 : memref<20000x128xf32, #tpu.memory_space<hbm>>) target(%arg15 : memref<128x128xf32, #tpu.memory_space<vmem>>) offsets(%arg9 : memref<128xi32, #tpu.memory_space<vmem>>) semaphore(%arg26 : memref<!tpu.dma_semaphore, #tpu.memory_space<semaphore_mem>>) {add = true}
      %dma_wait3A_278 = arith.constant 0 : i32
      %dma_wait3A_279 = tpu.memref_slice %arg4[%dma_wait3A_278] : memref<160000xi32, #tpu.memory_space<hbm>> -> memref<128xi32, #tpu.memory_space<hbm>>
      %dma_wait3A_280 = arith.constant 0 : i32
      %dma_wait3A_281 = tpu.memref_slice %arg4[%dma_wait3A_280] : memref<160000xi32, #tpu.memory_space<hbm>> -> memref<128xi32, #tpu.memory_space<hbm>>
      tpu.wait_dma2 semaphore(%arg24 : memref<!tpu.dma_semaphore, #tpu.memory_space<semaphore_mem>>) src(%dma_wait3A_281 : memref<128xi32, #tpu.memory_space<hbm>>) dst(%arg10 : memref<128xi32, #tpu.memory_space<vmem>>)
      %dma_wait3A_282 = arith.constant 0 : i32
      %dma_wait3A_283 = tpu.memref_slice %arg5[%dma_wait3A_282] : memref<160000xi32, #tpu.memory_space<hbm>> -> memref<128xi32, #tpu.memory_space<hbm>>
      %dma_wait3A_284 = arith.constant 0 : i32
      %dma_wait3A_285 = tpu.memref_slice %arg5[%dma_wait3A_284] : memref<160000xi32, #tpu.memory_space<hbm>> -> memref<128xi32, #tpu.memory_space<hbm>>
      tpu.wait_dma2 semaphore(%arg24 : memref<!tpu.dma_semaphore, #tpu.memory_space<semaphore_mem>>) src(%dma_wait3A_285 : memref<128xi32, #tpu.memory_space<hbm>>) dst(%arg13 : memref<128xi32, #tpu.memory_space<vmem>>)
      %dma_wait3A_286 = arith.constant 0 : i32
      %dma_wait3A_287 = arith.constant 0 : i32
      %dma_wait3A_288 = tpu.memref_slice %arg3[%dma_wait3A_286, %dma_wait3A_287] : memref<160000x256xf32, #tpu.memory_space<hbm>> -> memref<128x128xf32, #tpu.memory_space<hbm>>
      %dma_wait3A_289 = arith.constant 0 : i32
      %dma_wait3A_290 = arith.constant 0 : i32
      %dma_wait3A_291 = tpu.memref_slice %arg3[%dma_wait3A_289, %dma_wait3A_290] : memref<160000x256xf32, #tpu.memory_space<hbm>> -> memref<128x128xf32, #tpu.memory_space<hbm>>
      tpu.wait_dma2 semaphore(%arg24 : memref<!tpu.dma_semaphore, #tpu.memory_space<semaphore_mem>>) src(%dma_wait3A_291 : memref<128x128xf32, #tpu.memory_space<hbm>>) dst(%arg16 : memref<128x128xf32, #tpu.memory_space<vmem>>)
      %dma_wait3A_292 = arith.constant 0 : i32
      %dma_wait3A_293 = tpu.memref_slice %arg19[%dma_wait3A_292] : memref<144xf32, #tpu.memory_space<vmem>> -> memref<128xf32, #tpu.memory_space<vmem>>
      %dma_wait3A_294 = arith.constant 0 : i32
      %dma_wait3A_295 = tpu.memref_slice %arg6[%dma_wait3A_294] : memref<160000xf32, #tpu.memory_space<hbm>> -> memref<128xf32, #tpu.memory_space<hbm>>
      %dma_wait3A_296 = arith.constant 0 : i32
      %dma_wait3A_297 = tpu.memref_slice %arg19[%dma_wait3A_296] : memref<144xf32, #tpu.memory_space<vmem>> -> memref<128xf32, #tpu.memory_space<vmem>>
      %dma_wait3A_298 = arith.constant 0 : i32
      %dma_wait3A_299 = tpu.memref_slice %arg6[%dma_wait3A_298] : memref<160000xf32, #tpu.memory_space<hbm>> -> memref<128xf32, #tpu.memory_space<hbm>>
      tpu.wait_dma2 semaphore(%arg24 : memref<!tpu.dma_semaphore, #tpu.memory_space<semaphore_mem>>) src(%dma_wait3A_299 : memref<128xf32, #tpu.memory_space<hbm>>) dst(%dma_wait3A_297 : memref<128xf32, #tpu.memory_space<vmem>>)
      %get3A_300 = arith.constant 0 : index
      %get3A_301 = tpu.vector_load %arg10[%get3A_300] {strides = array<i32>} : memref<128xi32, #tpu.memory_space<vmem>>, vector<16xi32>,
      %add3A_302 = vector.broadcast %mul3A_33 : i32 to vector<16xi32>
      %add3A_303 = arith.addi %get3A_301, %add3A_302 : vector<16xi32>
      %swap3A_304 = arith.constant 0 : index
      %swap3A_305 = tpu.vector_load %arg10[%swap3A_304] {strides = array<i32>} : memref<128xi32, #tpu.memory_space<vmem>>, vector<16xi32>,
      tpu.vector_store %arg10[%swap3A_304], %add3A_303 {strides = array<i32>} : memref<128xi32, #tpu.memory_space<vmem>>, vector<16xi32>,
      %get3A_306 = arith.constant 16 : index
      %get3A_307 = tpu.vector_load %arg10[%get3A_306] {strides = array<i32>} : memref<128xi32, #tpu.memory_space<vmem>>, vector<16xi32>,
      %add3A_308 = vector.broadcast %mul3A_33 : i32 to vector<16xi32>
      %add3A_309 = arith.addi %get3A_307, %add3A_308 : vector<16xi32>
      %swap3A_310 = arith.constant 16 : index
      %swap3A_311 = tpu.vector_load %arg10[%swap3A_310] {strides = array<i32>} : memref<128xi32, #tpu.memory_space<vmem>>, vector<16xi32>,
      tpu.vector_store %arg10[%swap3A_310], %add3A_309 {strides = array<i32>} : memref<128xi32, #tpu.memory_space<vmem>>, vector<16xi32>,
      %get3A_312 = arith.constant 32 : index
      %get3A_313 = tpu.vector_load %arg10[%get3A_312] {strides = array<i32>} : memref<128xi32, #tpu.memory_space<vmem>>, vector<16xi32>,
      %add3A_314 = vector.broadcast %mul3A_33 : i32 to vector<16xi32>
      %add3A_315 = arith.addi %get3A_313, %add3A_314 : vector<16xi32>
      %swap3A_316 = arith.constant 32 : index
      %swap3A_317 = tpu.vector_load %arg10[%swap3A_316] {strides = array<i32>} : memref<128xi32, #tpu.memory_space<vmem>>, vector<16xi32>,
      tpu.vector_store %arg10[%swap3A_316], %add3A_315 {strides = array<i32>} : memref<128xi32, #tpu.memory_space<vmem>>, vector<16xi32>,
      %get3A_318 = arith.constant 48 : index
      %get3A_319 = tpu.vector_load %arg10[%get3A_318] {strides = array<i32>} : memref<128xi32, #tpu.memory_space<vmem>>, vector<16xi32>,
      %add3A_320 = vector.broadcast %mul3A_33 : i32 to vector<16xi32>
      %add3A_321 = arith.addi %get3A_319, %add3A_320 : vector<16xi32>
      %swap3A_322 = arith.constant 48 : index
      %swap3A_323 = tpu.vector_load %arg10[%swap3A_322] {strides = array<i32>} : memref<128xi32, #tpu.memory_space<vmem>>, vector<16xi32>,
      tpu.vector_store %arg10[%swap3A_322], %add3A_321 {strides = array<i32>} : memref<128xi32, #tpu.memory_space<vmem>>, vector<16xi32>,
      %get3A_324 = arith.constant 64 : index
      %get3A_325 = tpu.vector_load %arg10[%get3A_324] {strides = array<i32>} : memref<128xi32, #tpu.memory_space<vmem>>, vector<16xi32>,
      %add3A_326 = vector.broadcast %mul3A_33 : i32 to vector<16xi32>
      %add3A_327 = arith.addi %get3A_325, %add3A_326 : vector<16xi32>
      %swap3A_328 = arith.constant 64 : index
      %swap3A_329 = tpu.vector_load %arg10[%swap3A_328] {strides = array<i32>} : memref<128xi32, #tpu.memory_space<vmem>>, vector<16xi32>,
      tpu.vector_store %arg10[%swap3A_328], %add3A_327 {strides = array<i32>} : memref<128xi32, #tpu.memory_space<vmem>>, vector<16xi32>,
      %get3A_330 = arith.constant 80 : index
      %get3A_331 = tpu.vector_load %arg10[%get3A_330] {strides = array<i32>} : memref<128xi32, #tpu.memory_space<vmem>>, vector<16xi32>,
      %add3A_332 = vector.broadcast %mul3A_33 : i32 to vector<16xi32>
      %add3A_333 = arith.addi %get3A_331, %add3A_332 : vector<16xi32>
      %swap3A_334 = arith.constant 80 : index
      %swap3A_335 = tpu.vector_load %arg10[%swap3A_334] {strides = array<i32>} : memref<128xi32, #tpu.memory_space<vmem>>, vector<16xi32>,
      tpu.vector_store %arg10[%swap3A_334], %add3A_333 {strides = array<i32>} : memref<128xi32, #tpu.memory_space<vmem>>, vector<16xi32>,
      %get3A_336 = arith.constant 96 : index
      %get3A_337 = tpu.vector_load %arg10[%get3A_336] {strides = array<i32>} : memref<128xi32, #tpu.memory_space<vmem>>, vector<16xi32>,
      %add3A_338 = vector.broadcast %mul3A_33 : i32 to vector<16xi32>
      %add3A_339 = arith.addi %get3A_337, %add3A_338 : vector<16xi32>
      %swap3A_340 = arith.constant 96 : index
      %swap3A_341 = tpu.vector_load %arg10[%swap3A_340] {strides = array<i32>} : memref<128xi32, #tpu.memory_space<vmem>>, vector<16xi32>,
      tpu.vector_store %arg10[%swap3A_340], %add3A_339 {strides = array<i32>} : memref<128xi32, #tpu.memory_space<vmem>>, vector<16xi32>,
      %get3A_342 = arith.constant 112 : index
      %get3A_343 = tpu.vector_load %arg10[%get3A_342] {strides = array<i32>} : memref<128xi32, #tpu.memory_space<vmem>>, vector<16xi32>,
      %add3A_344 = vector.broadcast %mul3A_33 : i32 to vector<16xi32>
      %add3A_345 = arith.addi %get3A_343, %add3A_344 : vector<16xi32>
      %swap3A_346 = arith.constant 112 : index
      %swap3A_347 = tpu.vector_load %arg10[%swap3A_346] {strides = array<i32>} : memref<128xi32, #tpu.memory_space<vmem>>, vector<16xi32>,
      tpu.vector_store %arg10[%swap3A_346], %add3A_345 {strides = array<i32>} : memref<128xi32, #tpu.memory_space<vmem>>, vector<16xi32>,
      %dma_start3A_348 = arith.constant 0 : i32
      %dma_start3A_349 = arith.constant 0 : i32
      %dma_start3A_350 = tpu.memref_slice %arg2[%dma_start3A_348, %dma_start3A_349] : memref<20000x128xf32, #tpu.memory_space<hbm>> -> memref<20000x128xf32, #tpu.memory_space<hbm>>
      tpu.enqueue_indirect_dma source(%dma_start3A_350 : memref<20000x128xf32, #tpu.memory_space<hbm>>) target(%arg16 : memref<128x128xf32, #tpu.memory_space<vmem>>) offsets(%arg10 : memref<128xi32, #tpu.memory_space<vmem>>) semaphore(%arg27 : memref<!tpu.dma_semaphore, #tpu.memory_space<semaphore_mem>>) {add = true}
      %dma_wait3A_351 = arith.constant 0 : i32
      %dma_wait3A_352 = tpu.memref_slice %arg4[%dma_wait3A_351] : memref<160000xi32, #tpu.memory_space<hbm>> -> memref<128xi32, #tpu.memory_space<hbm>>
      %dma_wait3A_353 = arith.constant 0 : i32
      %dma_wait3A_354 = tpu.memref_slice %arg4[%dma_wait3A_353] : memref<160000xi32, #tpu.memory_space<hbm>> -> memref<128xi32, #tpu.memory_space<hbm>>
      tpu.wait_dma2 semaphore(%arg25 : memref<!tpu.dma_semaphore, #tpu.memory_space<semaphore_mem>>) src(%dma_wait3A_354 : memref<128xi32, #tpu.memory_space<hbm>>) dst(%arg11 : memref<128xi32, #tpu.memory_space<vmem>>)
      %dma_wait3A_355 = arith.constant 0 : i32
      %dma_wait3A_356 = tpu.memref_slice %arg5[%dma_wait3A_355] : memref<160000xi32, #tpu.memory_space<hbm>> -> memref<128xi32, #tpu.memory_space<hbm>>
      %dma_wait3A_357 = arith.constant 0 : i32
      %dma_wait3A_358 = tpu.memref_slice %arg5[%dma_wait3A_357] : memref<160000xi32, #tpu.memory_space<hbm>> -> memref<128xi32, #tpu.memory_space<hbm>>
      tpu.wait_dma2 semaphore(%arg25 : memref<!tpu.dma_semaphore, #tpu.memory_space<semaphore_mem>>) src(%dma_wait3A_358 : memref<128xi32, #tpu.memory_space<hbm>>) dst(%arg14 : memref<128xi32, #tpu.memory_space<vmem>>)
      %dma_wait3A_359 = arith.constant 0 : i32
      %dma_wait3A_360 = arith.constant 0 : i32
      %dma_wait3A_361 = tpu.memref_slice %arg3[%dma_wait3A_359, %dma_wait3A_360] : memref<160000x256xf32, #tpu.memory_space<hbm>> -> memref<128x128xf32, #tpu.memory_space<hbm>>
      %dma_wait3A_362 = arith.constant 0 : i32
      %dma_wait3A_363 = arith.constant 0 : i32
      %dma_wait3A_364 = tpu.memref_slice %arg3[%dma_wait3A_362, %dma_wait3A_363] : memref<160000x256xf32, #tpu.memory_space<hbm>> -> memref<128x128xf32, #tpu.memory_space<hbm>>
      tpu.wait_dma2 semaphore(%arg25 : memref<!tpu.dma_semaphore, #tpu.memory_space<semaphore_mem>>) src(%dma_wait3A_364 : memref<128x128xf32, #tpu.memory_space<hbm>>) dst(%arg17 : memref<128x128xf32, #tpu.memory_space<vmem>>)
      %dma_wait3A_365 = arith.constant 0 : i32
      %dma_wait3A_366 = tpu.memref_slice %arg20[%dma_wait3A_365] : memref<144xf32, #tpu.memory_space<vmem>> -> memref<128xf32, #tpu.memory_space<vmem>>
      %dma_wait3A_367 = arith.constant 0 : i32
      %dma_wait3A_368 = tpu.memref_slice %arg6[%dma_wait3A_367] : memref<160000xf32, #tpu.memory_space<hbm>> -> memref<128xf32, #tpu.memory_space<hbm>>
      %dma_wait3A_369 = arith.constant 0 : i32
      %dma_wait3A_370 = tpu.memref_slice %arg20[%dma_wait3A_369] : memref<144xf32, #tpu.memory_space<vmem>> -> memref<128xf32, #tpu.memory_space<vmem>>
      %dma_wait3A_371 = arith.constant 0 : i32
      %dma_wait3A_372 = tpu.memref_slice %arg6[%dma_wait3A_371] : memref<160000xf32, #tpu.memory_space<hbm>> -> memref<128xf32, #tpu.memory_space<hbm>>
      tpu.wait_dma2 semaphore(%arg25 : memref<!tpu.dma_semaphore, #tpu.memory_space<semaphore_mem>>) src(%dma_wait3A_372 : memref<128xf32, #tpu.memory_space<hbm>>) dst(%dma_wait3A_370 : memref<128xf32, #tpu.memory_space<vmem>>)
      %get3A_373 = arith.constant 0 : index
      %get3A_374 = tpu.vector_load %arg11[%get3A_373] {strides = array<i32>} : memref<128xi32, #tpu.memory_space<vmem>>, vector<16xi32>,
      %add3A_375 = vector.broadcast %mul3A_33 : i32 to vector<16xi32>
      %add3A_376 = arith.addi %get3A_374, %add3A_375 : vector<16xi32>
      %swap3A_377 = arith.constant 0 : index
      %swap3A_378 = tpu.vector_load %arg11[%swap3A_377] {strides = array<i32>} : memref<128xi32, #tpu.memory_space<vmem>>, vector<16xi32>,
      tpu.vector_store %arg11[%swap3A_377], %add3A_376 {strides = array<i32>} : memref<128xi32, #tpu.memory_space<vmem>>, vector<16xi32>,
      %get3A_379 = arith.constant 16 : index
      %get3A_380 = tpu.vector_load %arg11[%get3A_379] {strides = array<i32>} : memref<128xi32, #tpu.memory_space<vmem>>, vector<16xi32>,
      %add3A_381 = vector.broadcast %mul3A_33 : i32 to vector<16xi32>
      %add3A_382 = arith.addi %get3A_380, %add3A_381 : vector<16xi32>
      %swap3A_383 = arith.constant 16 : index
      %swap3A_384 = tpu.vector_load %arg11[%swap3A_383] {strides = array<i32>} : memref<128xi32, #tpu.memory_space<vmem>>, vector<16xi32>,
      tpu.vector_store %arg11[%swap3A_383], %add3A_382 {strides = array<i32>} : memref<128xi32, #tpu.memory_space<vmem>>, vector<16xi32>,
      %get3A_385 = arith.constant 32 : index
      %get3A_386 = tpu.vector_load %arg11[%get3A_385] {strides = array<i32>} : memref<128xi32, #tpu.memory_space<vmem>>, vector<16xi32>,
      %add3A_387 = vector.broadcast %mul3A_33 : i32 to vector<16xi32>
      %add3A_388 = arith.addi %get3A_386, %add3A_387 : vector<16xi32>
      %swap3A_389 = arith.constant 32 : index
      %swap3A_390 = tpu.vector_load %arg11[%swap3A_389] {strides = array<i32>} : memref<128xi32, #tpu.memory_space<vmem>>, vector<16xi32>,
      tpu.vector_store %arg11[%swap3A_389], %add3A_388 {strides = array<i32>} : memref<128xi32, #tpu.memory_space<vmem>>, vector<16xi32>,
      %get3A_391 = arith.constant 48 : index
      %get3A_392 = tpu.vector_load %arg11[%get3A_391] {strides = array<i32>} : memref<128xi32, #tpu.memory_space<vmem>>, vector<16xi32>,
      %add3A_393 = vector.broadcast %mul3A_33 : i32 to vector<16xi32>
      %add3A_394 = arith.addi %get3A_392, %add3A_393 : vector<16xi32>
      %swap3A_395 = arith.constant 48 : index
      %swap3A_396 = tpu.vector_load %arg11[%swap3A_395] {strides = array<i32>} : memref<128xi32, #tpu.memory_space<vmem>>, vector<16xi32>,
      tpu.vector_store %arg11[%swap3A_395], %add3A_394 {strides = array<i32>} : memref<128xi32, #tpu.memory_space<vmem>>, vector<16xi32>,
      %get3A_397 = arith.constant 64 : index
      %get3A_398 = tpu.vector_load %arg11[%get3A_397] {strides = array<i32>} : memref<128xi32, #tpu.memory_space<vmem>>, vector<16xi32>,
      %add3A_399 = vector.broadcast %mul3A_33 : i32 to vector<16xi32>
      %add3A_400 = arith.addi %get3A_398, %add3A_399 : vector<16xi32>
      %swap3A_401 = arith.constant 64 : index
      %swap3A_402 = tpu.vector_load %arg11[%swap3A_401] {strides = array<i32>} : memref<128xi32, #tpu.memory_space<vmem>>, vector<16xi32>,
      tpu.vector_store %arg11[%swap3A_401], %add3A_400 {strides = array<i32>} : memref<128xi32, #tpu.memory_space<vmem>>, vector<16xi32>,
      %get3A_403 = arith.constant 80 : index
      %get3A_404 = tpu.vector_load %arg11[%get3A_403] {strides = array<i32>} : memref<128xi32, #tpu.memory_space<vmem>>, vector<16xi32>,
      %add3A_405 = vector.broadcast %mul3A_33 : i32 to vector<16xi32>
      %add3A_406 = arith.addi %get3A_404, %add3A_405 : vector<16xi32>
      %swap3A_407 = arith.constant 80 : index
      %swap3A_408 = tpu.vector_load %arg11[%swap3A_407] {strides = array<i32>} : memref<128xi32, #tpu.memory_space<vmem>>, vector<16xi32>,
      tpu.vector_store %arg11[%swap3A_407], %add3A_406 {strides = array<i32>} : memref<128xi32, #tpu.memory_space<vmem>>, vector<16xi32>,
      %get3A_409 = arith.constant 96 : index
      %get3A_410 = tpu.vector_load %arg11[%get3A_409] {strides = array<i32>} : memref<128xi32, #tpu.memory_space<vmem>>, vector<16xi32>,
      %add3A_411 = vector.broadcast %mul3A_33 : i32 to vector<16xi32>
      %add3A_412 = arith.addi %get3A_410, %add3A_411 : vector<16xi32>
      %swap3A_413 = arith.constant 96 : index
      %swap3A_414 = tpu.vector_load %arg11[%swap3A_413] {strides = array<i32>} : memref<128xi32, #tpu.memory_space<vmem>>, vector<16xi32>,
      tpu.vector_store %arg11[%swap3A_413], %add3A_412 {strides = array<i32>} : memref<128xi32, #tpu.memory_space<vmem>>, vector<16xi32>,
      %get3A_415 = arith.constant 112 : index
      %get3A_416 = tpu.vector_load %arg11[%get3A_415] {strides = array<i32>} : memref<128xi32, #tpu.memory_space<vmem>>, vector<16xi32>,
      %add3A_417 = vector.broadcast %mul3A_33 : i32 to vector<16xi32>
      %add3A_418 = arith.addi %get3A_416, %add3A_417 : vector<16xi32>
      %swap3A_419 = arith.constant 112 : index
      %swap3A_420 = tpu.vector_load %arg11[%swap3A_419] {strides = array<i32>} : memref<128xi32, #tpu.memory_space<vmem>>, vector<16xi32>,
      tpu.vector_store %arg11[%swap3A_419], %add3A_418 {strides = array<i32>} : memref<128xi32, #tpu.memory_space<vmem>>, vector<16xi32>,
      %dma_start3A_421 = arith.constant 0 : i32
      %dma_start3A_422 = arith.constant 0 : i32
      %dma_start3A_423 = tpu.memref_slice %arg2[%dma_start3A_421, %dma_start3A_422] : memref<20000x128xf32, #tpu.memory_space<hbm>> -> memref<20000x128xf32, #tpu.memory_space<hbm>>
      tpu.enqueue_indirect_dma source(%dma_start3A_423 : memref<20000x128xf32, #tpu.memory_space<hbm>>) target(%arg17 : memref<128x128xf32, #tpu.memory_space<vmem>>) offsets(%arg11 : memref<128xi32, #tpu.memory_space<vmem>>) semaphore(%arg28 : memref<!tpu.dma_semaphore, #tpu.memory_space<semaphore_mem>>) {add = true}
      %dma_wait3A_424 = arith.constant 0 : i32
      %dma_wait3A_425 = arith.constant 0 : i32
      %dma_wait3A_426 = tpu.memref_slice %arg2[%dma_wait3A_424, %dma_wait3A_425] : memref<20000x128xf32, #tpu.memory_space<hbm>> -> memref<20000x128xf32, #tpu.memory_space<hbm>>
      tpu.wait_indirect_dma semaphore(%arg26 : memref<!tpu.dma_semaphore, #tpu.memory_space<semaphore_mem>>) src(%dma_wait3A_426 : memref<20000x128xf32, #tpu.memory_space<hbm>>) dst(%arg15 : memref<128x128xf32, #tpu.memory_space<vmem>>)
      %scan3A_427 = arith.constant 0 : i32
      %scan3A_428 = arith.constant 0 : i32
      %scan3A_429 = arith.constant 128 : i32
      %scan3A_430 = arith.addi %scan3A_428, %scan3A_429 : i32
      %scan3A_431 = arith.constant 1 : i32
      scf.for %scan3A_544 = %scan3A_428 to %scan3A_430 step %scan3A_431  : i32 {
        %get3A_545 = arith.index_cast %scan3A_544 : i32 to index
        %get3A_546 = tpu.vector_load %arg18[%get3A_545] {strides = array<i32>} : memref<144xf32, #tpu.memory_space<vmem>>, vector<16xf32>,
        %slice3A = vector.extract_strided_slice %get3A_546 {offsets = [0], sizes = [1], strides = [1]} : vector<16xf32> to vector<1xf32>
        %squeeze3A = vector.extract %slice3A[0] : f32 from vector<1xf32>
        %get3A_547 = arith.index_cast %scan3A_544 : i32 to index
        %get3A_548 = arith.constant 0 : index
        %get3A_549 = tpu.vector_load %arg15[%get3A_547, %get3A_548] {strides = array<i32>} : memref<128x128xf32, #tpu.memory_space<vmem>>, vector<16xf32>,
        %mul3A_550 = vector.broadcast %squeeze3A : f32 to vector<16xf32>
        %mul3A_551 = arith.mulf %mul3A_550, %get3A_1 : vector<16xf32>
        %add3A_552 = arith.addf %get3A_549, %mul3A_551 : vector<16xf32>
        %max3A = arith.constant 0.000000e+00 : f32
        %max3A_553 = vector.broadcast %max3A : f32 to vector<16xf32>
        %max3A_554 = arith.maximumf %add3A_552, %max3A_553 : vector<16xf32>
        %swap3A_555 = arith.index_cast %scan3A_544 : i32 to index
        %swap3A_556 = arith.constant 0 : index
        %swap3A_557 = tpu.vector_load %arg15[%swap3A_555, %swap3A_556] {strides = array<i32>} : memref<128x128xf32, #tpu.memory_space<vmem>>, vector<16xf32>,
        tpu.vector_store %arg15[%swap3A_555, %swap3A_556], %max3A_554 {strides = array<i32>} : memref<128x128xf32, #tpu.memory_space<vmem>>, vector<16xf32>,
        %get3A_558 = arith.index_cast %scan3A_544 : i32 to index
        %get3A_559 = arith.constant 16 : index
        %get3A_560 = tpu.vector_load %arg15[%get3A_558, %get3A_559] {strides = array<i32>} : memref<128x128xf32, #tpu.memory_space<vmem>>, vector<16xf32>,
        %mul3A_561 = vector.broadcast %squeeze3A : f32 to vector<16xf32>
        %mul3A_562 = arith.mulf %mul3A_561, %get3A_3 : vector<16xf32>
        %add3A_563 = arith.addf %get3A_560, %mul3A_562 : vector<16xf32>
        %max3A_564 = arith.constant 0.000000e+00 : f32
        %max3A_565 = vector.broadcast %max3A_564 : f32 to vector<16xf32>
        %max3A_566 = arith.maximumf %add3A_563, %max3A_565 : vector<16xf32>
        %swap3A_567 = arith.index_cast %scan3A_544 : i32 to index
        %swap3A_568 = arith.constant 16 : index
        %swap3A_569 = tpu.vector_load %arg15[%swap3A_567, %swap3A_568] {strides = array<i32>} : memref<128x128xf32, #tpu.memory_space<vmem>>, vector<16xf32>,
        tpu.vector_store %arg15[%swap3A_567, %swap3A_568], %max3A_566 {strides = array<i32>} : memref<128x128xf32, #tpu.memory_space<vmem>>, vector<16xf32>,
        %get3A_570 = arith.index_cast %scan3A_544 : i32 to index
        %get3A_571 = arith.constant 32 : index
        %get3A_572 = tpu.vector_load %arg15[%get3A_570, %get3A_571] {strides = array<i32>} : memref<128x128xf32, #tpu.memory_space<vmem>>, vector<16xf32>,
        %mul3A_573 = vector.broadcast %squeeze3A : f32 to vector<16xf32>
        %mul3A_574 = arith.mulf %mul3A_573, %get3A_5 : vector<16xf32>
        %add3A_575 = arith.addf %get3A_572, %mul3A_574 : vector<16xf32>
        %max3A_576 = arith.constant 0.000000e+00 : f32
        %max3A_577 = vector.broadcast %max3A_576 : f32 to vector<16xf32>
        %max3A_578 = arith.maximumf %add3A_575, %max3A_577 : vector<16xf32>
        %swap3A_579 = arith.index_cast %scan3A_544 : i32 to index
        %swap3A_580 = arith.constant 32 : index
        %swap3A_581 = tpu.vector_load %arg15[%swap3A_579, %swap3A_580] {strides = array<i32>} : memref<128x128xf32, #tpu.memory_space<vmem>>, vector<16xf32>,
        tpu.vector_store %arg15[%swap3A_579, %swap3A_580], %max3A_578 {strides = array<i32>} : memref<128x128xf32, #tpu.memory_space<vmem>>, vector<16xf32>,
        %get3A_582 = arith.index_cast %scan3A_544 : i32 to index
        %get3A_583 = arith.constant 48 : index
        %get3A_584 = tpu.vector_load %arg15[%get3A_582, %get3A_583] {strides = array<i32>} : memref<128x128xf32, #tpu.memory_space<vmem>>, vector<16xf32>,
        %mul3A_585 = vector.broadcast %squeeze3A : f32 to vector<16xf32>
        %mul3A_586 = arith.mulf %mul3A_585, %get3A_7 : vector<16xf32>
        %add3A_587 = arith.addf %get3A_584, %mul3A_586 : vector<16xf32>
        %max3A_588 = arith.constant 0.000000e+00 : f32
        %max3A_589 = vector.broadcast %max3A_588 : f32 to vector<16xf32>
        %max3A_590 = arith.maximumf %add3A_587, %max3A_589 : vector<16xf32>
        %swap3A_591 = arith.index_cast %scan3A_544 : i32 to index
        %swap3A_592 = arith.constant 48 : index
        %swap3A_593 = tpu.vector_load %arg15[%swap3A_591, %swap3A_592] {strides = array<i32>} : memref<128x128xf32, #tpu.memory_space<vmem>>, vector<16xf32>,
        tpu.vector_store %arg15[%swap3A_591, %swap3A_592], %max3A_590 {strides = array<i32>} : memref<128x128xf32, #tpu.memory_space<vmem>>, vector<16xf32>,
        %get3A_594 = arith.index_cast %scan3A_544 : i32 to index
        %get3A_595 = arith.constant 64 : index
        %get3A_596 = tpu.vector_load %arg15[%get3A_594, %get3A_595] {strides = array<i32>} : memref<128x128xf32, #tpu.memory_space<vmem>>, vector<16xf32>,
        %mul3A_597 = vector.broadcast %squeeze3A : f32 to vector<16xf32>
        %mul3A_598 = arith.mulf %mul3A_597, %get3A_9 : vector<16xf32>
        %add3A_599 = arith.addf %get3A_596, %mul3A_598 : vector<16xf32>
        %max3A_600 = arith.constant 0.000000e+00 : f32
        %max3A_601 = vector.broadcast %max3A_600 : f32 to vector<16xf32>
        %max3A_602 = arith.maximumf %add3A_599, %max3A_601 : vector<16xf32>
        %swap3A_603 = arith.index_cast %scan3A_544 : i32 to index
        %swap3A_604 = arith.constant 64 : index
        %swap3A_605 = tpu.vector_load %arg15[%swap3A_603, %swap3A_604] {strides = array<i32>} : memref<128x128xf32, #tpu.memory_space<vmem>>, vector<16xf32>,
        tpu.vector_store %arg15[%swap3A_603, %swap3A_604], %max3A_602 {strides = array<i32>} : memref<128x128xf32, #tpu.memory_space<vmem>>, vector<16xf32>,
        %get3A_606 = arith.index_cast %scan3A_544 : i32 to index
        %get3A_607 = arith.constant 80 : index
        %get3A_608 = tpu.vector_load %arg15[%get3A_606, %get3A_607] {strides = array<i32>} : memref<128x128xf32, #tpu.memory_space<vmem>>, vector<16xf32>,
        %mul3A_609 = vector.broadcast %squeeze3A : f32 to vector<16xf32>
        %mul3A_610 = arith.mulf %mul3A_609, %get3A_11 : vector<16xf32>
        %add3A_611 = arith.addf %get3A_608, %mul3A_610 : vector<16xf32>
        %max3A_612 = arith.constant 0.000000e+00 : f32
        %max3A_613 = vector.broadcast %max3A_612 : f32 to vector<16xf32>
        %max3A_614 = arith.maximumf %add3A_611, %max3A_613 : vector<16xf32>
        %swap3A_615 = arith.index_cast %scan3A_544 : i32 to index
        %swap3A_616 = arith.constant 80 : index
        %swap3A_617 = tpu.vector_load %arg15[%swap3A_615, %swap3A_616] {strides = array<i32>} : memref<128x128xf32, #tpu.memory_space<vmem>>, vector<16xf32>,
        tpu.vector_store %arg15[%swap3A_615, %swap3A_616], %max3A_614 {strides = array<i32>} : memref<128x128xf32, #tpu.memory_space<vmem>>, vector<16xf32>,
        %get3A_618 = arith.index_cast %scan3A_544 : i32 to index
        %get3A_619 = arith.constant 96 : index
        %get3A_620 = tpu.vector_load %arg15[%get3A_618, %get3A_619] {strides = array<i32>} : memref<128x128xf32, #tpu.memory_space<vmem>>, vector<16xf32>,
        %mul3A_621 = vector.broadcast %squeeze3A : f32 to vector<16xf32>
        %mul3A_622 = arith.mulf %mul3A_621, %get3A_13 : vector<16xf32>
        %add3A_623 = arith.addf %get3A_620, %mul3A_622 : vector<16xf32>
        %max3A_624 = arith.constant 0.000000e+00 : f32
        %max3A_625 = vector.broadcast %max3A_624 : f32 to vector<16xf32>
        %max3A_626 = arith.maximumf %add3A_623, %max3A_625 : vector<16xf32>
        %swap3A_627 = arith.index_cast %scan3A_544 : i32 to index
        %swap3A_628 = arith.constant 96 : index
        %swap3A_629 = tpu.vector_load %arg15[%swap3A_627, %swap3A_628] {strides = array<i32>} : memref<128x128xf32, #tpu.memory_space<vmem>>, vector<16xf32>,
        tpu.vector_store %arg15[%swap3A_627, %swap3A_628], %max3A_626 {strides = array<i32>} : memref<128x128xf32, #tpu.memory_space<vmem>>, vector<16xf32>,
        %get3A_630 = arith.index_cast %scan3A_544 : i32 to index
        %get3A_631 = arith.constant 112 : index
        %get3A_632 = tpu.vector_load %arg15[%get3A_630, %get3A_631] {strides = array<i32>} : memref<128x128xf32, #tpu.memory_space<vmem>>, vector<16xf32>,
        %mul3A_633 = vector.broadcast %squeeze3A : f32 to vector<16xf32>
        %mul3A_634 = arith.mulf %mul3A_633, %get3A_15 : vector<16xf32>
        %add3A_635 = arith.addf %get3A_632, %mul3A_634 : vector<16xf32>
        %max3A_636 = arith.constant 0.000000e+00 : f32
        %max3A_637 = vector.broadcast %max3A_636 : f32 to vector<16xf32>
        %max3A_638 = arith.maximumf %add3A_635, %max3A_637 : vector<16xf32>
        %swap3A_639 = arith.index_cast %scan3A_544 : i32 to index
        %swap3A_640 = arith.constant 112 : index
        %swap3A_641 = tpu.vector_load %arg15[%swap3A_639, %swap3A_640] {strides = array<i32>} : memref<128x128xf32, #tpu.memory_space<vmem>>, vector<16xf32>,
        tpu.vector_store %arg15[%swap3A_639, %swap3A_640], %max3A_638 {strides = array<i32>} : memref<128x128xf32, #tpu.memory_space<vmem>>, vector<16xf32>,
      }
      %scan3A_432 = arith.constant 128 : i32
      "tpu.region"() ({
        %run_scoped3A = tpu.sem_alloc : memref<!tpu.dma_semaphore, #tpu.memory_space<semaphore_mem>>
        %dma_start3A_544 = arith.constant 0 : i32
        %dma_start3A_545 = arith.constant 0 : i32
        %dma_start3A_546 = tpu.memref_slice %arg22[%dma_start3A_544, %dma_start3A_545] : memref<10000x128xf32, #tpu.memory_space<vmem_shared>> -> memref<10000x128xf32, #tpu.memory_space<vmem_shared>>
        tpu.enqueue_indirect_dma source(%arg15 : memref<128x128xf32, #tpu.memory_space<vmem>>) target(%dma_start3A_546 : memref<10000x128xf32, #tpu.memory_space<vmem_shared>>) offsets(%arg12 : memref<128xi32, #tpu.memory_space<vmem>>) semaphore(%run_scoped3A : memref<!tpu.dma_semaphore, #tpu.memory_space<semaphore_mem>>) {add = true}
        %dma_wait3A_547 = arith.constant 0 : i32
        %dma_wait3A_548 = arith.constant 0 : i32
        %dma_wait3A_549 = tpu.memref_slice %arg22[%dma_wait3A_547, %dma_wait3A_548] : memref<10000x128xf32, #tpu.memory_space<vmem_shared>> -> memref<10000x128xf32, #tpu.memory_space<vmem_shared>>
        tpu.wait_indirect_dma semaphore(%run_scoped3A : memref<!tpu.dma_semaphore, #tpu.memory_space<semaphore_mem>>) src(%arg15 : memref<128x128xf32, #tpu.memory_space<vmem>>) dst(%dma_wait3A_549 : memref<10000x128xf32, #tpu.memory_space<vmem_shared>>)
        tpu.yield
      }) : () -> ()
      %add3A_433 = arith.constant 1 : i32
      %add3A_434 = arith.addi %scan3A_205, %add3A_433 : i32
      %mul3A_435 = arith.constant 3 : i32
      %mul3A_436 = arith.muli %mul3A_435, %add3A_434 : i32
      %add3A_437 = arith.constant 0 : i32
      %add3A_438 = arith.addi %mul3A_436, %add3A_437 : i32
      %mul3A_439 = arith.constant 16 : i32
      %mul3A_440 = arith.muli %mul3A_439, %add3A_438 : i32
      %add3A_441 = arith.addi %arg1, %mul3A_440 : i32
      %add3A_442 = arith.constant 1 : i32
      %add3A_443 = arith.addi %scan3A_205, %add3A_442 : i32
      %lt3A_444 = arith.constant 26 : i32
      %lt3A_445 = arith.cmpi slt, %add3A_443, %lt3A_444 : i32
      %mul3A_446 = arith.constant 128 : i32
      %mul3A_447 = arith.muli %add3A_441, %mul3A_446 : i32
      %jit3A_448 = arith.constant 0 : i32
      %select_n3A_449 = arith.select %lt3A_445, %mul3A_447, %jit3A_448 : i32
      %dma_start3A_450 = tpu.memref_slice %arg4[%select_n3A_449] : memref<160000xi32, #tpu.memory_space<hbm>> -> memref<128xi32, #tpu.memory_space<hbm>>
      %dma_start3A_451 = tpu.memref_slice %arg4[%select_n3A_449] : memref<160000xi32, #tpu.memory_space<hbm>> -> memref<128xi32, #tpu.memory_space<hbm>>
      tpu.enqueue_dma source(%dma_start3A_451 : memref<128xi32, #tpu.memory_space<hbm>>) target(%arg9 : memref<128xi32, #tpu.memory_space<vmem>>) target_semaphore(%arg23 : memref<!tpu.dma_semaphore, #tpu.memory_space<semaphore_mem>>)
      %dma_start3A_452 = tpu.memref_slice %arg5[%select_n3A_449] : memref<160000xi32, #tpu.memory_space<hbm>> -> memref<128xi32, #tpu.memory_space<hbm>>
      %dma_start3A_453 = tpu.memref_slice %arg5[%select_n3A_449] : memref<160000xi32, #tpu.memory_space<hbm>> -> memref<128xi32, #tpu.memory_space<hbm>>
      tpu.enqueue_dma source(%dma_start3A_453 : memref<128xi32, #tpu.memory_space<hbm>>) target(%arg12 : memref<128xi32, #tpu.memory_space<vmem>>) target_semaphore(%arg23 : memref<!tpu.dma_semaphore, #tpu.memory_space<semaphore_mem>>)
      %mul3A_454 = arith.constant 128 : i32
      %mul3A_455 = arith.muli %arg0, %mul3A_454 : i32
      %dma_start3A_456 = tpu.memref_slice %arg3[%select_n3A_449, %mul3A_455] : memref<160000x256xf32, #tpu.memory_space<hbm>> -> memref<128x128xf32, #tpu.memory_space<hbm>>
      %dma_start3A_457 = tpu.memref_slice %arg3[%select_n3A_449, %mul3A_455] : memref<160000x256xf32, #tpu.memory_space<hbm>> -> memref<128x128xf32, #tpu.memory_space<hbm>>
      tpu.enqueue_dma source(%dma_start3A_457 : memref<128x128xf32, #tpu.memory_space<hbm>>) target(%arg15 : memref<128x128xf32, #tpu.memory_space<vmem>>) target_semaphore(%arg23 : memref<!tpu.dma_semaphore, #tpu.memory_space<semaphore_mem>>)
      %dma_start3A_458 = arith.constant 0 : i32
      %dma_start3A_459 = tpu.memref_slice %arg18[%dma_start3A_458] : memref<144xf32, #tpu.memory_space<vmem>> -> memref<128xf32, #tpu.memory_space<vmem>>
      %dma_start3A_460 = tpu.memref_slice %arg6[%select_n3A_449] : memref<160000xf32, #tpu.memory_space<hbm>> -> memref<128xf32, #tpu.memory_space<hbm>>
      %dma_start3A_461 = arith.constant 0 : i32
      %dma_start3A_462 = tpu.memref_slice %arg18[%dma_start3A_461] : memref<144xf32, #tpu.memory_space<vmem>> -> memref<128xf32, #tpu.memory_space<vmem>>
      %dma_start3A_463 = tpu.memref_slice %arg6[%select_n3A_449] : memref<160000xf32, #tpu.memory_space<hbm>> -> memref<128xf32, #tpu.memory_space<hbm>>
      tpu.enqueue_dma source(%dma_start3A_463 : memref<128xf32, #tpu.memory_space<hbm>>) target(%dma_start3A_462 : memref<128xf32, #tpu.memory_space<vmem>>) target_semaphore(%arg23 : memref<!tpu.dma_semaphore, #tpu.memory_space<semaphore_mem>>)
      %dma_wait3A_464 = arith.constant 0 : i32
      %dma_wait3A_465 = arith.constant 0 : i32
      %dma_wait3A_466 = tpu.memref_slice %arg2[%dma_wait3A_464, %dma_wait3A_465] : memref<20000x128xf32, #tpu.memory_space<hbm>> -> memref<20000x128xf32, #tpu.memory_space<hbm>>
      tpu.wait_indirect_dma semaphore(%arg27 : memref<!tpu.dma_semaphore, #tpu.memory_space<semaphore_mem>>) src(%dma_wait3A_466 : memref<20000x128xf32, #tpu.memory_space<hbm>>) dst(%arg16 : memref<128x128xf32, #tpu.memory_space<vmem>>)
      %scan3A_467 = arith.constant 0 : i32
      %scan3A_468 = arith.constant 0 : i32
      %scan3A_469 = arith.constant 128 : i32
      %scan3A_470 = arith.addi %scan3A_468, %scan3A_469 : i32
      %scan3A_471 = arith.constant 1 : i32
      scf.for %scan3A_544 = %scan3A_468 to %scan3A_470 step %scan3A_471  : i32 {
        %get3A_545 = arith.index_cast %scan3A_544 : i32 to index
        %get3A_546 = tpu.vector_load %arg19[%get3A_545] {strides = array<i32>} : memref<144xf32, #tpu.memory_space<vmem>>, vector<16xf32>,
        %slice3A = vector.extract_strided_slice %get3A_546 {offsets = [0], sizes = [1], strides = [1]} : vector<16xf32> to vector<1xf32>
        %squeeze3A = vector.extract %slice3A[0] : f32 from vector<1xf32>
        %get3A_547 = arith.index_cast %scan3A_544 : i32 to index
        %get3A_548 = arith.constant 0 : index
        %get3A_549 = tpu.vector_load %arg16[%get3A_547, %get3A_548] {strides = array<i32>} : memref<128x128xf32, #tpu.memory_space<vmem>>, vector<16xf32>,
        %mul3A_550 = vector.broadcast %squeeze3A : f32 to vector<16xf32>
        %mul3A_551 = arith.mulf %mul3A_550, %get3A_1 : vector<16xf32>
        %add3A_552 = arith.addf %get3A_549, %mul3A_551 : vector<16xf32>
        %max3A = arith.constant 0.000000e+00 : f32
        %max3A_553 = vector.broadcast %max3A : f32 to vector<16xf32>
        %max3A_554 = arith.maximumf %add3A_552, %max3A_553 : vector<16xf32>
        %swap3A_555 = arith.index_cast %scan3A_544 : i32 to index
        %swap3A_556 = arith.constant 0 : index
        %swap3A_557 = tpu.vector_load %arg16[%swap3A_555, %swap3A_556] {strides = array<i32>} : memref<128x128xf32, #tpu.memory_space<vmem>>, vector<16xf32>,
        tpu.vector_store %arg16[%swap3A_555, %swap3A_556], %max3A_554 {strides = array<i32>} : memref<128x128xf32, #tpu.memory_space<vmem>>, vector<16xf32>,
        %get3A_558 = arith.index_cast %scan3A_544 : i32 to index
        %get3A_559 = arith.constant 16 : index
        %get3A_560 = tpu.vector_load %arg16[%get3A_558, %get3A_559] {strides = array<i32>} : memref<128x128xf32, #tpu.memory_space<vmem>>, vector<16xf32>,
        %mul3A_561 = vector.broadcast %squeeze3A : f32 to vector<16xf32>
        %mul3A_562 = arith.mulf %mul3A_561, %get3A_3 : vector<16xf32>
        %add3A_563 = arith.addf %get3A_560, %mul3A_562 : vector<16xf32>
        %max3A_564 = arith.constant 0.000000e+00 : f32
        %max3A_565 = vector.broadcast %max3A_564 : f32 to vector<16xf32>
        %max3A_566 = arith.maximumf %add3A_563, %max3A_565 : vector<16xf32>
        %swap3A_567 = arith.index_cast %scan3A_544 : i32 to index
        %swap3A_568 = arith.constant 16 : index
        %swap3A_569 = tpu.vector_load %arg16[%swap3A_567, %swap3A_568] {strides = array<i32>} : memref<128x128xf32, #tpu.memory_space<vmem>>, vector<16xf32>,
        tpu.vector_store %arg16[%swap3A_567, %swap3A_568], %max3A_566 {strides = array<i32>} : memref<128x128xf32, #tpu.memory_space<vmem>>, vector<16xf32>,
        %get3A_570 = arith.index_cast %scan3A_544 : i32 to index
        %get3A_571 = arith.constant 32 : index
        %get3A_572 = tpu.vector_load %arg16[%get3A_570, %get3A_571] {strides = array<i32>} : memref<128x128xf32, #tpu.memory_space<vmem>>, vector<16xf32>,
        %mul3A_573 = vector.broadcast %squeeze3A : f32 to vector<16xf32>
        %mul3A_574 = arith.mulf %mul3A_573, %get3A_5 : vector<16xf32>
        %add3A_575 = arith.addf %get3A_572, %mul3A_574 : vector<16xf32>
        %max3A_576 = arith.constant 0.000000e+00 : f32
        %max3A_577 = vector.broadcast %max3A_576 : f32 to vector<16xf32>
        %max3A_578 = arith.maximumf %add3A_575, %max3A_577 : vector<16xf32>
        %swap3A_579 = arith.index_cast %scan3A_544 : i32 to index
        %swap3A_580 = arith.constant 32 : index
        %swap3A_581 = tpu.vector_load %arg16[%swap3A_579, %swap3A_580] {strides = array<i32>} : memref<128x128xf32, #tpu.memory_space<vmem>>, vector<16xf32>,
        tpu.vector_store %arg16[%swap3A_579, %swap3A_580], %max3A_578 {strides = array<i32>} : memref<128x128xf32, #tpu.memory_space<vmem>>, vector<16xf32>,
        %get3A_582 = arith.index_cast %scan3A_544 : i32 to index
        %get3A_583 = arith.constant 48 : index
        %get3A_584 = tpu.vector_load %arg16[%get3A_582, %get3A_583] {strides = array<i32>} : memref<128x128xf32, #tpu.memory_space<vmem>>, vector<16xf32>,
        %mul3A_585 = vector.broadcast %squeeze3A : f32 to vector<16xf32>
        %mul3A_586 = arith.mulf %mul3A_585, %get3A_7 : vector<16xf32>
        %add3A_587 = arith.addf %get3A_584, %mul3A_586 : vector<16xf32>
        %max3A_588 = arith.constant 0.000000e+00 : f32
        %max3A_589 = vector.broadcast %max3A_588 : f32 to vector<16xf32>
        %max3A_590 = arith.maximumf %add3A_587, %max3A_589 : vector<16xf32>
        %swap3A_591 = arith.index_cast %scan3A_544 : i32 to index
        %swap3A_592 = arith.constant 48 : index
        %swap3A_593 = tpu.vector_load %arg16[%swap3A_591, %swap3A_592] {strides = array<i32>} : memref<128x128xf32, #tpu.memory_space<vmem>>, vector<16xf32>,
        tpu.vector_store %arg16[%swap3A_591, %swap3A_592], %max3A_590 {strides = array<i32>} : memref<128x128xf32, #tpu.memory_space<vmem>>, vector<16xf32>,
        %get3A_594 = arith.index_cast %scan3A_544 : i32 to index
        %get3A_595 = arith.constant 64 : index
        %get3A_596 = tpu.vector_load %arg16[%get3A_594, %get3A_595] {strides = array<i32>} : memref<128x128xf32, #tpu.memory_space<vmem>>, vector<16xf32>,
        %mul3A_597 = vector.broadcast %squeeze3A : f32 to vector<16xf32>
        %mul3A_598 = arith.mulf %mul3A_597, %get3A_9 : vector<16xf32>
        %add3A_599 = arith.addf %get3A_596, %mul3A_598 : vector<16xf32>
        %max3A_600 = arith.constant 0.000000e+00 : f32
        %max3A_601 = vector.broadcast %max3A_600 : f32 to vector<16xf32>
        %max3A_602 = arith.maximumf %add3A_599, %max3A_601 : vector<16xf32>
        %swap3A_603 = arith.index_cast %scan3A_544 : i32 to index
        %swap3A_604 = arith.constant 64 : index
        %swap3A_605 = tpu.vector_load %arg16[%swap3A_603, %swap3A_604] {strides = array<i32>} : memref<128x128xf32, #tpu.memory_space<vmem>>, vector<16xf32>,
        tpu.vector_store %arg16[%swap3A_603, %swap3A_604], %max3A_602 {strides = array<i32>} : memref<128x128xf32, #tpu.memory_space<vmem>>, vector<16xf32>,
        %get3A_606 = arith.index_cast %scan3A_544 : i32 to index
        %get3A_607 = arith.constant 80 : index
        %get3A_608 = tpu.vector_load %arg16[%get3A_606, %get3A_607] {strides = array<i32>} : memref<128x128xf32, #tpu.memory_space<vmem>>, vector<16xf32>,
        %mul3A_609 = vector.broadcast %squeeze3A : f32 to vector<16xf32>
        %mul3A_610 = arith.mulf %mul3A_609, %get3A_11 : vector<16xf32>
        %add3A_611 = arith.addf %get3A_608, %mul3A_610 : vector<16xf32>
        %max3A_612 = arith.constant 0.000000e+00 : f32
        %max3A_613 = vector.broadcast %max3A_612 : f32 to vector<16xf32>
        %max3A_614 = arith.maximumf %add3A_611, %max3A_613 : vector<16xf32>
        %swap3A_615 = arith.index_cast %scan3A_544 : i32 to index
        %swap3A_616 = arith.constant 80 : index
        %swap3A_617 = tpu.vector_load %arg16[%swap3A_615, %swap3A_616] {strides = array<i32>} : memref<128x128xf32, #tpu.memory_space<vmem>>, vector<16xf32>,
        tpu.vector_store %arg16[%swap3A_615, %swap3A_616], %max3A_614 {strides = array<i32>} : memref<128x128xf32, #tpu.memory_space<vmem>>, vector<16xf32>,
        %get3A_618 = arith.index_cast %scan3A_544 : i32 to index
        %get3A_619 = arith.constant 96 : index
        %get3A_620 = tpu.vector_load %arg16[%get3A_618, %get3A_619] {strides = array<i32>} : memref<128x128xf32, #tpu.memory_space<vmem>>, vector<16xf32>,
        %mul3A_621 = vector.broadcast %squeeze3A : f32 to vector<16xf32>
        %mul3A_622 = arith.mulf %mul3A_621, %get3A_13 : vector<16xf32>
        %add3A_623 = arith.addf %get3A_620, %mul3A_622 : vector<16xf32>
        %max3A_624 = arith.constant 0.000000e+00 : f32
        %max3A_625 = vector.broadcast %max3A_624 : f32 to vector<16xf32>
        %max3A_626 = arith.maximumf %add3A_623, %max3A_625 : vector<16xf32>
        %swap3A_627 = arith.index_cast %scan3A_544 : i32 to index
        %swap3A_628 = arith.constant 96 : index
        %swap3A_629 = tpu.vector_load %arg16[%swap3A_627, %swap3A_628] {strides = array<i32>} : memref<128x128xf32, #tpu.memory_space<vmem>>, vector<16xf32>,
        tpu.vector_store %arg16[%swap3A_627, %swap3A_628], %max3A_626 {strides = array<i32>} : memref<128x128xf32, #tpu.memory_space<vmem>>, vector<16xf32>,
        %get3A_630 = arith.index_cast %scan3A_544 : i32 to index
        %get3A_631 = arith.constant 112 : index
        %get3A_632 = tpu.vector_load %arg16[%get3A_630, %get3A_631] {strides = array<i32>} : memref<128x128xf32, #tpu.memory_space<vmem>>, vector<16xf32>,
        %mul3A_633 = vector.broadcast %squeeze3A : f32 to vector<16xf32>
        %mul3A_634 = arith.mulf %mul3A_633, %get3A_15 : vector<16xf32>
        %add3A_635 = arith.addf %get3A_632, %mul3A_634 : vector<16xf32>
        %max3A_636 = arith.constant 0.000000e+00 : f32
        %max3A_637 = vector.broadcast %max3A_636 : f32 to vector<16xf32>
        %max3A_638 = arith.maximumf %add3A_635, %max3A_637 : vector<16xf32>
        %swap3A_639 = arith.index_cast %scan3A_544 : i32 to index
        %swap3A_640 = arith.constant 112 : index
        %swap3A_641 = tpu.vector_load %arg16[%swap3A_639, %swap3A_640] {strides = array<i32>} : memref<128x128xf32, #tpu.memory_space<vmem>>, vector<16xf32>,
        tpu.vector_store %arg16[%swap3A_639, %swap3A_640], %max3A_638 {strides = array<i32>} : memref<128x128xf32, #tpu.memory_space<vmem>>, vector<16xf32>,
      }
      %scan3A_472 = arith.constant 128 : i32
      "tpu.region"() ({
        %run_scoped3A = tpu.sem_alloc : memref<!tpu.dma_semaphore, #tpu.memory_space<semaphore_mem>>
        %dma_start3A_544 = arith.constant 0 : i32
        %dma_start3A_545 = arith.constant 0 : i32
        %dma_start3A_546 = tpu.memref_slice %arg22[%dma_start3A_544, %dma_start3A_545] : memref<10000x128xf32, #tpu.memory_space<vmem_shared>> -> memref<10000x128xf32, #tpu.memory_space<vmem_shared>>
        tpu.enqueue_indirect_dma source(%arg16 : memref<128x128xf32, #tpu.memory_space<vmem>>) target(%dma_start3A_546 : memref<10000x128xf32, #tpu.memory_space<vmem_shared>>) offsets(%arg13 : memref<128xi32, #tpu.memory_space<vmem>>) semaphore(%run_scoped3A : memref<!tpu.dma_semaphore, #tpu.memory_space<semaphore_mem>>) {add = true}
        %dma_wait3A_547 = arith.constant 0 : i32
        %dma_wait3A_548 = arith.constant 0 : i32
        %dma_wait3A_549 = tpu.memref_slice %arg22[%dma_wait3A_547, %dma_wait3A_548] : memref<10000x128xf32, #tpu.memory_space<vmem_shared>> -> memref<10000x128xf32, #tpu.memory_space<vmem_shared>>
        tpu.wait_indirect_dma semaphore(%run_scoped3A : memref<!tpu.dma_semaphore, #tpu.memory_space<semaphore_mem>>) src(%arg16 : memref<128x128xf32, #tpu.memory_space<vmem>>) dst(%dma_wait3A_549 : memref<10000x128xf32, #tpu.memory_space<vmem_shared>>)
        tpu.yield
      }) : () -> ()
      %add3A_473 = arith.constant 1 : i32
      %add3A_474 = arith.addi %scan3A_205, %add3A_473 : i32
      %mul3A_475 = arith.constant 3 : i32
      %mul3A_476 = arith.muli %mul3A_475, %add3A_474 : i32
      %add3A_477 = arith.constant 1 : i32
      %add3A_478 = arith.addi %mul3A_476, %add3A_477 : i32
      %mul3A_479 = arith.constant 16 : i32
      %mul3A_480 = arith.muli %mul3A_479, %add3A_478 : i32
      %add3A_481 = arith.addi %arg1, %mul3A_480 : i32
      %add3A_482 = arith.constant 1 : i32
      %add3A_483 = arith.addi %scan3A_205, %add3A_482 : i32
      %lt3A_484 = arith.constant 26 : i32
      %lt3A_485 = arith.cmpi slt, %add3A_483, %lt3A_484 : i32
      %mul3A_486 = arith.constant 128 : i32
      %mul3A_487 = arith.muli %add3A_481, %mul3A_486 : i32
      %jit3A_488 = arith.constant 0 : i32
      %select_n3A_489 = arith.select %lt3A_485, %mul3A_487, %jit3A_488 : i32
      %dma_start3A_490 = tpu.memref_slice %arg4[%select_n3A_489] : memref<160000xi32, #tpu.memory_space<hbm>> -> memref<128xi32, #tpu.memory_space<hbm>>
      %dma_start3A_491 = tpu.memref_slice %arg4[%select_n3A_489] : memref<160000xi32, #tpu.memory_space<hbm>> -> memref<128xi32, #tpu.memory_space<hbm>>
      tpu.enqueue_dma source(%dma_start3A_491 : memref<128xi32, #tpu.memory_space<hbm>>) target(%arg10 : memref<128xi32, #tpu.memory_space<vmem>>) target_semaphore(%arg24 : memref<!tpu.dma_semaphore, #tpu.memory_space<semaphore_mem>>)
      %dma_start3A_492 = tpu.memref_slice %arg5[%select_n3A_489] : memref<160000xi32, #tpu.memory_space<hbm>> -> memref<128xi32, #tpu.memory_space<hbm>>
      %dma_start3A_493 = tpu.memref_slice %arg5[%select_n3A_489] : memref<160000xi32, #tpu.memory_space<hbm>> -> memref<128xi32, #tpu.memory_space<hbm>>
      tpu.enqueue_dma source(%dma_start3A_493 : memref<128xi32, #tpu.memory_space<hbm>>) target(%arg13 : memref<128xi32, #tpu.memory_space<vmem>>) target_semaphore(%arg24 : memref<!tpu.dma_semaphore, #tpu.memory_space<semaphore_mem>>)
      %mul3A_494 = arith.constant 128 : i32
      %mul3A_495 = arith.muli %arg0, %mul3A_494 : i32
      %dma_start3A_496 = tpu.memref_slice %arg3[%select_n3A_489, %mul3A_495] : memref<160000x256xf32, #tpu.memory_space<hbm>> -> memref<128x128xf32, #tpu.memory_space<hbm>>
      %dma_start3A_497 = tpu.memref_slice %arg3[%select_n3A_489, %mul3A_495] : memref<160000x256xf32, #tpu.memory_space<hbm>> -> memref<128x128xf32, #tpu.memory_space<hbm>>
      tpu.enqueue_dma source(%dma_start3A_497 : memref<128x128xf32, #tpu.memory_space<hbm>>) target(%arg16 : memref<128x128xf32, #tpu.memory_space<vmem>>) target_semaphore(%arg24 : memref<!tpu.dma_semaphore, #tpu.memory_space<semaphore_mem>>)
      %dma_start3A_498 = arith.constant 0 : i32
      %dma_start3A_499 = tpu.memref_slice %arg19[%dma_start3A_498] : memref<144xf32, #tpu.memory_space<vmem>> -> memref<128xf32, #tpu.memory_space<vmem>>
      %dma_start3A_500 = tpu.memref_slice %arg6[%select_n3A_489] : memref<160000xf32, #tpu.memory_space<hbm>> -> memref<128xf32, #tpu.memory_space<hbm>>
      %dma_start3A_501 = arith.constant 0 : i32
      %dma_start3A_502 = tpu.memref_slice %arg19[%dma_start3A_501] : memref<144xf32, #tpu.memory_space<vmem>> -> memref<128xf32, #tpu.memory_space<vmem>>
      %dma_start3A_503 = tpu.memref_slice %arg6[%select_n3A_489] : memref<160000xf32, #tpu.memory_space<hbm>> -> memref<128xf32, #tpu.memory_space<hbm>>
      tpu.enqueue_dma source(%dma_start3A_503 : memref<128xf32, #tpu.memory_space<hbm>>) target(%dma_start3A_502 : memref<128xf32, #tpu.memory_space<vmem>>) target_semaphore(%arg24 : memref<!tpu.dma_semaphore, #tpu.memory_space<semaphore_mem>>)
      %dma_wait3A_504 = arith.constant 0 : i32
      %dma_wait3A_505 = arith.constant 0 : i32
      %dma_wait3A_506 = tpu.memref_slice %arg2[%dma_wait3A_504, %dma_wait3A_505] : memref<20000x128xf32, #tpu.memory_space<hbm>> -> memref<20000x128xf32, #tpu.memory_space<hbm>>
      tpu.wait_indirect_dma semaphore(%arg28 : memref<!tpu.dma_semaphore, #tpu.memory_space<semaphore_mem>>) src(%dma_wait3A_506 : memref<20000x128xf32, #tpu.memory_space<hbm>>) dst(%arg17 : memref<128x128xf32, #tpu.memory_space<vmem>>)
      %scan3A_507 = arith.constant 0 : i32
      %scan3A_508 = arith.constant 0 : i32
      %scan3A_509 = arith.constant 128 : i32
      %scan3A_510 = arith.addi %scan3A_508, %scan3A_509 : i32
      %scan3A_511 = arith.constant 1 : i32
      scf.for %scan3A_544 = %scan3A_508 to %scan3A_510 step %scan3A_511  : i32 {
        %get3A_545 = arith.index_cast %scan3A_544 : i32 to index
        %get3A_546 = tpu.vector_load %arg20[%get3A_545] {strides = array<i32>} : memref<144xf32, #tpu.memory_space<vmem>>, vector<16xf32>,
        %slice3A = vector.extract_strided_slice %get3A_546 {offsets = [0], sizes = [1], strides = [1]} : vector<16xf32> to vector<1xf32>
        %squeeze3A = vector.extract %slice3A[0] : f32 from vector<1xf32>
        %get3A_547 = arith.index_cast %scan3A_544 : i32 to index
        %get3A_548 = arith.constant 0 : index
        %get3A_549 = tpu.vector_load %arg17[%get3A_547, %get3A_548] {strides = array<i32>} : memref<128x128xf32, #tpu.memory_space<vmem>>, vector<16xf32>,
        %mul3A_550 = vector.broadcast %squeeze3A : f32 to vector<16xf32>
        %mul3A_551 = arith.mulf %mul3A_550, %get3A_1 : vector<16xf32>
        %add3A_552 = arith.addf %get3A_549, %mul3A_551 : vector<16xf32>
        %max3A = arith.constant 0.000000e+00 : f32
        %max3A_553 = vector.broadcast %max3A : f32 to vector<16xf32>
        %max3A_554 = arith.maximumf %add3A_552, %max3A_553 : vector<16xf32>
        %swap3A_555 = arith.index_cast %scan3A_544 : i32 to index
        %swap3A_556 = arith.constant 0 : index
        %swap3A_557 = tpu.vector_load %arg17[%swap3A_555, %swap3A_556] {strides = array<i32>} : memref<128x128xf32, #tpu.memory_space<vmem>>, vector<16xf32>,
        tpu.vector_store %arg17[%swap3A_555, %swap3A_556], %max3A_554 {strides = array<i32>} : memref<128x128xf32, #tpu.memory_space<vmem>>, vector<16xf32>,
        %get3A_558 = arith.index_cast %scan3A_544 : i32 to index
        %get3A_559 = arith.constant 16 : index
        %get3A_560 = tpu.vector_load %arg17[%get3A_558, %get3A_559] {strides = array<i32>} : memref<128x128xf32, #tpu.memory_space<vmem>>, vector<16xf32>,
        %mul3A_561 = vector.broadcast %squeeze3A : f32 to vector<16xf32>
        %mul3A_562 = arith.mulf %mul3A_561, %get3A_3 : vector<16xf32>
        %add3A_563 = arith.addf %get3A_560, %mul3A_562 : vector<16xf32>
        %max3A_564 = arith.constant 0.000000e+00 : f32
        %max3A_565 = vector.broadcast %max3A_564 : f32 to vector<16xf32>
        %max3A_566 = arith.maximumf %add3A_563, %max3A_565 : vector<16xf32>
        %swap3A_567 = arith.index_cast %scan3A_544 : i32 to index
        %swap3A_568 = arith.constant 16 : index
        %swap3A_569 = tpu.vector_load %arg17[%swap3A_567, %swap3A_568] {strides = array<i32>} : memref<128x128xf32, #tpu.memory_space<vmem>>, vector<16xf32>,
        tpu.vector_store %arg17[%swap3A_567, %swap3A_568], %max3A_566 {strides = array<i32>} : memref<128x128xf32, #tpu.memory_space<vmem>>, vector<16xf32>,
        %get3A_570 = arith.index_cast %scan3A_544 : i32 to index
        %get3A_571 = arith.constant 32 : index
        %get3A_572 = tpu.vector_load %arg17[%get3A_570, %get3A_571] {strides = array<i32>} : memref<128x128xf32, #tpu.memory_space<vmem>>, vector<16xf32>,
        %mul3A_573 = vector.broadcast %squeeze3A : f32 to vector<16xf32>
        %mul3A_574 = arith.mulf %mul3A_573, %get3A_5 : vector<16xf32>
        %add3A_575 = arith.addf %get3A_572, %mul3A_574 : vector<16xf32>
        %max3A_576 = arith.constant 0.000000e+00 : f32
        %max3A_577 = vector.broadcast %max3A_576 : f32 to vector<16xf32>
        %max3A_578 = arith.maximumf %add3A_575, %max3A_577 : vector<16xf32>
        %swap3A_579 = arith.index_cast %scan3A_544 : i32 to index
        %swap3A_580 = arith.constant 32 : index
        %swap3A_581 = tpu.vector_load %arg17[%swap3A_579, %swap3A_580] {strides = array<i32>} : memref<128x128xf32, #tpu.memory_space<vmem>>, vector<16xf32>,
        tpu.vector_store %arg17[%swap3A_579, %swap3A_580], %max3A_578 {strides = array<i32>} : memref<128x128xf32, #tpu.memory_space<vmem>>, vector<16xf32>,
        %get3A_582 = arith.index_cast %scan3A_544 : i32 to index
        %get3A_583 = arith.constant 48 : index
        %get3A_584 = tpu.vector_load %arg17[%get3A_582, %get3A_583] {strides = array<i32>} : memref<128x128xf32, #tpu.memory_space<vmem>>, vector<16xf32>,
        %mul3A_585 = vector.broadcast %squeeze3A : f32 to vector<16xf32>
        %mul3A_586 = arith.mulf %mul3A_585, %get3A_7 : vector<16xf32>
        %add3A_587 = arith.addf %get3A_584, %mul3A_586 : vector<16xf32>
        %max3A_588 = arith.constant 0.000000e+00 : f32
        %max3A_589 = vector.broadcast %max3A_588 : f32 to vector<16xf32>
        %max3A_590 = arith.maximumf %add3A_587, %max3A_589 : vector<16xf32>
        %swap3A_591 = arith.index_cast %scan3A_544 : i32 to index
        %swap3A_592 = arith.constant 48 : index
        %swap3A_593 = tpu.vector_load %arg17[%swap3A_591, %swap3A_592] {strides = array<i32>} : memref<128x128xf32, #tpu.memory_space<vmem>>, vector<16xf32>,
        tpu.vector_store %arg17[%swap3A_591, %swap3A_592], %max3A_590 {strides = array<i32>} : memref<128x128xf32, #tpu.memory_space<vmem>>, vector<16xf32>,
        %get3A_594 = arith.index_cast %scan3A_544 : i32 to index
        %get3A_595 = arith.constant 64 : index
        %get3A_596 = tpu.vector_load %arg17[%get3A_594, %get3A_595] {strides = array<i32>} : memref<128x128xf32, #tpu.memory_space<vmem>>, vector<16xf32>,
        %mul3A_597 = vector.broadcast %squeeze3A : f32 to vector<16xf32>
        %mul3A_598 = arith.mulf %mul3A_597, %get3A_9 : vector<16xf32>
        %add3A_599 = arith.addf %get3A_596, %mul3A_598 : vector<16xf32>
        %max3A_600 = arith.constant 0.000000e+00 : f32
        %max3A_601 = vector.broadcast %max3A_600 : f32 to vector<16xf32>
        %max3A_602 = arith.maximumf %add3A_599, %max3A_601 : vector<16xf32>
        %swap3A_603 = arith.index_cast %scan3A_544 : i32 to index
        %swap3A_604 = arith.constant 64 : index
        %swap3A_605 = tpu.vector_load %arg17[%swap3A_603, %swap3A_604] {strides = array<i32>} : memref<128x128xf32, #tpu.memory_space<vmem>>, vector<16xf32>,
        tpu.vector_store %arg17[%swap3A_603, %swap3A_604], %max3A_602 {strides = array<i32>} : memref<128x128xf32, #tpu.memory_space<vmem>>, vector<16xf32>,
        %get3A_606 = arith.index_cast %scan3A_544 : i32 to index
        %get3A_607 = arith.constant 80 : index
        %get3A_608 = tpu.vector_load %arg17[%get3A_606, %get3A_607] {strides = array<i32>} : memref<128x128xf32, #tpu.memory_space<vmem>>, vector<16xf32>,
        %mul3A_609 = vector.broadcast %squeeze3A : f32 to vector<16xf32>
        %mul3A_610 = arith.mulf %mul3A_609, %get3A_11 : vector<16xf32>
        %add3A_611 = arith.addf %get3A_608, %mul3A_610 : vector<16xf32>
        %max3A_612 = arith.constant 0.000000e+00 : f32
        %max3A_613 = vector.broadcast %max3A_612 : f32 to vector<16xf32>
        %max3A_614 = arith.maximumf %add3A_611, %max3A_613 : vector<16xf32>
        %swap3A_615 = arith.index_cast %scan3A_544 : i32 to index
        %swap3A_616 = arith.constant 80 : index
        %swap3A_617 = tpu.vector_load %arg17[%swap3A_615, %swap3A_616] {strides = array<i32>} : memref<128x128xf32, #tpu.memory_space<vmem>>, vector<16xf32>,
        tpu.vector_store %arg17[%swap3A_615, %swap3A_616], %max3A_614 {strides = array<i32>} : memref<128x128xf32, #tpu.memory_space<vmem>>, vector<16xf32>,
        %get3A_618 = arith.index_cast %scan3A_544 : i32 to index
        %get3A_619 = arith.constant 96 : index
        %get3A_620 = tpu.vector_load %arg17[%get3A_618, %get3A_619] {strides = array<i32>} : memref<128x128xf32, #tpu.memory_space<vmem>>, vector<16xf32>,
        %mul3A_621 = vector.broadcast %squeeze3A : f32 to vector<16xf32>
        %mul3A_622 = arith.mulf %mul3A_621, %get3A_13 : vector<16xf32>
        %add3A_623 = arith.addf %get3A_620, %mul3A_622 : vector<16xf32>
        %max3A_624 = arith.constant 0.000000e+00 : f32
        %max3A_625 = vector.broadcast %max3A_624 : f32 to vector<16xf32>
        %max3A_626 = arith.maximumf %add3A_623, %max3A_625 : vector<16xf32>
        %swap3A_627 = arith.index_cast %scan3A_544 : i32 to index
        %swap3A_628 = arith.constant 96 : index
        %swap3A_629 = tpu.vector_load %arg17[%swap3A_627, %swap3A_628] {strides = array<i32>} : memref<128x128xf32, #tpu.memory_space<vmem>>, vector<16xf32>,
        tpu.vector_store %arg17[%swap3A_627, %swap3A_628], %max3A_626 {strides = array<i32>} : memref<128x128xf32, #tpu.memory_space<vmem>>, vector<16xf32>,
        %get3A_630 = arith.index_cast %scan3A_544 : i32 to index
        %get3A_631 = arith.constant 112 : index
        %get3A_632 = tpu.vector_load %arg17[%get3A_630, %get3A_631] {strides = array<i32>} : memref<128x128xf32, #tpu.memory_space<vmem>>, vector<16xf32>,
        %mul3A_633 = vector.broadcast %squeeze3A : f32 to vector<16xf32>
        %mul3A_634 = arith.mulf %mul3A_633, %get3A_15 : vector<16xf32>
        %add3A_635 = arith.addf %get3A_632, %mul3A_634 : vector<16xf32>
        %max3A_636 = arith.constant 0.000000e+00 : f32
        %max3A_637 = vector.broadcast %max3A_636 : f32 to vector<16xf32>
        %max3A_638 = arith.maximumf %add3A_635, %max3A_637 : vector<16xf32>
        %swap3A_639 = arith.index_cast %scan3A_544 : i32 to index
        %swap3A_640 = arith.constant 112 : index
        %swap3A_641 = tpu.vector_load %arg17[%swap3A_639, %swap3A_640] {strides = array<i32>} : memref<128x128xf32, #tpu.memory_space<vmem>>, vector<16xf32>,
        tpu.vector_store %arg17[%swap3A_639, %swap3A_640], %max3A_638 {strides = array<i32>} : memref<128x128xf32, #tpu.memory_space<vmem>>, vector<16xf32>,
      }
      %scan3A_512 = arith.constant 128 : i32
      "tpu.region"() ({
        %run_scoped3A = tpu.sem_alloc : memref<!tpu.dma_semaphore, #tpu.memory_space<semaphore_mem>>
        %dma_start3A_544 = arith.constant 0 : i32
        %dma_start3A_545 = arith.constant 0 : i32
        %dma_start3A_546 = tpu.memref_slice %arg22[%dma_start3A_544, %dma_start3A_545] : memref<10000x128xf32, #tpu.memory_space<vmem_shared>> -> memref<10000x128xf32, #tpu.memory_space<vmem_shared>>
        tpu.enqueue_indirect_dma source(%arg17 : memref<128x128xf32, #tpu.memory_space<vmem>>) target(%dma_start3A_546 : memref<10000x128xf32, #tpu.memory_space<vmem_shared>>) offsets(%arg14 : memref<128xi32, #tpu.memory_space<vmem>>) semaphore(%run_scoped3A : memref<!tpu.dma_semaphore, #tpu.memory_space<semaphore_mem>>) {add = true}
        %dma_wait3A_547 = arith.constant 0 : i32
        %dma_wait3A_548 = arith.constant 0 : i32
        %dma_wait3A_549 = tpu.memref_slice %arg22[%dma_wait3A_547, %dma_wait3A_548] : memref<10000x128xf32, #tpu.memory_space<vmem_shared>> -> memref<10000x128xf32, #tpu.memory_space<vmem_shared>>
        tpu.wait_indirect_dma semaphore(%run_scoped3A : memref<!tpu.dma_semaphore, #tpu.memory_space<semaphore_mem>>) src(%arg17 : memref<128x128xf32, #tpu.memory_space<vmem>>) dst(%dma_wait3A_549 : memref<10000x128xf32, #tpu.memory_space<vmem_shared>>)
        tpu.yield
      }) : () -> ()
      %add3A_513 = arith.constant 1 : i32
      %add3A_514 = arith.addi %scan3A_205, %add3A_513 : i32
      %mul3A_515 = arith.constant 3 : i32
      %mul3A_516 = arith.muli %mul3A_515, %add3A_514 : i32
      %add3A_517 = arith.constant 2 : i32
      %add3A_518 = arith.addi %mul3A_516, %add3A_517 : i32
      %mul3A_519 = arith.constant 16 : i32
      %mul3A_520 = arith.muli %mul3A_519, %add3A_518 : i32
      %add3A_521 = arith.addi %arg1, %mul3A_520 : i32
      %add3A_522 = arith.constant 1 : i32
      %add3A_523 = arith.addi %scan3A_205, %add3A_522 : i32
      %lt3A_524 = arith.constant 26 : i32
      %lt3A_525 = arith.cmpi slt, %add3A_523, %lt3A_524 : i32
      %mul3A_526 = arith.constant 128 : i32
      %mul3A_527 = arith.muli %add3A_521, %mul3A_526 : i32
      %jit3A_528 = arith.constant 0 : i32
      %select_n3A_529 = arith.select %lt3A_525, %mul3A_527, %jit3A_528 : i32
      %dma_start3A_530 = tpu.memref_slice %arg4[%select_n3A_529] : memref<160000xi32, #tpu.memory_space<hbm>> -> memref<128xi32, #tpu.memory_space<hbm>>
      %dma_start3A_531 = tpu.memref_slice %arg4[%select_n3A_529] : memref<160000xi32, #tpu.memory_space<hbm>> -> memref<128xi32, #tpu.memory_space<hbm>>
      tpu.enqueue_dma source(%dma_start3A_531 : memref<128xi32, #tpu.memory_space<hbm>>) target(%arg11 : memref<128xi32, #tpu.memory_space<vmem>>) target_semaphore(%arg25 : memref<!tpu.dma_semaphore, #tpu.memory_space<semaphore_mem>>)
      %dma_start3A_532 = tpu.memref_slice %arg5[%select_n3A_529] : memref<160000xi32, #tpu.memory_space<hbm>> -> memref<128xi32, #tpu.memory_space<hbm>>
      %dma_start3A_533 = tpu.memref_slice %arg5[%select_n3A_529] : memref<160000xi32, #tpu.memory_space<hbm>> -> memref<128xi32, #tpu.memory_space<hbm>>
      tpu.enqueue_dma source(%dma_start3A_533 : memref<128xi32, #tpu.memory_space<hbm>>) target(%arg14 : memref<128xi32, #tpu.memory_space<vmem>>) target_semaphore(%arg25 : memref<!tpu.dma_semaphore, #tpu.memory_space<semaphore_mem>>)
      %mul3A_534 = arith.constant 128 : i32
      %mul3A_535 = arith.muli %arg0, %mul3A_534 : i32
      %dma_start3A_536 = tpu.memref_slice %arg3[%select_n3A_529, %mul3A_535] : memref<160000x256xf32, #tpu.memory_space<hbm>> -> memref<128x128xf32, #tpu.memory_space<hbm>>
      %dma_start3A_537 = tpu.memref_slice %arg3[%select_n3A_529, %mul3A_535] : memref<160000x256xf32, #tpu.memory_space<hbm>> -> memref<128x128xf32, #tpu.memory_space<hbm>>
      tpu.enqueue_dma source(%dma_start3A_537 : memref<128x128xf32, #tpu.memory_space<hbm>>) target(%arg17 : memref<128x128xf32, #tpu.memory_space<vmem>>) target_semaphore(%arg25 : memref<!tpu.dma_semaphore, #tpu.memory_space<semaphore_mem>>)
      %dma_start3A_538 = arith.constant 0 : i32
      %dma_start3A_539 = tpu.memref_slice %arg20[%dma_start3A_538] : memref<144xf32, #tpu.memory_space<vmem>> -> memref<128xf32, #tpu.memory_space<vmem>>
      %dma_start3A_540 = tpu.memref_slice %arg6[%select_n3A_529] : memref<160000xf32, #tpu.memory_space<hbm>> -> memref<128xf32, #tpu.memory_space<hbm>>
      %dma_start3A_541 = arith.constant 0 : i32
      %dma_start3A_542 = tpu.memref_slice %arg20[%dma_start3A_541] : memref<144xf32, #tpu.memory_space<vmem>> -> memref<128xf32, #tpu.memory_space<vmem>>
      %dma_start3A_543 = tpu.memref_slice %arg6[%select_n3A_529] : memref<160000xf32, #tpu.memory_space<hbm>> -> memref<128xf32, #tpu.memory_space<hbm>>
      tpu.enqueue_dma source(%dma_start3A_543 : memref<128xf32, #tpu.memory_space<hbm>>) target(%dma_start3A_542 : memref<128xf32, #tpu.memory_space<vmem>>) target_semaphore(%arg25 : memref<!tpu.dma_semaphore, #tpu.memory_space<semaphore_mem>>)
    }
    %scan3A_92 = arith.constant 26 : i32
    %dma_wait3A = arith.constant 0 : i32
    %dma_wait3A_93 = tpu.memref_slice %arg4[%dma_wait3A] : memref<160000xi32, #tpu.memory_space<hbm>> -> memref<128xi32, #tpu.memory_space<hbm>>
    %dma_wait3A_94 = arith.constant 0 : i32
    %dma_wait3A_95 = tpu.memref_slice %arg4[%dma_wait3A_94] : memref<160000xi32, #tpu.memory_space<hbm>> -> memref<128xi32, #tpu.memory_space<hbm>>
    tpu.wait_dma2 semaphore(%arg23 : memref<!tpu.dma_semaphore, #tpu.memory_space<semaphore_mem>>) src(%dma_wait3A_95 : memref<128xi32, #tpu.memory_space<hbm>>) dst(%arg9 : memref<128xi32, #tpu.memory_space<vmem>>)
    %dma_wait3A_96 = arith.constant 0 : i32
    %dma_wait3A_97 = tpu.memref_slice %arg5[%dma_wait3A_96] : memref<160000xi32, #tpu.memory_space<hbm>> -> memref<128xi32, #tpu.memory_space<hbm>>
    %dma_wait3A_98 = arith.constant 0 : i32
    %dma_wait3A_99 = tpu.memref_slice %arg5[%dma_wait3A_98] : memref<160000xi32, #tpu.memory_space<hbm>> -> memref<128xi32, #tpu.memory_space<hbm>>
    tpu.wait_dma2 semaphore(%arg23 : memref<!tpu.dma_semaphore, #tpu.memory_space<semaphore_mem>>) src(%dma_wait3A_99 : memref<128xi32, #tpu.memory_space<hbm>>) dst(%arg12 : memref<128xi32, #tpu.memory_space<vmem>>)
    %dma_wait3A_100 = arith.constant 0 : i32
    %dma_wait3A_101 = arith.constant 0 : i32
    %dma_wait3A_102 = tpu.memref_slice %arg3[%dma_wait3A_100, %dma_wait3A_101] : memref<160000x256xf32, #tpu.memory_space<hbm>> -> memref<128x128xf32, #tpu.memory_space<hbm>>
    %dma_wait3A_103 = arith.constant 0 : i32
    %dma_wait3A_104 = arith.constant 0 : i32
    %dma_wait3A_105 = tpu.memref_slice %arg3[%dma_wait3A_103, %dma_wait3A_104] : memref<160000x256xf32, #tpu.memory_space<hbm>> -> memref<128x128xf32, #tpu.memory_space<hbm>>
    tpu.wait_dma2 semaphore(%arg23 : memref<!tpu.dma_semaphore, #tpu.memory_space<semaphore_mem>>) src(%dma_wait3A_105 : memref<128x128xf32, #tpu.memory_space<hbm>>) dst(%arg15 : memref<128x128xf32, #tpu.memory_space<vmem>>)
    %dma_wait3A_106 = arith.constant 0 : i32
    %dma_wait3A_107 = tpu.memref_slice %arg18[%dma_wait3A_106] : memref<144xf32, #tpu.memory_space<vmem>> -> memref<128xf32, #tpu.memory_space<vmem>>
    %dma_wait3A_108 = arith.constant 0 : i32
    %dma_wait3A_109 = tpu.memref_slice %arg6[%dma_wait3A_108] : memref<160000xf32, #tpu.memory_space<hbm>> -> memref<128xf32, #tpu.memory_space<hbm>>
    %dma_wait3A_110 = arith.constant 0 : i32
    %dma_wait3A_111 = tpu.memref_slice %arg18[%dma_wait3A_110] : memref<144xf32, #tpu.memory_space<vmem>> -> memref<128xf32, #tpu.memory_space<vmem>>
    %dma_wait3A_112 = arith.constant 0 : i32
    %dma_wait3A_113 = tpu.memref_slice %arg6[%dma_wait3A_112] : memref<160000xf32, #tpu.memory_space<hbm>> -> memref<128xf32, #tpu.memory_space<hbm>>
    tpu.wait_dma2 semaphore(%arg23 : memref<!tpu.dma_semaphore, #tpu.memory_space<semaphore_mem>>) src(%dma_wait3A_113 : memref<128xf32, #tpu.memory_space<hbm>>) dst(%dma_wait3A_111 : memref<128xf32, #tpu.memory_space<vmem>>)
    %dma_wait3A_114 = arith.constant 0 : i32
    %dma_wait3A_115 = tpu.memref_slice %arg4[%dma_wait3A_114] : memref<160000xi32, #tpu.memory_space<hbm>> -> memref<128xi32, #tpu.memory_space<hbm>>
    %dma_wait3A_116 = arith.constant 0 : i32
    %dma_wait3A_117 = tpu.memref_slice %arg4[%dma_wait3A_116] : memref<160000xi32, #tpu.memory_space<hbm>> -> memref<128xi32, #tpu.memory_space<hbm>>
    tpu.wait_dma2 semaphore(%arg24 : memref<!tpu.dma_semaphore, #tpu.memory_space<semaphore_mem>>) src(%dma_wait3A_117 : memref<128xi32, #tpu.memory_space<hbm>>) dst(%arg10 : memref<128xi32, #tpu.memory_space<vmem>>)
    %dma_wait3A_118 = arith.constant 0 : i32
    %dma_wait3A_119 = tpu.memref_slice %arg5[%dma_wait3A_118] : memref<160000xi32, #tpu.memory_space<hbm>> -> memref<128xi32, #tpu.memory_space<hbm>>
    %dma_wait3A_120 = arith.constant 0 : i32
    %dma_wait3A_121 = tpu.memref_slice %arg5[%dma_wait3A_120] : memref<160000xi32, #tpu.memory_space<hbm>> -> memref<128xi32, #tpu.memory_space<hbm>>
    tpu.wait_dma2 semaphore(%arg24 : memref<!tpu.dma_semaphore, #tpu.memory_space<semaphore_mem>>) src(%dma_wait3A_121 : memref<128xi32, #tpu.memory_space<hbm>>) dst(%arg13 : memref<128xi32, #tpu.memory_space<vmem>>)
    %dma_wait3A_122 = arith.constant 0 : i32
    %dma_wait3A_123 = arith.constant 0 : i32
    %dma_wait3A_124 = tpu.memref_slice %arg3[%dma_wait3A_122, %dma_wait3A_123] : memref<160000x256xf32, #tpu.memory_space<hbm>> -> memref<128x128xf32, #tpu.memory_space<hbm>>
    %dma_wait3A_125 = arith.constant 0 : i32
    %dma_wait3A_126 = arith.constant 0 : i32
    %dma_wait3A_127 = tpu.memref_slice %arg3[%dma_wait3A_125, %dma_wait3A_126] : memref<160000x256xf32, #tpu.memory_space<hbm>> -> memref<128x128xf32, #tpu.memory_space<hbm>>
    tpu.wait_dma2 semaphore(%arg24 : memref<!tpu.dma_semaphore, #tpu.memory_space<semaphore_mem>>) src(%dma_wait3A_127 : memref<128x128xf32, #tpu.memory_space<hbm>>) dst(%arg16 : memref<128x128xf32, #tpu.memory_space<vmem>>)
    %dma_wait3A_128 = arith.constant 0 : i32
    %dma_wait3A_129 = tpu.memref_slice %arg19[%dma_wait3A_128] : memref<144xf32, #tpu.memory_space<vmem>> -> memref<128xf32, #tpu.memory_space<vmem>>
    %dma_wait3A_130 = arith.constant 0 : i32
    %dma_wait3A_131 = tpu.memref_slice %arg6[%dma_wait3A_130] : memref<160000xf32, #tpu.memory_space<hbm>> -> memref<128xf32, #tpu.memory_space<hbm>>
    %dma_wait3A_132 = arith.constant 0 : i32
    %dma_wait3A_133 = tpu.memref_slice %arg19[%dma_wait3A_132] : memref<144xf32, #tpu.memory_space<vmem>> -> memref<128xf32, #tpu.memory_space<vmem>>
    %dma_wait3A_134 = arith.constant 0 : i32
    %dma_wait3A_135 = tpu.memref_slice %arg6[%dma_wait3A_134] : memref<160000xf32, #tpu.memory_space<hbm>> -> memref<128xf32, #tpu.memory_space<hbm>>
    tpu.wait_dma2 semaphore(%arg24 : memref<!tpu.dma_semaphore, #tpu.memory_space<semaphore_mem>>) src(%dma_wait3A_135 : memref<128xf32, #tpu.memory_space<hbm>>) dst(%dma_wait3A_133 : memref<128xf32, #tpu.memory_space<vmem>>)
    %dma_wait3A_136 = arith.constant 0 : i32
    %dma_wait3A_137 = tpu.memref_slice %arg4[%dma_wait3A_136] : memref<160000xi32, #tpu.memory_space<hbm>> -> memref<128xi32, #tpu.memory_space<hbm>>
    %dma_wait3A_138 = arith.constant 0 : i32
    %dma_wait3A_139 = tpu.memref_slice %arg4[%dma_wait3A_138] : memref<160000xi32, #tpu.memory_space<hbm>> -> memref<128xi32, #tpu.memory_space<hbm>>
    tpu.wait_dma2 semaphore(%arg25 : memref<!tpu.dma_semaphore, #tpu.memory_space<semaphore_mem>>) src(%dma_wait3A_139 : memref<128xi32, #tpu.memory_space<hbm>>) dst(%arg11 : memref<128xi32, #tpu.memory_space<vmem>>)
    %dma_wait3A_140 = arith.constant 0 : i32
    %dma_wait3A_141 = tpu.memref_slice %arg5[%dma_wait3A_140] : memref<160000xi32, #tpu.memory_space<hbm>> -> memref<128xi32, #tpu.memory_space<hbm>>
    %dma_wait3A_142 = arith.constant 0 : i32
    %dma_wait3A_143 = tpu.memref_slice %arg5[%dma_wait3A_142] : memref<160000xi32, #tpu.memory_space<hbm>> -> memref<128xi32, #tpu.memory_space<hbm>>
    tpu.wait_dma2 semaphore(%arg25 : memref<!tpu.dma_semaphore, #tpu.memory_space<semaphore_mem>>) src(%dma_wait3A_143 : memref<128xi32, #tpu.memory_space<hbm>>) dst(%arg14 : memref<128xi32, #tpu.memory_space<vmem>>)
    %dma_wait3A_144 = arith.constant 0 : i32
    %dma_wait3A_145 = arith.constant 0 : i32
    %dma_wait3A_146 = tpu.memref_slice %arg3[%dma_wait3A_144, %dma_wait3A_145] : memref<160000x256xf32, #tpu.memory_space<hbm>> -> memref<128x128xf32, #tpu.memory_space<hbm>>
    %dma_wait3A_147 = arith.constant 0 : i32
    %dma_wait3A_148 = arith.constant 0 : i32
    %dma_wait3A_149 = tpu.memref_slice %arg3[%dma_wait3A_147, %dma_wait3A_148] : memref<160000x256xf32, #tpu.memory_space<hbm>> -> memref<128x128xf32, #tpu.memory_space<hbm>>
    tpu.wait_dma2 semaphore(%arg25 : memref<!tpu.dma_semaphore, #tpu.memory_space<semaphore_mem>>) src(%dma_wait3A_149 : memref<128x128xf32, #tpu.memory_space<hbm>>) dst(%arg17 : memref<128x128xf32, #tpu.memory_space<vmem>>)
    %dma_wait3A_150 = arith.constant 0 : i32
    %dma_wait3A_151 = tpu.memref_slice %arg20[%dma_wait3A_150] : memref<144xf32, #tpu.memory_space<vmem>> -> memref<128xf32, #tpu.memory_space<vmem>>
    %dma_wait3A_152 = arith.constant 0 : i32
    %dma_wait3A_153 = tpu.memref_slice %arg6[%dma_wait3A_152] : memref<160000xf32, #tpu.memory_space<hbm>> -> memref<128xf32, #tpu.memory_space<hbm>>
    %dma_wait3A_154 = arith.constant 0 : i32
    %dma_wait3A_155 = tpu.memref_slice %arg20[%dma_wait3A_154] : memref<144xf32, #tpu.memory_space<vmem>> -> memref<128xf32, #tpu.memory_space<vmem>>
    %dma_wait3A_156 = arith.constant 0 : i32
    %dma_wait3A_157 = tpu.memref_slice %arg6[%dma_wait3A_156] : memref<160000xf32, #tpu.memory_space<hbm>> -> memref<128xf32, #tpu.memory_space<hbm>>
    tpu.wait_dma2 semaphore(%arg25 : memref<!tpu.dma_semaphore, #tpu.memory_space<semaphore_mem>>) src(%dma_wait3A_157 : memref<128xf32, #tpu.memory_space<hbm>>) dst(%dma_wait3A_155 : memref<128xf32, #tpu.memory_space<vmem>>)
    %lt3A = arith.constant 2 : i32
    %lt3A_158 = arith.cmpi slt, %arg1, %lt3A : i32
    %jit3A = arith.constant 1 : i32
    %jit3A_159 = arith.constant 0 : i32
    %select_n3A = arith.select %lt3A_158, %jit3A, %jit3A_159 : i32
    %while3A = arith.constant 0 : i32
    %while3A_160 = arith.constant 0 : i32
    %while3A_161 = arith.subi %select_n3A, %while3A_160 : i32
    %while3A_162 = arith.addi %while3A_160, %while3A_161 : i32
    %while3A_163 = arith.constant 1 : i32
    %while3A_164 = arith.divsi %while3A_161, %while3A_163 : i32
    %while3A_165 = arith.muli %while3A_164, %while3A_163 : i32
    %while3A_166 = arith.addi %while3A_160, %while3A_165 : i32
    %while3A_167 = arith.constant 1 : i32
    scf.for %while3A_205 = %while3A_160 to %while3A_166 step %while3A_167  : i32 {
      %add3A_206 = arith.constant 1248 : i32
      %add3A_207 = arith.addi %add3A_206, %arg1 : i32
      %mul3A_208 = arith.constant 128 : i32
      %mul3A_209 = arith.muli %add3A_207, %mul3A_208 : i32
      %dma_start3A_210 = tpu.memref_slice %arg4[%mul3A_209] : memref<160000xi32, #tpu.memory_space<hbm>> -> memref<128xi32, #tpu.memory_space<hbm>>
      %dma_start3A_211 = tpu.memref_slice %arg4[%mul3A_209] : memref<160000xi32, #tpu.memory_space<hbm>> -> memref<128xi32, #tpu.memory_space<hbm>>
      tpu.enqueue_dma source(%dma_start3A_211 : memref<128xi32, #tpu.memory_space<hbm>>) target(%arg9 : memref<128xi32, #tpu.memory_space<vmem>>) target_semaphore(%arg23 : memref<!tpu.dma_semaphore, #tpu.memory_space<semaphore_mem>>)
      %dma_start3A_212 = tpu.memref_slice %arg5[%mul3A_209] : memref<160000xi32, #tpu.memory_space<hbm>> -> memref<128xi32, #tpu.memory_space<hbm>>
      %dma_start3A_213 = tpu.memref_slice %arg5[%mul3A_209] : memref<160000xi32, #tpu.memory_space<hbm>> -> memref<128xi32, #tpu.memory_space<hbm>>
      tpu.enqueue_dma source(%dma_start3A_213 : memref<128xi32, #tpu.memory_space<hbm>>) target(%arg12 : memref<128xi32, #tpu.memory_space<vmem>>) target_semaphore(%arg23 : memref<!tpu.dma_semaphore, #tpu.memory_space<semaphore_mem>>)
      %mul3A_214 = arith.constant 128 : i32
      %mul3A_215 = arith.muli %arg0, %mul3A_214 : i32
      %dma_start3A_216 = tpu.memref_slice %arg3[%mul3A_209, %mul3A_215] : memref<160000x256xf32, #tpu.memory_space<hbm>> -> memref<128x128xf32, #tpu.memory_space<hbm>>
      %dma_start3A_217 = tpu.memref_slice %arg3[%mul3A_209, %mul3A_215] : memref<160000x256xf32, #tpu.memory_space<hbm>> -> memref<128x128xf32, #tpu.memory_space<hbm>>
      tpu.enqueue_dma source(%dma_start3A_217 : memref<128x128xf32, #tpu.memory_space<hbm>>) target(%arg15 : memref<128x128xf32, #tpu.memory_space<vmem>>) target_semaphore(%arg23 : memref<!tpu.dma_semaphore, #tpu.memory_space<semaphore_mem>>)
      %dma_start3A_218 = arith.constant 0 : i32
      %dma_start3A_219 = tpu.memref_slice %arg18[%dma_start3A_218] : memref<144xf32, #tpu.memory_space<vmem>> -> memref<128xf32, #tpu.memory_space<vmem>>
      %dma_start3A_220 = tpu.memref_slice %arg6[%mul3A_209] : memref<160000xf32, #tpu.memory_space<hbm>> -> memref<128xf32, #tpu.memory_space<hbm>>
      %dma_start3A_221 = arith.constant 0 : i32
      %dma_start3A_222 = tpu.memref_slice %arg18[%dma_start3A_221] : memref<144xf32, #tpu.memory_space<vmem>> -> memref<128xf32, #tpu.memory_space<vmem>>
      %dma_start3A_223 = tpu.memref_slice %arg6[%mul3A_209] : memref<160000xf32, #tpu.memory_space<hbm>> -> memref<128xf32, #tpu.memory_space<hbm>>
      tpu.enqueue_dma source(%dma_start3A_223 : memref<128xf32, #tpu.memory_space<hbm>>) target(%dma_start3A_222 : memref<128xf32, #tpu.memory_space<vmem>>) target_semaphore(%arg23 : memref<!tpu.dma_semaphore, #tpu.memory_space<semaphore_mem>>)
      %dma_wait3A_224 = tpu.memref_slice %arg4[%mul3A_209] : memref<160000xi32, #tpu.memory_space<hbm>> -> memref<128xi32, #tpu.memory_space<hbm>>
      %dma_wait3A_225 = tpu.memref_slice %arg4[%mul3A_209] : memref<160000xi32, #tpu.memory_space<hbm>> -> memref<128xi32, #tpu.memory_space<hbm>>
      tpu.wait_dma2 semaphore(%arg23 : memref<!tpu.dma_semaphore, #tpu.memory_space<semaphore_mem>>) src(%dma_wait3A_225 : memref<128xi32, #tpu.memory_space<hbm>>) dst(%arg9 : memref<128xi32, #tpu.memory_space<vmem>>)
      %dma_wait3A_226 = tpu.memref_slice %arg5[%mul3A_209] : memref<160000xi32, #tpu.memory_space<hbm>> -> memref<128xi32, #tpu.memory_space<hbm>>
      %dma_wait3A_227 = tpu.memref_slice %arg5[%mul3A_209] : memref<160000xi32, #tpu.memory_space<hbm>> -> memref<128xi32, #tpu.memory_space<hbm>>
      tpu.wait_dma2 semaphore(%arg23 : memref<!tpu.dma_semaphore, #tpu.memory_space<semaphore_mem>>) src(%dma_wait3A_227 : memref<128xi32, #tpu.memory_space<hbm>>) dst(%arg12 : memref<128xi32, #tpu.memory_space<vmem>>)
      %dma_wait3A_228 = tpu.memref_slice %arg3[%mul3A_209, %mul3A_215] : memref<160000x256xf32, #tpu.memory_space<hbm>> -> memref<128x128xf32, #tpu.memory_space<hbm>>
      %dma_wait3A_229 = tpu.memref_slice %arg3[%mul3A_209, %mul3A_215] : memref<160000x256xf32, #tpu.memory_space<hbm>> -> memref<128x128xf32, #tpu.memory_space<hbm>>
      tpu.wait_dma2 semaphore(%arg23 : memref<!tpu.dma_semaphore, #tpu.memory_space<semaphore_mem>>) src(%dma_wait3A_229 : memref<128x128xf32, #tpu.memory_space<hbm>>) dst(%arg15 : memref<128x128xf32, #tpu.memory_space<vmem>>)
      %dma_wait3A_230 = arith.constant 0 : i32
      %dma_wait3A_231 = tpu.memref_slice %arg18[%dma_wait3A_230] : memref<144xf32, #tpu.memory_space<vmem>> -> memref<128xf32, #tpu.memory_space<vmem>>
      %dma_wait3A_232 = tpu.memref_slice %arg6[%mul3A_209] : memref<160000xf32, #tpu.memory_space<hbm>> -> memref<128xf32, #tpu.memory_space<hbm>>
      %dma_wait3A_233 = arith.constant 0 : i32
      %dma_wait3A_234 = tpu.memref_slice %arg18[%dma_wait3A_233] : memref<144xf32, #tpu.memory_space<vmem>> -> memref<128xf32, #tpu.memory_space<vmem>>
      %dma_wait3A_235 = tpu.memref_slice %arg6[%mul3A_209] : memref<160000xf32, #tpu.memory_space<hbm>> -> memref<128xf32, #tpu.memory_space<hbm>>
      tpu.wait_dma2 semaphore(%arg23 : memref<!tpu.dma_semaphore, #tpu.memory_space<semaphore_mem>>) src(%dma_wait3A_235 : memref<128xf32, #tpu.memory_space<hbm>>) dst(%dma_wait3A_234 : memref<128xf32, #tpu.memory_space<vmem>>)
      %get3A_236 = arith.constant 0 : index
      %get3A_237 = tpu.vector_load %arg9[%get3A_236] {strides = array<i32>} : memref<128xi32, #tpu.memory_space<vmem>>, vector<16xi32>,
      %add3A_238 = vector.broadcast %mul3A_33 : i32 to vector<16xi32>
      %add3A_239 = arith.addi %get3A_237, %add3A_238 : vector<16xi32>
      %swap3A = arith.constant 0 : index
      %swap3A_240 = tpu.vector_load %arg9[%swap3A] {strides = array<i32>} : memref<128xi32, #tpu.memory_space<vmem>>, vector<16xi32>,
      tpu.vector_store %arg9[%swap3A], %add3A_239 {strides = array<i32>} : memref<128xi32, #tpu.memory_space<vmem>>, vector<16xi32>,
      %get3A_241 = arith.constant 16 : index
      %get3A_242 = tpu.vector_load %arg9[%get3A_241] {strides = array<i32>} : memref<128xi32, #tpu.memory_space<vmem>>, vector<16xi32>,
      %add3A_243 = vector.broadcast %mul3A_33 : i32 to vector<16xi32>
      %add3A_244 = arith.addi %get3A_242, %add3A_243 : vector<16xi32>
      %swap3A_245 = arith.constant 16 : index
      %swap3A_246 = tpu.vector_load %arg9[%swap3A_245] {strides = array<i32>} : memref<128xi32, #tpu.memory_space<vmem>>, vector<16xi32>,
      tpu.vector_store %arg9[%swap3A_245], %add3A_244 {strides = array<i32>} : memref<128xi32, #tpu.memory_space<vmem>>, vector<16xi32>,
      %get3A_247 = arith.constant 32 : index
      %get3A_248 = tpu.vector_load %arg9[%get3A_247] {strides = array<i32>} : memref<128xi32, #tpu.memory_space<vmem>>, vector<16xi32>,
      %add3A_249 = vector.broadcast %mul3A_33 : i32 to vector<16xi32>
      %add3A_250 = arith.addi %get3A_248, %add3A_249 : vector<16xi32>
      %swap3A_251 = arith.constant 32 : index
      %swap3A_252 = tpu.vector_load %arg9[%swap3A_251] {strides = array<i32>} : memref<128xi32, #tpu.memory_space<vmem>>, vector<16xi32>,
      tpu.vector_store %arg9[%swap3A_251], %add3A_250 {strides = array<i32>} : memref<128xi32, #tpu.memory_space<vmem>>, vector<16xi32>,
      %get3A_253 = arith.constant 48 : index
      %get3A_254 = tpu.vector_load %arg9[%get3A_253] {strides = array<i32>} : memref<128xi32, #tpu.memory_space<vmem>>, vector<16xi32>,
      %add3A_255 = vector.broadcast %mul3A_33 : i32 to vector<16xi32>
      %add3A_256 = arith.addi %get3A_254, %add3A_255 : vector<16xi32>
      %swap3A_257 = arith.constant 48 : index
      %swap3A_258 = tpu.vector_load %arg9[%swap3A_257] {strides = array<i32>} : memref<128xi32, #tpu.memory_space<vmem>>, vector<16xi32>,
      tpu.vector_store %arg9[%swap3A_257], %add3A_256 {strides = array<i32>} : memref<128xi32, #tpu.memory_space<vmem>>, vector<16xi32>,
      %get3A_259 = arith.constant 64 : index
      %get3A_260 = tpu.vector_load %arg9[%get3A_259] {strides = array<i32>} : memref<128xi32, #tpu.memory_space<vmem>>, vector<16xi32>,
      %add3A_261 = vector.broadcast %mul3A_33 : i32 to vector<16xi32>
      %add3A_262 = arith.addi %get3A_260, %add3A_261 : vector<16xi32>
      %swap3A_263 = arith.constant 64 : index
      %swap3A_264 = tpu.vector_load %arg9[%swap3A_263] {strides = array<i32>} : memref<128xi32, #tpu.memory_space<vmem>>, vector<16xi32>,
      tpu.vector_store %arg9[%swap3A_263], %add3A_262 {strides = array<i32>} : memref<128xi32, #tpu.memory_space<vmem>>, vector<16xi32>,
      %get3A_265 = arith.constant 80 : index
      %get3A_266 = tpu.vector_load %arg9[%get3A_265] {strides = array<i32>} : memref<128xi32, #tpu.memory_space<vmem>>, vector<16xi32>,
      %add3A_267 = vector.broadcast %mul3A_33 : i32 to vector<16xi32>
      %add3A_268 = arith.addi %get3A_266, %add3A_267 : vector<16xi32>
      %swap3A_269 = arith.constant 80 : index
      %swap3A_270 = tpu.vector_load %arg9[%swap3A_269] {strides = array<i32>} : memref<128xi32, #tpu.memory_space<vmem>>, vector<16xi32>,
      tpu.vector_store %arg9[%swap3A_269], %add3A_268 {strides = array<i32>} : memref<128xi32, #tpu.memory_space<vmem>>, vector<16xi32>,
      %get3A_271 = arith.constant 96 : index
      %get3A_272 = tpu.vector_load %arg9[%get3A_271] {strides = array<i32>} : memref<128xi32, #tpu.memory_space<vmem>>, vector<16xi32>,
      %add3A_273 = vector.broadcast %mul3A_33 : i32 to vector<16xi32>
      %add3A_274 = arith.addi %get3A_272, %add3A_273 : vector<16xi32>
      %swap3A_275 = arith.constant 96 : index
      %swap3A_276 = tpu.vector_load %arg9[%swap3A_275] {strides = array<i32>} : memref<128xi32, #tpu.memory_space<vmem>>, vector<16xi32>,
      tpu.vector_store %arg9[%swap3A_275], %add3A_274 {strides = array<i32>} : memref<128xi32, #tpu.memory_space<vmem>>, vector<16xi32>,
      %get3A_277 = arith.constant 112 : index
      %get3A_278 = tpu.vector_load %arg9[%get3A_277] {strides = array<i32>} : memref<128xi32, #tpu.memory_space<vmem>>, vector<16xi32>,
      %add3A_279 = vector.broadcast %mul3A_33 : i32 to vector<16xi32>
      %add3A_280 = arith.addi %get3A_278, %add3A_279 : vector<16xi32>
      %swap3A_281 = arith.constant 112 : index
      %swap3A_282 = tpu.vector_load %arg9[%swap3A_281] {strides = array<i32>} : memref<128xi32, #tpu.memory_space<vmem>>, vector<16xi32>,
      tpu.vector_store %arg9[%swap3A_281], %add3A_280 {strides = array<i32>} : memref<128xi32, #tpu.memory_space<vmem>>, vector<16xi32>,
      %dma_start3A_283 = arith.constant 0 : i32
      %dma_start3A_284 = arith.constant 0 : i32
      %dma_start3A_285 = tpu.memref_slice %arg2[%dma_start3A_283, %dma_start3A_284] : memref<20000x128xf32, #tpu.memory_space<hbm>> -> memref<20000x128xf32, #tpu.memory_space<hbm>>
      tpu.enqueue_indirect_dma source(%dma_start3A_285 : memref<20000x128xf32, #tpu.memory_space<hbm>>) target(%arg15 : memref<128x128xf32, #tpu.memory_space<vmem>>) offsets(%arg9 : memref<128xi32, #tpu.memory_space<vmem>>) semaphore(%arg26 : memref<!tpu.dma_semaphore, #tpu.memory_space<semaphore_mem>>) {add = true}
      %dma_wait3A_286 = arith.constant 0 : i32
      %dma_wait3A_287 = arith.constant 0 : i32
      %dma_wait3A_288 = tpu.memref_slice %arg2[%dma_wait3A_286, %dma_wait3A_287] : memref<20000x128xf32, #tpu.memory_space<hbm>> -> memref<20000x128xf32, #tpu.memory_space<hbm>>
      tpu.wait_indirect_dma semaphore(%arg26 : memref<!tpu.dma_semaphore, #tpu.memory_space<semaphore_mem>>) src(%dma_wait3A_288 : memref<20000x128xf32, #tpu.memory_space<hbm>>) dst(%arg15 : memref<128x128xf32, #tpu.memory_space<vmem>>)
      %scan3A_289 = arith.constant 0 : i32
      %scan3A_290 = arith.constant 0 : i32
      %scan3A_291 = arith.constant 128 : i32
      %scan3A_292 = arith.addi %scan3A_290, %scan3A_291 : i32
      %scan3A_293 = arith.constant 1 : i32
      scf.for %scan3A_295 = %scan3A_290 to %scan3A_292 step %scan3A_293  : i32 {
        %get3A_296 = arith.index_cast %scan3A_295 : i32 to index
        %get3A_297 = tpu.vector_load %arg18[%get3A_296] {strides = array<i32>} : memref<144xf32, #tpu.memory_space<vmem>>, vector<16xf32>,
        %slice3A = vector.extract_strided_slice %get3A_297 {offsets = [0], sizes = [1], strides = [1]} : vector<16xf32> to vector<1xf32>
        %squeeze3A = vector.extract %slice3A[0] : f32 from vector<1xf32>
        %get3A_298 = arith.index_cast %scan3A_295 : i32 to index
        %get3A_299 = arith.constant 0 : index
        %get3A_300 = tpu.vector_load %arg15[%get3A_298, %get3A_299] {strides = array<i32>} : memref<128x128xf32, #tpu.memory_space<vmem>>, vector<16xf32>,
        %mul3A_301 = vector.broadcast %squeeze3A : f32 to vector<16xf32>
        %mul3A_302 = arith.mulf %mul3A_301, %get3A_1 : vector<16xf32>
        %add3A_303 = arith.addf %get3A_300, %mul3A_302 : vector<16xf32>
        %max3A = arith.constant 0.000000e+00 : f32
        %max3A_304 = vector.broadcast %max3A : f32 to vector<16xf32>
        %max3A_305 = arith.maximumf %add3A_303, %max3A_304 : vector<16xf32>
        %swap3A_306 = arith.index_cast %scan3A_295 : i32 to index
        %swap3A_307 = arith.constant 0 : index
        %swap3A_308 = tpu.vector_load %arg15[%swap3A_306, %swap3A_307] {strides = array<i32>} : memref<128x128xf32, #tpu.memory_space<vmem>>, vector<16xf32>,
        tpu.vector_store %arg15[%swap3A_306, %swap3A_307], %max3A_305 {strides = array<i32>} : memref<128x128xf32, #tpu.memory_space<vmem>>, vector<16xf32>,
        %get3A_309 = arith.index_cast %scan3A_295 : i32 to index
        %get3A_310 = arith.constant 16 : index
        %get3A_311 = tpu.vector_load %arg15[%get3A_309, %get3A_310] {strides = array<i32>} : memref<128x128xf32, #tpu.memory_space<vmem>>, vector<16xf32>,
        %mul3A_312 = vector.broadcast %squeeze3A : f32 to vector<16xf32>
        %mul3A_313 = arith.mulf %mul3A_312, %get3A_3 : vector<16xf32>
        %add3A_314 = arith.addf %get3A_311, %mul3A_313 : vector<16xf32>
        %max3A_315 = arith.constant 0.000000e+00 : f32
        %max3A_316 = vector.broadcast %max3A_315 : f32 to vector<16xf32>
        %max3A_317 = arith.maximumf %add3A_314, %max3A_316 : vector<16xf32>
        %swap3A_318 = arith.index_cast %scan3A_295 : i32 to index
        %swap3A_319 = arith.constant 16 : index
        %swap3A_320 = tpu.vector_load %arg15[%swap3A_318, %swap3A_319] {strides = array<i32>} : memref<128x128xf32, #tpu.memory_space<vmem>>, vector<16xf32>,
        tpu.vector_store %arg15[%swap3A_318, %swap3A_319], %max3A_317 {strides = array<i32>} : memref<128x128xf32, #tpu.memory_space<vmem>>, vector<16xf32>,
        %get3A_321 = arith.index_cast %scan3A_295 : i32 to index
        %get3A_322 = arith.constant 32 : index
        %get3A_323 = tpu.vector_load %arg15[%get3A_321, %get3A_322] {strides = array<i32>} : memref<128x128xf32, #tpu.memory_space<vmem>>, vector<16xf32>,
        %mul3A_324 = vector.broadcast %squeeze3A : f32 to vector<16xf32>
        %mul3A_325 = arith.mulf %mul3A_324, %get3A_5 : vector<16xf32>
        %add3A_326 = arith.addf %get3A_323, %mul3A_325 : vector<16xf32>
        %max3A_327 = arith.constant 0.000000e+00 : f32
        %max3A_328 = vector.broadcast %max3A_327 : f32 to vector<16xf32>
        %max3A_329 = arith.maximumf %add3A_326, %max3A_328 : vector<16xf32>
        %swap3A_330 = arith.index_cast %scan3A_295 : i32 to index
        %swap3A_331 = arith.constant 32 : index
        %swap3A_332 = tpu.vector_load %arg15[%swap3A_330, %swap3A_331] {strides = array<i32>} : memref<128x128xf32, #tpu.memory_space<vmem>>, vector<16xf32>,
        tpu.vector_store %arg15[%swap3A_330, %swap3A_331], %max3A_329 {strides = array<i32>} : memref<128x128xf32, #tpu.memory_space<vmem>>, vector<16xf32>,
        %get3A_333 = arith.index_cast %scan3A_295 : i32 to index
        %get3A_334 = arith.constant 48 : index
        %get3A_335 = tpu.vector_load %arg15[%get3A_333, %get3A_334] {strides = array<i32>} : memref<128x128xf32, #tpu.memory_space<vmem>>, vector<16xf32>,
        %mul3A_336 = vector.broadcast %squeeze3A : f32 to vector<16xf32>
        %mul3A_337 = arith.mulf %mul3A_336, %get3A_7 : vector<16xf32>
        %add3A_338 = arith.addf %get3A_335, %mul3A_337 : vector<16xf32>
        %max3A_339 = arith.constant 0.000000e+00 : f32
        %max3A_340 = vector.broadcast %max3A_339 : f32 to vector<16xf32>
        %max3A_341 = arith.maximumf %add3A_338, %max3A_340 : vector<16xf32>
        %swap3A_342 = arith.index_cast %scan3A_295 : i32 to index
        %swap3A_343 = arith.constant 48 : index
        %swap3A_344 = tpu.vector_load %arg15[%swap3A_342, %swap3A_343] {strides = array<i32>} : memref<128x128xf32, #tpu.memory_space<vmem>>, vector<16xf32>,
        tpu.vector_store %arg15[%swap3A_342, %swap3A_343], %max3A_341 {strides = array<i32>} : memref<128x128xf32, #tpu.memory_space<vmem>>, vector<16xf32>,
        %get3A_345 = arith.index_cast %scan3A_295 : i32 to index
        %get3A_346 = arith.constant 64 : index
        %get3A_347 = tpu.vector_load %arg15[%get3A_345, %get3A_346] {strides = array<i32>} : memref<128x128xf32, #tpu.memory_space<vmem>>, vector<16xf32>,
        %mul3A_348 = vector.broadcast %squeeze3A : f32 to vector<16xf32>
        %mul3A_349 = arith.mulf %mul3A_348, %get3A_9 : vector<16xf32>
        %add3A_350 = arith.addf %get3A_347, %mul3A_349 : vector<16xf32>
        %max3A_351 = arith.constant 0.000000e+00 : f32
        %max3A_352 = vector.broadcast %max3A_351 : f32 to vector<16xf32>
        %max3A_353 = arith.maximumf %add3A_350, %max3A_352 : vector<16xf32>
        %swap3A_354 = arith.index_cast %scan3A_295 : i32 to index
        %swap3A_355 = arith.constant 64 : index
        %swap3A_356 = tpu.vector_load %arg15[%swap3A_354, %swap3A_355] {strides = array<i32>} : memref<128x128xf32, #tpu.memory_space<vmem>>, vector<16xf32>,
        tpu.vector_store %arg15[%swap3A_354, %swap3A_355], %max3A_353 {strides = array<i32>} : memref<128x128xf32, #tpu.memory_space<vmem>>, vector<16xf32>,
        %get3A_357 = arith.index_cast %scan3A_295 : i32 to index
        %get3A_358 = arith.constant 80 : index
        %get3A_359 = tpu.vector_load %arg15[%get3A_357, %get3A_358] {strides = array<i32>} : memref<128x128xf32, #tpu.memory_space<vmem>>, vector<16xf32>,
        %mul3A_360 = vector.broadcast %squeeze3A : f32 to vector<16xf32>
        %mul3A_361 = arith.mulf %mul3A_360, %get3A_11 : vector<16xf32>
        %add3A_362 = arith.addf %get3A_359, %mul3A_361 : vector<16xf32>
        %max3A_363 = arith.constant 0.000000e+00 : f32
        %max3A_364 = vector.broadcast %max3A_363 : f32 to vector<16xf32>
        %max3A_365 = arith.maximumf %add3A_362, %max3A_364 : vector<16xf32>
        %swap3A_366 = arith.index_cast %scan3A_295 : i32 to index
        %swap3A_367 = arith.constant 80 : index
        %swap3A_368 = tpu.vector_load %arg15[%swap3A_366, %swap3A_367] {strides = array<i32>} : memref<128x128xf32, #tpu.memory_space<vmem>>, vector<16xf32>,
        tpu.vector_store %arg15[%swap3A_366, %swap3A_367], %max3A_365 {strides = array<i32>} : memref<128x128xf32, #tpu.memory_space<vmem>>, vector<16xf32>,
        %get3A_369 = arith.index_cast %scan3A_295 : i32 to index
        %get3A_370 = arith.constant 96 : index
        %get3A_371 = tpu.vector_load %arg15[%get3A_369, %get3A_370] {strides = array<i32>} : memref<128x128xf32, #tpu.memory_space<vmem>>, vector<16xf32>,
        %mul3A_372 = vector.broadcast %squeeze3A : f32 to vector<16xf32>
        %mul3A_373 = arith.mulf %mul3A_372, %get3A_13 : vector<16xf32>
        %add3A_374 = arith.addf %get3A_371, %mul3A_373 : vector<16xf32>
        %max3A_375 = arith.constant 0.000000e+00 : f32
        %max3A_376 = vector.broadcast %max3A_375 : f32 to vector<16xf32>
        %max3A_377 = arith.maximumf %add3A_374, %max3A_376 : vector<16xf32>
        %swap3A_378 = arith.index_cast %scan3A_295 : i32 to index
        %swap3A_379 = arith.constant 96 : index
        %swap3A_380 = tpu.vector_load %arg15[%swap3A_378, %swap3A_379] {strides = array<i32>} : memref<128x128xf32, #tpu.memory_space<vmem>>, vector<16xf32>,
        tpu.vector_store %arg15[%swap3A_378, %swap3A_379], %max3A_377 {strides = array<i32>} : memref<128x128xf32, #tpu.memory_space<vmem>>, vector<16xf32>,
        %get3A_381 = arith.index_cast %scan3A_295 : i32 to index
        %get3A_382 = arith.constant 112 : index
        %get3A_383 = tpu.vector_load %arg15[%get3A_381, %get3A_382] {strides = array<i32>} : memref<128x128xf32, #tpu.memory_space<vmem>>, vector<16xf32>,
        %mul3A_384 = vector.broadcast %squeeze3A : f32 to vector<16xf32>
        %mul3A_385 = arith.mulf %mul3A_384, %get3A_15 : vector<16xf32>
        %add3A_386 = arith.addf %get3A_383, %mul3A_385 : vector<16xf32>
        %max3A_387 = arith.constant 0.000000e+00 : f32
        %max3A_388 = vector.broadcast %max3A_387 : f32 to vector<16xf32>
        %max3A_389 = arith.maximumf %add3A_386, %max3A_388 : vector<16xf32>
        %swap3A_390 = arith.index_cast %scan3A_295 : i32 to index
        %swap3A_391 = arith.constant 112 : index
        %swap3A_392 = tpu.vector_load %arg15[%swap3A_390, %swap3A_391] {strides = array<i32>} : memref<128x128xf32, #tpu.memory_space<vmem>>, vector<16xf32>,
        tpu.vector_store %arg15[%swap3A_390, %swap3A_391], %max3A_389 {strides = array<i32>} : memref<128x128xf32, #tpu.memory_space<vmem>>, vector<16xf32>,
      }
      %scan3A_294 = arith.constant 128 : i32
      "tpu.region"() ({
        %run_scoped3A = tpu.sem_alloc : memref<!tpu.dma_semaphore, #tpu.memory_space<semaphore_mem>>
        %dma_start3A_295 = arith.constant 0 : i32
        %dma_start3A_296 = arith.constant 0 : i32
        %dma_start3A_297 = tpu.memref_slice %arg22[%dma_start3A_295, %dma_start3A_296] : memref<10000x128xf32, #tpu.memory_space<vmem_shared>> -> memref<10000x128xf32, #tpu.memory_space<vmem_shared>>
        tpu.enqueue_indirect_dma source(%arg15 : memref<128x128xf32, #tpu.memory_space<vmem>>) target(%dma_start3A_297 : memref<10000x128xf32, #tpu.memory_space<vmem_shared>>) offsets(%arg12 : memref<128xi32, #tpu.memory_space<vmem>>) semaphore(%run_scoped3A : memref<!tpu.dma_semaphore, #tpu.memory_space<semaphore_mem>>) {add = true}
        %dma_wait3A_298 = arith.constant 0 : i32
        %dma_wait3A_299 = arith.constant 0 : i32
        %dma_wait3A_300 = tpu.memref_slice %arg22[%dma_wait3A_298, %dma_wait3A_299] : memref<10000x128xf32, #tpu.memory_space<vmem_shared>> -> memref<10000x128xf32, #tpu.memory_space<vmem_shared>>
        tpu.wait_indirect_dma semaphore(%run_scoped3A : memref<!tpu.dma_semaphore, #tpu.memory_space<semaphore_mem>>) src(%arg15 : memref<128x128xf32, #tpu.memory_space<vmem>>) dst(%dma_wait3A_300 : memref<10000x128xf32, #tpu.memory_space<vmem_shared>>)
        tpu.yield
      }) : () -> ()
    }
    %while3A_168 = arith.constant 1 : i32
    scf.for %while3A_205 = %while3A_166 to %while3A_162 step %while3A_168  : i32 {
      %add3A_206 = arith.constant 1248 : i32
      %add3A_207 = arith.addi %add3A_206, %arg1 : i32
      %mul3A_208 = arith.constant 128 : i32
      %mul3A_209 = arith.muli %add3A_207, %mul3A_208 : i32
      %dma_start3A_210 = tpu.memref_slice %arg4[%mul3A_209] : memref<160000xi32, #tpu.memory_space<hbm>> -> memref<128xi32, #tpu.memory_space<hbm>>
      %dma_start3A_211 = tpu.memref_slice %arg4[%mul3A_209] : memref<160000xi32, #tpu.memory_space<hbm>> -> memref<128xi32, #tpu.memory_space<hbm>>
      tpu.enqueue_dma source(%dma_start3A_211 : memref<128xi32, #tpu.memory_space<hbm>>) target(%arg9 : memref<128xi32, #tpu.memory_space<vmem>>) target_semaphore(%arg23 : memref<!tpu.dma_semaphore, #tpu.memory_space<semaphore_mem>>)
      %dma_start3A_212 = tpu.memref_slice %arg5[%mul3A_209] : memref<160000xi32, #tpu.memory_space<hbm>> -> memref<128xi32, #tpu.memory_space<hbm>>
      %dma_start3A_213 = tpu.memref_slice %arg5[%mul3A_209] : memref<160000xi32, #tpu.memory_space<hbm>> -> memref<128xi32, #tpu.memory_space<hbm>>
      tpu.enqueue_dma source(%dma_start3A_213 : memref<128xi32, #tpu.memory_space<hbm>>) target(%arg12 : memref<128xi32, #tpu.memory_space<vmem>>) target_semaphore(%arg23 : memref<!tpu.dma_semaphore, #tpu.memory_space<semaphore_mem>>)
      %mul3A_214 = arith.constant 128 : i32
      %mul3A_215 = arith.muli %arg0, %mul3A_214 : i32
      %dma_start3A_216 = tpu.memref_slice %arg3[%mul3A_209, %mul3A_215] : memref<160000x256xf32, #tpu.memory_space<hbm>> -> memref<128x128xf32, #tpu.memory_space<hbm>>
      %dma_start3A_217 = tpu.memref_slice %arg3[%mul3A_209, %mul3A_215] : memref<160000x256xf32, #tpu.memory_space<hbm>> -> memref<128x128xf32, #tpu.memory_space<hbm>>
      tpu.enqueue_dma source(%dma_start3A_217 : memref<128x128xf32, #tpu.memory_space<hbm>>) target(%arg15 : memref<128x128xf32, #tpu.memory_space<vmem>>) target_semaphore(%arg23 : memref<!tpu.dma_semaphore, #tpu.memory_space<semaphore_mem>>)
      %dma_start3A_218 = arith.constant 0 : i32
      %dma_start3A_219 = tpu.memref_slice %arg18[%dma_start3A_218] : memref<144xf32, #tpu.memory_space<vmem>> -> memref<128xf32, #tpu.memory_space<vmem>>
      %dma_start3A_220 = tpu.memref_slice %arg6[%mul3A_209] : memref<160000xf32, #tpu.memory_space<hbm>> -> memref<128xf32, #tpu.memory_space<hbm>>
      %dma_start3A_221 = arith.constant 0 : i32
      %dma_start3A_222 = tpu.memref_slice %arg18[%dma_start3A_221] : memref<144xf32, #tpu.memory_space<vmem>> -> memref<128xf32, #tpu.memory_space<vmem>>
      %dma_start3A_223 = tpu.memref_slice %arg6[%mul3A_209] : memref<160000xf32, #tpu.memory_space<hbm>> -> memref<128xf32, #tpu.memory_space<hbm>>
      tpu.enqueue_dma source(%dma_start3A_223 : memref<128xf32, #tpu.memory_space<hbm>>) target(%dma_start3A_222 : memref<128xf32, #tpu.memory_space<vmem>>) target_semaphore(%arg23 : memref<!tpu.dma_semaphore, #tpu.memory_space<semaphore_mem>>)
      %dma_wait3A_224 = tpu.memref_slice %arg4[%mul3A_209] : memref<160000xi32, #tpu.memory_space<hbm>> -> memref<128xi32, #tpu.memory_space<hbm>>
      %dma_wait3A_225 = tpu.memref_slice %arg4[%mul3A_209] : memref<160000xi32, #tpu.memory_space<hbm>> -> memref<128xi32, #tpu.memory_space<hbm>>
      tpu.wait_dma2 semaphore(%arg23 : memref<!tpu.dma_semaphore, #tpu.memory_space<semaphore_mem>>) src(%dma_wait3A_225 : memref<128xi32, #tpu.memory_space<hbm>>) dst(%arg9 : memref<128xi32, #tpu.memory_space<vmem>>)
      %dma_wait3A_226 = tpu.memref_slice %arg5[%mul3A_209] : memref<160000xi32, #tpu.memory_space<hbm>> -> memref<128xi32, #tpu.memory_space<hbm>>
      %dma_wait3A_227 = tpu.memref_slice %arg5[%mul3A_209] : memref<160000xi32, #tpu.memory_space<hbm>> -> memref<128xi32, #tpu.memory_space<hbm>>
      tpu.wait_dma2 semaphore(%arg23 : memref<!tpu.dma_semaphore, #tpu.memory_space<semaphore_mem>>) src(%dma_wait3A_227 : memref<128xi32, #tpu.memory_space<hbm>>) dst(%arg12 : memref<128xi32, #tpu.memory_space<vmem>>)
      %dma_wait3A_228 = tpu.memref_slice %arg3[%mul3A_209, %mul3A_215] : memref<160000x256xf32, #tpu.memory_space<hbm>> -> memref<128x128xf32, #tpu.memory_space<hbm>>
      %dma_wait3A_229 = tpu.memref_slice %arg3[%mul3A_209, %mul3A_215] : memref<160000x256xf32, #tpu.memory_space<hbm>> -> memref<128x128xf32, #tpu.memory_space<hbm>>
      tpu.wait_dma2 semaphore(%arg23 : memref<!tpu.dma_semaphore, #tpu.memory_space<semaphore_mem>>) src(%dma_wait3A_229 : memref<128x128xf32, #tpu.memory_space<hbm>>) dst(%arg15 : memref<128x128xf32, #tpu.memory_space<vmem>>)
      %dma_wait3A_230 = arith.constant 0 : i32
      %dma_wait3A_231 = tpu.memref_slice %arg18[%dma_wait3A_230] : memref<144xf32, #tpu.memory_space<vmem>> -> memref<128xf32, #tpu.memory_space<vmem>>
      %dma_wait3A_232 = tpu.memref_slice %arg6[%mul3A_209] : memref<160000xf32, #tpu.memory_space<hbm>> -> memref<128xf32, #tpu.memory_space<hbm>>
      %dma_wait3A_233 = arith.constant 0 : i32
      %dma_wait3A_234 = tpu.memref_slice %arg18[%dma_wait3A_233] : memref<144xf32, #tpu.memory_space<vmem>> -> memref<128xf32, #tpu.memory_space<vmem>>
      %dma_wait3A_235 = tpu.memref_slice %arg6[%mul3A_209] : memref<160000xf32, #tpu.memory_space<hbm>> -> memref<128xf32, #tpu.memory_space<hbm>>
      tpu.wait_dma2 semaphore(%arg23 : memref<!tpu.dma_semaphore, #tpu.memory_space<semaphore_mem>>) src(%dma_wait3A_235 : memref<128xf32, #tpu.memory_space<hbm>>) dst(%dma_wait3A_234 : memref<128xf32, #tpu.memory_space<vmem>>)
      %get3A_236 = arith.constant 0 : index
      %get3A_237 = tpu.vector_load %arg9[%get3A_236] {strides = array<i32>} : memref<128xi32, #tpu.memory_space<vmem>>, vector<16xi32>,
      %add3A_238 = vector.broadcast %mul3A_33 : i32 to vector<16xi32>
      %add3A_239 = arith.addi %get3A_237, %add3A_238 : vector<16xi32>
      %swap3A = arith.constant 0 : index
      %swap3A_240 = tpu.vector_load %arg9[%swap3A] {strides = array<i32>} : memref<128xi32, #tpu.memory_space<vmem>>, vector<16xi32>,
      tpu.vector_store %arg9[%swap3A], %add3A_239 {strides = array<i32>} : memref<128xi32, #tpu.memory_space<vmem>>, vector<16xi32>,
      %get3A_241 = arith.constant 16 : index
      %get3A_242 = tpu.vector_load %arg9[%get3A_241] {strides = array<i32>} : memref<128xi32, #tpu.memory_space<vmem>>, vector<16xi32>,
      %add3A_243 = vector.broadcast %mul3A_33 : i32 to vector<16xi32>
      %add3A_244 = arith.addi %get3A_242, %add3A_243 : vector<16xi32>
      %swap3A_245 = arith.constant 16 : index
      %swap3A_246 = tpu.vector_load %arg9[%swap3A_245] {strides = array<i32>} : memref<128xi32, #tpu.memory_space<vmem>>, vector<16xi32>,
      tpu.vector_store %arg9[%swap3A_245], %add3A_244 {strides = array<i32>} : memref<128xi32, #tpu.memory_space<vmem>>, vector<16xi32>,
      %get3A_247 = arith.constant 32 : index
      %get3A_248 = tpu.vector_load %arg9[%get3A_247] {strides = array<i32>} : memref<128xi32, #tpu.memory_space<vmem>>, vector<16xi32>,
      %add3A_249 = vector.broadcast %mul3A_33 : i32 to vector<16xi32>
      %add3A_250 = arith.addi %get3A_248, %add3A_249 : vector<16xi32>
      %swap3A_251 = arith.constant 32 : index
      %swap3A_252 = tpu.vector_load %arg9[%swap3A_251] {strides = array<i32>} : memref<128xi32, #tpu.memory_space<vmem>>, vector<16xi32>,
      tpu.vector_store %arg9[%swap3A_251], %add3A_250 {strides = array<i32>} : memref<128xi32, #tpu.memory_space<vmem>>, vector<16xi32>,
      %get3A_253 = arith.constant 48 : index
      %get3A_254 = tpu.vector_load %arg9[%get3A_253] {strides = array<i32>} : memref<128xi32, #tpu.memory_space<vmem>>, vector<16xi32>,
      %add3A_255 = vector.broadcast %mul3A_33 : i32 to vector<16xi32>
      %add3A_256 = arith.addi %get3A_254, %add3A_255 : vector<16xi32>
      %swap3A_257 = arith.constant 48 : index
      %swap3A_258 = tpu.vector_load %arg9[%swap3A_257] {strides = array<i32>} : memref<128xi32, #tpu.memory_space<vmem>>, vector<16xi32>,
      tpu.vector_store %arg9[%swap3A_257], %add3A_256 {strides = array<i32>} : memref<128xi32, #tpu.memory_space<vmem>>, vector<16xi32>,
      %get3A_259 = arith.constant 64 : index
      %get3A_260 = tpu.vector_load %arg9[%get3A_259] {strides = array<i32>} : memref<128xi32, #tpu.memory_space<vmem>>, vector<16xi32>,
      %add3A_261 = vector.broadcast %mul3A_33 : i32 to vector<16xi32>
      %add3A_262 = arith.addi %get3A_260, %add3A_261 : vector<16xi32>
      %swap3A_263 = arith.constant 64 : index
      %swap3A_264 = tpu.vector_load %arg9[%swap3A_263] {strides = array<i32>} : memref<128xi32, #tpu.memory_space<vmem>>, vector<16xi32>,
      tpu.vector_store %arg9[%swap3A_263], %add3A_262 {strides = array<i32>} : memref<128xi32, #tpu.memory_space<vmem>>, vector<16xi32>,
      %get3A_265 = arith.constant 80 : index
      %get3A_266 = tpu.vector_load %arg9[%get3A_265] {strides = array<i32>} : memref<128xi32, #tpu.memory_space<vmem>>, vector<16xi32>,
      %add3A_267 = vector.broadcast %mul3A_33 : i32 to vector<16xi32>
      %add3A_268 = arith.addi %get3A_266, %add3A_267 : vector<16xi32>
      %swap3A_269 = arith.constant 80 : index
      %swap3A_270 = tpu.vector_load %arg9[%swap3A_269] {strides = array<i32>} : memref<128xi32, #tpu.memory_space<vmem>>, vector<16xi32>,
      tpu.vector_store %arg9[%swap3A_269], %add3A_268 {strides = array<i32>} : memref<128xi32, #tpu.memory_space<vmem>>, vector<16xi32>,
      %get3A_271 = arith.constant 96 : index
      %get3A_272 = tpu.vector_load %arg9[%get3A_271] {strides = array<i32>} : memref<128xi32, #tpu.memory_space<vmem>>, vector<16xi32>,
      %add3A_273 = vector.broadcast %mul3A_33 : i32 to vector<16xi32>
      %add3A_274 = arith.addi %get3A_272, %add3A_273 : vector<16xi32>
      %swap3A_275 = arith.constant 96 : index
      %swap3A_276 = tpu.vector_load %arg9[%swap3A_275] {strides = array<i32>} : memref<128xi32, #tpu.memory_space<vmem>>, vector<16xi32>,
      tpu.vector_store %arg9[%swap3A_275], %add3A_274 {strides = array<i32>} : memref<128xi32, #tpu.memory_space<vmem>>, vector<16xi32>,
      %get3A_277 = arith.constant 112 : index
      %get3A_278 = tpu.vector_load %arg9[%get3A_277] {strides = array<i32>} : memref<128xi32, #tpu.memory_space<vmem>>, vector<16xi32>,
      %add3A_279 = vector.broadcast %mul3A_33 : i32 to vector<16xi32>
      %add3A_280 = arith.addi %get3A_278, %add3A_279 : vector<16xi32>
      %swap3A_281 = arith.constant 112 : index
      %swap3A_282 = tpu.vector_load %arg9[%swap3A_281] {strides = array<i32>} : memref<128xi32, #tpu.memory_space<vmem>>, vector<16xi32>,
      tpu.vector_store %arg9[%swap3A_281], %add3A_280 {strides = array<i32>} : memref<128xi32, #tpu.memory_space<vmem>>, vector<16xi32>,
      %dma_start3A_283 = arith.constant 0 : i32
      %dma_start3A_284 = arith.constant 0 : i32
      %dma_start3A_285 = tpu.memref_slice %arg2[%dma_start3A_283, %dma_start3A_284] : memref<20000x128xf32, #tpu.memory_space<hbm>> -> memref<20000x128xf32, #tpu.memory_space<hbm>>
      tpu.enqueue_indirect_dma source(%dma_start3A_285 : memref<20000x128xf32, #tpu.memory_space<hbm>>) target(%arg15 : memref<128x128xf32, #tpu.memory_space<vmem>>) offsets(%arg9 : memref<128xi32, #tpu.memory_space<vmem>>) semaphore(%arg26 : memref<!tpu.dma_semaphore, #tpu.memory_space<semaphore_mem>>) {add = true}
      %dma_wait3A_286 = arith.constant 0 : i32
      %dma_wait3A_287 = arith.constant 0 : i32
      %dma_wait3A_288 = tpu.memref_slice %arg2[%dma_wait3A_286, %dma_wait3A_287] : memref<20000x128xf32, #tpu.memory_space<hbm>> -> memref<20000x128xf32, #tpu.memory_space<hbm>>
      tpu.wait_indirect_dma semaphore(%arg26 : memref<!tpu.dma_semaphore, #tpu.memory_space<semaphore_mem>>) src(%dma_wait3A_288 : memref<20000x128xf32, #tpu.memory_space<hbm>>) dst(%arg15 : memref<128x128xf32, #tpu.memory_space<vmem>>)
      %scan3A_289 = arith.constant 0 : i32
      %scan3A_290 = arith.constant 0 : i32
      %scan3A_291 = arith.constant 128 : i32
      %scan3A_292 = arith.addi %scan3A_290, %scan3A_291 : i32
      %scan3A_293 = arith.constant 1 : i32
      scf.for %scan3A_295 = %scan3A_290 to %scan3A_292 step %scan3A_293  : i32 {
        %get3A_296 = arith.index_cast %scan3A_295 : i32 to index
        %get3A_297 = tpu.vector_load %arg18[%get3A_296] {strides = array<i32>} : memref<144xf32, #tpu.memory_space<vmem>>, vector<16xf32>,
        %slice3A = vector.extract_strided_slice %get3A_297 {offsets = [0], sizes = [1], strides = [1]} : vector<16xf32> to vector<1xf32>
        %squeeze3A = vector.extract %slice3A[0] : f32 from vector<1xf32>
        %get3A_298 = arith.index_cast %scan3A_295 : i32 to index
        %get3A_299 = arith.constant 0 : index
        %get3A_300 = tpu.vector_load %arg15[%get3A_298, %get3A_299] {strides = array<i32>} : memref<128x128xf32, #tpu.memory_space<vmem>>, vector<16xf32>,
        %mul3A_301 = vector.broadcast %squeeze3A : f32 to vector<16xf32>
        %mul3A_302 = arith.mulf %mul3A_301, %get3A_1 : vector<16xf32>
        %add3A_303 = arith.addf %get3A_300, %mul3A_302 : vector<16xf32>
        %max3A = arith.constant 0.000000e+00 : f32
        %max3A_304 = vector.broadcast %max3A : f32 to vector<16xf32>
        %max3A_305 = arith.maximumf %add3A_303, %max3A_304 : vector<16xf32>
        %swap3A_306 = arith.index_cast %scan3A_295 : i32 to index
        %swap3A_307 = arith.constant 0 : index
        %swap3A_308 = tpu.vector_load %arg15[%swap3A_306, %swap3A_307] {strides = array<i32>} : memref<128x128xf32, #tpu.memory_space<vmem>>, vector<16xf32>,
        tpu.vector_store %arg15[%swap3A_306, %swap3A_307], %max3A_305 {strides = array<i32>} : memref<128x128xf32, #tpu.memory_space<vmem>>, vector<16xf32>,
        %get3A_309 = arith.index_cast %scan3A_295 : i32 to index
        %get3A_310 = arith.constant 16 : index
        %get3A_311 = tpu.vector_load %arg15[%get3A_309, %get3A_310] {strides = array<i32>} : memref<128x128xf32, #tpu.memory_space<vmem>>, vector<16xf32>,
        %mul3A_312 = vector.broadcast %squeeze3A : f32 to vector<16xf32>
        %mul3A_313 = arith.mulf %mul3A_312, %get3A_3 : vector<16xf32>
        %add3A_314 = arith.addf %get3A_311, %mul3A_313 : vector<16xf32>
        %max3A_315 = arith.constant 0.000000e+00 : f32
        %max3A_316 = vector.broadcast %max3A_315 : f32 to vector<16xf32>
        %max3A_317 = arith.maximumf %add3A_314, %max3A_316 : vector<16xf32>
        %swap3A_318 = arith.index_cast %scan3A_295 : i32 to index
        %swap3A_319 = arith.constant 16 : index
        %swap3A_320 = tpu.vector_load %arg15[%swap3A_318, %swap3A_319] {strides = array<i32>} : memref<128x128xf32, #tpu.memory_space<vmem>>, vector<16xf32>,
        tpu.vector_store %arg15[%swap3A_318, %swap3A_319], %max3A_317 {strides = array<i32>} : memref<128x128xf32, #tpu.memory_space<vmem>>, vector<16xf32>,
        %get3A_321 = arith.index_cast %scan3A_295 : i32 to index
        %get3A_322 = arith.constant 32 : index
        %get3A_323 = tpu.vector_load %arg15[%get3A_321, %get3A_322] {strides = array<i32>} : memref<128x128xf32, #tpu.memory_space<vmem>>, vector<16xf32>,
        %mul3A_324 = vector.broadcast %squeeze3A : f32 to vector<16xf32>
        %mul3A_325 = arith.mulf %mul3A_324, %get3A_5 : vector<16xf32>
        %add3A_326 = arith.addf %get3A_323, %mul3A_325 : vector<16xf32>
        %max3A_327 = arith.constant 0.000000e+00 : f32
        %max3A_328 = vector.broadcast %max3A_327 : f32 to vector<16xf32>
        %max3A_329 = arith.maximumf %add3A_326, %max3A_328 : vector<16xf32>
        %swap3A_330 = arith.index_cast %scan3A_295 : i32 to index
        %swap3A_331 = arith.constant 32 : index
        %swap3A_332 = tpu.vector_load %arg15[%swap3A_330, %swap3A_331] {strides = array<i32>} : memref<128x128xf32, #tpu.memory_space<vmem>>, vector<16xf32>,
        tpu.vector_store %arg15[%swap3A_330, %swap3A_331], %max3A_329 {strides = array<i32>} : memref<128x128xf32, #tpu.memory_space<vmem>>, vector<16xf32>,
        %get3A_333 = arith.index_cast %scan3A_295 : i32 to index
        %get3A_334 = arith.constant 48 : index
        %get3A_335 = tpu.vector_load %arg15[%get3A_333, %get3A_334] {strides = array<i32>} : memref<128x128xf32, #tpu.memory_space<vmem>>, vector<16xf32>,
        %mul3A_336 = vector.broadcast %squeeze3A : f32 to vector<16xf32>
        %mul3A_337 = arith.mulf %mul3A_336, %get3A_7 : vector<16xf32>
        %add3A_338 = arith.addf %get3A_335, %mul3A_337 : vector<16xf32>
        %max3A_339 = arith.constant 0.000000e+00 : f32
        %max3A_340 = vector.broadcast %max3A_339 : f32 to vector<16xf32>
        %max3A_341 = arith.maximumf %add3A_338, %max3A_340 : vector<16xf32>
        %swap3A_342 = arith.index_cast %scan3A_295 : i32 to index
        %swap3A_343 = arith.constant 48 : index
        %swap3A_344 = tpu.vector_load %arg15[%swap3A_342, %swap3A_343] {strides = array<i32>} : memref<128x128xf32, #tpu.memory_space<vmem>>, vector<16xf32>,
        tpu.vector_store %arg15[%swap3A_342, %swap3A_343], %max3A_341 {strides = array<i32>} : memref<128x128xf32, #tpu.memory_space<vmem>>, vector<16xf32>,
        %get3A_345 = arith.index_cast %scan3A_295 : i32 to index
        %get3A_346 = arith.constant 64 : index
        %get3A_347 = tpu.vector_load %arg15[%get3A_345, %get3A_346] {strides = array<i32>} : memref<128x128xf32, #tpu.memory_space<vmem>>, vector<16xf32>,
        %mul3A_348 = vector.broadcast %squeeze3A : f32 to vector<16xf32>
        %mul3A_349 = arith.mulf %mul3A_348, %get3A_9 : vector<16xf32>
        %add3A_350 = arith.addf %get3A_347, %mul3A_349 : vector<16xf32>
        %max3A_351 = arith.constant 0.000000e+00 : f32
        %max3A_352 = vector.broadcast %max3A_351 : f32 to vector<16xf32>
        %max3A_353 = arith.maximumf %add3A_350, %max3A_352 : vector<16xf32>
        %swap3A_354 = arith.index_cast %scan3A_295 : i32 to index
        %swap3A_355 = arith.constant 64 : index
        %swap3A_356 = tpu.vector_load %arg15[%swap3A_354, %swap3A_355] {strides = array<i32>} : memref<128x128xf32, #tpu.memory_space<vmem>>, vector<16xf32>,
        tpu.vector_store %arg15[%swap3A_354, %swap3A_355], %max3A_353 {strides = array<i32>} : memref<128x128xf32, #tpu.memory_space<vmem>>, vector<16xf32>,
        %get3A_357 = arith.index_cast %scan3A_295 : i32 to index
        %get3A_358 = arith.constant 80 : index
        %get3A_359 = tpu.vector_load %arg15[%get3A_357, %get3A_358] {strides = array<i32>} : memref<128x128xf32, #tpu.memory_space<vmem>>, vector<16xf32>,
        %mul3A_360 = vector.broadcast %squeeze3A : f32 to vector<16xf32>
        %mul3A_361 = arith.mulf %mul3A_360, %get3A_11 : vector<16xf32>
        %add3A_362 = arith.addf %get3A_359, %mul3A_361 : vector<16xf32>
        %max3A_363 = arith.constant 0.000000e+00 : f32
        %max3A_364 = vector.broadcast %max3A_363 : f32 to vector<16xf32>
        %max3A_365 = arith.maximumf %add3A_362, %max3A_364 : vector<16xf32>
        %swap3A_366 = arith.index_cast %scan3A_295 : i32 to index
        %swap3A_367 = arith.constant 80 : index
        %swap3A_368 = tpu.vector_load %arg15[%swap3A_366, %swap3A_367] {strides = array<i32>} : memref<128x128xf32, #tpu.memory_space<vmem>>, vector<16xf32>,
        tpu.vector_store %arg15[%swap3A_366, %swap3A_367], %max3A_365 {strides = array<i32>} : memref<128x128xf32, #tpu.memory_space<vmem>>, vector<16xf32>,
        %get3A_369 = arith.index_cast %scan3A_295 : i32 to index
        %get3A_370 = arith.constant 96 : index
        %get3A_371 = tpu.vector_load %arg15[%get3A_369, %get3A_370] {strides = array<i32>} : memref<128x128xf32, #tpu.memory_space<vmem>>, vector<16xf32>,
        %mul3A_372 = vector.broadcast %squeeze3A : f32 to vector<16xf32>
        %mul3A_373 = arith.mulf %mul3A_372, %get3A_13 : vector<16xf32>
        %add3A_374 = arith.addf %get3A_371, %mul3A_373 : vector<16xf32>
        %max3A_375 = arith.constant 0.000000e+00 : f32
        %max3A_376 = vector.broadcast %max3A_375 : f32 to vector<16xf32>
        %max3A_377 = arith.maximumf %add3A_374, %max3A_376 : vector<16xf32>
        %swap3A_378 = arith.index_cast %scan3A_295 : i32 to index
        %swap3A_379 = arith.constant 96 : index
        %swap3A_380 = tpu.vector_load %arg15[%swap3A_378, %swap3A_379] {strides = array<i32>} : memref<128x128xf32, #tpu.memory_space<vmem>>, vector<16xf32>,
        tpu.vector_store %arg15[%swap3A_378, %swap3A_379], %max3A_377 {strides = array<i32>} : memref<128x128xf32, #tpu.memory_space<vmem>>, vector<16xf32>,
        %get3A_381 = arith.index_cast %scan3A_295 : i32 to index
        %get3A_382 = arith.constant 112 : index
        %get3A_383 = tpu.vector_load %arg15[%get3A_381, %get3A_382] {strides = array<i32>} : memref<128x128xf32, #tpu.memory_space<vmem>>, vector<16xf32>,
        %mul3A_384 = vector.broadcast %squeeze3A : f32 to vector<16xf32>
        %mul3A_385 = arith.mulf %mul3A_384, %get3A_15 : vector<16xf32>
        %add3A_386 = arith.addf %get3A_383, %mul3A_385 : vector<16xf32>
        %max3A_387 = arith.constant 0.000000e+00 : f32
        %max3A_388 = vector.broadcast %max3A_387 : f32 to vector<16xf32>
        %max3A_389 = arith.maximumf %add3A_386, %max3A_388 : vector<16xf32>
        %swap3A_390 = arith.index_cast %scan3A_295 : i32 to index
        %swap3A_391 = arith.constant 112 : index
        %swap3A_392 = tpu.vector_load %arg15[%swap3A_390, %swap3A_391] {strides = array<i32>} : memref<128x128xf32, #tpu.memory_space<vmem>>, vector<16xf32>,
        tpu.vector_store %arg15[%swap3A_390, %swap3A_391], %max3A_389 {strides = array<i32>} : memref<128x128xf32, #tpu.memory_space<vmem>>, vector<16xf32>,
      }
      %scan3A_294 = arith.constant 128 : i32
      "tpu.region"() ({
        %run_scoped3A = tpu.sem_alloc : memref<!tpu.dma_semaphore, #tpu.memory_space<semaphore_mem>>
        %dma_start3A_295 = arith.constant 0 : i32
        %dma_start3A_296 = arith.constant 0 : i32
        %dma_start3A_297 = tpu.memref_slice %arg22[%dma_start3A_295, %dma_start3A_296] : memref<10000x128xf32, #tpu.memory_space<vmem_shared>> -> memref<10000x128xf32, #tpu.memory_space<vmem_shared>>
        tpu.enqueue_indirect_dma source(%arg15 : memref<128x128xf32, #tpu.memory_space<vmem>>) target(%dma_start3A_297 : memref<10000x128xf32, #tpu.memory_space<vmem_shared>>) offsets(%arg12 : memref<128xi32, #tpu.memory_space<vmem>>) semaphore(%run_scoped3A : memref<!tpu.dma_semaphore, #tpu.memory_space<semaphore_mem>>) {add = true}
        %dma_wait3A_298 = arith.constant 0 : i32
        %dma_wait3A_299 = arith.constant 0 : i32
        %dma_wait3A_300 = tpu.memref_slice %arg22[%dma_wait3A_298, %dma_wait3A_299] : memref<10000x128xf32, #tpu.memory_space<vmem_shared>> -> memref<10000x128xf32, #tpu.memory_space<vmem_shared>>
        tpu.wait_indirect_dma semaphore(%run_scoped3A : memref<!tpu.dma_semaphore, #tpu.memory_space<semaphore_mem>>) src(%arg15 : memref<128x128xf32, #tpu.memory_space<vmem>>) dst(%dma_wait3A_300 : memref<10000x128xf32, #tpu.memory_space<vmem_shared>>)
        tpu.yield
      }) : () -> ()
    }
    %barrier3A_169 = arith.constant 0 : index
    tpu.barrier barrier_id(%barrier3A_169)
    %add3A_170 = arith.constant 0 : i32
    %add3A_171 = arith.addi %mul3A_22, %add3A_170 : i32
    "tpu.region"() ({
      %run_scoped3A = tpu.sem_alloc : memref<!tpu.dma_semaphore, #tpu.memory_space<semaphore_mem>>
      %dma_start3A_205 = arith.constant 0 : i32
      %dma_start3A_206 = tpu.memref_slice %arg22[%add3A_171, %dma_start3A_205] : memref<10000x128xf32, #tpu.memory_space<vmem_shared>> -> memref<128x128xf32, #tpu.memory_space<vmem_shared>>
      %dma_start3A_207 = arith.constant 0 : i32
      %dma_start3A_208 = tpu.memref_slice %arg22[%add3A_171, %dma_start3A_207] : memref<10000x128xf32, #tpu.memory_space<vmem_shared>> -> memref<128x128xf32, #tpu.memory_space<vmem_shared>>
      tpu.enqueue_dma source(%dma_start3A_208 : memref<128x128xf32, #tpu.memory_space<vmem_shared>>) target(%arg15 : memref<128x128xf32, #tpu.memory_space<vmem>>) target_semaphore(%run_scoped3A : memref<!tpu.dma_semaphore, #tpu.memory_space<semaphore_mem>>)
      %dma_wait3A_209 = arith.constant 0 : i32
      %dma_wait3A_210 = tpu.memref_slice %arg22[%add3A_171, %dma_wait3A_209] : memref<10000x128xf32, #tpu.memory_space<vmem_shared>> -> memref<128x128xf32, #tpu.memory_space<vmem_shared>>
      %dma_wait3A_211 = arith.constant 0 : i32
      %dma_wait3A_212 = tpu.memref_slice %arg22[%add3A_171, %dma_wait3A_211] : memref<10000x128xf32, #tpu.memory_space<vmem_shared>> -> memref<128x128xf32, #tpu.memory_space<vmem_shared>>
      tpu.wait_dma2 semaphore(%run_scoped3A : memref<!tpu.dma_semaphore, #tpu.memory_space<semaphore_mem>>) src(%dma_wait3A_212 : memref<128x128xf32, #tpu.memory_space<vmem_shared>>) dst(%arg15 : memref<128x128xf32, #tpu.memory_space<vmem>>)
      tpu.yield
    }) : () -> ()
    %mul3A_172 = arith.constant 10000 : i32
    %mul3A_173 = arith.muli %arg0, %mul3A_172 : i32
    %add3A_174 = arith.addi %mul3A_173, %mul3A_22 : i32
    %add3A_175 = arith.constant 0 : i32
    %add3A_176 = arith.addi %add3A_174, %add3A_175 : i32
    "tpu.region"() ({
      %run_scoped3A = tpu.sem_alloc : memref<!tpu.dma_semaphore, #tpu.memory_space<semaphore_mem>>
      %dma_start3A_205 = arith.constant 0 : i32
      %dma_start3A_206 = tpu.memref_slice %arg8[%add3A_176, %dma_start3A_205] : memref<20000x128xf32, #tpu.memory_space<hbm>> -> memref<128x128xf32, #tpu.memory_space<hbm>>
      %dma_start3A_207 = arith.constant 0 : i32
      %dma_start3A_208 = tpu.memref_slice %arg8[%add3A_176, %dma_start3A_207] : memref<20000x128xf32, #tpu.memory_space<hbm>> -> memref<128x128xf32, #tpu.memory_space<hbm>>
      tpu.enqueue_dma source(%arg15 : memref<128x128xf32, #tpu.memory_space<vmem>>) target(%dma_start3A_208 : memref<128x128xf32, #tpu.memory_space<hbm>>) target_semaphore(%run_scoped3A : memref<!tpu.dma_semaphore, #tpu.memory_space<semaphore_mem>>)
      %dma_wait3A_209 = arith.constant 0 : i32
      %dma_wait3A_210 = tpu.memref_slice %arg8[%add3A_176, %dma_wait3A_209] : memref<20000x128xf32, #tpu.memory_space<hbm>> -> memref<128x128xf32, #tpu.memory_space<hbm>>
      %dma_wait3A_211 = arith.constant 0 : i32
      %dma_wait3A_212 = tpu.memref_slice %arg8[%add3A_176, %dma_wait3A_211] : memref<20000x128xf32, #tpu.memory_space<hbm>> -> memref<128x128xf32, #tpu.memory_space<hbm>>
      tpu.wait_dma2 semaphore(%run_scoped3A : memref<!tpu.dma_semaphore, #tpu.memory_space<semaphore_mem>>) src(%arg15 : memref<128x128xf32, #tpu.memory_space<vmem>>) dst(%dma_wait3A_212 : memref<128x128xf32, #tpu.memory_space<hbm>>)
      tpu.yield
    }) : () -> ()
    %add3A_177 = arith.constant 128 : i32
    %add3A_178 = arith.addi %mul3A_22, %add3A_177 : i32
    "tpu.region"() ({
      %run_scoped3A = tpu.sem_alloc : memref<!tpu.dma_semaphore, #tpu.memory_space<semaphore_mem>>
      %dma_start3A_205 = arith.constant 0 : i32
      %dma_start3A_206 = tpu.memref_slice %arg22[%add3A_178, %dma_start3A_205] : memref<10000x128xf32, #tpu.memory_space<vmem_shared>> -> memref<128x128xf32, #tpu.memory_space<vmem_shared>>
      %dma_start3A_207 = arith.constant 0 : i32
      %dma_start3A_208 = tpu.memref_slice %arg22[%add3A_178, %dma_start3A_207] : memref<10000x128xf32, #tpu.memory_space<vmem_shared>> -> memref<128x128xf32, #tpu.memory_space<vmem_shared>>
      tpu.enqueue_dma source(%dma_start3A_208 : memref<128x128xf32, #tpu.memory_space<vmem_shared>>) target(%arg15 : memref<128x128xf32, #tpu.memory_space<vmem>>) target_semaphore(%run_scoped3A : memref<!tpu.dma_semaphore, #tpu.memory_space<semaphore_mem>>)
      %dma_wait3A_209 = arith.constant 0 : i32
      %dma_wait3A_210 = tpu.memref_slice %arg22[%add3A_178, %dma_wait3A_209] : memref<10000x128xf32, #tpu.memory_space<vmem_shared>> -> memref<128x128xf32, #tpu.memory_space<vmem_shared>>
      %dma_wait3A_211 = arith.constant 0 : i32
      %dma_wait3A_212 = tpu.memref_slice %arg22[%add3A_178, %dma_wait3A_211] : memref<10000x128xf32, #tpu.memory_space<vmem_shared>> -> memref<128x128xf32, #tpu.memory_space<vmem_shared>>
      tpu.wait_dma2 semaphore(%run_scoped3A : memref<!tpu.dma_semaphore, #tpu.memory_space<semaphore_mem>>) src(%dma_wait3A_212 : memref<128x128xf32, #tpu.memory_space<vmem_shared>>) dst(%arg15 : memref<128x128xf32, #tpu.memory_space<vmem>>)
      tpu.yield
    }) : () -> ()
    %mul3A_179 = arith.constant 10000 : i32
    %mul3A_180 = arith.muli %arg0, %mul3A_179 : i32
    %add3A_181 = arith.addi %mul3A_180, %mul3A_22 : i32
    %add3A_182 = arith.constant 128 : i32
    %add3A_183 = arith.addi %add3A_181, %add3A_182 : i32
    "tpu.region"() ({
      %run_scoped3A = tpu.sem_alloc : memref<!tpu.dma_semaphore, #tpu.memory_space<semaphore_mem>>
      %dma_start3A_205 = arith.constant 0 : i32
      %dma_start3A_206 = tpu.memref_slice %arg8[%add3A_183, %dma_start3A_205] : memref<20000x128xf32, #tpu.memory_space<hbm>> -> memref<128x128xf32, #tpu.memory_space<hbm>>
      %dma_start3A_207 = arith.constant 0 : i32
      %dma_start3A_208 = tpu.memref_slice %arg8[%add3A_183, %dma_start3A_207] : memref<20000x128xf32, #tpu.memory_space<hbm>> -> memref<128x128xf32, #tpu.memory_space<hbm>>
      tpu.enqueue_dma source(%arg15 : memref<128x128xf32, #tpu.memory_space<vmem>>) target(%dma_start3A_208 : memref<128x128xf32, #tpu.memory_space<hbm>>) target_semaphore(%run_scoped3A : memref<!tpu.dma_semaphore, #tpu.memory_space<semaphore_mem>>)
      %dma_wait3A_209 = arith.constant 0 : i32
      %dma_wait3A_210 = tpu.memref_slice %arg8[%add3A_183, %dma_wait3A_209] : memref<20000x128xf32, #tpu.memory_space<hbm>> -> memref<128x128xf32, #tpu.memory_space<hbm>>
      %dma_wait3A_211 = arith.constant 0 : i32
      %dma_wait3A_212 = tpu.memref_slice %arg8[%add3A_183, %dma_wait3A_211] : memref<20000x128xf32, #tpu.memory_space<hbm>> -> memref<128x128xf32, #tpu.memory_space<hbm>>
      tpu.wait_dma2 semaphore(%run_scoped3A : memref<!tpu.dma_semaphore, #tpu.memory_space<semaphore_mem>>) src(%arg15 : memref<128x128xf32, #tpu.memory_space<vmem>>) dst(%dma_wait3A_212 : memref<128x128xf32, #tpu.memory_space<hbm>>)
      tpu.yield
    }) : () -> ()
    %add3A_184 = arith.constant 256 : i32
    %add3A_185 = arith.addi %mul3A_22, %add3A_184 : i32
    "tpu.region"() ({
      %run_scoped3A = tpu.sem_alloc : memref<!tpu.dma_semaphore, #tpu.memory_space<semaphore_mem>>
      %dma_start3A_205 = arith.constant 0 : i32
      %dma_start3A_206 = tpu.memref_slice %arg22[%add3A_185, %dma_start3A_205] : memref<10000x128xf32, #tpu.memory_space<vmem_shared>> -> memref<128x128xf32, #tpu.memory_space<vmem_shared>>
      %dma_start3A_207 = arith.constant 0 : i32
      %dma_start3A_208 = tpu.memref_slice %arg22[%add3A_185, %dma_start3A_207] : memref<10000x128xf32, #tpu.memory_space<vmem_shared>> -> memref<128x128xf32, #tpu.memory_space<vmem_shared>>
      tpu.enqueue_dma source(%dma_start3A_208 : memref<128x128xf32, #tpu.memory_space<vmem_shared>>) target(%arg15 : memref<128x128xf32, #tpu.memory_space<vmem>>) target_semaphore(%run_scoped3A : memref<!tpu.dma_semaphore, #tpu.memory_space<semaphore_mem>>)
      %dma_wait3A_209 = arith.constant 0 : i32
      %dma_wait3A_210 = tpu.memref_slice %arg22[%add3A_185, %dma_wait3A_209] : memref<10000x128xf32, #tpu.memory_space<vmem_shared>> -> memref<128x128xf32, #tpu.memory_space<vmem_shared>>
      %dma_wait3A_211 = arith.constant 0 : i32
      %dma_wait3A_212 = tpu.memref_slice %arg22[%add3A_185, %dma_wait3A_211] : memref<10000x128xf32, #tpu.memory_space<vmem_shared>> -> memref<128x128xf32, #tpu.memory_space<vmem_shared>>
      tpu.wait_dma2 semaphore(%run_scoped3A : memref<!tpu.dma_semaphore, #tpu.memory_space<semaphore_mem>>) src(%dma_wait3A_212 : memref<128x128xf32, #tpu.memory_space<vmem_shared>>) dst(%arg15 : memref<128x128xf32, #tpu.memory_space<vmem>>)
      tpu.yield
    }) : () -> ()
    %mul3A_186 = arith.constant 10000 : i32
    %mul3A_187 = arith.muli %arg0, %mul3A_186 : i32
    %add3A_188 = arith.addi %mul3A_187, %mul3A_22 : i32
    %add3A_189 = arith.constant 256 : i32
    %add3A_190 = arith.addi %add3A_188, %add3A_189 : i32
    "tpu.region"() ({
      %run_scoped3A = tpu.sem_alloc : memref<!tpu.dma_semaphore, #tpu.memory_space<semaphore_mem>>
      %dma_start3A_205 = arith.constant 0 : i32
      %dma_start3A_206 = tpu.memref_slice %arg8[%add3A_190, %dma_start3A_205] : memref<20000x128xf32, #tpu.memory_space<hbm>> -> memref<128x128xf32, #tpu.memory_space<hbm>>
      %dma_start3A_207 = arith.constant 0 : i32
      %dma_start3A_208 = tpu.memref_slice %arg8[%add3A_190, %dma_start3A_207] : memref<20000x128xf32, #tpu.memory_space<hbm>> -> memref<128x128xf32, #tpu.memory_space<hbm>>
      tpu.enqueue_dma source(%arg15 : memref<128x128xf32, #tpu.memory_space<vmem>>) target(%dma_start3A_208 : memref<128x128xf32, #tpu.memory_space<hbm>>) target_semaphore(%run_scoped3A : memref<!tpu.dma_semaphore, #tpu.memory_space<semaphore_mem>>)
      %dma_wait3A_209 = arith.constant 0 : i32
      %dma_wait3A_210 = tpu.memref_slice %arg8[%add3A_190, %dma_wait3A_209] : memref<20000x128xf32, #tpu.memory_space<hbm>> -> memref<128x128xf32, #tpu.memory_space<hbm>>
      %dma_wait3A_211 = arith.constant 0 : i32
      %dma_wait3A_212 = tpu.memref_slice %arg8[%add3A_190, %dma_wait3A_211] : memref<20000x128xf32, #tpu.memory_space<hbm>> -> memref<128x128xf32, #tpu.memory_space<hbm>>
      tpu.wait_dma2 semaphore(%run_scoped3A : memref<!tpu.dma_semaphore, #tpu.memory_space<semaphore_mem>>) src(%arg15 : memref<128x128xf32, #tpu.memory_space<vmem>>) dst(%dma_wait3A_212 : memref<128x128xf32, #tpu.memory_space<hbm>>)
      tpu.yield
    }) : () -> ()
    %add3A_191 = arith.constant 384 : i32
    %add3A_192 = arith.addi %mul3A_22, %add3A_191 : i32
    "tpu.region"() ({
      %run_scoped3A = tpu.sem_alloc : memref<!tpu.dma_semaphore, #tpu.memory_space<semaphore_mem>>
      %dma_start3A_205 = arith.constant 0 : i32
      %dma_start3A_206 = tpu.memref_slice %arg22[%add3A_192, %dma_start3A_205] : memref<10000x128xf32, #tpu.memory_space<vmem_shared>> -> memref<128x128xf32, #tpu.memory_space<vmem_shared>>
      %dma_start3A_207 = arith.constant 0 : i32
      %dma_start3A_208 = tpu.memref_slice %arg22[%add3A_192, %dma_start3A_207] : memref<10000x128xf32, #tpu.memory_space<vmem_shared>> -> memref<128x128xf32, #tpu.memory_space<vmem_shared>>
      tpu.enqueue_dma source(%dma_start3A_208 : memref<128x128xf32, #tpu.memory_space<vmem_shared>>) target(%arg15 : memref<128x128xf32, #tpu.memory_space<vmem>>) target_semaphore(%run_scoped3A : memref<!tpu.dma_semaphore, #tpu.memory_space<semaphore_mem>>)
      %dma_wait3A_209 = arith.constant 0 : i32
      %dma_wait3A_210 = tpu.memref_slice %arg22[%add3A_192, %dma_wait3A_209] : memref<10000x128xf32, #tpu.memory_space<vmem_shared>> -> memref<128x128xf32, #tpu.memory_space<vmem_shared>>
      %dma_wait3A_211 = arith.constant 0 : i32
      %dma_wait3A_212 = tpu.memref_slice %arg22[%add3A_192, %dma_wait3A_211] : memref<10000x128xf32, #tpu.memory_space<vmem_shared>> -> memref<128x128xf32, #tpu.memory_space<vmem_shared>>
      tpu.wait_dma2 semaphore(%run_scoped3A : memref<!tpu.dma_semaphore, #tpu.memory_space<semaphore_mem>>) src(%dma_wait3A_212 : memref<128x128xf32, #tpu.memory_space<vmem_shared>>) dst(%arg15 : memref<128x128xf32, #tpu.memory_space<vmem>>)
      tpu.yield
    }) : () -> ()
    %mul3A_193 = arith.constant 10000 : i32
    %mul3A_194 = arith.muli %arg0, %mul3A_193 : i32
    %add3A_195 = arith.addi %mul3A_194, %mul3A_22 : i32
    %add3A_196 = arith.constant 384 : i32
    %add3A_197 = arith.addi %add3A_195, %add3A_196 : i32
    "tpu.region"() ({
      %run_scoped3A = tpu.sem_alloc : memref<!tpu.dma_semaphore, #tpu.memory_space<semaphore_mem>>
      %dma_start3A_205 = arith.constant 0 : i32
      %dma_start3A_206 = tpu.memref_slice %arg8[%add3A_197, %dma_start3A_205] : memref<20000x128xf32, #tpu.memory_space<hbm>> -> memref<128x128xf32, #tpu.memory_space<hbm>>
      %dma_start3A_207 = arith.constant 0 : i32
      %dma_start3A_208 = tpu.memref_slice %arg8[%add3A_197, %dma_start3A_207] : memref<20000x128xf32, #tpu.memory_space<hbm>> -> memref<128x128xf32, #tpu.memory_space<hbm>>
      tpu.enqueue_dma source(%arg15 : memref<128x128xf32, #tpu.memory_space<vmem>>) target(%dma_start3A_208 : memref<128x128xf32, #tpu.memory_space<hbm>>) target_semaphore(%run_scoped3A : memref<!tpu.dma_semaphore, #tpu.memory_space<semaphore_mem>>)
      %dma_wait3A_209 = arith.constant 0 : i32
      %dma_wait3A_210 = tpu.memref_slice %arg8[%add3A_197, %dma_wait3A_209] : memref<20000x128xf32, #tpu.memory_space<hbm>> -> memref<128x128xf32, #tpu.memory_space<hbm>>
      %dma_wait3A_211 = arith.constant 0 : i32
      %dma_wait3A_212 = tpu.memref_slice %arg8[%add3A_197, %dma_wait3A_211] : memref<20000x128xf32, #tpu.memory_space<hbm>> -> memref<128x128xf32, #tpu.memory_space<hbm>>
      tpu.wait_dma2 semaphore(%run_scoped3A : memref<!tpu.dma_semaphore, #tpu.memory_space<semaphore_mem>>) src(%arg15 : memref<128x128xf32, #tpu.memory_space<vmem>>) dst(%dma_wait3A_212 : memref<128x128xf32, #tpu.memory_space<hbm>>)
      tpu.yield
    }) : () -> ()
    %add3A_198 = arith.constant 512 : i32
    %add3A_199 = arith.addi %mul3A_22, %add3A_198 : i32
    "tpu.region"() ({
      %run_scoped3A = tpu.sem_alloc : memref<!tpu.dma_semaphore, #tpu.memory_space<semaphore_mem>>
      %dma_start3A_205 = arith.constant 0 : i32
      %dma_start3A_206 = tpu.memref_slice %arg22[%add3A_199, %dma_start3A_205] : memref<10000x128xf32, #tpu.memory_space<vmem_shared>> -> memref<128x128xf32, #tpu.memory_space<vmem_shared>>
      %dma_start3A_207 = arith.constant 0 : i32
      %dma_start3A_208 = tpu.memref_slice %arg22[%add3A_199, %dma_start3A_207] : memref<10000x128xf32, #tpu.memory_space<vmem_shared>> -> memref<128x128xf32, #tpu.memory_space<vmem_shared>>
      tpu.enqueue_dma source(%dma_start3A_208 : memref<128x128xf32, #tpu.memory_space<vmem_shared>>) target(%arg15 : memref<128x128xf32, #tpu.memory_space<vmem>>) target_semaphore(%run_scoped3A : memref<!tpu.dma_semaphore, #tpu.memory_space<semaphore_mem>>)
      %dma_wait3A_209 = arith.constant 0 : i32
      %dma_wait3A_210 = tpu.memref_slice %arg22[%add3A_199, %dma_wait3A_209] : memref<10000x128xf32, #tpu.memory_space<vmem_shared>> -> memref<128x128xf32, #tpu.memory_space<vmem_shared>>
      %dma_wait3A_211 = arith.constant 0 : i32
      %dma_wait3A_212 = tpu.memref_slice %arg22[%add3A_199, %dma_wait3A_211] : memref<10000x128xf32, #tpu.memory_space<vmem_shared>> -> memref<128x128xf32, #tpu.memory_space<vmem_shared>>
      tpu.wait_dma2 semaphore(%run_scoped3A : memref<!tpu.dma_semaphore, #tpu.memory_space<semaphore_mem>>) src(%dma_wait3A_212 : memref<128x128xf32, #tpu.memory_space<vmem_shared>>) dst(%arg15 : memref<128x128xf32, #tpu.memory_space<vmem>>)
      tpu.yield
    }) : () -> ()
    %mul3A_200 = arith.constant 10000 : i32
    %mul3A_201 = arith.muli %arg0, %mul3A_200 : i32
    %add3A_202 = arith.addi %mul3A_201, %mul3A_22 : i32
    %add3A_203 = arith.constant 512 : i32
    %add3A_204 = arith.addi %add3A_202, %add3A_203 : i32
    "tpu.region"() ({
      %run_scoped3A = tpu.sem_alloc : memref<!tpu.dma_semaphore, #tpu.memory_space<semaphore_mem>>
      %dma_start3A_205 = arith.constant 0 : i32
      %dma_start3A_206 = tpu.memref_slice %arg8[%add3A_204, %dma_start3A_205] : memref<20000x128xf32, #tpu.memory_space<hbm>> -> memref<128x128xf32, #tpu.memory_space<hbm>>
      %dma_start3A_207 = arith.constant 0 : i32
      %dma_start3A_208 = tpu.memref_slice %arg8[%add3A_204, %dma_start3A_207] : memref<20000x128xf32, #tpu.memory_space<hbm>> -> memref<128x128xf32, #tpu.memory_space<hbm>>
      tpu.enqueue_dma source(%arg15 : memref<128x128xf32, #tpu.memory_space<vmem>>) target(%dma_start3A_208 : memref<128x128xf32, #tpu.memory_space<hbm>>) target_semaphore(%run_scoped3A : memref<!tpu.dma_semaphore, #tpu.memory_space<semaphore_mem>>)
      %dma_wait3A_209 = arith.constant 0 : i32
      %dma_wait3A_210 = tpu.memref_slice %arg8[%add3A_204, %dma_wait3A_209] : memref<20000x128xf32, #tpu.memory_space<hbm>> -> memref<128x128xf32, #tpu.memory_space<hbm>>
      %dma_wait3A_211 = arith.constant 0 : i32
      %dma_wait3A_212 = tpu.memref_slice %arg8[%add3A_204, %dma_wait3A_211] : memref<20000x128xf32, #tpu.memory_space<hbm>> -> memref<128x128xf32, #tpu.memory_space<hbm>>
      tpu.wait_dma2 semaphore(%run_scoped3A : memref<!tpu.dma_semaphore, #tpu.memory_space<semaphore_mem>>) src(%arg15 : memref<128x128xf32, #tpu.memory_space<vmem>>) dst(%dma_wait3A_212 : memref<128x128xf32, #tpu.memory_space<hbm>>)
      tpu.yield
    }) : () -> ()
    return
  }
}

module attributes {stable_mosaic.version = 14 : i64} {
  func.func @_p1e_body(%arg0: i32, %arg1: memref<2000x16xf32, #tpu.memory_space<vmem>>, %arg2: memref<16x256xf32, #tpu.memory_space<vmem>>, %arg3: memref<1x256xf32, #tpu.memory_space<vmem>>, %arg4: memref<2000x256xf32, #tpu.memory_space<vmem>>) attributes {dimension_semantics = [#tpu.dimension_semantics<arbitrary>], iteration_bounds = array<i64: 80>, scalar_prefetch = 0 : i64, scratch_operands = 0 : i64, tpu.core_type = #tpu.core_type<tc>, window_params = [{transform_indices = @transform_0, window_bounds = array<i64: 2000, 16>}, {pipeline_mode = #tpu.pipeline_mode<synchronous>, transform_indices = @transform_1, window_bounds = array<i64: 16, 256>}, {pipeline_mode = #tpu.pipeline_mode<synchronous>, transform_indices = @transform_2, window_bounds = array<i64: 1, 256>}, {transform_indices = @transform_3, window_bounds = array<i64: 2000, 256>}]} {
    %get3A = arith.constant 0 : index
    %get3A_0 = arith.constant 0 : index
    %get3A_1 = vector.load %arg1[%get3A, %get3A_0] : memref<2000x16xf32, #tpu.memory_space<vmem>>, vector<2000x16xf32>
    %get3A_2 = arith.constant 0 : index
    %get3A_3 = arith.constant 0 : index
    %get3A_4 = vector.load %arg2[%get3A_2, %get3A_3] : memref<16x256xf32, #tpu.memory_space<vmem>>, vector<16x256xf32>
    %dot_general3A = arith.constant dense<0.000000e+00> : vector<2000x256xf32>
    %dot_general3A_5 = tpu.matmul %get3A_1, %get3A_4, %dot_general3A {dimension_numbers = #tpu.dot_dimension_numbers<[1], [0], [0], [1], [0, 0, 1, 1], [], []>, transpose_lhs_hint = false} : vector<2000x16xf32>, vector<16x256xf32>, vector<2000x256xf32> -> vector<2000x256xf32>
    %get3A_6 = arith.constant 0 : index
    %get3A_7 = arith.constant 0 : index
    %get3A_8 = vector.load %arg3[%get3A_6, %get3A_7] : memref<1x256xf32, #tpu.memory_space<vmem>>, vector<1x256xf32>
    %add3A = vector.broadcast %get3A_8 : vector<1x256xf32> to vector<2000x256xf32>
    %add3A_9 = arith.addf %dot_general3A_5, %add3A : vector<2000x256xf32>
    %swap3A = arith.constant 0 : index
    %swap3A_10 = arith.constant 0 : index
    %swap3A_11 = vector.load %arg4[%swap3A, %swap3A_10] : memref<2000x256xf32, #tpu.memory_space<vmem>>, vector<2000x256xf32>
    tpu.vector_store %arg4[%swap3A, %swap3A_10], %add3A_9 {strides = array<i32>} : memref<2000x256xf32, #tpu.memory_space<vmem>>, vector<2000x256xf32>,
    return
  }
  func.func @transform_0(%arg0: i32) -> (i32, i32) {
    %c0_i32 = arith.constant 0 : i32
    %c0_i32_0 = arith.constant 0 : i32
    return %arg0, %c0_i32 : i32, i32
  }
  func.func @transform_1(%arg0: i32) -> (i32, i32) {
    %c0_i32 = arith.constant 0 : i32
    %c0_i32_0 = arith.constant 0 : i32
    %c0_i32_1 = arith.constant 0 : i32
    return %c0_i32, %c0_i32_0 : i32, i32
  }
  func.func @transform_2(%arg0: i32) -> (i32, i32) {
    %c0_i32 = arith.constant 0 : i32
    %c0_i32_0 = arith.constant 0 : i32
    %c0_i32_1 = arith.constant 0 : i32
    return %c0_i32, %c0_i32_0 : i32, i32
  }
  func.func @transform_3(%arg0: i32) -> (i32, i32) {
    %c0_i32 = arith.constant 0 : i32
    %c0_i32_0 = arith.constant 0 : i32
    return %arg0, %c0_i32 : i32, i32
  }
}

module attributes {stable_mosaic.version = 14 : i64} {
  func.func @_p1t_body(%arg0: i32, %arg1: i32, %arg2: memref<2000x128xf32, #tpu.memory_space<vmem>>, %arg3: memref<2000x128xf32, #tpu.memory_space<vmem>>, %arg4: memref<2000x1xf32, #tpu.memory_space<vmem>>, %arg5: memref<128x128xf32, #tpu.memory_space<vmem>>, %arg6: memref<128x128xf32, #tpu.memory_space<vmem>>, %arg7: memref<1x128xf32, #tpu.memory_space<vmem>>, %arg8: memref<128x128xf32, #tpu.memory_space<vmem>>, %arg9: memref<128x128xf32, #tpu.memory_space<vmem>>, %arg10: memref<2000x128xf32, #tpu.memory_space<vmem>>, %arg11: memref<2000x128xf32, #tpu.memory_space<vmem>>) attributes {dimension_semantics = [#tpu.dimension_semantics<arbitrary>, #tpu.dimension_semantics<arbitrary>], iteration_bounds = array<i64: 2, 5>, scalar_prefetch = 0 : i64, scratch_operands = 0 : i64, tpu.core_type = #tpu.core_type<tc>, window_params = [{transform_indices = @transform_0, window_bounds = array<i64: 2000, 128>}, {transform_indices = @transform_1, window_bounds = array<i64: 2000, 128>}, {transform_indices = @transform_2, window_bounds = array<i64: 2000, 1>}, {transform_indices = @transform_3, window_bounds = array<i64: 128, 128>}, {transform_indices = @transform_4, window_bounds = array<i64: 128, 128>}, {transform_indices = @transform_5, window_bounds = array<i64: 1, 128>}, {transform_indices = @transform_6, window_bounds = array<i64: 128, 128>}, {transform_indices = @transform_7, window_bounds = array<i64: 128, 128>}, {transform_indices = @transform_8, window_bounds = array<i64: 2000, 128>}, {transform_indices = @transform_9, window_bounds = array<i64: 2000, 128>}]} {
    %get3A = arith.constant 0 : index
    %get3A_0 = arith.constant 0 : index
    %get3A_1 = vector.load %arg2[%get3A, %get3A_0] : memref<2000x128xf32, #tpu.memory_space<vmem>>, vector<2000x128xf32>
    %get3A_2 = arith.constant 0 : index
    %get3A_3 = arith.constant 0 : index
    %get3A_4 = vector.load %arg3[%get3A_2, %get3A_3] : memref<2000x128xf32, #tpu.memory_space<vmem>>, vector<2000x128xf32>
    %get3A_5 = arith.constant 0 : index
    %get3A_6 = arith.constant 0 : index
    %get3A_7 = vector.load %arg5[%get3A_5, %get3A_6] : memref<128x128xf32, #tpu.memory_space<vmem>>, vector<128x128xf32>
    %dot_general3A = arith.constant dense<0.000000e+00> : vector<2000x128xf32>
    %dot_general3A_8 = tpu.matmul %get3A_1, %get3A_7, %dot_general3A {dimension_numbers = #tpu.dot_dimension_numbers<[1], [0], [0], [1], [0, 0, 1, 1], [], []>, transpose_lhs_hint = false} : vector<2000x128xf32>, vector<128x128xf32>, vector<2000x128xf32> -> vector<2000x128xf32>
    %get3A_9 = arith.constant 0 : index
    %get3A_10 = arith.constant 0 : index
    %get3A_11 = vector.load %arg6[%get3A_9, %get3A_10] : memref<128x128xf32, #tpu.memory_space<vmem>>, vector<128x128xf32>
    %dot_general3A_12 = arith.constant dense<0.000000e+00> : vector<2000x128xf32>
    %dot_general3A_13 = tpu.matmul %get3A_4, %get3A_11, %dot_general3A_12 {dimension_numbers = #tpu.dot_dimension_numbers<[1], [0], [0], [1], [0, 0, 1, 1], [], []>, transpose_lhs_hint = false} : vector<2000x128xf32>, vector<128x128xf32>, vector<2000x128xf32> -> vector<2000x128xf32>
    %add3A = arith.addf %dot_general3A_8, %dot_general3A_13 : vector<2000x128xf32>
    %get3A_14 = arith.constant 0 : index
    %get3A_15 = arith.constant 0 : index
    %get3A_16 = vector.load %arg4[%get3A_14, %get3A_15] : memref<2000x1xf32, #tpu.memory_space<vmem>>, vector<2000x1xf32>
    %get3A_17 = arith.constant 0 : index
    %get3A_18 = arith.constant 0 : index
    %get3A_19 = vector.load %arg7[%get3A_17, %get3A_18] : memref<1x128xf32, #tpu.memory_space<vmem>>, vector<1x128xf32>
    %mul3A = vector.broadcast %get3A_16 : vector<2000x1xf32> to vector<2000x128xf32>
    %mul3A_20 = vector.broadcast %get3A_19 : vector<1x128xf32> to vector<2000x128xf32>
    %mul3A_21 = arith.mulf %mul3A, %mul3A_20 : vector<2000x128xf32>
    %sub3A = arith.subf %add3A, %mul3A_21 : vector<2000x128xf32>
    %swap3A = arith.constant 0 : index
    %swap3A_22 = arith.constant 0 : index
    %swap3A_23 = vector.load %arg10[%swap3A, %swap3A_22] : memref<2000x128xf32, #tpu.memory_space<vmem>>, vector<2000x128xf32>
    tpu.vector_store %arg10[%swap3A, %swap3A_22], %sub3A {strides = array<i32>} : memref<2000x128xf32, #tpu.memory_space<vmem>>, vector<2000x128xf32>,
    %get3A_24 = arith.constant 0 : index
    %get3A_25 = arith.constant 0 : index
    %get3A_26 = vector.load %arg8[%get3A_24, %get3A_25] : memref<128x128xf32, #tpu.memory_space<vmem>>, vector<128x128xf32>
    %dot_general3A_27 = arith.constant dense<0.000000e+00> : vector<2000x128xf32>
    %dot_general3A_28 = tpu.matmul %get3A_1, %get3A_26, %dot_general3A_27 {dimension_numbers = #tpu.dot_dimension_numbers<[1], [0], [0], [1], [0, 0, 1, 1], [], []>, transpose_lhs_hint = false} : vector<2000x128xf32>, vector<128x128xf32>, vector<2000x128xf32> -> vector<2000x128xf32>
    %get3A_29 = arith.constant 0 : index
    %get3A_30 = arith.constant 0 : index
    %get3A_31 = vector.load %arg9[%get3A_29, %get3A_30] : memref<128x128xf32, #tpu.memory_space<vmem>>, vector<128x128xf32>
    %dot_general3A_32 = arith.constant dense<0.000000e+00> : vector<2000x128xf32>
    %dot_general3A_33 = tpu.matmul %get3A_4, %get3A_31, %dot_general3A_32 {dimension_numbers = #tpu.dot_dimension_numbers<[1], [0], [0], [1], [0, 0, 1, 1], [], []>, transpose_lhs_hint = false} : vector<2000x128xf32>, vector<128x128xf32>, vector<2000x128xf32> -> vector<2000x128xf32>
    %add3A_34 = arith.addf %dot_general3A_28, %dot_general3A_33 : vector<2000x128xf32>
    %swap3A_35 = arith.constant 0 : index
    %swap3A_36 = arith.constant 0 : index
    %swap3A_37 = vector.load %arg11[%swap3A_35, %swap3A_36] : memref<2000x128xf32, #tpu.memory_space<vmem>>, vector<2000x128xf32>
    tpu.vector_store %arg11[%swap3A_35, %swap3A_36], %add3A_34 {strides = array<i32>} : memref<2000x128xf32, #tpu.memory_space<vmem>>, vector<2000x128xf32>,
    return
  }
  func.func @transform_0(%arg0: i32, %arg1: i32) -> (i32, i32) {
    %c0_i32 = arith.constant 0 : i32
    %c0_i32_0 = arith.constant 0 : i32
    return %arg1, %c0_i32 : i32, i32
  }
  func.func @transform_1(%arg0: i32, %arg1: i32) -> (i32, i32) {
    %c0_i32 = arith.constant 0 : i32
    %c0_i32_0 = arith.constant 0 : i32
    return %arg1, %c0_i32 : i32, i32
  }
  func.func @transform_2(%arg0: i32, %arg1: i32) -> (i32, i32) {
    %c0_i32 = arith.constant 0 : i32
    %c0_i32_0 = arith.constant 0 : i32
    return %arg1, %c0_i32 : i32, i32
  }
  func.func @transform_3(%arg0: i32, %arg1: i32) -> (i32, i32) {
    %c0_i32 = arith.constant 0 : i32
    %c0_i32_0 = arith.constant 0 : i32
    return %c0_i32, %arg0 : i32, i32
  }
  func.func @transform_4(%arg0: i32, %arg1: i32) -> (i32, i32) {
    %c0_i32 = arith.constant 0 : i32
    %c0_i32_0 = arith.constant 0 : i32
    return %c0_i32, %arg0 : i32, i32
  }
  func.func @transform_5(%arg0: i32, %arg1: i32) -> (i32, i32) {
    %c0_i32 = arith.constant 0 : i32
    %c0_i32_0 = arith.constant 0 : i32
    return %c0_i32, %arg0 : i32, i32
  }
  func.func @transform_6(%arg0: i32, %arg1: i32) -> (i32, i32) {
    %c0_i32 = arith.constant 0 : i32
    %c0_i32_0 = arith.constant 0 : i32
    return %c0_i32, %arg0 : i32, i32
  }
  func.func @transform_7(%arg0: i32, %arg1: i32) -> (i32, i32) {
    %c0_i32 = arith.constant 0 : i32
    %c0_i32_0 = arith.constant 0 : i32
    return %c0_i32, %arg0 : i32, i32
  }
  func.func @transform_8(%arg0: i32, %arg1: i32) -> (i32, i32) {
    %mul3A = arith.constant 5 : i32
    %mul3A_0 = arith.muli %arg0, %mul3A : i32
    %add3A = arith.addi %mul3A_0, %arg1 : i32
    %c0_i32 = arith.constant 0 : i32
    %c0_i32_1 = arith.constant 0 : i32
    return %add3A, %c0_i32 : i32, i32
  }
  func.func @transform_9(%arg0: i32, %arg1: i32) -> (i32, i32) {
    %c0_i32 = arith.constant 0 : i32
    return %arg1, %arg0 : i32, i32
  }
}

module attributes {stable_mosaic.version = 14 : i64} {
  func.func @_p3_body(%arg0: i32, %arg1: i32, %arg2: memref<2000x128xf32, #tpu.memory_space<vmem>>, %arg3: memref<2000x128xf32, #tpu.memory_space<vmem>>, %arg4: memref<2000x128xf32, #tpu.memory_space<vmem>>) attributes {dimension_semantics = [#tpu.dimension_semantics<arbitrary>, #tpu.dimension_semantics<arbitrary>], iteration_bounds = array<i64: 2, 5>, scalar_prefetch = 0 : i64, scratch_operands = 0 : i64, tpu.core_type = #tpu.core_type<tc>, window_params = [{transform_indices = @transform_0, window_bounds = array<i64: 2000, 128>}, {transform_indices = @transform_1, window_bounds = array<i64: 2000, 128>}, {transform_indices = @transform_2, window_bounds = array<i64: 2000, 128>}]} {
    %get3A = arith.constant 0 : index
    %get3A_0 = arith.constant 0 : index
    %get3A_1 = vector.load %arg2[%get3A, %get3A_0] : memref<2000x128xf32, #tpu.memory_space<vmem>>, vector<2000x128xf32>
    %get3A_2 = arith.constant 0 : index
    %get3A_3 = arith.constant 0 : index
    %get3A_4 = vector.load %arg3[%get3A_2, %get3A_3] : memref<2000x128xf32, #tpu.memory_space<vmem>>, vector<2000x128xf32>
    %add3A = arith.addf %get3A_1, %get3A_4 : vector<2000x128xf32>
    %max3A = arith.constant 0.000000e+00 : f32
    %max3A_5 = vector.broadcast %max3A : f32 to vector<2000x128xf32>
    %max3A_6 = arith.maximumf %add3A, %max3A_5 : vector<2000x128xf32>
    %swap3A = arith.constant 0 : index
    %swap3A_7 = arith.constant 0 : index
    %swap3A_8 = vector.load %arg4[%swap3A, %swap3A_7] : memref<2000x128xf32, #tpu.memory_space<vmem>>, vector<2000x128xf32>
    tpu.vector_store %arg4[%swap3A, %swap3A_7], %max3A_6 {strides = array<i32>} : memref<2000x128xf32, #tpu.memory_space<vmem>>, vector<2000x128xf32>,
    return
  }
  func.func @transform_0(%arg0: i32, %arg1: i32) -> (i32, i32) {
    %c0_i32 = arith.constant 0 : i32
    return %arg1, %arg0 : i32, i32
  }
  func.func @transform_1(%arg0: i32, %arg1: i32) -> (i32, i32) {
    %mul3A = arith.constant 5 : i32
    %mul3A_0 = arith.muli %arg0, %mul3A : i32
    %add3A = arith.addi %mul3A_0, %arg1 : i32
    %c0_i32 = arith.constant 0 : i32
    %c0_i32_1 = arith.constant 0 : i32
    return %add3A, %c0_i32 : i32, i32
  }
  func.func @transform_2(%arg0: i32, %arg1: i32) -> (i32, i32) {
    %c0_i32 = arith.constant 0 : i32
    return %arg1, %arg0 : i32, i32
  }
}

module attributes {stable_mosaic.version = 14 : i64} {
  func.func @_p5_body(%arg0: memref<2048x256xf32, #tpu.memory_space<vmem>>, %arg1: memref<2048x256xf32, #tpu.memory_space<vmem>>, %arg2: memref<2048x256xf32, #tpu.memory_space<vmem>>, %arg3: memref<256x128xf32, #tpu.memory_space<vmem>>, %arg4: memref<256x128xf32, #tpu.memory_space<vmem>>, %arg5: memref<1x128xf32, #tpu.memory_space<vmem>>, %arg6: memref<128x1xf32, #tpu.memory_space<vmem>>, %arg7: memref<1x1xf32, #tpu.memory_space<vmem>>, %arg8: memref<2048x1xf32, #tpu.memory_space<vmem>>, %arg9: memref<2048x1xf32, #tpu.memory_space<vmem>>) attributes {dimension_semantics = [], scalar_prefetch = 0 : i64, scratch_operands = 0 : i64, tpu.core_type = #tpu.core_type<tc>} {
    %get3A = arith.constant 0 : index
    %get3A_0 = arith.constant 0 : index
    %get3A_1 = vector.load %arg0[%get3A, %get3A_0] : memref<2048x256xf32, #tpu.memory_space<vmem>>, vector<2048x256xf32>
    %get3A_2 = arith.constant 0 : index
    %get3A_3 = arith.constant 0 : index
    %get3A_4 = vector.load %arg7[%get3A_2, %get3A_3] : memref<1x1xf32, #tpu.memory_space<vmem>>, vector<1x1xf32>
    %get3A_5 = vector.extract %get3A_4[0, 0] : f32 from vector<1x1xf32>
    %get3A_6 = arith.constant 0 : index
    %get3A_7 = arith.constant 0 : index
    %get3A_8 = vector.load %arg3[%get3A_6, %get3A_7] : memref<256x128xf32, #tpu.memory_space<vmem>>, vector<256x128xf32>
    %dot_general3A = arith.constant dense<0.000000e+00> : vector<2048x128xf32>
    %dot_general3A_9 = tpu.matmul %get3A_1, %get3A_8, %dot_general3A {dimension_numbers = #tpu.dot_dimension_numbers<[1], [0], [0], [1], [0, 0, 1, 1], [], []>, transpose_lhs_hint = false} : vector<2048x256xf32>, vector<256x128xf32>, vector<2048x128xf32> -> vector<2048x128xf32>
    %get3A_10 = arith.constant 0 : index
    %get3A_11 = arith.constant 0 : index
    %get3A_12 = vector.load %arg1[%get3A_10, %get3A_11] : memref<2048x256xf32, #tpu.memory_space<vmem>>, vector<2048x256xf32>
    %get3A_13 = arith.constant 0 : index
    %get3A_14 = arith.constant 0 : index
    %get3A_15 = vector.load %arg4[%get3A_13, %get3A_14] : memref<256x128xf32, #tpu.memory_space<vmem>>, vector<256x128xf32>
    %dot_general3A_16 = arith.constant dense<0.000000e+00> : vector<2048x128xf32>
    %dot_general3A_17 = tpu.matmul %get3A_12, %get3A_15, %dot_general3A_16 {dimension_numbers = #tpu.dot_dimension_numbers<[1], [0], [0], [1], [0, 0, 1, 1], [], []>, transpose_lhs_hint = false} : vector<2048x256xf32>, vector<256x128xf32>, vector<2048x128xf32> -> vector<2048x128xf32>
    %add3A = arith.addf %dot_general3A_9, %dot_general3A_17 : vector<2048x128xf32>
    %get3A_18 = arith.constant 0 : index
    %get3A_19 = arith.constant 0 : index
    %get3A_20 = vector.load %arg5[%get3A_18, %get3A_19] : memref<1x128xf32, #tpu.memory_space<vmem>>, vector<1x128xf32>
    %add3A_21 = vector.broadcast %get3A_20 : vector<1x128xf32> to vector<2048x128xf32>
    %add3A_22 = arith.addf %add3A, %add3A_21 : vector<2048x128xf32>
    %max3A = arith.constant 0.000000e+00 : f32
    %max3A_23 = vector.broadcast %max3A : f32 to vector<2048x128xf32>
    %max3A_24 = arith.maximumf %add3A_22, %max3A_23 : vector<2048x128xf32>
    %get3A_25 = arith.constant 0 : index
    %get3A_26 = arith.constant 0 : index
    %get3A_27 = vector.load %arg6[%get3A_25, %get3A_26] : memref<128x1xf32, #tpu.memory_space<vmem>>, vector<128x1xf32>
    %dot_general3A_28 = arith.constant dense<0.000000e+00> : vector<2048x1xf32>
    %dot_general3A_29 = tpu.matmul %max3A_24, %get3A_27, %dot_general3A_28 {dimension_numbers = #tpu.dot_dimension_numbers<[1], [0], [0], [1], [0, 0, 1, 1], [], []>, transpose_lhs_hint = false} : vector<2048x128xf32>, vector<128x1xf32>, vector<2048x1xf32> -> vector<2048x1xf32>
    %add3A_30 = vector.broadcast %get3A_5 : f32 to vector<2048x1xf32>
    %add3A_31 = arith.addf %dot_general3A_29, %add3A_30 : vector<2048x1xf32>
    %swap3A = arith.constant 0 : index
    %swap3A_32 = arith.constant 0 : index
    %swap3A_33 = vector.load %arg8[%swap3A, %swap3A_32] : memref<2048x1xf32, #tpu.memory_space<vmem>>, vector<2048x1xf32>
    tpu.vector_store %arg8[%swap3A, %swap3A_32], %add3A_31 {strides = array<i32>} : memref<2048x1xf32, #tpu.memory_space<vmem>>, vector<2048x1xf32>,
    %get3A_34 = arith.constant 0 : index
    %get3A_35 = arith.constant 0 : index
    %get3A_36 = vector.load %arg3[%get3A_34, %get3A_35] : memref<256x128xf32, #tpu.memory_space<vmem>>, vector<256x128xf32>
    %dot_general3A_37 = arith.constant dense<0.000000e+00> : vector<2048x128xf32>
    %dot_general3A_38 = tpu.matmul %get3A_1, %get3A_36, %dot_general3A_37 {dimension_numbers = #tpu.dot_dimension_numbers<[1], [0], [0], [1], [0, 0, 1, 1], [], []>, transpose_lhs_hint = false} : vector<2048x256xf32>, vector<256x128xf32>, vector<2048x128xf32> -> vector<2048x128xf32>
    %get3A_39 = arith.constant 0 : index
    %get3A_40 = arith.constant 0 : index
    %get3A_41 = vector.load %arg2[%get3A_39, %get3A_40] : memref<2048x256xf32, #tpu.memory_space<vmem>>, vector<2048x256xf32>
    %get3A_42 = arith.constant 0 : index
    %get3A_43 = arith.constant 0 : index
    %get3A_44 = vector.load %arg4[%get3A_42, %get3A_43] : memref<256x128xf32, #tpu.memory_space<vmem>>, vector<256x128xf32>
    %dot_general3A_45 = arith.constant dense<0.000000e+00> : vector<2048x128xf32>
    %dot_general3A_46 = tpu.matmul %get3A_41, %get3A_44, %dot_general3A_45 {dimension_numbers = #tpu.dot_dimension_numbers<[1], [0], [0], [1], [0, 0, 1, 1], [], []>, transpose_lhs_hint = false} : vector<2048x256xf32>, vector<256x128xf32>, vector<2048x128xf32> -> vector<2048x128xf32>
    %add3A_47 = arith.addf %dot_general3A_38, %dot_general3A_46 : vector<2048x128xf32>
    %get3A_48 = arith.constant 0 : index
    %get3A_49 = arith.constant 0 : index
    %get3A_50 = vector.load %arg5[%get3A_48, %get3A_49] : memref<1x128xf32, #tpu.memory_space<vmem>>, vector<1x128xf32>
    %add3A_51 = vector.broadcast %get3A_50 : vector<1x128xf32> to vector<2048x128xf32>
    %add3A_52 = arith.addf %add3A_47, %add3A_51 : vector<2048x128xf32>
    %max3A_53 = arith.constant 0.000000e+00 : f32
    %max3A_54 = vector.broadcast %max3A_53 : f32 to vector<2048x128xf32>
    %max3A_55 = arith.maximumf %add3A_52, %max3A_54 : vector<2048x128xf32>
    %get3A_56 = arith.constant 0 : index
    %get3A_57 = arith.constant 0 : index
    %get3A_58 = vector.load %arg6[%get3A_56, %get3A_57] : memref<128x1xf32, #tpu.memory_space<vmem>>, vector<128x1xf32>
    %dot_general3A_59 = arith.constant dense<0.000000e+00> : vector<2048x1xf32>
    %dot_general3A_60 = tpu.matmul %max3A_55, %get3A_58, %dot_general3A_59 {dimension_numbers = #tpu.dot_dimension_numbers<[1], [0], [0], [1], [0, 0, 1, 1], [], []>, transpose_lhs_hint = false} : vector<2048x128xf32>, vector<128x1xf32>, vector<2048x1xf32> -> vector<2048x1xf32>
    %add3A_61 = vector.broadcast %get3A_5 : f32 to vector<2048x1xf32>
    %add3A_62 = arith.addf %dot_general3A_60, %add3A_61 : vector<2048x1xf32>
    %swap3A_63 = arith.constant 0 : index
    %swap3A_64 = arith.constant 0 : index
    %swap3A_65 = vector.load %arg9[%swap3A_63, %swap3A_64] : memref<2048x1xf32, #tpu.memory_space<vmem>>, vector<2048x1xf32>
    tpu.vector_store %arg9[%swap3A_63, %swap3A_64], %add3A_62 {strides = array<i32>} : memref<2048x1xf32, #tpu.memory_space<vmem>>, vector<2048x1xf32>,
    return
  }
}

</mosaic_0001>

<sc_bundles>
// kernel: kernel.12.cloned.1.call-start
scs
__scs_entry_jumppad:
0x0: {  	(pc) =	sbr.rel $0x88, $3  }
0x1: {  	(tag) =	ssettag $0x0;
	lr =	simm.s32 $0x1  }
0x2: {  	[smem:$0x3F8F] =	sst lr;
	_ =	strace $0xD0000000  }
0x3: {  	_ = 	snop  }
0x4: {  	_ = 	snop  }
0x5: {  	_ = 	snop  }
0x6: {  	_ = 	snop  }
0x7: {  	_ = 	snop  }
__scs_overlays_trampoline_lowered:
0x8: {  	[smem:$0x3F9E] =	sst s0  }
0x9: {  	[smem:$0x3F9F] =	sst s1  }
0xa: {  	[smem:$0x3FA0] =	sst s2  }
0xb: {  	[smem:$0x3FA1] =	sst s3  }
0xc: {  	[smem:$0x3FA2] =	sst s4  }
0xd: {  	[smem:$0x3FA3] =	sst s5  }
0xe: {  	[smem:$0x3FA4] =	sst s6  }
0xf: {  	[smem:$0x3FA5] =	sst s7  }
0x10: {  	[smem:$0x3FA6] =	sst s8  }
0x11: {  	[smem:$0x3FA7] =	sst s9;
	s0 =	simm.s32 @!p0 $0x0  }
0x12: {  	s1 =	sld [smem:$0x3F8D];
	s0 =	simm.s32 @p0 $0x1  }
0x13: {  	[smem:$0x3FA8] =	sst s0;
	s0 =	simm.s32 @!p1 $0x0  }
0x14: {  	s2 =	sld [smem:$0x3F8C];
	s0 =	simm.s32 @p1 $0x1  }
0x15: {  	[smem:$0x3FA9] =	sst s0;
	s0 =	simm.s32 @!p2 $0x0  }
0x16: {  	s3 =	sld [smem:$0x3FDB];
	s0 =	simm.s32 @p2 $0x1  }
0x17: {  	s4 =	simm.s32 $0x1BF5;
	[smem:$0x3FAB] =	sst s0  }
0x18: {  	s0 =	sld [smem:$0x3F8E];
	_ =	swait.ge [sflag:s4], $0x0  }
0x19: {  	s7 =	sld [smem:$0x3F8F]  }
0x1a: {  	s8 =	sadd.s32 $0xFFFFE003, lr  }
0x1b: {  	s9 =	sadd.s32 $0xFFFFFEF7, lr;
	s5 =	simm.s32 $0xFFFFFFFF;
	p2 =	slt.u32 s8, $0xFFFFF086  }
0x1c: {  	p1 =	slt.u32 s9, $0xF7A;
	s5 =	simm.s32 @!p2 $0x0  }
0x1d: {  	s5 =	simm.s32 @p1 $0x1;
	p0 =	seq.s32 s7, s2  }
0x1e: {  	s7 =	smul.u32 @!p0 $0xF7A, s2;
	p2 =	seq.s32 @!p0 s5, $0x0  }
0x1f: {  	s9 =	smul.u32 $0xF7A, s1;
	s8 =	simm.s32 @!p0 $0x1BF5;
	p2 =	por !p2, p0  }
0x20: {  	[sflag:s8] =	ssyncset.s32 @!p0 $0xFFFFF086;
	s6 =	sadd.s32 @!p0 s3, s7;
	s7 =	simm.s32 @!p0 $0x108  }
0x21: {  	s3 =	sadd.s32 s3, s9;
	s6 =	sadd.s32 @!p0 $0x88, s6;
	s7 =	simm.s32 @p2 $0x1082  }
0x22: {  	[simem:s7], [sflag:s8] =	dma.local @!p0 [hbm:s6], $0xF7A  }
0x23: {  	s9 =	sor.u32 $0xD0000000, s2;
	s6 =	simm.s32 $0x108;
	_ =	swait.ge @!p0 [sflag:s8], $0x0  }
0x24: {  	s3 =	sadd.s32 $0x88, s3;
	s6 =	simm.s32 @!p1 $0x1082;
	[sflag:s4] =	ssyncset.s32 $0xFFFFF086  }
0x25: {  	[simem:s6], [sflag:s4] =	dma.local [hbm:s3], $0xF7A  }
0x26: {  	[smem:$0x3F8F] =	sst s1;
	(tag) =	ssettag s2;
	_ =	strace s9  }
0x27: {  	s1 =	sld [smem:$0x3F9F]  }
0x28: {  	s2 =	sld [smem:$0x3FA0]  }
0x29: {  	s4 =	sld [smem:$0x3FA2]  }
0x2a: {  	p0 =	seq.s32 s5, $0x0;
	s5 =	sld [smem:$0x3FA3]  }
0x2b: {  	s6 =	sld [smem:$0x3FA4]  }
0x2c: {  	s7 =	sld [smem:$0x3FA5]  }
0x2d: {  	s3 =	simm.s32 $0x108;
	s8 =	sld [smem:$0x3FA6]  }
0x2e: {  	s3 =	simm.s32 @!p0 $0x1082;
	s9 =	sld [smem:$0x3FA7]  }
0x2f: {  	lr =	sadd.s32 s0, s3;
	s0 =	sld [smem:$0x3F9E]  }
0x30: {  	s3 =	sld [smem:$0x3FA1]  }
0x31: {  	[smem:$0x3FAA] =	sst s10  }
0x32: {  	s10 =	sld [smem:$0x3FA8];
	_ =	sdelay $0x3  }
0x33: {  	p0 =	seq.s32 s10, $0x1;
	s10 =	sld [smem:$0x3FAA];
	_ =	sdelay $0x3  }
0x34: {  	[smem:$0x3FAA] =	sst s10  }
0x35: {  	s10 =	sld [smem:$0x3FA9];
	_ =	sdelay $0x3  }
0x36: {  	p1 =	seq.s32 s10, $0x1;
	s10 =	sld [smem:$0x3FAA];
	_ =	sdelay $0x3  }
0x37: {  	[smem:$0x3FAA] =	sst s10  }
0x38: {  	s10 =	sld [smem:$0x3FAB]  }
0x39: {  	_ = 	snop;
	(pc) =	sbr.ind lr, $3  }
0x3a: {  	_ = 	snop  }
0x3b: {  	_ = 	snop  }
0x3c: {  	p2 =	seq.s32 s10, $0x1;
	s10 =	sld [smem:$0x3FAA]  }
0x3d: {  	_ =	shalt  }
0x3e: {  	_ =	shalt  }
0x3f: {  	_ =	shalt  }
0x40: {  	_ =	shalt  }
0x41: {  	_ =	shalt  }
0x42: {  	_ =	shalt  }
0x43: {  	_ =	shalt  }
0x44: {  	_ =	shalt  }
0x45: {  	_ =	shalt  }
0x46: {  	_ =	shalt  }
0x47: {  	_ =	shalt  }
0x48: {  	_ =	shalt  }
0x49: {  	_ =	shalt  }
0x4a: {  	_ =	shalt  }
0x4b: {  	_ =	shalt  }
0x4c: {  	_ =	shalt  }
0x4d: {  	_ =	shalt  }
0x4e: {  	_ =	shalt  }
0x4f: {  	_ =	shalt  }
0x50: {  	_ =	shalt  }
0x51: {  	_ =	shalt  }
0x52: {  	_ =	shalt  }
0x53: {  	_ =	shalt  }
0x54: {  	_ =	shalt  }
0x55: {  	_ =	shalt  }
0x56: {  	_ =	shalt  }
0x57: {  	_ =	shalt  }
0x58: {  	_ =	shalt  }
0x59: {  	_ =	shalt  }
0x5a: {  	_ =	shalt  }
0x5b: {  	_ =	shalt  }
0x5c: {  	_ =	shalt  }
0x5d: {  	_ =	shalt  }
0x5e: {  	_ =	shalt  }
0x5f: {  	_ =	shalt  }
0x60: {  	_ =	shalt  }
0x61: {  	_ =	shalt  }
0x62: {  	_ =	shalt  }
0x63: {  	_ =	shalt  }
0x64: {  	_ =	shalt  }
0x65: {  	_ =	shalt  }
0x66: {  	_ =	shalt  }
0x67: {  	_ =	shalt  }
0x68: {  	_ =	shalt  }
0x69: {  	_ =	shalt  }
0x6a: {  	_ =	shalt  }
0x6b: {  	_ =	shalt  }
0x6c: {  	_ =	shalt  }
0x6d: {  	_ =	shalt  }
0x6e: {  	_ =	shalt  }
0x6f: {  	_ =	shalt  }
0x70: {  	_ =	shalt  }
0x71: {  	_ =	shalt  }
0x72: {  	_ =	shalt  }
0x73: {  	_ =	shalt  }
0x74: {  	_ =	shalt  }
0x75: {  	_ =	shalt  }
0x76: {  	_ =	shalt  }
0x77: {  	_ =	shalt  }
0x78: {  	_ =	shalt  }
0x79: {  	_ =	shalt  }
0x7a: {  	_ =	shalt  }
0x7b: {  	_ =	shalt  }
0x7c: {  	_ =	shalt  }
0x7d: {  	_ =	shalt  }
0x7e: {  	_ =	shalt  }
0x7f: {  	_ =	shalt  }
0x80: {  	_ =	shalt  }
0x81: {  	_ =	shalt  }
0x82: {  	_ =	shalt  }
0x83: {  	_ =	shalt  }
0x84: {  	_ =	shalt  }
0x85: {  	_ =	shalt  }
0x86: {  	_ =	shalt  }
0x87: {  	_ =	shalt  }
.Lfunc_end0:
.L_simem_size_0:
called_computation.1_lowered:
.L_overlay_start_0:
0x88: {  	s2 =	sld [smem:$0x3FD9]  }
0x89: {  	s3 =	sld [smem:$0x3FFE];
	_ =	sdelay $0x1  }
0x8a: {  	s1 =	srdreg.scid  }
0x8b: {  	s0 =	sand.u32 $0x1, s1  }
0x8c: {  	s14 =	sshll.u32 s0, $0xA;
	s2 =	sadd.s32 s3, s2  }
0x8d: {  	s2 =	sadd.s32 s2, s14  }
0x8e: {  	[smem:$0x3FB6] =	sst s2  }
0x8f: {  	_ = 	snop  }
0x90: {  	s2 =	sld [smem:$0x3FD0];
	_ =	sdelay $0x2  }
0x91: {  	s4 =	simm.s32 $0xA;
	s5 =	simm.s32 $0x10;
	s15 =	sld [smem:$0x3FC3]  }
0x92: {  	[smem:s5], [sflag:s4] =	dma.local [hbm:s2], $0x1  }
0x93: {  	_ =	swait.eq [sflag:s4], $0x1  }
0x94: {  	s16 =	sld [smem:$0x11];
	[sflag:s4] =	ssyncset.done $0x0  }
0x95: {  	s17 =	sld [smem:$0x12];
	[sflag:s4] =	ssyncadd.s32 $0xFFFFFFFF  }
0x96: {  	s18 =	sld [smem:$0x13];
	(tm) =	ssettm $0x1  }
0x97: {  	s6 =	sld [smem:$0x3FFB];
	_ =	sdelay $0x3  }
0x98: {  	_ =	strace s6  }
0x99: {  	s6 =	sld [smem:$0x3FFC];
	_ =	sdelay $0x3  }
0x9a: {  	_ =	strace s6  }
0x9b: {  	s6 =	sld [smem:$0x3FFD];
	_ =	sdelay $0x3  }
0x9c: {  	_ =	strace s6  }
0x9d: {  	_ =	strace $0x8FFFFFFF  }
0x9e: {  	s19 =	sld [smem:$0x3FDB];
	_ =	sdelay $0x1  }
0x9f: {  	s7 =	simm.s32 $_scs_section_size  }
0xa0: {  	s8 =	simm.s32 $_size__tile_overlayer_lowered;
	s9 =	simm.s32 $_tile_overlayer_lowered  }
0xa1: {  	s22 =	simm.s32 $0x1BFF;
	s21 =	sshll.u32 s9, $0x1;
	s6 =	sadd.s32 s7, s19  }
0xa2: {  	s10 =	simm.s32 $0x0;
	s20 =	sshll.u32 s8, $0x1;
	s8 =	sadd.s32 s21, s6  }
0xa3: {  	[timem:s10], [sflag:s22] =	dma.local [hbm:s8], s20  }
0xa4: {  	_ =	swait.ge [sflag:s22], s20  }
0xa5: {  	s7 =	ssub.s32 $0x0, s20;
	[sflag:s22] =	ssyncset.done $0x0  }
0xa6: {  	[sflag:s22] =	ssyncadd.s32 s7;
	_ =	sdelay $0x1  }
0xa7: {  	s23 =	simm.s32 $0x1B8B  }
0xa8: {  	_ =	swait.ge [sflag:s23], $0x1  }
0xa9: {  	[sflag:s23] =	ssyncset.done $0x0  }
0xaa: {  	s25 =	simm.s32 $0x1B8E;
	s24 =	sld [smem:$0x3FFE];
	[sflag:s23] =	ssyncadd.s32 $0xFFFFFFFF  }
0xab: {  	s26 =	simm.s32 $execute0_lowered;
	[smem:$0x3FD2] =	sst s25  }
0xac: {  	s8 =	sshll.u32 s26, $0x1;
	_ =	strace $0x80000049;
	[dreg:$0x1] =	wrdreg $0xFFFFFFFF  }
0xad: {  	s28 =	simm.s32 $_size_execute0_lowered;
	s6 =	sadd.s32 s6, s8;
	[dreg:$0x0] =	wrdreg $0x0  }
0xae: {  	s8 =	sshll.u32 s28, $0x1;
	[dreg:$0x2] =	wrdreg s6  }
0xaf: {  	[dreg:$0x3] =	wrdreg s8  }
0xb0: {  	[dreg:$0x4] =	wrdreg $0xC0  }
0xb1: {  	_ =	task [dreg:s10], $0x5FFFF  }
0xb2: {  	[dreg:$0x1] =	wrdreg $0xFFFFFFFF  }
0xb3: {  	[dreg:$0x0] =	wrdreg $0x60  }
0xb4: {  	[dreg:$0x2] =	wrdreg s24  }
0xb5: {  	[dreg:$0x3] =	wrdreg s17  }
0xb6: {  	[dreg:$0x4] =	wrdreg s18  }
0xb7: {  	[dreg:$0x5] =	wrdreg s15  }
0xb8: {  	[dreg:$0x6] =	wrdreg s16  }
0xb9: {  	[dreg:$0x7] =	wrdreg $0xC6800  }
0xba: {  	[dreg:$0x8] =	wrdreg $0x9  }
0xbb: {  	_ =	task.clear_ibuf [dreg:s10], $0x9FFFF;
	_ =	strace $0x90000049  }
0xbc: {  	s29 =	simm.s32 $0x9;
	_ =	strace $0x8000004B  }
0xbd: {  	_ =	swait.ge [sflag:s29], $0x1  }
0xbe: {  	[sflag:s29] =	ssyncadd.s32 $0xFFFFFFFF  }
0xbf: {  	_ =	strace $0x9000004B  }
0xc0: {  	_ =	sfence  }
0xc1: {  	s30 =	sld [smem:$0x0];
	_ =	sdelay $0x2  }
0xc2: {  	s31 =	sshll.u32 s1, $0xD;
	s1 =	sshrl.u32 s1, $0x2  }
0xc3: {  	s3 =	sand.u32 $0x4000, s31;
	s1 =	sadd.s32 s1, s30  }
0xc4: {  	s0 =	sor.u32 s3, s0;
	s1 =	sshll.u32 s1, $0x11  }
0xc5: {  	s0 =	sor.u32 s1, s0  }
0xc6: {  	s0 =	sadd.s32 $0x8F2B, s0  }
0xc7: {  	[sflag:s0] =	ssyncadd.remote.s32 $0x1  }
0xc8: {  	_ =	sfence.sel $0xFFFF  }
0xc9: {  	[dreg:$0x0] =	wrdreg $0xFFFFFFFF;
	(pc) =	sbr.abs _section_cstart, $3  }
0xca: {  	[dreg:$0x1] =	wrdreg $0xFFFFFFFF  }
0xcb: {  	_ =	task.clear_ibuf [dreg:s10], $0x2FFFF;
	_ =	strace $0x9FFFFFFF  }
0xcc: {  	(tm) =	ssettm $0x7FFFFFFF  }
0xcd: {  	_ =	shalt  }
tec
execute0_lowered:
.L_overlay_start_1:
0x0: {  	(tag) =	ssettag $0x1  }
0x1: {  	s4 =	rddreg [dreg:$0x0]  }
0x2: {  	s0 =	rddreg [dreg:$0x1]  }
0x3: {  	s2 =	rddreg [dreg:$0x2]  }
0x4: {  	s3 =	rddreg [dreg:$0x3]  }
0x5: {  	s9 =	rddreg [dreg:$0x4];
	s1 =	srdreg.scid  }
0x6: {  	s16 =	stileid.u32;
	s5 =	rddreg [dreg:$0x5];
	s6 =	simm.s32 $0x0  }
0x7: {  	s30 =	simm.s32 $0x100;
	s31 =	simm.s32 $0x280;
	s28 =	simm.s32 $0x3  }
0x8: {  	s10 =	sand.u32 $0x1, s1;
	s7 =	smul.u32 $0x270, s16;
	[smem:$0x7FF] =	sst s6  }
0x9: {  	s12 =	smul.u32 $0x4E000, s16;
	s22 =	sshll.u32 s16, $0x4;
	s23 =	sshll.u32 s16, $0xF  }
0xa: {  	s25 =	sshll.u32 s16, $0x7;
	p0 =	sgt.u32 s16, $0x1;
	s1 =	smul.u32 $0x2710, s10  }
0xb: {  	_ =	strace $0x8000004A;
	s21 =	ssub.s32 $0x2, s10;
	s14 =	sshll.u32 s10, $0x4  }
0xc: {  	s24 =	sadd.s32 s0, s22;
	s26 =	sadd.s32 s2, s22;
	s15 =	sor.u32 $0x800, s25  }
0xd: {  	s19 =	sor.u32 $0x1000, s25;
	s13 =	sshrl.u32 s21, $0x1;
	[dreg:$0x9] =	wrdreg s24  }
0xe: {  	s12 =	sshrl.u32 s12, $0x2;
	s9 =	sadd.s32 s9, s14;
	[dreg:$0xa] =	wrdreg s26  }
0xf: {  	s17 =	sshll.u32 s15, $0x8;
	s18 =	sshrl.u32 s15, $0x3;
	s24 =	sshrl.u32 s19, $0x3  }
0x10: {  	s8 =	sadd.s32 s7, s1;
	[dreg:$0x7] =	wrdreg s9;
	s9 =	sadd.s32 s3, s22  }
0x11: {  	s7 =	sadd.s32 $0x51E00, s4;
	s15 =	sadd.s32 s0, s18;
	[dreg:$0xc] =	wrdreg s9  }
0x12: {  	s13 =	ssub.s32 s21, s13;
	s14 =	sadd.s32 s0, s24;
	[dreg:$0xd] =	wrdreg s15  }
0x13: {  	s20 =	sadd.s32 s12, s5;
	s26 =	sadd.s32 s2, s24;
	[dreg:$0x12] =	wrdreg s14  }
0x14: {  	s21 =	sshll.u32 s19, $0x8;
	s12 =	sadd.s32 s3, s24;
	[dreg:$0x13] =	wrdreg s26  }
0x15: {  	s11 =	sshll.u32 s8, $0x4;
	s8 =	sadd.s32 $0x2C2E00, s4;
	[dreg:$0x14] =	wrdreg s12  }
0x16: {  	s24 =	sadd.s32 $0x8000, s20;
	s26 =	sor.u32 $0x20, s16;
	[dreg:$0x8] =	wrdreg s20  }
0x17: {  	s29 =	sadd.s32 $0xC000, s20;
	s4 =	sadd.s32 s11, s4;
	[smem:$0x7FB] =	sst s26  }
0x18: {  	s11 =	sshll.u32 s10, $0xA;
	s26 =	simm.s32 $0x2;
	[smem:$0x7FC] =	sst s24  }
0x19: {  	[smem:$0x7FD] =	sst s29;
	s10 =	sor.u32 s11, s23;
	s9 =	sor.u32 s11, s17  }
0x1a: {  	s17 =	sadd.s32 s2, s18;
	s22 =	sor.u32 s11, s21;
	s23 =	sor.u32 $0x27000, s25  }
0x1b: {  	s19 =	sadd.s32 $0xEF200, s4;
	s21 =	sadd.s32 $0xEFA00, s4;
	[dreg:$0xe] =	wrdreg s17  }
0x1c: {  	s10 =	sshrl.u32 s10, $0x3;
	s9 =	sshrl.u32 s9, $0x3;
	[dreg:$0x1b] =	wrdreg s19  }
0x1d: {  	s25 =	sshll.u32 s23, $0x8;
	s17 =	sadd.s32 $0xEE200, s4;
	[dreg:$0x1c] =	wrdreg s21  }
0x1e: {  	s19 =	simm.s32 $0x800;
	s10 =	sadd.s32 s8, s10;
	[dreg:$0x19] =	wrdreg s17  }
0x1f: {  	s21 =	simm.s32 $0x80;
	s9 =	sadd.s32 s8, s9;
	[dreg:$0xb] =	wrdreg s10  }
0x20: {  	s17 =	simm.s32 $0x180;
	[dreg:$0xf] =	wrdreg s9;
	s10 =	sadd.s32 s3, s18  }
0x21: {  	s9 =	sshrl.u32 s22, $0x3;
	s18 =	sadd.s32 $0xEEA00, s4;
	[dreg:$0x10] =	wrdreg s10  }
0x22: {  	s4 =	sadd.s32 $0xF0200, s4;
	s22 =	smax.u32 s13, $0x1;
	[dreg:$0x1a] =	wrdreg s18  }
0x23: {  	s13 =	simm.s32 $0x0;
	s9 =	sadd.s32 s8, s9;
	[dreg:$0x1d] =	wrdreg s4  }
0x24: {  	s10 =	sshrl.u32 s23, $0x3;
	[dreg:$0x1e] =	wrdreg s22;
	s23 =	sadd.s32 $0x10000, s20  }
0x25: {  	s18 =	simm.s32 $0x400;
	s22 =	simm.s32 $0x200;
	s4 =	simm.s32 $0x8300  }
0x26: {  	[dreg:$0x11] =	wrdreg s9;
	s9 =	sor.u32 s11, s25;
	s12 =	sadd.s32 s0, s10  }
0x27: {  	s14 =	sadd.s32 s2, s10;
	s15 =	sadd.s32 s3, s10;
	[smem:$0x7F9] =	sst s23  }
0x28: {  	s25 =	sor.u32 $0x10, s16;
	s16 =	simm.s32 $0x300;
	[dreg:$0x16] =	wrdreg s12  }
.Ltmp0:
0x29: {  	s23 =	simm.s32 $0x4300;
	[dreg:$0x17] =	wrdreg s14;
	(pc) =	sbr.rel .LBB2_1-.Ltmp0, $4  }
0x2a: {  	s10 =	simm.s32 $0x6;
	s9 =	sshrl.u32 s9, $0x3;
	[dreg:$0x18] =	wrdreg s15  }
0x2b: {  	s14 =	sadd.s32 $0x4000, s20;
	[smem:$0x7FA] =	sst s25;
	s15 =	simm.s32 $0x7  }
0x2c: {  	s25 =	simm.s32 $0x1;
	s9 =	sadd.s32 s8, s9;
	[dreg:$0x1f] =	wrdreg s14  }
0x2d: {  	v1 =	vimm.f32 $0.0e+00;
	v0 =	vmov s1;
	s12 =	simm.s32 $0x5;
	[dreg:$0x15] =	wrdreg s9;
	s9 =	simm.s32 $0x4  }
.LBB2_15:
0x2e: {  	[bflag:$0x0] =	sbarrier.arrive $0xFFFF  }
0x2f: {  	[tilespmem:s16], [sflag:$0x7] =	stream.linear.gather [spmem:s20], $0x4000, $0x38;
	[tilespmem:$0x1FF00] =	vst v63  }
0x30: {  	_ =	swait.ge [sflag:s15], $0x4000  }
0x31: {  	[sflag:s15] =	ssyncset.done $0x0  }
0x32: {  	s1 =	rddreg [dreg:$0x19];
	[sflag:s15] =	ssyncadd.s32 $0xFFFFC000  }
0x33: {  	[hbm4b:s1+s6] =	stream.linear.scatter [tilespmem:s16], [sflag:$0x7], $0x4000, $0x38;
	[tilespmem:$0x1FF00] =	vst v63  }
0x34: {  	_ =	swait.ge [sflag:s15], $0x4000  }
0x35: {  	[sflag:s15] =	ssyncset.done $0x0  }
0x36: {  	s14 =	rddreg [dreg:$0x1f];
	[sflag:s15] =	ssyncadd.s32 $0xFFFFC000  }
0x37: {  	[tilespmem:s16], [sflag:$0x7] =	stream.linear.gather [spmem:s14], $0x4000, $0x38;
	[tilespmem:$0x1FF00] =	vst v63  }
0x38: {  	_ =	swait.ge [sflag:s15], $0x4000  }
0x39: {  	[sflag:s15] =	ssyncset.done $0x0  }
0x3a: {  	s1 =	rddreg [dreg:$0x1a];
	[sflag:s15] =	ssyncadd.s32 $0xFFFFC000  }
0x3b: {  	[hbm4b:s1+s6] =	stream.linear.scatter [tilespmem:s16], [sflag:$0x7], $0x4000, $0x38;
	[tilespmem:$0x1FF00] =	vst v63  }
0x3c: {  	_ =	swait.ge [sflag:s15], $0x4000  }
0x3d: {  	[sflag:s15] =	ssyncset.done $0x0  }
0x3e: {  	[sflag:s15] =	ssyncadd.s32 $0xFFFFC000  }
0x3f: {  	[tilespmem:s16], [sflag:$0x7] =	stream.linear.gather [spmem:s24], $0x4000, $0x38;
	[tilespmem:$0x1FF00] =	vst v63  }
0x40: {  	_ =	swait.ge [sflag:s15], $0x4000  }
0x41: {  	[sflag:s15] =	ssyncset.done $0x0  }
0x42: {  	s1 =	rddreg [dreg:$0x1b];
	[sflag:s15] =	ssyncadd.s32 $0xFFFFC000  }
0x43: {  	[hbm4b:s1+s6] =	stream.linear.scatter [tilespmem:s16], [sflag:$0x7], $0x4000, $0x38;
	[tilespmem:$0x1FF00] =	vst v63  }
0x44: {  	_ =	swait.ge [sflag:s15], $0x4000  }
0x45: {  	[sflag:s15] =	ssyncset.done $0x0  }
0x46: {  	[sflag:s15] =	ssyncadd.s32 $0xFFFFC000  }
0x47: {  	[tilespmem:s16], [sflag:$0x7] =	stream.linear.gather [spmem:s29], $0x4000, $0x38;
	[tilespmem:$0x1FF00] =	vst v63  }
0x48: {  	_ =	swait.ge [sflag:s15], $0x4000  }
0x49: {  	[sflag:s15] =	ssyncset.done $0x0  }
0x4a: {  	s1 =	rddreg [dreg:$0x1c];
	[sflag:s15] =	ssyncadd.s32 $0xFFFFC000  }
0x4b: {  	[hbm4b:s1+s6] =	stream.linear.scatter [tilespmem:s16], [sflag:$0x7], $0x4000, $0x38;
	[tilespmem:$0x1FF00] =	vst v63  }
0x4c: {  	_ =	swait.ge [sflag:s15], $0x4000  }
0x4d: {  	s1 =	sld [smem:$0x7F9]  }
0x4e: {  	[sflag:s15] =	ssyncset.done $0x0  }
0x4f: {  	[sflag:s15] =	ssyncadd.s32 $0xFFFFC000  }
0x50: {  	[tilespmem:s16], [sflag:$0x7] =	stream.linear.gather [spmem:s1], $0x4000, $0x38;
	[tilespmem:$0x1FF00] =	vst v63  }
0x51: {  	_ =	swait.ge [sflag:s15], $0x4000  }
0x52: {  	[sflag:s15] =	ssyncset.done $0x0  }
0x53: {  	s1 =	rddreg [dreg:$0x1d];
	[sflag:s15] =	ssyncadd.s32 $0xFFFFC000  }
0x54: {  	[hbm4b:s1+s6] =	stream.linear.scatter [tilespmem:s16], [sflag:$0x7], $0x4000, $0x38;
	[tilespmem:$0x1FF00] =	vst v63  }
0x55: {  	_ =	swait.ge [sflag:s15], $0x4000  }
0x56: {  	s13 =	sadd.s32 $0x1, s13;
	s1 =	rddreg [dreg:$0x1e]  }
0x57: {  	p1 =	sne.s32 s13, s1  }
.Ltmp1:
0x58: {  	_ = 	snop;
	(pc) =	sbr.rel @!p1 .LBB2_16-.Ltmp1, $3  }
0x59: {  	_ =	sdelay $0x1  }
0x5a: {  	[sflag:s15] =	ssyncset.done $0x0  }
0x5b: {  	[sflag:s15] =	ssyncadd.s32 $0xFFFFC000  }
.LBB2_1:
0x5c: {  	[smem:$0x7F8] =	sst s13  }
0x5d: {  	s1 =	rddreg [dreg:$0x7];
	s13 =	simm.s32 $0xC600  }
0x5e: {  	[tilespmem:s13], [sflag:$0x7] =	stream.linear.gather [hbm4b:s1+s6], $0x80, $0x38;
	[tilespmem:$0x1FF00] =	vst v63  }
0x5f: {  	_ =	swait.ge [sflag:s15], $0x80  }
0x60: {  	[sflag:s15] =	ssyncset.done $0x0  }
0x61: {  	[sflag:s15] =	ssyncadd.s32 $0xFFFFFF80  }
0x62: {  	v9 =	vld [tilespmem:$0xC600]  }
0x63: {  	v8 =	vld [tilespmem:$0xC610]  }
0x64: {  	v7 =	vld [tilespmem:$0xC620]  }
0x65: {  	v6 =	vld [tilespmem:$0xC630]  }
0x66: {  	v5 =	vld [tilespmem:$0xC640]  }
0x67: {  	v4 =	vld [tilespmem:$0xC650]  }
0x68: {  	v3 =	vld [tilespmem:$0xC660]  }
0x69: {  	s1 =	simm.s32 $0x0;
	s13 =	simm.s32 $0x200;
	v2 =	vld [tilespmem:$0xC670]  }
.LBB2_2:
0x6a: {  	p1 =	sne.s32 s13, $0xFE00;
	[tilespmem:s1+$0x370] =	vst v1  }
0x6b: {  	[tilespmem:s1+$0x300] =	vst v1  }
0x6c: {  	[tilespmem:s1+$0x310] =	vst v1  }
.Ltmp2:
0x6d: {  	[tilespmem:s1+$0x320] =	vst v1;
	(pc) =	sbr.rel @p1 .LBB2_2-.Ltmp2, $4  }
0x6e: {  	[tilespmem:s1+$0x330] =	vst v1  }
0x6f: {  	[tilespmem:s1+$0x340] =	vst v1  }
0x70: {  	[tilespmem:s1+$0x350] =	vst v1  }
0x71: {  	[tilespmem:s1+$0x360] =	vst v1;
	s1 =	sshra.s32 s13, $0x2;
	s13 =	sadd.s32 $0x200, s13  }
0x72: {  	[tilespmem:s1+$0x370] =	vst v1  }
0x73: {  	[tilespmem:s1+$0x300] =	vst v1  }
0x74: {  	[tilespmem:s1+$0x310] =	vst v1  }
0x75: {  	[tilespmem:s1+$0x320] =	vst v1  }
0x76: {  	[tilespmem:s1+$0x330] =	vst v1  }
0x77: {  	[tilespmem:s1+$0x340] =	vst v1  }
0x78: {  	[tilespmem:s1+$0x350] =	vst v1  }
0x79: {  	[tilespmem:s1+$0x360] =	vst v1  }
0x7a: {  	[spmem:s20] =	stream.linear.scatter [tilespmem:s16], [sflag:$0x7], $0x4000, $0x38;
	[tilespmem:$0x1FF00] =	vst v63  }
0x7b: {  	_ =	swait.ge [sflag:s15], $0x4000  }
0x7c: {  	[sflag:s15] =	ssyncset.done $0x0  }
0x7d: {  	[sflag:s15] =	ssyncadd.s32 $0xFFFFC000  }
0x7e: {  	[spmem:s14] =	stream.linear.scatter [tilespmem:s16], [sflag:$0x7], $0x4000, $0x38;
	[tilespmem:$0x1FF00] =	vst v63  }
0x7f: {  	_ =	swait.ge [sflag:s15], $0x4000  }
0x80: {  	[sflag:s15] =	ssyncset.done $0x0  }
0x81: {  	[sflag:s15] =	ssyncadd.s32 $0xFFFFC000  }
0x82: {  	[spmem:s24] =	stream.linear.scatter [tilespmem:s16], [sflag:$0x7], $0x4000, $0x38;
	[tilespmem:$0x1FF00] =	vst v63  }
0x83: {  	_ =	swait.ge [sflag:s15], $0x4000  }
0x84: {  	[sflag:s15] =	ssyncset.done $0x0  }
0x85: {  	[sflag:s15] =	ssyncadd.s32 $0xFFFFC000  }
0x86: {  	[spmem:s29] =	stream.linear.scatter [tilespmem:s16], [sflag:$0x7], $0x4000, $0x38;
	[tilespmem:$0x1FF00] =	vst v63  }
0x87: {  	_ =	swait.ge [sflag:s15], $0x4000  }
0x88: {  	s20 =	sld [smem:$0x7F9]  }
0x89: {  	[sflag:s15] =	ssyncset.done $0x0  }
0x8a: {  	[sflag:s15] =	ssyncadd.s32 $0xFFFFC000  }
0x8b: {  	[spmem:s20] =	stream.linear.scatter [tilespmem:s16], [sflag:$0x7], $0x4000, $0x38;
	[tilespmem:$0x1FF00] =	vst v63  }
0x8c: {  	_ =	swait.ge [sflag:s15], $0x4000  }
0x8d: {  	[sflag:s15] =	ssyncset.done $0x0  }
0x8e: {  	[sflag:s15] =	ssyncadd.s32 $0xFFFFC000  }
0x8f: {  	[bflag:$0x0] =	sbarrier.arrive $0xFFFF  }
0x90: {  	s14 =	simm.s32 $0x0;
	s24 =	rddreg [dreg:$0x9]  }
0x91: {  	[tilespmem:s14], [sflag:$0x1] =	stream.linear.gather [hbm4b:s24+s14], $0x80, $0x38;
	[tilespmem:$0x1FF00] =	vst v63  }
0x92: {  	s13 =	rddreg [dreg:$0xa]  }
0x93: {  	[tilespmem:s17], [sflag:$0x1] =	stream.linear.gather [hbm4b:s13+s14], $0x80, $0x38;
	[tilespmem:$0x1FF00] =	vst v63  }
0x94: {  	s20 =	rddreg [dreg:$0xb]  }
0x95: {  	[tilespmem:s16], [sflag:$0x1] =	stream.strided.gather [hbm4b:s20+s18], $0x4000, s19, s18, $0x38;
	[tilespmem:$0x1FF00] =	vst v63  }
0x96: {  	s24 =	rddreg [dreg:$0xc];
	s13 =	simm.s32 $0xC300  }
0x97: {  	[tilespmem:s13], [sflag:$0x1] =	stream.linear.gather [hbm4b:s24+s14], $0x80, $0x38;
	[tilespmem:$0x1FF00] =	vst v63  }
0x98: {  	s20 =	rddreg [dreg:$0xd]  }
0x99: {  	[tilespmem:s21], [sflag:$0x2] =	stream.linear.gather [hbm4b:s20+s14], $0x80, $0x38;
	[tilespmem:$0x1FF00] =	vst v63  }
0x9a: {  	s24 =	rddreg [dreg:$0xe]  }
0x9b: {  	[tilespmem:s22], [sflag:$0x2] =	stream.linear.gather [hbm4b:s24+s14], $0x80, $0x38;
	[tilespmem:$0x1FF00] =	vst v63  }
0x9c: {  	s13 =	rddreg [dreg:$0xf]  }
0x9d: {  	[tilespmem:s23], [sflag:$0x2] =	stream.strided.gather [hbm4b:s13+s18], $0x4000, s19, s18, $0x38;
	[tilespmem:$0x1FF00] =	vst v63  }
0x9e: {  	s20 =	rddreg [dreg:$0x10];
	s24 =	simm.s32 $0xC400  }
0x9f: {  	[tilespmem:s24], [sflag:$0x2] =	stream.linear.gather [hbm4b:s20+s14], $0x80, $0x38;
	[tilespmem:$0x1FF00] =	vst v63  }
0xa0: {  	s20 =	rddreg [dreg:$0x12]  }
0xa1: {  	[tilespmem:s30], [sflag:$0x3] =	stream.linear.gather [hbm4b:s20+s14], $0x80, $0x38;
	[tilespmem:$0x1FF00] =	vst v63  }
0xa2: {  	s24 =	rddreg [dreg:$0x13]  }
0xa3: {  	[tilespmem:s31], [sflag:$0x3] =	stream.linear.gather [hbm4b:s24+s14], $0x80, $0x38;
	[tilespmem:$0x1FF00] =	vst v63  }
0xa4: {  	s13 =	rddreg [dreg:$0x11]  }
0xa5: {  	[tilespmem:s4], [sflag:$0x3] =	stream.strided.gather [hbm4b:s13+s18], $0x4000, s19, s18, $0x38;
	[tilespmem:$0x1FF00] =	vst v63  }
0xa6: {  	s29 =	simm.s32 $0x0;
	s20 =	rddreg [dreg:$0x14];
	s24 =	simm.s32 $0xC500  }
0xa7: {  	[tilespmem:s24], [sflag:$0x3] =	stream.linear.gather [hbm4b:s20+s14], $0x80, $0x38;
	[tilespmem:$0x1FF00] =	vst v63  }
.LBB2_4:
0xa8: {  	_ =	swait.ge [sflag:s25], $0x80  }
0xa9: {  	[sflag:s25] =	ssyncset.done $0x0  }
0xaa: {  	[sflag:s25] =	ssyncadd.s32 $0xFFFFFF80  }
0xab: {  	_ =	swait.ge [sflag:s25], $0x80  }
0xac: {  	[sflag:s25] =	ssyncset.done $0x0  }
0xad: {  	[sflag:s25] =	ssyncadd.s32 $0xFFFFFF80  }
0xae: {  	_ =	swait.ge [sflag:s25], $0x4000  }
0xaf: {  	[sflag:s25] =	ssyncset.done $0x0  }
0xb0: {  	[sflag:s25] =	ssyncadd.s32 $0xFFFFC000  }
0xb1: {  	_ =	swait.ge [sflag:s25], $0x80  }
0xb2: {  	[sflag:s25] =	ssyncset.done $0x0  }
0xb3: {  	[sflag:s25] =	ssyncadd.s32 $0xFFFFFF80  }
0xb4: {  	v10 =	vld [tilespmem:$0x0]  }
0xb5: {  	v11 =	vld [tilespmem:$0x10]  }
0xb6: {  	v12 =	vld [tilespmem:$0x20]  }
0xb7: {  	v13 =	vld [tilespmem:$0x30]  }
0xb8: {  	v14 =	vld [tilespmem:$0x40]  }
0xb9: {  	v15 =	vld [tilespmem:$0x50];
	v10 =	vadd.s32 v0, v10  }
0xba: {  	[tilespmem:$0x0] =	vst v10;
	v10 =	vadd.s32 v0, v11;
	v11 =	vld [tilespmem:$0x60]  }
0xbb: {  	v43 =	vld [tilespmem:$0x70];
	[tilespmem:$0x10] =	vst v10;
	v10 =	vadd.s32 v0, v12  }
0xbc: {  	[tilespmem:$0x20] =	vst v10;
	v10 =	vadd.s32 v0, v13  }
0xbd: {  	[tilespmem:$0x30] =	vst v10;
	v10 =	vadd.s32 v0, v14  }
0xbe: {  	[tilespmem:$0x40] =	vst v10;
	v10 =	vadd.s32 v0, v15  }
0xbf: {  	[tilespmem:$0x50] =	vst v10;
	v10 =	vadd.s32 v0, v11  }
0xc0: {  	[tilespmem:$0x60] =	vst v10;
	v10 =	vadd.s32 v0, v43  }
0xc1: {  	s1 =	simm.s32 $0x0;
	[tilespmem:$0x70] =	vst v10  }
0xc2: {  	[tilespmem:s16], [sflag:$0x4] =	stream.indirect.gather.add.f32 [hbm:s7], $0x80, s1, s21, $0xb8;
	[tilespmem:$0x1FF00] =	vst v63  }
0xc3: {  	_ =	swait.ge [sflag:s26], $0x80  }
0xc4: {  	[sflag:s26] =	ssyncset.done $0x0  }
0xc5: {  	[sflag:s26] =	ssyncadd.s32 $0xFFFFFF80  }
0xc6: {  	_ =	swait.ge [sflag:s26], $0x80  }
0xc7: {  	[sflag:s26] =	ssyncset.done $0x0  }
0xc8: {  	[sflag:s26] =	ssyncadd.s32 $0xFFFFFF80  }
0xc9: {  	_ =	swait.ge [sflag:s26], $0x4000  }
0xca: {  	[sflag:s26] =	ssyncset.done $0x0  }
0xcb: {  	[sflag:s26] =	ssyncadd.s32 $0xFFFFC000  }
0xcc: {  	_ =	swait.ge [sflag:s26], $0x80  }
0xcd: {  	[sflag:s26] =	ssyncset.done $0x0  }
0xce: {  	[sflag:s26] =	ssyncadd.s32 $0xFFFFFF80  }
0xcf: {  	v10 =	vld [tilespmem:$0x80]  }
0xd0: {  	v11 =	vld [tilespmem:$0x90]  }
0xd1: {  	v44 =	vld [tilespmem:$0xA0]  }
0xd2: {  	v45 =	vld [tilespmem:$0xB0]  }
0xd3: {  	v46 =	vld [tilespmem:$0xC0]  }
0xd4: {  	v47 =	vld [tilespmem:$0xD0];
	v10 =	vadd.s32 v0, v10  }
0xd5: {  	[tilespmem:$0x80] =	vst v10;
	v10 =	vadd.s32 v0, v11;
	v11 =	vld [tilespmem:$0xE0]  }
0xd6: {  	v48 =	vld [tilespmem:$0xF0];
	[tilespmem:$0x90] =	vst v10;
	v10 =	vadd.s32 v0, v44  }
0xd7: {  	[tilespmem:$0xA0] =	vst v10;
	v10 =	vadd.s32 v0, v45  }
0xd8: {  	[tilespmem:$0xB0] =	vst v10;
	v10 =	vadd.s32 v0, v46  }
0xd9: {  	[tilespmem:$0xC0] =	vst v10;
	v10 =	vadd.s32 v0, v47  }
0xda: {  	[tilespmem:$0xD0] =	vst v10;
	v10 =	vadd.s32 v0, v11  }
0xdb: {  	[tilespmem:$0xE0] =	vst v10;
	v10 =	vadd.s32 v0, v48  }
0xdc: {  	[tilespmem:$0xF0] =	vst v10  }
0xdd: {  	[tilespmem:s23], [sflag:$0x5] =	stream.indirect.gather.add.f32 [hbm:s7], $0x80, s21, s21, $0xb8;
	[tilespmem:$0x1FF00] =	vst v63  }
0xde: {  	_ =	swait.ge [sflag:s28], $0x80  }
0xdf: {  	[sflag:s28] =	ssyncset.done $0x0  }
0xe0: {  	[sflag:s28] =	ssyncadd.s32 $0xFFFFFF80  }
0xe1: {  	_ =	swait.ge [sflag:s28], $0x80  }
0xe2: {  	[sflag:s28] =	ssyncset.done $0x0  }
0xe3: {  	[sflag:s28] =	ssyncadd.s32 $0xFFFFFF80  }
0xe4: {  	_ =	swait.ge [sflag:s28], $0x4000  }
0xe5: {  	[sflag:s28] =	ssyncset.done $0x0  }
0xe6: {  	[sflag:s28] =	ssyncadd.s32 $0xFFFFC000  }
0xe7: {  	_ =	swait.ge [sflag:s28], $0x80  }
0xe8: {  	[sflag:s28] =	ssyncset.done $0x0  }
0xe9: {  	[sflag:s28] =	ssyncadd.s32 $0xFFFFFF80  }
0xea: {  	v10 =	vld [tilespmem:$0x100]  }
0xeb: {  	v11 =	vld [tilespmem:$0x110]  }
0xec: {  	v49 =	vld [tilespmem:$0x120]  }
0xed: {  	v50 =	vld [tilespmem:$0x130]  }
0xee: {  	v51 =	vld [tilespmem:$0x140]  }
0xef: {  	v52 =	vld [tilespmem:$0x150];
	v10 =	vadd.s32 v0, v10  }
0xf0: {  	[tilespmem:$0x100] =	vst v10;
	v10 =	vadd.s32 v0, v11;
	v11 =	vld [tilespmem:$0x160]  }
0xf1: {  	v53 =	vld [tilespmem:$0x170];
	[tilespmem:$0x110] =	vst v10;
	v10 =	vadd.s32 v0, v49  }
0xf2: {  	[tilespmem:$0x120] =	vst v10;
	v10 =	vadd.s32 v0, v50  }
0xf3: {  	[tilespmem:$0x130] =	vst v10;
	v10 =	vadd.s32 v0, v51  }
0xf4: {  	[tilespmem:$0x140] =	vst v10;
	v10 =	vadd.s32 v0, v52  }
0xf5: {  	[tilespmem:$0x150] =	vst v10;
	v10 =	vadd.s32 v0, v11  }
0xf6: {  	[tilespmem:$0x160] =	vst v10;
	v10 =	vadd.s32 v0, v53  }
0xf7: {  	[tilespmem:$0x170] =	vst v10  }
0xf8: {  	[tilespmem:s4], [sflag:$0x6] =	stream.indirect.gather.add.f32 [hbm:s7], $0x80, s30, s21, $0xb8;
	[tilespmem:$0x1FF00] =	vst v63  }
0xf9: {  	_ =	swait.ge [sflag:s9], $0x4000  }
0xfa: {  	[sflag:s9] =	ssyncset.done $0x0  }
0xfb: {  	s13 =	simm.s32 $0x0;
	[sflag:s9] =	ssyncadd.s32 $0xFFFFC000  }
0xfc: {  	v10 =	vld.msk [tilespmem:s13+$0xC300 ss:$0x0], $0xffff  }
0xfd: {  	s20 =	simm.s32 $0x340  }
0xfe: {  	v11 =	vld [tilespmem:s20+$0xFFFFFFC0]  }
0xff: {  	v54 =	vld [tilespmem:s20+$0xFFFFFFD0]  }
0x100: {  	v55 =	vld [tilespmem:s20+$0xFFFFFFE0]  }
0x101: {  	v56 =	vld [tilespmem:s20+$0xFFFFFFF0];
	v57 =	vmul.f32 v10, v9  }
0x102: {  	v18 =	vld [tilespmem:s20+$0x10];
	v17 =	vmul.f32 v10, v8  }
0x103: {  	v60 =	vld [tilespmem:s20+$0x30];
	v19 =	vmul.f32 v10, v7;
	v58 =	vmul.f32 v10, v6;
	v11 =	vadd.f32 v57, v11  }
0x104: {  	v16 =	vld [tilespmem:s20+$0x0];
	v20 =	vmul.f32 v10, v5;
	v61 =	vmul.f32 v10, v4;
	v12 =	vadd.f32 v54, v17  }
0x105: {  	v59 =	vld [tilespmem:s20+$0x20];
	v62 =	vmul.f32 v10, v3;
	v13 =	vadd.f32 v55, v19;
	v11 =	vmax.f32 v11, $0.0e+00  }
0x106: {  	v10 =	vmul.f32 v10, v2;
	v14 =	vadd.f32 v56, v58;
	v12 =	vmax.f32 v12, $0.0e+00;
	[tilespmem:s20+$0xFFFFFFC0] =	vst v11  }
0x107: {  	v15 =	vadd.f32 v18, v61;
	v13 =	vmax.f32 v13, $0.0e+00;
	[tilespmem:s20+$0xFFFFFFD0] =	vst v12  }
0x108: {  	v10 =	vadd.f32 v60, v10;
	v14 =	vmax.f32 v14, $0.0e+00;
	[tilespmem:s20+$0xFFFFFFE0] =	vst v13  }
0x109: {  	v63 =	vmax.f32 v15, $0.0e+00;
	v11 =	vadd.f32 v16, v20;
	[tilespmem:s20+$0xFFFFFFF0] =	vst v14  }
0x10a: {  	v10 =	vmax.f32 v10, $0.0e+00;
	v12 =	vadd.f32 v59, v62;
	[tilespmem:s20+$0x10] =	vst v63  }
0x10b: {  	[tilespmem:s20+$0x30] =	vst v10;
	v11 =	vmax.f32 v11, $0.0e+00  }
0x10c: {  	[tilespmem:s20+$0x0] =	vst v11;
	v11 =	vmax.f32 v12, $0.0e+00  }
0x10d: {  	s24 =	simm.s32 $0x8;
	s13 =	simm.s32 $0x1;
	[tilespmem:s20+$0x20] =	vst v11  }
.LBB2_5:
0x10e: {  	p1 =	sne.s32 s24, $0x1FC;
	v10 =	vld.msk [tilespmem:s13+$0xC300 ss:$0x0], $0xffff;
	s20 =	sadd.s32 $0x80, s20  }
0x10f: {  	v11 =	vld [tilespmem:s20+$0xFFFFFFF0]  }
0x110: {  	v12 =	vld [tilespmem:s20+$0xFFFFFFD0]  }
0x111: {  	v13 =	vld [tilespmem:s20+$0xFFFFFFC0]  }
0x112: {  	v14 =	vld [tilespmem:s20+$0xFFFFFFE0]  }
0x113: {  	v15 =	vld [tilespmem:s20+$0x0]  }
0x114: {  	v16 =	vmul.f32 v10, v9;
	v17 =	vmul.f32 v10, v8;
	v18 =	vld [tilespmem:s20+$0x10]  }
0x115: {  	v19 =	vmul.f32 v10, v7;
	v20 =	vmul.f32 v10, v6  }
0x116: {  	v12 =	vadd.f32 v12, v17;
	v13 =	vadd.f32 v16, v13;
	v16 =	vmul.f32 v10, v5;
	v17 =	vld [tilespmem:s20+$0x30]  }
0x117: {  	v11 =	vadd.f32 v11, v20;
	v14 =	vadd.f32 v14, v19;
	v19 =	vmul.f32 v10, v4;
	v20 =	vld [tilespmem:s20+$0x20]  }
0x118: {  	v12 =	vmax.f32 v12, $0.0e+00;
	v13 =	vmax.f32 v13, $0.0e+00;
	v15 =	vadd.f32 v15, v16  }
0x119: {  	v11 =	vmax.f32 v11, $0.0e+00;
	[tilespmem:s20+$0xFFFFFFC0] =	vst v13;
	v13 =	vmax.f32 v14, $0.0e+00;
	v14 =	vadd.f32 v18, v19  }
0x11a: {  	[tilespmem:s20+$0xFFFFFFD0] =	vst v12;
	v12 =	vmax.f32 v15, $0.0e+00;
	v15 =	vmul.f32 v10, v3;
	v10 =	vmul.f32 v10, v2  }
0x11b: {  	[tilespmem:s20+$0xFFFFFFE0] =	vst v13;
	v13 =	vmax.f32 v14, $0.0e+00  }
.Ltmp3:
0x11c: {  	[tilespmem:s20+$0xFFFFFFF0] =	vst v11;
	v11 =	vadd.f32 v20, v15;
	v10 =	vadd.f32 v17, v10;
	(pc) =	sbr.rel @p1 .LBB2_5-.Ltmp3, $4  }
0x11d: {  	[tilespmem:s20+$0x0] =	vst v12  }
0x11e: {  	[tilespmem:s20+$0x10] =	vst v13;
	v11 =	vmax.f32 v11, $0.0e+00;
	v10 =	vmax.f32 v10, $0.0e+00  }
0x11f: {  	[tilespmem:s20+$0x20] =	vst v11  }
0x120: {  	s13 =	sshra.s32 s24, $0x2;
	s24 =	sadd.s32 $0x4, s24;
	[tilespmem:s20+$0x30] =	vst v10  }
0x121: {  	v10 =	vld.msk [tilespmem:s13+$0xC300 ss:$0x0], $0xffff  }
0x122: {  	s24 =	sadd.s32 $0x80, s20  }
0x123: {  	v11 =	vld [tilespmem:s24+$0xFFFFFFC0]  }
0x124: {  	v12 =	vld [tilespmem:s24+$0xFFFFFFD0]  }
0x125: {  	v13 =	vld [tilespmem:s24+$0xFFFFFFE0]  }
0x126: {  	v14 =	vld [tilespmem:s24+$0xFFFFFFF0];
	v15 =	vmul.f32 v10, v9  }
0x127: {  	v18 =	vld [tilespmem:s24+$0x10];
	v17 =	vmul.f32 v10, v8  }
0x128: {  	v45 =	vld [tilespmem:s24+$0x30];
	v19 =	vmul.f32 v10, v7;
	v43 =	vmul.f32 v10, v6;
	v11 =	vadd.f32 v15, v11  }
0x129: {  	v16 =	vld [tilespmem:s24+$0x0];
	v20 =	vmul.f32 v10, v5;
	v46 =	vmul.f32 v10, v4;
	v12 =	vadd.f32 v12, v17  }
0x12a: {  	v44 =	vld [tilespmem:s24+$0x20];
	v47 =	vmul.f32 v10, v3;
	v13 =	vadd.f32 v13, v19;
	v11 =	vmax.f32 v11, $0.0e+00  }
0x12b: {  	v10 =	vmul.f32 v10, v2;
	v14 =	vadd.f32 v14, v43;
	v12 =	vmax.f32 v12, $0.0e+00;
	[tilespmem:s24+$0xFFFFFFC0] =	vst v11  }
0x12c: {  	v15 =	vadd.f32 v18, v46;
	v13 =	vmax.f32 v13, $0.0e+00;
	[tilespmem:s24+$0xFFFFFFD0] =	vst v12  }
0x12d: {  	v10 =	vadd.f32 v45, v10;
	v14 =	vmax.f32 v14, $0.0e+00;
	[tilespmem:s24+$0xFFFFFFE0] =	vst v13  }
0x12e: {  	v48 =	vmax.f32 v15, $0.0e+00;
	v11 =	vadd.f32 v16, v20;
	[tilespmem:s24+$0xFFFFFFF0] =	vst v14  }
0x12f: {  	v10 =	vmax.f32 v10, $0.0e+00;
	v12 =	vadd.f32 v44, v47;
	[tilespmem:s24+$0x10] =	vst v48  }
0x130: {  	[tilespmem:s24+$0x30] =	vst v10;
	v11 =	vmax.f32 v11, $0.0e+00  }
0x131: {  	s20 =	sadd.s32 $0x1, s29;
	[tilespmem:s24+$0x0] =	vst v11;
	v11 =	vmax.f32 v12, $0.0e+00  }
0x132: {  	s1 =	stileid.u32;
	[tilespmem:s24+$0x20] =	vst v11;
	s24 =	smul.u32 $0x30, s20  }
0x133: {  	[spmem:s5] =	stream.indirect.scatter.add.f32 [tilespmem:s16], [sflag:$0x7], $0x80, s17, s21, $0xb8;
	[tilespmem:$0x1FF00] =	vst v63  }
0x134: {  	s1 =	sor.u32 s1, s24  }
0x135: {  	p1 =	seq.s32 s29, $0x19;
	_ =	swait.ge [sflag:s15], $0x4000;
	s13 =	sshll.u32 s1, $0x7  }
0x136: {  	[sflag:s15] =	ssyncset.done $0x0;
	s13 =	simm.s32 @p1 $0x0  }
0x137: {  	s1 =	simm.s32 $0x0;
	s14 =	sshrl.u32 s13, $0x3;
	s13 =	sshll.u32 s13, $0x8  }
0x138: {  	[sflag:s15] =	ssyncadd.s32 $0xFFFFC000;
	s29 =	sadd.s32 s0, s14;
	s13 =	sor.u32 s11, s13  }
0x139: {  	[tilespmem:s1], [sflag:$0x1] =	stream.linear.gather [hbm4b:s29+s1], $0x80, $0x38;
	[tilespmem:$0x1FF00] =	vst v63  }
0x13a: {  	s29 =	sadd.s32 s2, s14;
	s13 =	sshrl.u32 s13, $0x3  }
0x13b: {  	[tilespmem:s17], [sflag:$0x1] =	stream.linear.gather [hbm4b:s29+s1], $0x80, $0x38;
	[tilespmem:$0x1FF00] =	vst v63  }
0x13c: {  	s13 =	sadd.s32 s8, s13  }
0x13d: {  	[tilespmem:s16], [sflag:$0x1] =	stream.strided.gather [hbm4b:s13+s18], $0x4000, s19, s18, $0x38;
	[tilespmem:$0x1FF00] =	vst v63  }
0x13e: {  	s13 =	sadd.s32 s3, s14;
	s14 =	simm.s32 $0xC300  }
0x13f: {  	[tilespmem:s14], [sflag:$0x1] =	stream.linear.gather [hbm4b:s13+s1], $0x80, $0x38;
	[tilespmem:$0x1FF00] =	vst v63  }
0x140: {  	_ =	swait.ge [sflag:s12], $0x4000  }
0x141: {  	[sflag:s12] =	ssyncset.done $0x0  }
0x142: {  	s14 =	simm.s32 $0x0;
	[sflag:s12] =	ssyncadd.s32 $0xFFFFC000  }
0x143: {  	v10 =	vld.msk [tilespmem:s14+$0xC400 ss:$0x0], $0xffff  }
0x144: {  	s29 =	simm.s32 $0x4340  }
0x145: {  	v11 =	vld [tilespmem:s29+$0xFFFFFFC0]  }
0x146: {  	v49 =	vld [tilespmem:s29+$0xFFFFFFD0]  }
0x147: {  	v50 =	vld [tilespmem:s29+$0xFFFFFFE0]  }
0x148: {  	v51 =	vld [tilespmem:s29+$0xFFFFFFF0];
	v52 =	vmul.f32 v10, v9  }
0x149: {  	v55 =	vld [tilespmem:s29+$0x10];
	v54 =	vmul.f32 v10, v8  }
0x14a: {  	v60 =	vld [tilespmem:s29+$0x30];
	v56 =	vmul.f32 v10, v7;
	v57 =	vmul.f32 v10, v6;
	v11 =	vadd.f32 v52, v11  }
0x14b: {  	v53 =	vld [tilespmem:s29+$0x0];
	v59 =	vmul.f32 v10, v5;
	v61 =	vmul.f32 v10, v4;
	v12 =	vadd.f32 v49, v54  }
0x14c: {  	v58 =	vld [tilespmem:s29+$0x20];
	v62 =	vmul.f32 v10, v3;
	v13 =	vadd.f32 v50, v56;
	v11 =	vmax.f32 v11, $0.0e+00  }
0x14d: {  	v10 =	vmul.f32 v10, v2;
	v14 =	vadd.f32 v51, v57;
	v12 =	vmax.f32 v12, $0.0e+00;
	[tilespmem:s29+$0xFFFFFFC0] =	vst v11  }
0x14e: {  	v15 =	vadd.f32 v55, v61;
	v13 =	vmax.f32 v13, $0.0e+00;
	[tilespmem:s29+$0xFFFFFFD0] =	vst v12  }
0x14f: {  	v10 =	vadd.f32 v60, v10;
	v14 =	vmax.f32 v14, $0.0e+00;
	[tilespmem:s29+$0xFFFFFFE0] =	vst v13  }
0x150: {  	v63 =	vmax.f32 v15, $0.0e+00;
	v11 =	vadd.f32 v53, v59;
	[tilespmem:s29+$0xFFFFFFF0] =	vst v14  }
0x151: {  	v10 =	vmax.f32 v10, $0.0e+00;
	v12 =	vadd.f32 v58, v62;
	[tilespmem:s29+$0x10] =	vst v63  }
0x152: {  	[tilespmem:s29+$0x30] =	vst v10;
	v11 =	vmax.f32 v11, $0.0e+00  }
0x153: {  	[tilespmem:s29+$0x0] =	vst v11;
	v11 =	vmax.f32 v12, $0.0e+00  }
0x154: {  	s13 =	simm.s32 $0x8;
	s14 =	simm.s32 $0x1;
	[tilespmem:s29+$0x20] =	vst v11  }
.LBB2_7:
0x155: {  	p2 =	sne.s32 s13, $0x1FC;
	v10 =	vld.msk [tilespmem:s14+$0xC400 ss:$0x0], $0xffff;
	s29 =	sadd.s32 $0x80, s29  }
0x156: {  	v11 =	vld [tilespmem:s29+$0xFFFFFFF0]  }
0x157: {  	v12 =	vld [tilespmem:s29+$0xFFFFFFD0]  }
0x158: {  	v13 =	vld [tilespmem:s29+$0xFFFFFFC0]  }
0x159: {  	v14 =	vld [tilespmem:s29+$0xFFFFFFE0]  }
0x15a: {  	v15 =	vld [tilespmem:s29+$0x0]  }
0x15b: {  	v16 =	vmul.f32 v10, v9;
	v17 =	vmul.f32 v10, v8;
	v18 =	vld [tilespmem:s29+$0x10]  }
0x15c: {  	v19 =	vmul.f32 v10, v7;
	v20 =	vmul.f32 v10, v6  }
0x15d: {  	v12 =	vadd.f32 v12, v17;
	v13 =	vadd.f32 v16, v13;
	v16 =	vmul.f32 v10, v5;
	v17 =	vld [tilespmem:s29+$0x30]  }
0x15e: {  	v11 =	vadd.f32 v11, v20;
	v14 =	vadd.f32 v14, v19;
	v19 =	vmul.f32 v10, v4;
	v20 =	vld [tilespmem:s29+$0x20]  }
0x15f: {  	v12 =	vmax.f32 v12, $0.0e+00;
	v13 =	vmax.f32 v13, $0.0e+00;
	v15 =	vadd.f32 v15, v16  }
0x160: {  	v11 =	vmax.f32 v11, $0.0e+00;
	[tilespmem:s29+$0xFFFFFFC0] =	vst v13;
	v13 =	vmax.f32 v14, $0.0e+00;
	v14 =	vadd.f32 v18, v19  }
0x161: {  	[tilespmem:s29+$0xFFFFFFD0] =	vst v12;
	v12 =	vmax.f32 v15, $0.0e+00;
	v15 =	vmul.f32 v10, v3;
	v10 =	vmul.f32 v10, v2  }
0x162: {  	[tilespmem:s29+$0xFFFFFFE0] =	vst v13;
	v13 =	vmax.f32 v14, $0.0e+00  }
.Ltmp4:
0x163: {  	[tilespmem:s29+$0xFFFFFFF0] =	vst v11;
	v11 =	vadd.f32 v20, v15;
	v10 =	vadd.f32 v17, v10;
	(pc) =	sbr.rel @p2 .LBB2_7-.Ltmp4, $4  }
0x164: {  	[tilespmem:s29+$0x0] =	vst v12  }
0x165: {  	[tilespmem:s29+$0x10] =	vst v13;
	v11 =	vmax.f32 v11, $0.0e+00;
	v10 =	vmax.f32 v10, $0.0e+00  }
0x166: {  	[tilespmem:s29+$0x20] =	vst v11  }
0x167: {  	s14 =	sshra.s32 s13, $0x2;
	s13 =	sadd.s32 $0x4, s13;
	[tilespmem:s29+$0x30] =	vst v10  }
0x168: {  	v10 =	vld.msk [tilespmem:s14+$0xC400 ss:$0x0], $0xffff  }
0x169: {  	s1 =	sadd.s32 $0x80, s29  }
0x16a: {  	v11 =	vld [tilespmem:s1+$0xFFFFFFC0]  }
0x16b: {  	v12 =	vld [tilespmem:s1+$0xFFFFFFD0]  }
0x16c: {  	v13 =	vld [tilespmem:s1+$0xFFFFFFE0]  }
0x16d: {  	v14 =	vld [tilespmem:s1+$0xFFFFFFF0];
	v15 =	vmul.f32 v10, v9  }
0x16e: {  	v18 =	vld [tilespmem:s1+$0x10];
	v17 =	vmul.f32 v10, v8  }
0x16f: {  	v45 =	vld [tilespmem:s1+$0x30];
	v19 =	vmul.f32 v10, v7;
	v43 =	vmul.f32 v10, v6;
	v11 =	vadd.f32 v15, v11  }
0x170: {  	v16 =	vld [tilespmem:s1+$0x0];
	v20 =	vmul.f32 v10, v5;
	v46 =	vmul.f32 v10, v4;
	v12 =	vadd.f32 v12, v17  }
0x171: {  	v44 =	vld [tilespmem:s1+$0x20];
	v47 =	vmul.f32 v10, v3;
	v13 =	vadd.f32 v13, v19;
	v11 =	vmax.f32 v11, $0.0e+00  }
0x172: {  	v10 =	vmul.f32 v10, v2;
	v14 =	vadd.f32 v14, v43;
	v12 =	vmax.f32 v12, $0.0e+00;
	[tilespmem:s1+$0xFFFFFFC0] =	vst v11  }
0x173: {  	v15 =	vadd.f32 v18, v46;
	v13 =	vmax.f32 v13, $0.0e+00;
	[tilespmem:s1+$0xFFFFFFD0] =	vst v12  }
0x174: {  	v10 =	vadd.f32 v45, v10;
	v14 =	vmax.f32 v14, $0.0e+00;
	[tilespmem:s1+$0xFFFFFFE0] =	vst v13  }
0x175: {  	v48 =	vmax.f32 v15, $0.0e+00;
	v11 =	vadd.f32 v16, v20;
	[tilespmem:s1+$0xFFFFFFF0] =	vst v14  }
0x176: {  	s14 =	sld [smem:$0x7FA];
	v10 =	vmax.f32 v10, $0.0e+00;
	v12 =	vadd.f32 v44, v47;
	[tilespmem:s1+$0x10] =	vst v48  }
0x177: {  	[tilespmem:s1+$0x30] =	vst v10;
	v11 =	vmax.f32 v11, $0.0e+00  }
0x178: {  	[tilespmem:s1+$0x0] =	vst v11;
	v11 =	vmax.f32 v12, $0.0e+00  }
0x179: {  	[tilespmem:s1+$0x20] =	vst v11;
	s1 =	sadd.s32 s14, s24  }
0x17a: {  	[spmem:s5] =	stream.indirect.scatter.add.f32 [tilespmem:s23], [sflag:$0x7], $0x80, s22, s21, $0xb8;
	[tilespmem:$0x1FF00] =	vst v63  }
0x17b: {  	s1 =	sshll.u32 s1, $0x7  }
0x17c: {  	s29 =	simm.s32 $0x0;
	_ =	swait.ge [sflag:s15], $0x4000;
	s1 =	simm.s32 @p1 $0x0  }
0x17d: {  	[sflag:s15] =	ssyncset.done $0x0;
	s13 =	sshrl.u32 s1, $0x3;
	s1 =	sshll.u32 s1, $0x8  }
0x17e: {  	[sflag:s15] =	ssyncadd.s32 $0xFFFFC000;
	s14 =	sadd.s32 s0, s13;
	s1 =	sor.u32 s11, s1  }
0x17f: {  	[tilespmem:s21], [sflag:$0x2] =	stream.linear.gather [hbm4b:s14+s29], $0x80, $0x38;
	[tilespmem:$0x1FF00] =	vst v63  }
0x180: {  	s14 =	sadd.s32 s2, s13;
	s1 =	sshrl.u32 s1, $0x3  }
0x181: {  	[tilespmem:s22], [sflag:$0x2] =	stream.linear.gather [hbm4b:s14+s29], $0x80, $0x38;
	[tilespmem:$0x1FF00] =	vst v63  }
0x182: {  	s1 =	sadd.s32 s8, s1  }
0x183: {  	[tilespmem:s23], [sflag:$0x2] =	stream.strided.gather [hbm4b:s1+s18], $0x4000, s19, s18, $0x38;
	[tilespmem:$0x1FF00] =	vst v63  }
0x184: {  	s13 =	sadd.s32 s3, s13;
	s14 =	simm.s32 $0xC400  }
0x185: {  	[tilespmem:s14], [sflag:$0x2] =	stream.linear.gather [hbm4b:s13+s29], $0x80, $0x38;
	[tilespmem:$0x1FF00] =	vst v63  }
0x186: {  	_ =	swait.ge [sflag:s10], $0x4000  }
0x187: {  	[sflag:s10] =	ssyncset.done $0x0  }
0x188: {  	s14 =	simm.s32 $0x0;
	[sflag:s10] =	ssyncadd.s32 $0xFFFFC000  }
0x189: {  	v10 =	vld.msk [tilespmem:s14+$0xC500 ss:$0x0], $0xffff  }
0x18a: {  	s29 =	simm.s32 $0x8340  }
0x18b: {  	v11 =	vld [tilespmem:s29+$0xFFFFFFC0]  }
0x18c: {  	v49 =	vld [tilespmem:s29+$0xFFFFFFD0]  }
0x18d: {  	v50 =	vld [tilespmem:s29+$0xFFFFFFE0]  }
0x18e: {  	v51 =	vld [tilespmem:s29+$0xFFFFFFF0];
	v52 =	vmul.f32 v10, v9  }
0x18f: {  	v55 =	vld [tilespmem:s29+$0x10];
	v54 =	vmul.f32 v10, v8  }
0x190: {  	v60 =	vld [tilespmem:s29+$0x30];
	v56 =	vmul.f32 v10, v7;
	v57 =	vmul.f32 v10, v6;
	v11 =	vadd.f32 v52, v11  }
0x191: {  	v53 =	vld [tilespmem:s29+$0x0];
	v59 =	vmul.f32 v10, v5;
	v61 =	vmul.f32 v10, v4;
	v12 =	vadd.f32 v49, v54  }
0x192: {  	v58 =	vld [tilespmem:s29+$0x20];
	v62 =	vmul.f32 v10, v3;
	v13 =	vadd.f32 v50, v56;
	v11 =	vmax.f32 v11, $0.0e+00  }
0x193: {  	v10 =	vmul.f32 v10, v2;
	v14 =	vadd.f32 v51, v57;
	v12 =	vmax.f32 v12, $0.0e+00;
	[tilespmem:s29+$0xFFFFFFC0] =	vst v11  }
0x194: {  	v15 =	vadd.f32 v55, v61;
	v13 =	vmax.f32 v13, $0.0e+00;
	[tilespmem:s29+$0xFFFFFFD0] =	vst v12  }
0x195: {  	v10 =	vadd.f32 v60, v10;
	v14 =	vmax.f32 v14, $0.0e+00;
	[tilespmem:s29+$0xFFFFFFE0] =	vst v13  }
0x196: {  	v63 =	vmax.f32 v15, $0.0e+00;
	v11 =	vadd.f32 v53, v59;
	[tilespmem:s29+$0xFFFFFFF0] =	vst v14  }
0x197: {  	v10 =	vmax.f32 v10, $0.0e+00;
	v12 =	vadd.f32 v58, v62;
	[tilespmem:s29+$0x10] =	vst v63  }
0x198: {  	[tilespmem:s29+$0x30] =	vst v10;
	v11 =	vmax.f32 v11, $0.0e+00  }
0x199: {  	[tilespmem:s29+$0x0] =	vst v11;
	v11 =	vmax.f32 v12, $0.0e+00  }
0x19a: {  	s13 =	simm.s32 $0x8;
	s14 =	simm.s32 $0x1;
	[tilespmem:s29+$0x20] =	vst v11  }
.LBB2_9:
0x19b: {  	p2 =	sne.s32 s13, $0x1FC;
	v10 =	vld.msk [tilespmem:s14+$0xC500 ss:$0x0], $0xffff;
	s29 =	sadd.s32 $0x80, s29  }
0x19c: {  	v11 =	vld [tilespmem:s29+$0xFFFFFFF0]  }
0x19d: {  	v12 =	vld [tilespmem:s29+$0xFFFFFFD0]  }
0x19e: {  	v13 =	vld [tilespmem:s29+$0xFFFFFFC0]  }
0x19f: {  	v14 =	vld [tilespmem:s29+$0xFFFFFFE0]  }
0x1a0: {  	v15 =	vld [tilespmem:s29+$0x0]  }
0x1a1: {  	v16 =	vmul.f32 v10, v9;
	v17 =	vmul.f32 v10, v8;
	v18 =	vld [tilespmem:s29+$0x10]  }
0x1a2: {  	v19 =	vmul.f32 v10, v7;
	v20 =	vmul.f32 v10, v6  }
0x1a3: {  	v12 =	vadd.f32 v12, v17;
	v13 =	vadd.f32 v16, v13;
	v16 =	vmul.f32 v10, v5;
	v17 =	vld [tilespmem:s29+$0x30]  }
0x1a4: {  	v11 =	vadd.f32 v11, v20;
	v14 =	vadd.f32 v14, v19;
	v19 =	vmul.f32 v10, v4;
	v20 =	vld [tilespmem:s29+$0x20]  }
0x1a5: {  	v12 =	vmax.f32 v12, $0.0e+00;
	v13 =	vmax.f32 v13, $0.0e+00;
	v15 =	vadd.f32 v15, v16  }
0x1a6: {  	v11 =	vmax.f32 v11, $0.0e+00;
	[tilespmem:s29+$0xFFFFFFC0] =	vst v13;
	v13 =	vmax.f32 v14, $0.0e+00;
	v14 =	vadd.f32 v18, v19  }
0x1a7: {  	[tilespmem:s29+$0xFFFFFFD0] =	vst v12;
	v12 =	vmax.f32 v15, $0.0e+00;
	v15 =	vmul.f32 v10, v3;
	v10 =	vmul.f32 v10, v2  }
0x1a8: {  	[tilespmem:s29+$0xFFFFFFE0] =	vst v13;
	v13 =	vmax.f32 v14, $0.0e+00  }
.Ltmp5:
0x1a9: {  	[tilespmem:s29+$0xFFFFFFF0] =	vst v11;
	v11 =	vadd.f32 v20, v15;
	v10 =	vadd.f32 v17, v10;
	(pc) =	sbr.rel @p2 .LBB2_9-.Ltmp5, $4  }
0x1aa: {  	[tilespmem:s29+$0x0] =	vst v12  }
0x1ab: {  	[tilespmem:s29+$0x10] =	vst v13;
	v11 =	vmax.f32 v11, $0.0e+00;
	v10 =	vmax.f32 v10, $0.0e+00  }
0x1ac: {  	[tilespmem:s29+$0x20] =	vst v11  }
0x1ad: {  	s14 =	sshra.s32 s13, $0x2;
	s13 =	sadd.s32 $0x4, s13;
	[tilespmem:s29+$0x30] =	vst v10  }
0x1ae: {  	v10 =	vld.msk [tilespmem:s14+$0xC500 ss:$0x0], $0xffff  }
0x1af: {  	s1 =	sadd.s32 $0x80, s29  }
0x1b0: {  	v11 =	vld [tilespmem:s1+$0xFFFFFFC0]  }
0x1b1: {  	v12 =	vld [tilespmem:s1+$0xFFFFFFD0]  }
0x1b2: {  	v13 =	vld [tilespmem:s1+$0xFFFFFFE0]  }
0x1b3: {  	v14 =	vld [tilespmem:s1+$0xFFFFFFF0];
	v15 =	vmul.f32 v10, v9  }
0x1b4: {  	v18 =	vld [tilespmem:s1+$0x10];
	v17 =	vmul.f32 v10, v8  }
0x1b5: {  	v60 =	vld [tilespmem:s1+$0x30];
	v19 =	vmul.f32 v10, v7;
	v58 =	vmul.f32 v10, v6;
	v11 =	vadd.f32 v15, v11  }
0x1b6: {  	v16 =	vld [tilespmem:s1+$0x0];
	v20 =	vmul.f32 v10, v5;
	v61 =	vmul.f32 v10, v4;
	v12 =	vadd.f32 v12, v17  }
0x1b7: {  	v59 =	vld [tilespmem:s1+$0x20];
	v62 =	vmul.f32 v10, v3;
	v13 =	vadd.f32 v13, v19;
	v11 =	vmax.f32 v11, $0.0e+00  }
0x1b8: {  	v10 =	vmul.f32 v10, v2;
	v14 =	vadd.f32 v14, v58;
	v12 =	vmax.f32 v12, $0.0e+00;
	[tilespmem:s1+$0xFFFFFFC0] =	vst v11  }
0x1b9: {  	v15 =	vadd.f32 v18, v61;
	v13 =	vmax.f32 v13, $0.0e+00;
	[tilespmem:s1+$0xFFFFFFD0] =	vst v12  }
0x1ba: {  	v10 =	vadd.f32 v60, v10;
	v14 =	vmax.f32 v14, $0.0e+00;
	[tilespmem:s1+$0xFFFFFFE0] =	vst v13  }
0x1bb: {  	v63 =	vmax.f32 v15, $0.0e+00;
	v11 =	vadd.f32 v16, v20;
	[tilespmem:s1+$0xFFFFFFF0] =	vst v14  }
0x1bc: {  	s14 =	sld [smem:$0x7FB];
	v10 =	vmax.f32 v10, $0.0e+00;
	v12 =	vadd.f32 v59, v62;
	[tilespmem:s1+$0x10] =	vst v63  }
0x1bd: {  	[tilespmem:s1+$0x30] =	vst v10;
	v11 =	vmax.f32 v11, $0.0e+00  }
0x1be: {  	[tilespmem:s1+$0x0] =	vst v11;
	v11 =	vmax.f32 v12, $0.0e+00  }
0x1bf: {  	[tilespmem:s1+$0x20] =	vst v11;
	s1 =	sadd.s32 s14, s24  }
0x1c0: {  	[spmem:s5] =	stream.indirect.scatter.add.f32 [tilespmem:s4], [sflag:$0x7], $0x80, s31, s21, $0xb8;
	[tilespmem:$0x1FF00] =	vst v63  }
0x1c1: {  	s1 =	sshll.u32 s1, $0x7  }
0x1c2: {  	_ =	swait.ge [sflag:s15], $0x4000;
	s1 =	simm.s32 @p1 $0x0  }
0x1c3: {  	[sflag:s15] =	ssyncset.done $0x0;
	s13 =	sshrl.u32 s1, $0x3  }
0x1c4: {  	s1 =	sshll.u32 s1, $0x8;
	[sflag:s15] =	ssyncadd.s32 $0xFFFFC000;
	s24 =	sadd.s32 s0, s13  }
0x1c5: {  	[tilespmem:s30], [sflag:$0x3] =	stream.linear.gather [hbm4b:s24+s6], $0x80, $0x38;
	[tilespmem:$0x1FF00] =	vst v63  }
0x1c6: {  	p1 =	sne.s32 s20, $0x1A;
	s1 =	sor.u32 s11, s1;
	s24 =	sadd.s32 s2, s13  }
0x1c7: {  	[tilespmem:s31], [sflag:$0x3] =	stream.linear.gather [hbm4b:s24+s6], $0x80, $0x38;
	[tilespmem:$0x1FF00] =	vst v63  }
.Ltmp6:
0x1c8: {  	s1 =	sshrl.u32 s1, $0x3;
	(pc) =	sbr.rel @p1 .LBB2_4-.Ltmp6, $4  }
0x1c9: {  	s1 =	sadd.s32 s8, s1  }
0x1ca: {  	[tilespmem:s4], [sflag:$0x3] =	stream.strided.gather [hbm4b:s1+s18], $0x4000, s19, s18, $0x38;
	[tilespmem:$0x1FF00] =	vst v63  }
0x1cb: {  	s29 =	smov.u32 s20;
	s14 =	sadd.s32 s3, s13;
	s24 =	simm.s32 $0xC500  }
0x1cc: {  	[tilespmem:s24], [sflag:$0x3] =	stream.linear.gather [hbm4b:s14+s6], $0x80, $0x38;
	[tilespmem:$0x1FF00] =	vst v63  }
0x1cd: {  	_ =	swait.ge [sflag:s25], $0x80  }
0x1ce: {  	[sflag:s25] =	ssyncset.done $0x0  }
0x1cf: {  	[sflag:s25] =	ssyncadd.s32 $0xFFFFFF80  }
0x1d0: {  	_ =	swait.ge [sflag:s25], $0x80  }
0x1d1: {  	[sflag:s25] =	ssyncset.done $0x0  }
0x1d2: {  	[sflag:s25] =	ssyncadd.s32 $0xFFFFFF80  }
0x1d3: {  	_ =	swait.ge [sflag:s25], $0x4000  }
0x1d4: {  	[sflag:s25] =	ssyncset.done $0x0  }
0x1d5: {  	[sflag:s25] =	ssyncadd.s32 $0xFFFFC000  }
0x1d6: {  	_ =	swait.ge [sflag:s25], $0x80  }
0x1d7: {  	[sflag:s25] =	ssyncset.done $0x0  }
0x1d8: {  	[sflag:s25] =	ssyncadd.s32 $0xFFFFFF80  }
0x1d9: {  	_ =	swait.ge [sflag:s26], $0x80  }
0x1da: {  	[sflag:s26] =	ssyncset.done $0x0  }
0x1db: {  	[sflag:s26] =	ssyncadd.s32 $0xFFFFFF80  }
0x1dc: {  	_ =	swait.ge [sflag:s26], $0x80  }
0x1dd: {  	[sflag:s26] =	ssyncset.done $0x0  }
0x1de: {  	[sflag:s26] =	ssyncadd.s32 $0xFFFFFF80  }
0x1df: {  	_ =	swait.ge [sflag:s26], $0x4000  }
0x1e0: {  	[sflag:s26] =	ssyncset.done $0x0  }
0x1e1: {  	[sflag:s26] =	ssyncadd.s32 $0xFFFFC000  }
0x1e2: {  	_ =	swait.ge [sflag:s26], $0x80  }
0x1e3: {  	[sflag:s26] =	ssyncset.done $0x0  }
0x1e4: {  	[sflag:s26] =	ssyncadd.s32 $0xFFFFFF80  }
0x1e5: {  	_ =	swait.ge [sflag:s28], $0x80  }
0x1e6: {  	[sflag:s28] =	ssyncset.done $0x0  }
0x1e7: {  	[sflag:s28] =	ssyncadd.s32 $0xFFFFFF80  }
0x1e8: {  	_ =	swait.ge [sflag:s28], $0x80  }
0x1e9: {  	[sflag:s28] =	ssyncset.done $0x0  }
0x1ea: {  	[sflag:s28] =	ssyncadd.s32 $0xFFFFFF80  }
0x1eb: {  	_ =	swait.ge [sflag:s28], $0x4000  }
0x1ec: {  	[sflag:s28] =	ssyncset.done $0x0  }
0x1ed: {  	[sflag:s28] =	ssyncadd.s32 $0xFFFFC000  }
.Ltmp7:
0x1ee: {  	_ =	swait.ge [sflag:s28], $0x80;
	(pc) =	sbr.rel @p0 .LBB2_15-.Ltmp7, $4  }
0x1ef: {  	s20 =	rddreg [dreg:$0x8]  }
0x1f0: {  	s24 =	sld [smem:$0x7FC]  }
0x1f1: {  	[sflag:s28] =	ssyncset.done $0x0;
	s29 =	sld [smem:$0x7FD]  }
0x1f2: {  	s13 =	sld [smem:$0x7F8];
	[sflag:s28] =	ssyncadd.s32 $0xFFFFFF80  }
0x1f3: {  	s1 =	simm.s32 $0x0;
	s13 =	rddreg [dreg:$0x16]  }
0x1f4: {  	[tilespmem:s1], [sflag:$0x1] =	stream.linear.gather [hbm4b:s13+s1], $0x80, $0x38;
	[tilespmem:$0x1FF00] =	vst v63  }
0x1f5: {  	s14 =	rddreg [dreg:$0x17]  }
0x1f6: {  	[tilespmem:s17], [sflag:$0x1] =	stream.linear.gather [hbm4b:s14+s1], $0x80, $0x38;
	[tilespmem:$0x1FF00] =	vst v63  }
0x1f7: {  	s14 =	rddreg [dreg:$0x15]  }
0x1f8: {  	[tilespmem:s16], [sflag:$0x1] =	stream.strided.gather [hbm4b:s14+s18], $0x4000, s19, s18, $0x38;
	[tilespmem:$0x1FF00] =	vst v63  }
0x1f9: {  	s13 =	rddreg [dreg:$0x18];
	s14 =	simm.s32 $0xC300  }
0x1fa: {  	[tilespmem:s14], [sflag:$0x1] =	stream.linear.gather [hbm4b:s13+s1], $0x80, $0x38;
	[tilespmem:$0x1FF00] =	vst v63  }
0x1fb: {  	_ =	swait.ge [sflag:s25], $0x80  }
0x1fc: {  	[sflag:s25] =	ssyncset.done $0x0  }
0x1fd: {  	[sflag:s25] =	ssyncadd.s32 $0xFFFFFF80  }
0x1fe: {  	_ =	swait.ge [sflag:s25], $0x80  }
0x1ff: {  	[sflag:s25] =	ssyncset.done $0x0  }
0x200: {  	[sflag:s25] =	ssyncadd.s32 $0xFFFFFF80  }
0x201: {  	_ =	swait.ge [sflag:s25], $0x4000  }
0x202: {  	[sflag:s25] =	ssyncset.done $0x0  }
0x203: {  	[sflag:s25] =	ssyncadd.s32 $0xFFFFC000  }
0x204: {  	_ =	swait.ge [sflag:s25], $0x80  }
0x205: {  	[sflag:s25] =	ssyncset.done $0x0  }
0x206: {  	[sflag:s25] =	ssyncadd.s32 $0xFFFFFF80  }
0x207: {  	v10 =	vld [tilespmem:$0x0]  }
0x208: {  	v11 =	vld [tilespmem:$0x10]  }
0x209: {  	v12 =	vld [tilespmem:$0x20]  }
0x20a: {  	v13 =	vld [tilespmem:$0x30]  }
0x20b: {  	v14 =	vld [tilespmem:$0x40]  }
0x20c: {  	v15 =	vld [tilespmem:$0x50];
	v10 =	vadd.s32 v0, v10  }
0x20d: {  	[tilespmem:$0x0] =	vst v10;
	v10 =	vadd.s32 v0, v11;
	v11 =	vld [tilespmem:$0x60]  }
0x20e: {  	v53 =	vld [tilespmem:$0x70];
	[tilespmem:$0x10] =	vst v10;
	v10 =	vadd.s32 v0, v12  }
0x20f: {  	[tilespmem:$0x20] =	vst v10;
	v10 =	vadd.s32 v0, v13  }
0x210: {  	[tilespmem:$0x30] =	vst v10;
	v10 =	vadd.s32 v0, v14  }
0x211: {  	[tilespmem:$0x40] =	vst v10;
	v10 =	vadd.s32 v0, v15  }
0x212: {  	[tilespmem:$0x50] =	vst v10;
	v10 =	vadd.s32 v0, v11  }
0x213: {  	[tilespmem:$0x60] =	vst v10;
	v10 =	vadd.s32 v0, v53  }
0x214: {  	[tilespmem:$0x70] =	vst v10  }
0x215: {  	[tilespmem:s16], [sflag:$0x4] =	stream.indirect.gather.add.f32 [hbm:s7], $0x80, s1, s21, $0xb8;
	[tilespmem:$0x1FF00] =	vst v63  }
0x216: {  	_ =	swait.ge [sflag:s9], $0x4000  }
0x217: {  	[sflag:s9] =	ssyncset.done $0x0  }
0x218: {  	s14 =	simm.s32 $0x0;
	[sflag:s9] =	ssyncadd.s32 $0xFFFFC000  }
0x219: {  	v10 =	vld.msk [tilespmem:s14+$0xC300 ss:$0x0], $0xffff  }
0x21a: {  	s1 =	simm.s32 $0x340  }
0x21b: {  	v11 =	vld [tilespmem:s1+$0xFFFFFFC0]  }
0x21c: {  	v54 =	vld [tilespmem:s1+$0xFFFFFFD0]  }
0x21d: {  	v55 =	vld [tilespmem:s1+$0xFFFFFFE0]  }
0x21e: {  	v56 =	vld [tilespmem:s1+$0xFFFFFFF0];
	v57 =	vmul.f32 v10, v9  }
0x21f: {  	v18 =	vld [tilespmem:s1+$0x10];
	v17 =	vmul.f32 v10, v8  }
0x220: {  	v60 =	vld [tilespmem:s1+$0x30];
	v19 =	vmul.f32 v10, v7;
	v58 =	vmul.f32 v10, v6;
	v11 =	vadd.f32 v57, v11  }
0x221: {  	v16 =	vld [tilespmem:s1+$0x0];
	v20 =	vmul.f32 v10, v5;
	v61 =	vmul.f32 v10, v4;
	v12 =	vadd.f32 v54, v17  }
0x222: {  	v59 =	vld [tilespmem:s1+$0x20];
	v62 =	vmul.f32 v10, v3;
	v13 =	vadd.f32 v55, v19;
	v11 =	vmax.f32 v11, $0.0e+00  }
0x223: {  	v10 =	vmul.f32 v10, v2;
	v14 =	vadd.f32 v56, v58;
	v12 =	vmax.f32 v12, $0.0e+00;
	[tilespmem:s1+$0xFFFFFFC0] =	vst v11  }
0x224: {  	v15 =	vadd.f32 v18, v61;
	v13 =	vmax.f32 v13, $0.0e+00;
	[tilespmem:s1+$0xFFFFFFD0] =	vst v12  }
0x225: {  	v10 =	vadd.f32 v60, v10;
	v14 =	vmax.f32 v14, $0.0e+00;
	[tilespmem:s1+$0xFFFFFFE0] =	vst v13  }
0x226: {  	v63 =	vmax.f32 v15, $0.0e+00;
	v11 =	vadd.f32 v16, v20;
	[tilespmem:s1+$0xFFFFFFF0] =	vst v14  }
0x227: {  	v10 =	vmax.f32 v10, $0.0e+00;
	v12 =	vadd.f32 v59, v62;
	[tilespmem:s1+$0x10] =	vst v63  }
0x228: {  	[tilespmem:s1+$0x30] =	vst v10;
	v11 =	vmax.f32 v11, $0.0e+00  }
0x229: {  	[tilespmem:s1+$0x0] =	vst v11;
	v11 =	vmax.f32 v12, $0.0e+00  }
0x22a: {  	s13 =	simm.s32 $0x8;
	s14 =	simm.s32 $0x1;
	[tilespmem:s1+$0x20] =	vst v11  }
.LBB2_13:
0x22b: {  	p1 =	sne.s32 s13, $0x1FC;
	v10 =	vld.msk [tilespmem:s14+$0xC300 ss:$0x0], $0xffff;
	s1 =	sadd.s32 $0x80, s1  }
0x22c: {  	v11 =	vld [tilespmem:s1+$0xFFFFFFF0]  }
0x22d: {  	v12 =	vld [tilespmem:s1+$0xFFFFFFD0]  }
0x22e: {  	v13 =	vld [tilespmem:s1+$0xFFFFFFC0]  }
0x22f: {  	v14 =	vld [tilespmem:s1+$0xFFFFFFE0]  }
0x230: {  	v15 =	vld [tilespmem:s1+$0x0]  }
0x231: {  	v16 =	vmul.f32 v10, v9;
	v17 =	vmul.f32 v10, v8;
	v18 =	vld [tilespmem:s1+$0x10]  }
0x232: {  	v19 =	vmul.f32 v10, v7;
	v20 =	vmul.f32 v10, v6  }
0x233: {  	v12 =	vadd.f32 v12, v17;
	v13 =	vadd.f32 v16, v13;
	v16 =	vmul.f32 v10, v5;
	v17 =	vld [tilespmem:s1+$0x30]  }
0x234: {  	v11 =	vadd.f32 v11, v20;
	v14 =	vadd.f32 v14, v19;
	v19 =	vmul.f32 v10, v4;
	v20 =	vld [tilespmem:s1+$0x20]  }
0x235: {  	v12 =	vmax.f32 v12, $0.0e+00;
	v13 =	vmax.f32 v13, $0.0e+00;
	v15 =	vadd.f32 v15, v16  }
0x236: {  	v11 =	vmax.f32 v11, $0.0e+00;
	[tilespmem:s1+$0xFFFFFFC0] =	vst v13;
	v13 =	vmax.f32 v14, $0.0e+00;
	v14 =	vadd.f32 v18, v19  }
0x237: {  	[tilespmem:s1+$0xFFFFFFD0] =	vst v12;
	v12 =	vmax.f32 v15, $0.0e+00;
	v15 =	vmul.f32 v10, v3;
	v10 =	vmul.f32 v10, v2  }
0x238: {  	[tilespmem:s1+$0xFFFFFFE0] =	vst v13;
	v13 =	vmax.f32 v14, $0.0e+00  }
.Ltmp8:
0x239: {  	[tilespmem:s1+$0xFFFFFFF0] =	vst v11;
	v11 =	vadd.f32 v20, v15;
	v10 =	vadd.f32 v17, v10;
	(pc) =	sbr.rel @p1 .LBB2_13-.Ltmp8, $4  }
0x23a: {  	[tilespmem:s1+$0x0] =	vst v12  }
0x23b: {  	[tilespmem:s1+$0x10] =	vst v13;
	v11 =	vmax.f32 v11, $0.0e+00;
	v10 =	vmax.f32 v10, $0.0e+00  }
0x23c: {  	[tilespmem:s1+$0x20] =	vst v11  }
0x23d: {  	s14 =	sshra.s32 s13, $0x2;
	s13 =	sadd.s32 $0x4, s13;
	[tilespmem:s1+$0x30] =	vst v10  }
0x23e: {  	v10 =	vld.msk [tilespmem:s14+$0xC300 ss:$0x0], $0xffff  }
0x23f: {  	s1 =	sadd.s32 $0x80, s1  }
0x240: {  	v11 =	vld [tilespmem:s1+$0xFFFFFFC0]  }
0x241: {  	v12 =	vld [tilespmem:s1+$0xFFFFFFD0]  }
0x242: {  	v13 =	vld [tilespmem:s1+$0xFFFFFFE0]  }
0x243: {  	v14 =	vld [tilespmem:s1+$0xFFFFFFF0];
	v9 =	vmul.f32 v10, v9  }
0x244: {  	v15 =	vld [tilespmem:s1+$0x0];
	v8 =	vmul.f32 v10, v8  }
0x245: {  	v16 =	vld [tilespmem:s1+$0x10];
	v7 =	vmul.f32 v10, v7;
	v9 =	vadd.f32 v9, v11  }
0x246: {  	v62 =	vld [tilespmem:s1+$0x20];
	v6 =	vmul.f32 v10, v6;
	v8 =	vadd.f32 v12, v8  }
0x247: {  	v63 =	vld [tilespmem:s1+$0x30];
	v5 =	vmul.f32 v10, v5;
	v7 =	vadd.f32 v13, v7;
	v9 =	vmax.f32 v9, $0.0e+00  }
0x248: {  	v4 =	vmul.f32 v10, v4;
	v6 =	vadd.f32 v14, v6;
	v8 =	vmax.f32 v8, $0.0e+00;
	[tilespmem:s1+$0xFFFFFFC0] =	vst v9  }
0x249: {  	v3 =	vmul.f32 v10, v3;
	v5 =	vadd.f32 v15, v5;
	v7 =	vmax.f32 v7, $0.0e+00;
	[tilespmem:s1+$0xFFFFFFD0] =	vst v8  }
0x24a: {  	v2 =	vmul.f32 v10, v2;
	v4 =	vadd.f32 v16, v4;
	v6 =	vmax.f32 v6, $0.0e+00;
	[tilespmem:s1+$0xFFFFFFE0] =	vst v7  }
0x24b: {  	v3 =	vadd.f32 v62, v3;
	v5 =	vmax.f32 v5, $0.0e+00;
	[tilespmem:s1+$0xFFFFFFF0] =	vst v6  }
0x24c: {  	v2 =	vadd.f32 v63, v2;
	v4 =	vmax.f32 v4, $0.0e+00;
	[tilespmem:s1+$0x0] =	vst v5  }
0x24d: {  	v3 =	vmax.f32 v3, $0.0e+00;
	[tilespmem:s1+$0x10] =	vst v4  }
0x24e: {  	v2 =	vmax.f32 v2, $0.0e+00;
	[tilespmem:s1+$0x20] =	vst v3  }
.Ltmp9:
0x24f: {  	[tilespmem:s1+$0x30] =	vst v2;
	(pc) =	sbr.rel .LBB2_15-.Ltmp9, $4  }
0x250: {  	[spmem:s5] =	stream.indirect.scatter.add.f32 [tilespmem:s16], [sflag:$0x7], $0x80, s17, s21, $0xb8;
	[tilespmem:$0x1FF00] =	vst v63  }
0x251: {  	_ =	swait.ge [sflag:s15], $0x4000  }
0x252: {  	[sflag:s15] =	ssyncset.done $0x0  }
0x253: {  	s13 =	sld [smem:$0x7F8];
	[sflag:s15] =	ssyncadd.s32 $0xFFFFC000  }
.LBB2_16:
0x254: {  	_ =	sfence.sel $0x180000  }
0x255: {  	[bflag:$0x0] =	sbarrier.arrive $0xFFFF  }
0x256: {  	_ =	strace $0x9000004A  }
0x257: {  	s0 =	stileid.u32;
	[bflag:$0x2] =	sbarrier.arrive $0xFFFF  }
0x258: {  	p0 =	sne.s32 s0, $0x0;
	s0 =	rddreg [dreg:$0x6]  }
0x259: {  	s0 =	sadd.s32 @!p0 $0x100000, s0  }
0x25a: {  	[sflag:s0] =	ssyncadd.tile.s32 @!p0 $0x1;
	_ =	shalt  }
.Lfunc_end2:
_tile_overlayer_lowered:
.L_overlay_start_2:
0x25b: {  	(tag) =	ssettag $0x2  }
0x25c: {  	s0 =	rddreg [dreg:$0x0];
	s2 =	stileid.u32  }
0x25d: {  	s1 =	rddreg [dreg:$0x1];
	p0 =	sne.s32 s2, $0x0  }
0x25e: {  	s3 =	rddreg [dreg:$0x2];
	[bflag:$0x3] =	sbarrier.arrive $0xFFFF;
	s2 =	simm.s32 @!p0 $0x1C07  }
0x25f: {  	[timem:s3], [sflag:s2] =	dma.local @!p0 [hbm:s0], s1  }
0x260: {  	s0 =	simm.s32 @!p0 $0x7  }
0x261: {  	_ =	swait.ge @!p0 [sflag:s0], s1  }
0x262: {  	s1 =	ssub.s32 @!p0 $0x0, s1;
	[sflag:s0] =	ssyncset.done @!p0 $0x0  }
0x263: {  	[sflag:s0] =	ssyncadd.s32 @!p0 s1  }
0x264: {  	[bflag:$0x3] =	sbarrier.arrive $0xFFFF  }
0x265: {  	_ =	shalt  }

// kernel: kernel.15.cloned.1.call-start
scs
__scs_entry_jumppad:
0x0: {  	(pc) =	sbr.rel $0x88, $3  }
0x1: {  	(tag) =	ssettag $0x0;
	lr =	simm.s32 $0x1  }
0x2: {  	[smem:$0x3F8F] =	sst lr;
	_ =	strace $0xD0000000  }
0x3: {  	_ = 	snop  }
0x4: {  	_ = 	snop  }
0x5: {  	_ = 	snop  }
0x6: {  	_ = 	snop  }
0x7: {  	_ = 	snop  }
__scs_overlays_trampoline_lowered:
0x8: {  	[smem:$0x3F9E] =	sst s0  }
0x9: {  	[smem:$0x3F9F] =	sst s1  }
0xa: {  	[smem:$0x3FA0] =	sst s2  }
0xb: {  	[smem:$0x3FA1] =	sst s3  }
0xc: {  	[smem:$0x3FA2] =	sst s4  }
0xd: {  	[smem:$0x3FA3] =	sst s5  }
0xe: {  	[smem:$0x3FA4] =	sst s6  }
0xf: {  	[smem:$0x3FA5] =	sst s7  }
0x10: {  	[smem:$0x3FA6] =	sst s8  }
0x11: {  	[smem:$0x3FA7] =	sst s9;
	s0 =	simm.s32 @!p0 $0x0  }
0x12: {  	s1 =	sld [smem:$0x3F8D];
	s0 =	simm.s32 @p0 $0x1  }
0x13: {  	[smem:$0x3FA8] =	sst s0;
	s0 =	simm.s32 @!p1 $0x0  }
0x14: {  	s2 =	sld [smem:$0x3F8C];
	s0 =	simm.s32 @p1 $0x1  }
0x15: {  	[smem:$0x3FA9] =	sst s0;
	s0 =	simm.s32 @!p2 $0x0  }
0x16: {  	s3 =	sld [smem:$0x3FDB];
	s0 =	simm.s32 @p2 $0x1  }
0x17: {  	s4 =	simm.s32 $0x1BF5;
	[smem:$0x3FAB] =	sst s0  }
0x18: {  	s0 =	sld [smem:$0x3F8E];
	_ =	swait.ge [sflag:s4], $0x0  }
0x19: {  	s7 =	sld [smem:$0x3F8F]  }
0x1a: {  	s8 =	sadd.s32 $0xFFFFE003, lr  }
0x1b: {  	s9 =	sadd.s32 $0xFFFFFEF7, lr;
	s5 =	simm.s32 $0xFFFFFFFF;
	p2 =	slt.u32 s8, $0xFFFFF086  }
0x1c: {  	p1 =	slt.u32 s9, $0xF7A;
	s5 =	simm.s32 @!p2 $0x0  }
0x1d: {  	s5 =	simm.s32 @p1 $0x1;
	p0 =	seq.s32 s7, s2  }
0x1e: {  	s7 =	smul.u32 @!p0 $0xF7A, s2;
	p2 =	seq.s32 @!p0 s5, $0x0  }
0x1f: {  	s9 =	smul.u32 $0xF7A, s1;
	s8 =	simm.s32 @!p0 $0x1BF5;
	p2 =	por !p2, p0  }
0x20: {  	[sflag:s8] =	ssyncset.s32 @!p0 $0xFFFFF086;
	s6 =	sadd.s32 @!p0 s3, s7;
	s7 =	simm.s32 @!p0 $0x108  }
0x21: {  	s3 =	sadd.s32 s3, s9;
	s6 =	sadd.s32 @!p0 $0x88, s6;
	s7 =	simm.s32 @p2 $0x1082  }
0x22: {  	[simem:s7], [sflag:s8] =	dma.local @!p0 [hbm:s6], $0xF7A  }
0x23: {  	s9 =	sor.u32 $0xD0000000, s2;
	s6 =	simm.s32 $0x108;
	_ =	swait.ge @!p0 [sflag:s8], $0x0  }
0x24: {  	s3 =	sadd.s32 $0x88, s3;
	s6 =	simm.s32 @!p1 $0x1082;
	[sflag:s4] =	ssyncset.s32 $0xFFFFF086  }
0x25: {  	[simem:s6], [sflag:s4] =	dma.local [hbm:s3], $0xF7A  }
0x26: {  	[smem:$0x3F8F] =	sst s1;
	(tag) =	ssettag s2;
	_ =	strace s9  }
0x27: {  	s1 =	sld [smem:$0x3F9F]  }
0x28: {  	s2 =	sld [smem:$0x3FA0]  }
0x29: {  	s4 =	sld [smem:$0x3FA2]  }
0x2a: {  	p0 =	seq.s32 s5, $0x0;
	s5 =	sld [smem:$0x3FA3]  }
0x2b: {  	s6 =	sld [smem:$0x3FA4]  }
0x2c: {  	s7 =	sld [smem:$0x3FA5]  }
0x2d: {  	s3 =	simm.s32 $0x108;
	s8 =	sld [smem:$0x3FA6]  }
0x2e: {  	s3 =	simm.s32 @!p0 $0x1082;
	s9 =	sld [smem:$0x3FA7]  }
0x2f: {  	lr =	sadd.s32 s0, s3;
	s0 =	sld [smem:$0x3F9E]  }
0x30: {  	s3 =	sld [smem:$0x3FA1]  }
0x31: {  	[smem:$0x3FAA] =	sst s10  }
0x32: {  	s10 =	sld [smem:$0x3FA8];
	_ =	sdelay $0x3  }
0x33: {  	p0 =	seq.s32 s10, $0x1;
	s10 =	sld [smem:$0x3FAA];
	_ =	sdelay $0x3  }
0x34: {  	[smem:$0x3FAA] =	sst s10  }
0x35: {  	s10 =	sld [smem:$0x3FA9];
	_ =	sdelay $0x3  }
0x36: {  	p1 =	seq.s32 s10, $0x1;
	s10 =	sld [smem:$0x3FAA];
	_ =	sdelay $0x3  }
0x37: {  	[smem:$0x3FAA] =	sst s10  }
0x38: {  	s10 =	sld [smem:$0x3FAB]  }
0x39: {  	_ = 	snop;
	(pc) =	sbr.ind lr, $3  }
0x3a: {  	_ = 	snop  }
0x3b: {  	_ = 	snop  }
0x3c: {  	p2 =	seq.s32 s10, $0x1;
	s10 =	sld [smem:$0x3FAA]  }
0x3d: {  	_ =	shalt  }
0x3e: {  	_ =	shalt  }
0x3f: {  	_ =	shalt  }
0x40: {  	_ =	shalt  }
0x41: {  	_ =	shalt  }
0x42: {  	_ =	shalt  }
0x43: {  	_ =	shalt  }
0x44: {  	_ =	shalt  }
0x45: {  	_ =	shalt  }
0x46: {  	_ =	shalt  }
0x47: {  	_ =	shalt  }
0x48: {  	_ =	shalt  }
0x49: {  	_ =	shalt  }
0x4a: {  	_ =	shalt  }
0x4b: {  	_ =	shalt  }
0x4c: {  	_ =	shalt  }
0x4d: {  	_ =	shalt  }
0x4e: {  	_ =	shalt  }
0x4f: {  	_ =	shalt  }
0x50: {  	_ =	shalt  }
0x51: {  	_ =	shalt  }
0x52: {  	_ =	shalt  }
0x53: {  	_ =	shalt  }
0x54: {  	_ =	shalt  }
0x55: {  	_ =	shalt  }
0x56: {  	_ =	shalt  }
0x57: {  	_ =	shalt  }
0x58: {  	_ =	shalt  }
0x59: {  	_ =	shalt  }
0x5a: {  	_ =	shalt  }
0x5b: {  	_ =	shalt  }
0x5c: {  	_ =	shalt  }
0x5d: {  	_ =	shalt  }
0x5e: {  	_ =	shalt  }
0x5f: {  	_ =	shalt  }
0x60: {  	_ =	shalt  }
0x61: {  	_ =	shalt  }
0x62: {  	_ =	shalt  }
0x63: {  	_ =	shalt  }
0x64: {  	_ =	shalt  }
0x65: {  	_ =	shalt  }
0x66: {  	_ =	shalt  }
0x67: {  	_ =	shalt  }
0x68: {  	_ =	shalt  }
0x69: {  	_ =	shalt  }
0x6a: {  	_ =	shalt  }
0x6b: {  	_ =	shalt  }
0x6c: {  	_ =	shalt  }
0x6d: {  	_ =	shalt  }
0x6e: {  	_ =	shalt  }
0x6f: {  	_ =	shalt  }
0x70: {  	_ =	shalt  }
0x71: {  	_ =	shalt  }
0x72: {  	_ =	shalt  }
0x73: {  	_ =	shalt  }
0x74: {  	_ =	shalt  }
0x75: {  	_ =	shalt  }
0x76: {  	_ =	shalt  }
0x77: {  	_ =	shalt  }
0x78: {  	_ =	shalt  }
0x79: {  	_ =	shalt  }
0x7a: {  	_ =	shalt  }
0x7b: {  	_ =	shalt  }
0x7c: {  	_ =	shalt  }
0x7d: {  	_ =	shalt  }
0x7e: {  	_ =	shalt  }
0x7f: {  	_ =	shalt  }
0x80: {  	_ =	shalt  }
0x81: {  	_ =	shalt  }
0x82: {  	_ =	shalt  }
0x83: {  	_ =	shalt  }
0x84: {  	_ =	shalt  }
0x85: {  	_ =	shalt  }
0x86: {  	_ =	shalt  }
0x87: {  	_ =	shalt  }
.Lfunc_end0:
.L_simem_size_0:
called_computation.2_lowered:
.L_overlay_start_0:
0x88: {  	s2 =	sld [smem:$0x3FD9]  }
0x89: {  	s3 =	sld [smem:$0x3FFE];
	_ =	sdelay $0x1  }
0x8a: {  	s1 =	srdreg.scid  }
0x8b: {  	s0 =	sand.u32 $0x1, s1  }
0x8c: {  	s14 =	sshll.u32 s0, $0xA;
	s2 =	sadd.s32 s3, s2  }
0x8d: {  	s2 =	sadd.s32 s2, s14  }
0x8e: {  	[smem:$0x3FB6] =	sst s2  }
0x8f: {  	_ = 	snop  }
0x90: {  	s2 =	sld [smem:$0x3FC9]  }
0x91: {  	s15 =	sld [smem:$0x3FD0]  }
0x92: {  	s4 =	sld [smem:$0x3FC8]  }
0x93: {  	s5 =	sld [smem:$0x3FC7]  }
0x94: {  	s7 =	simm.s32 $0xA;
	s8 =	simm.s32 $0x10;
	s6 =	sld [smem:$0x3FC1]  }
0x95: {  	[smem:s8], [sflag:s7] =	dma.local [hbm:s15], $0x1  }
0x96: {  	_ =	swait.eq [sflag:s7], $0x1  }
0x97: {  	[sflag:s7] =	ssyncset.done $0x0  }
0x98: {  	s16 =	sld [smem:$0x12];
	[sflag:s7] =	ssyncadd.s32 $0xFFFFFFFF  }
0x99: {  	s17 =	sld [smem:$0x13];
	(tm) =	ssettm $0x1  }
0x9a: {  	s18 =	sld [smem:$0x3FFB];
	_ =	sdelay $0x3  }
0x9b: {  	_ =	strace s18  }
0x9c: {  	s8 =	sld [smem:$0x3FFC];
	_ =	sdelay $0x3  }
0x9d: {  	_ =	strace s8  }
0x9e: {  	s8 =	sld [smem:$0x3FFD];
	_ =	sdelay $0x3  }
0x9f: {  	_ =	strace s8  }
0xa0: {  	_ =	strace $0x8FFFFFFF  }
0xa1: {  	s19 =	sld [smem:$0x3FDB];
	_ =	sdelay $0x1  }
0xa2: {  	s9 =	simm.s32 $_scs_section_size  }
0xa3: {  	s10 =	simm.s32 $_size__tile_overlayer_lowered;
	s11 =	simm.s32 $_tile_overlayer_lowered  }
0xa4: {  	s22 =	simm.s32 $0x1BFF;
	s21 =	sshll.u32 s11, $0x1;
	s8 =	sadd.s32 s9, s19  }
0xa5: {  	s12 =	simm.s32 $0x0;
	s20 =	sshll.u32 s10, $0x1;
	s10 =	sadd.s32 s21, s8  }
0xa6: {  	[timem:s12], [sflag:s22] =	dma.local [hbm:s10], s20  }
0xa7: {  	_ =	swait.ge [sflag:s22], s20  }
0xa8: {  	s9 =	ssub.s32 $0x0, s20;
	[sflag:s22] =	ssyncset.done $0x0  }
0xa9: {  	[sflag:s22] =	ssyncadd.s32 s9;
	_ =	sdelay $0x1  }
0xaa: {  	s23 =	simm.s32 $0x1B8B  }
0xab: {  	_ =	swait.ge [sflag:s23], $0x1  }
0xac: {  	[sflag:s23] =	ssyncset.done $0x0  }
0xad: {  	s25 =	simm.s32 $0x1B8E;
	s24 =	sld [smem:$0x3FFE];
	[sflag:s23] =	ssyncadd.s32 $0xFFFFFFFF  }
0xae: {  	s26 =	simm.s32 $execute0_lowered;
	[smem:$0x3FD2] =	sst s25  }
0xaf: {  	s10 =	sshll.u32 s26, $0x1;
	_ =	strace $0x8000004C;
	[dreg:$0x1] =	wrdreg $0xFFFFFFFF  }
0xb0: {  	s28 =	simm.s32 $_size_execute0_lowered;
	s8 =	sadd.s32 s8, s10;
	[dreg:$0x0] =	wrdreg $0x0  }
0xb1: {  	s10 =	sshll.u32 s28, $0x1;
	[dreg:$0x2] =	wrdreg s8  }
0xb2: {  	[dreg:$0x3] =	wrdreg s10  }
0xb3: {  	[dreg:$0x4] =	wrdreg $0xC0  }
0xb4: {  	_ =	task [dreg:s12], $0x5FFFF  }
0xb5: {  	[dreg:$0x1] =	wrdreg $0xFFFFFFFF  }
0xb6: {  	[dreg:$0x0] =	wrdreg $0x60  }
0xb7: {  	[dreg:$0x2] =	wrdreg s2  }
0xb8: {  	[dreg:$0x3] =	wrdreg s4  }
0xb9: {  	[dreg:$0x4] =	wrdreg s5  }
0xba: {  	[dreg:$0x5] =	wrdreg s6  }
0xbb: {  	[dreg:$0x6] =	wrdreg s24  }
0xbc: {  	[dreg:$0x7] =	wrdreg s16  }
0xbd: {  	[dreg:$0x8] =	wrdreg s17  }
0xbe: {  	[dreg:$0x9] =	wrdreg $0x9  }
0xbf: {  	_ =	task.clear_ibuf [dreg:s12], $0xAFFFF;
	_ =	strace $0x9000004C  }
0xc0: {  	s29 =	simm.s32 $0x9;
	_ =	strace $0x8000004E  }
0xc1: {  	_ =	swait.ge [sflag:s29], $0x1  }
0xc2: {  	[sflag:s29] =	ssyncadd.s32 $0xFFFFFFFF  }
0xc3: {  	_ =	strace $0x9000004E  }
0xc4: {  	_ =	sfence  }
0xc5: {  	s30 =	sld [smem:$0x0];
	_ =	sdelay $0x2  }
0xc6: {  	s31 =	sshll.u32 s1, $0xD;
	s1 =	sshrl.u32 s1, $0x2  }
0xc7: {  	s3 =	sand.u32 $0x4000, s31;
	s1 =	sadd.s32 s1, s30  }
0xc8: {  	s0 =	sor.u32 s3, s0;
	s1 =	sshll.u32 s1, $0x11  }
0xc9: {  	s0 =	sor.u32 s1, s0  }
0xca: {  	s0 =	sadd.s32 $0x8F2B, s0  }
0xcb: {  	[sflag:s0] =	ssyncadd.remote.s32 $0x1  }
0xcc: {  	_ =	sfence.sel $0xFFFF  }
0xcd: {  	[dreg:$0x0] =	wrdreg $0xFFFFFFFF;
	(pc) =	sbr.abs _section_cstart, $3  }
0xce: {  	[dreg:$0x1] =	wrdreg $0xFFFFFFFF  }
0xcf: {  	_ =	task.clear_ibuf [dreg:s12], $0x2FFFF;
	_ =	strace $0x9FFFFFFF  }
0xd0: {  	(tm) =	ssettm $0x7FFFFFFF  }
0xd1: {  	_ =	shalt  }
tec
execute0_lowered:
.L_overlay_start_1:
0x0: {  	(tag) =	ssettag $0x1  }
0x1: {  	s0 =	rddreg [dreg:$0x0]  }
0x2: {  	s14 =	rddreg [dreg:$0x1]  }
0x3: {  	s19 =	rddreg [dreg:$0x2]  }
0x4: {  	s1 =	rddreg [dreg:$0x3]  }
0x5: {  	s5 =	rddreg [dreg:$0x4]  }
0x6: {  	s10 =	rddreg [dreg:$0x5]  }
0x7: {  	s16 =	rddreg [dreg:$0x6];
	s6 =	srdreg.scid  }
0x8: {  	s2 =	stileid.u32;
	s25 =	simm.s32 $0x19000;
	s26 =	simm.s32 $0x19800  }
0x9: {  	s28 =	simm.s32 $0x1A000;
	s29 =	simm.s32 $0x1;
	s30 =	simm.s32 $0x20  }
0xa: {  	s31 =	simm.s32 $0x18780;
	[dreg:$0x8] =	wrdreg s1;
	s1 =	simm.s32 $0x0  }
0xb: {  	s3 =	sadd.s32 $0x51E00, s5;
	s4 =	sadd.s32 $0x2AC00, s5;
	s9 =	sadd.s32 $0x3400, s5  }
0xc: {  	s6 =	sand.u32 $0x1, s6;
	s8 =	sshll.u32 s2, $0x7;
	s15 =	sadd.s32 $0x13400, s5  }
0xd: {  	s20 =	sadd.s32 $0xA0000, s5;
	s7 =	ssub.s32 $0x2, s6;
	s6 =	sshll.u32 s6, $0x6  }
0xe: {  	[smem:$0x7FF] =	sst s1;
	s11 =	sshrl.u32 s7, $0x1;
	s8 =	sor.u32 s6, s8  }
0xf: {  	_ =	strace $0x8000004D;
	s21 =	ssub.s32 s7, s11;
	s17 =	sshrl.u32 s8, $0x3  }
0x10: {  	s18 =	sshll.u32 s8, $0x5;
	s13 =	sshll.u32 s8, $0x4;
	s8 =	sor.u32 $0x20, s8  }
0x11: {  	s5 =	sadd.s32 s0, s17;
	s6 =	sadd.s32 s9, s18;
	s7 =	sadd.s32 s10, s13  }
0x12: {  	s22 =	sshrl.u32 s8, $0x3;
	s23 =	sshll.u32 s8, $0x5;
	s24 =	sshll.u32 s8, $0x4  }
0x13: {  	s11 =	sadd.s32 s14, s17;
	s12 =	sadd.s32 s15, s18;
	s13 =	sadd.s32 s16, s13  }
0x14: {  	s17 =	sadd.s32 s19, s17;
	s18 =	sadd.s32 s20, s18;
	s21 =	smax.u32 s21, $0x1  }
0x15: {  	s8 =	sadd.s32 s0, s22;
	s9 =	sadd.s32 s9, s23;
	s10 =	sadd.s32 s10, s24  }
0x16: {  	v2 =	vlaneseq.u32;
	s14 =	sadd.s32 s14, s22;
	s15 =	sadd.s32 s15, s23;
	s16 =	sadd.s32 s16, s24  }
0x17: {  	vm0 =	vmmov $0xffff;
	v1 =	vshrl.u32 v2, $0x3;
	s19 =	sadd.s32 s19, s22;
	s20 =	sadd.s32 s20, s23;
	s22 =	simm.s32 $0x2  }
0x18: {  	v0 =	vand.u32 $0x7, v2;
	v2 =	vor.u32 $0x8, v2;
	v1 =	vmul.u32 $0x8, v1;
	s23 =	simm.s32 $0x18700;
	s24 =	simm.s32 $0x18800;
	s0 =	simm.s32 $0x1A800  }
.LBB2_1:
0x19: {  	s2 =	rddreg [dreg:$0x8]  }
0x1a: {  	[tilespmem:s1], [sflag:$0x2] =	stream.linear.gather [hbm4b:s2+s1], $0x18700, $0x38;
	[tilespmem:$0x1B800] =	vst v63  }
0x1b: {  	_ =	swait.ge [sflag:s22], $0x18700  }
0x1c: {  	[sflag:s22] =	ssyncset.done $0x0  }
0x1d: {  	[sflag:s22] =	ssyncadd.s32 $0xFFFE7900  }
0x1e: {  	[tilespmem:s23], [sflag:$0x2] =	stream.linear.gather [hbm4b:s5+s1], $0x20, $0x38;
	[tilespmem:$0x1B800] =	vst v63  }
0x1f: {  	_ =	swait.ge [sflag:s22], $0x20  }
0x20: {  	[sflag:s22] =	ssyncset.done $0x0  }
0x21: {  	[sflag:s22] =	ssyncadd.s32 $0xFFFFFFE0  }
0x22: {  	v3 =	vld [tilespmem:$0x18700];
	_ =	sdelay $0x7  }
0x23: {  	v3 =	vld.idx.msk [tilespmem:v3+s1+$0x0], $0xffff  }
0x24: {  	v4 =	vld [tilespmem:$0x18710];
	_ =	sdelay $0x3  }
0x25: {  	v5 =	vshll.u32 v3, $0x1  }
0x26: {  	v6 =	vand.u32 $0x7, v3;
	v5 =	vand.u32 $0xFFFFFFF0, v5  }
0x27: {  	v5 =	vor.u32 v6, v5  }
0x28: {  	[tilespmem:$0x18780] =	vst v3;
	v3 =	vperm.xlane v5, v0  }
0x29: {  	v4 =	vld.idx.msk [tilespmem:v4+s1+$0x0], $0xffff  }
0x2a: {  	v5 =	vperm.xlane v5, v2;
	v3 =	vadd.s32 v1, v3;
	_ =	sdelay $0x1  }
0x2b: {  	v5 =	vadd.s32 v1, v5;
	_ =	sdelay $0x1  }
0x2c: {  	[tilespmem:$0x18790] =	vst v4  }
0x2d: {  	[tilespmem:s24], [sflag:$0x1] =	stream.indirect_vreg.gather [hbm4b:s3+s1], $0x80, v3, vm0, $0xb8;
	[tilespmem:$0x1B800] =	vst v63  }
0x2e: {  	_ = 	snop  }
0x2f: {  	[tilespmem:s25], [sflag:$0x1] =	stream.indirect_vreg.gather [hbm4b:s3+s1], $0x80, v5, vm0, $0xb8;
	[tilespmem:$0x1B800] =	vst v63  }
0x30: {  	v3 =	vld [tilespmem:$0x18790];
	_ =	sdelay $0x4  }
0x31: {  	v43 =	vshll.u32 v3, $0x1  }
0x32: {  	v3 =	vand.u32 $0x7, v3;
	v4 =	vand.u32 $0xFFFFFFF0, v43  }
0x33: {  	v3 =	vor.u32 v3, v4  }
0x34: {  	v4 =	vperm.xlane v3, v0;
	_ =	sdelay $0x1  }
0x35: {  	v3 =	vperm.xlane v3, v2;
	v4 =	vadd.s32 v1, v4;
	_ =	sdelay $0x1  }
0x36: {  	v3 =	vadd.s32 v1, v3;
	_ =	sdelay $0x2  }
0x37: {  	[tilespmem:s26], [sflag:$0x1] =	stream.indirect_vreg.gather [hbm4b:s3+s1], $0x80, v4, vm0, $0xb8;
	[tilespmem:$0x1B800] =	vst v63  }
0x38: {  	_ = 	snop  }
0x39: {  	[tilespmem:s28], [sflag:$0x1] =	stream.indirect_vreg.gather [hbm4b:s3+s1], $0x80, v3, vm0, $0xb8;
	[tilespmem:$0x1B800] =	vst v63  }
0x3a: {  	_ =	swait.ge [sflag:s29], $0x2000  }
0x3b: {  	[sflag:s29] =	ssyncset.done $0x0  }
0x3c: {  	[sflag:s29] =	ssyncadd.s32 $0xFFFFE000  }
0x3d: {  	[hbm4b:s6+s1] =	stream.linear.scatter [tilespmem:s24], [sflag:$0x2], $0x2000, $0x38;
	[tilespmem:$0x1B800] =	vst v63  }
0x3e: {  	_ =	swait.ge [sflag:s22], $0x2000  }
0x3f: {  	[sflag:s22] =	ssyncset.done $0x0  }
0x40: {  	[sflag:s22] =	ssyncadd.s32 $0xFFFFE000  }
0x41: {  	[tilespmem:s0], [sflag:$0x1] =	stream.indirect.gather [hbm4b:s4+s30], $0x80, s31, s30, $0xb8;
	[tilespmem:$0x1B800] =	vst v63  }
0x42: {  	_ =	swait.ge [sflag:s29], $0x1000  }
0x43: {  	[sflag:s29] =	ssyncset.done $0x0  }
0x44: {  	[sflag:s29] =	ssyncadd.s32 $0xFFFFF000  }
0x45: {  	[hbm4b:s7+s1] =	stream.linear.scatter [tilespmem:s0], [sflag:$0x2], $0x1000, $0x38;
	[tilespmem:$0x1B800] =	vst v63  }
0x46: {  	_ =	swait.ge [sflag:s22], $0x1000  }
0x47: {  	[sflag:s22] =	ssyncset.done $0x0  }
0x48: {  	[sflag:s22] =	ssyncadd.s32 $0xFFFFF000  }
0x49: {  	[tilespmem:s23], [sflag:$0x2] =	stream.linear.gather [hbm4b:s8+s1], $0x20, $0x38;
	[tilespmem:$0x1B800] =	vst v63  }
0x4a: {  	_ =	swait.ge [sflag:s22], $0x20  }
0x4b: {  	[sflag:s22] =	ssyncset.done $0x0  }
0x4c: {  	[sflag:s22] =	ssyncadd.s32 $0xFFFFFFE0  }
0x4d: {  	v3 =	vld [tilespmem:$0x18700];
	_ =	sdelay $0x7  }
0x4e: {  	v3 =	vld.idx.msk [tilespmem:v3+s1+$0x0], $0xffff  }
0x4f: {  	v44 =	vld [tilespmem:$0x18710];
	_ =	sdelay $0x3  }
0x50: {  	v45 =	vshll.u32 v3, $0x1  }
0x51: {  	v46 =	vand.u32 $0x7, v3;
	v5 =	vand.u32 $0xFFFFFFF0, v45  }
0x52: {  	v5 =	vor.u32 v46, v5  }
0x53: {  	[tilespmem:$0x18780] =	vst v3;
	v3 =	vperm.xlane v5, v0  }
0x54: {  	v4 =	vld.idx.msk [tilespmem:v44+s1+$0x0], $0xffff  }
0x55: {  	v5 =	vperm.xlane v5, v2;
	v3 =	vadd.s32 v1, v3;
	_ =	sdelay $0x1  }
0x56: {  	v5 =	vadd.s32 v1, v5;
	_ =	sdelay $0x1  }
0x57: {  	[tilespmem:$0x18790] =	vst v4  }
0x58: {  	[tilespmem:s24], [sflag:$0x1] =	stream.indirect_vreg.gather [hbm4b:s3+s1], $0x80, v3, vm0, $0xb8;
	[tilespmem:$0x1B800] =	vst v63  }
0x59: {  	_ = 	snop  }
0x5a: {  	[tilespmem:s25], [sflag:$0x1] =	stream.indirect_vreg.gather [hbm4b:s3+s1], $0x80, v5, vm0, $0xb8;
	[tilespmem:$0x1B800] =	vst v63  }
0x5b: {  	v3 =	vld [tilespmem:$0x18790];
	_ =	sdelay $0x4  }
0x5c: {  	v47 =	vshll.u32 v3, $0x1  }
0x5d: {  	v3 =	vand.u32 $0x7, v3;
	v4 =	vand.u32 $0xFFFFFFF0, v47  }
0x5e: {  	v3 =	vor.u32 v3, v4  }
0x5f: {  	v4 =	vperm.xlane v3, v0;
	_ =	sdelay $0x1  }
0x60: {  	v3 =	vperm.xlane v3, v2;
	v4 =	vadd.s32 v1, v4;
	_ =	sdelay $0x1  }
0x61: {  	v3 =	vadd.s32 v1, v3;
	_ =	sdelay $0x2  }
0x62: {  	[tilespmem:s26], [sflag:$0x1] =	stream.indirect_vreg.gather [hbm4b:s3+s1], $0x80, v4, vm0, $0xb8;
	[tilespmem:$0x1B800] =	vst v63  }
0x63: {  	_ = 	snop  }
0x64: {  	[tilespmem:s28], [sflag:$0x1] =	stream.indirect_vreg.gather [hbm4b:s3+s1], $0x80, v3, vm0, $0xb8;
	[tilespmem:$0x1B800] =	vst v63  }
0x65: {  	_ =	swait.ge [sflag:s29], $0x2000  }
0x66: {  	[sflag:s29] =	ssyncset.done $0x0  }
0x67: {  	[sflag:s29] =	ssyncadd.s32 $0xFFFFE000  }
0x68: {  	[hbm4b:s9+s1] =	stream.linear.scatter [tilespmem:s24], [sflag:$0x2], $0x2000, $0x38;
	[tilespmem:$0x1B800] =	vst v63  }
0x69: {  	_ =	swait.ge [sflag:s22], $0x2000  }
0x6a: {  	[sflag:s22] =	ssyncset.done $0x0  }
0x6b: {  	[sflag:s22] =	ssyncadd.s32 $0xFFFFE000  }
0x6c: {  	[tilespmem:s0], [sflag:$0x1] =	stream.indirect.gather [hbm4b:s4+s30], $0x80, s31, s30, $0xb8;
	[tilespmem:$0x1B800] =	vst v63  }
0x6d: {  	_ =	swait.ge [sflag:s29], $0x1000  }
0x6e: {  	[sflag:s29] =	ssyncset.done $0x0  }
0x6f: {  	[sflag:s29] =	ssyncadd.s32 $0xFFFFF000  }
0x70: {  	[hbm4b:s10+s1] =	stream.linear.scatter [tilespmem:s0], [sflag:$0x2], $0x1000, $0x38;
	[tilespmem:$0x1B800] =	vst v63  }
0x71: {  	_ =	swait.ge [sflag:s22], $0x1000  }
0x72: {  	[sflag:s22] =	ssyncset.done $0x0  }
0x73: {  	[sflag:s22] =	ssyncadd.s32 $0xFFFFF000  }
0x74: {  	[tilespmem:s23], [sflag:$0x2] =	stream.linear.gather [hbm4b:s11+s1], $0x20, $0x38;
	[tilespmem:$0x1B800] =	vst v63  }
0x75: {  	_ =	swait.ge [sflag:s22], $0x20  }
0x76: {  	[sflag:s22] =	ssyncset.done $0x0  }
0x77: {  	[sflag:s22] =	ssyncadd.s32 $0xFFFFFFE0  }
0x78: {  	v3 =	vld [tilespmem:$0x18700];
	_ =	sdelay $0x7  }
0x79: {  	v3 =	vld.idx.msk [tilespmem:v3+s1+$0x0], $0xffff  }
0x7a: {  	v48 =	vld [tilespmem:$0x18710];
	_ =	sdelay $0x3  }
0x7b: {  	v49 =	vshll.u32 v3, $0x1  }
0x7c: {  	v50 =	vand.u32 $0x7, v3;
	v5 =	vand.u32 $0xFFFFFFF0, v49  }
0x7d: {  	v5 =	vor.u32 v50, v5  }
0x7e: {  	[tilespmem:$0x18780] =	vst v3;
	v3 =	vperm.xlane v5, v0  }
0x7f: {  	v4 =	vld.idx.msk [tilespmem:v48+s1+$0x0], $0xffff  }
0x80: {  	v5 =	vperm.xlane v5, v2;
	v3 =	vadd.s32 v1, v3;
	_ =	sdelay $0x1  }
0x81: {  	v5 =	vadd.s32 v1, v5;
	_ =	sdelay $0x1  }
0x82: {  	[tilespmem:$0x18790] =	vst v4  }
0x83: {  	[tilespmem:s24], [sflag:$0x1] =	stream.indirect_vreg.gather [hbm4b:s3+s1], $0x80, v3, vm0, $0xb8;
	[tilespmem:$0x1B800] =	vst v63  }
0x84: {  	_ = 	snop  }
0x85: {  	[tilespmem:s25], [sflag:$0x1] =	stream.indirect_vreg.gather [hbm4b:s3+s1], $0x80, v5, vm0, $0xb8;
	[tilespmem:$0x1B800] =	vst v63  }
0x86: {  	v3 =	vld [tilespmem:$0x18790];
	_ =	sdelay $0x4  }
0x87: {  	v51 =	vshll.u32 v3, $0x1  }
0x88: {  	v3 =	vand.u32 $0x7, v3;
	v4 =	vand.u32 $0xFFFFFFF0, v51  }
0x89: {  	v3 =	vor.u32 v3, v4  }
0x8a: {  	v4 =	vperm.xlane v3, v0;
	_ =	sdelay $0x1  }
0x8b: {  	v3 =	vperm.xlane v3, v2;
	v4 =	vadd.s32 v1, v4;
	_ =	sdelay $0x1  }
0x8c: {  	v3 =	vadd.s32 v1, v3;
	_ =	sdelay $0x2  }
0x8d: {  	[tilespmem:s26], [sflag:$0x1] =	stream.indirect_vreg.gather [hbm4b:s3+s1], $0x80, v4, vm0, $0xb8;
	[tilespmem:$0x1B800] =	vst v63  }
0x8e: {  	_ = 	snop  }
0x8f: {  	[tilespmem:s28], [sflag:$0x1] =	stream.indirect_vreg.gather [hbm4b:s3+s1], $0x80, v3, vm0, $0xb8;
	[tilespmem:$0x1B800] =	vst v63  }
0x90: {  	_ =	swait.ge [sflag:s29], $0x2000  }
0x91: {  	[sflag:s29] =	ssyncset.done $0x0  }
0x92: {  	[sflag:s29] =	ssyncadd.s32 $0xFFFFE000  }
0x93: {  	[hbm4b:s12+s1] =	stream.linear.scatter [tilespmem:s24], [sflag:$0x2], $0x2000, $0x38;
	[tilespmem:$0x1B800] =	vst v63  }
0x94: {  	_ =	swait.ge [sflag:s22], $0x2000  }
0x95: {  	[sflag:s22] =	ssyncset.done $0x0  }
0x96: {  	[sflag:s22] =	ssyncadd.s32 $0xFFFFE000  }
0x97: {  	[tilespmem:s0], [sflag:$0x1] =	stream.indirect.gather [hbm4b:s4+s30], $0x80, s31, s30, $0xb8;
	[tilespmem:$0x1B800] =	vst v63  }
0x98: {  	_ =	swait.ge [sflag:s29], $0x1000  }
0x99: {  	[sflag:s29] =	ssyncset.done $0x0  }
0x9a: {  	[sflag:s29] =	ssyncadd.s32 $0xFFFFF000  }
0x9b: {  	[hbm4b:s13+s1] =	stream.linear.scatter [tilespmem:s0], [sflag:$0x2], $0x1000, $0x38;
	[tilespmem:$0x1B800] =	vst v63  }
0x9c: {  	_ =	swait.ge [sflag:s22], $0x1000  }
0x9d: {  	[sflag:s22] =	ssyncset.done $0x0  }
0x9e: {  	[sflag:s22] =	ssyncadd.s32 $0xFFFFF000  }
0x9f: {  	[tilespmem:s23], [sflag:$0x2] =	stream.linear.gather [hbm4b:s14+s1], $0x20, $0x38;
	[tilespmem:$0x1B800] =	vst v63  }
0xa0: {  	_ =	swait.ge [sflag:s22], $0x20  }
0xa1: {  	[sflag:s22] =	ssyncset.done $0x0  }
0xa2: {  	[sflag:s22] =	ssyncadd.s32 $0xFFFFFFE0  }
0xa3: {  	v3 =	vld [tilespmem:$0x18700];
	_ =	sdelay $0x7  }
0xa4: {  	v3 =	vld.idx.msk [tilespmem:v3+s1+$0x0], $0xffff  }
0xa5: {  	v52 =	vld [tilespmem:$0x18710];
	_ =	sdelay $0x3  }
0xa6: {  	v53 =	vshll.u32 v3, $0x1  }
0xa7: {  	v54 =	vand.u32 $0x7, v3;
	v5 =	vand.u32 $0xFFFFFFF0, v53  }
0xa8: {  	v5 =	vor.u32 v54, v5  }
0xa9: {  	[tilespmem:$0x18780] =	vst v3;
	v3 =	vperm.xlane v5, v0  }
0xaa: {  	v4 =	vld.idx.msk [tilespmem:v52+s1+$0x0], $0xffff  }
0xab: {  	v5 =	vperm.xlane v5, v2;
	v3 =	vadd.s32 v1, v3;
	_ =	sdelay $0x1  }
0xac: {  	v5 =	vadd.s32 v1, v5;
	_ =	sdelay $0x1  }
0xad: {  	[tilespmem:$0x18790] =	vst v4  }
0xae: {  	[tilespmem:s24], [sflag:$0x1] =	stream.indirect_vreg.gather [hbm4b:s3+s1], $0x80, v3, vm0, $0xb8;
	[tilespmem:$0x1B800] =	vst v63  }
0xaf: {  	_ = 	snop  }
0xb0: {  	[tilespmem:s25], [sflag:$0x1] =	stream.indirect_vreg.gather [hbm4b:s3+s1], $0x80, v5, vm0, $0xb8;
	[tilespmem:$0x1B800] =	vst v63  }
0xb1: {  	v3 =	vld [tilespmem:$0x18790];
	_ =	sdelay $0x4  }
0xb2: {  	v55 =	vshll.u32 v3, $0x1  }
0xb3: {  	v3 =	vand.u32 $0x7, v3;
	v4 =	vand.u32 $0xFFFFFFF0, v55  }
0xb4: {  	v3 =	vor.u32 v3, v4  }
0xb5: {  	v4 =	vperm.xlane v3, v0;
	_ =	sdelay $0x1  }
0xb6: {  	v3 =	vperm.xlane v3, v2;
	v4 =	vadd.s32 v1, v4;
	_ =	sdelay $0x1  }
0xb7: {  	v3 =	vadd.s32 v1, v3;
	_ =	sdelay $0x2  }
0xb8: {  	[tilespmem:s26], [sflag:$0x1] =	stream.indirect_vreg.gather [hbm4b:s3+s1], $0x80, v4, vm0, $0xb8;
	[tilespmem:$0x1B800] =	vst v63  }
0xb9: {  	_ = 	snop  }
0xba: {  	[tilespmem:s28], [sflag:$0x1] =	stream.indirect_vreg.gather [hbm4b:s3+s1], $0x80, v3, vm0, $0xb8;
	[tilespmem:$0x1B800] =	vst v63  }
0xbb: {  	_ =	swait.ge [sflag:s29], $0x2000  }
0xbc: {  	[sflag:s29] =	ssyncset.done $0x0  }
0xbd: {  	[sflag:s29] =	ssyncadd.s32 $0xFFFFE000  }
0xbe: {  	[hbm4b:s15+s1] =	stream.linear.scatter [tilespmem:s24], [sflag:$0x2], $0x2000, $0x38;
	[tilespmem:$0x1B800] =	vst v63  }
0xbf: {  	_ =	swait.ge [sflag:s22], $0x2000  }
0xc0: {  	[sflag:s22] =	ssyncset.done $0x0  }
0xc1: {  	[sflag:s22] =	ssyncadd.s32 $0xFFFFE000  }
0xc2: {  	[tilespmem:s0], [sflag:$0x1] =	stream.indirect.gather [hbm4b:s4+s30], $0x80, s31, s30, $0xb8;
	[tilespmem:$0x1B800] =	vst v63  }
0xc3: {  	_ =	swait.ge [sflag:s29], $0x1000  }
0xc4: {  	[sflag:s29] =	ssyncset.done $0x0  }
0xc5: {  	[sflag:s29] =	ssyncadd.s32 $0xFFFFF000  }
0xc6: {  	[hbm4b:s16+s1] =	stream.linear.scatter [tilespmem:s0], [sflag:$0x2], $0x1000, $0x38;
	[tilespmem:$0x1B800] =	vst v63  }
0xc7: {  	_ =	swait.ge [sflag:s22], $0x1000  }
0xc8: {  	[sflag:s22] =	ssyncset.done $0x0  }
0xc9: {  	[sflag:s22] =	ssyncadd.s32 $0xFFFFF000  }
0xca: {  	[tilespmem:s23], [sflag:$0x2] =	stream.linear.gather [hbm4b:s17+s1], $0x20, $0x38;
	[tilespmem:$0x1B800] =	vst v63  }
0xcb: {  	_ =	swait.ge [sflag:s22], $0x20  }
0xcc: {  	[sflag:s22] =	ssyncset.done $0x0  }
0xcd: {  	[sflag:s22] =	ssyncadd.s32 $0xFFFFFFE0  }
0xce: {  	v3 =	vld [tilespmem:$0x18700];
	_ =	sdelay $0x7  }
0xcf: {  	v3 =	vld.idx.msk [tilespmem:v3+s1+$0x0], $0xffff  }
0xd0: {  	v56 =	vld [tilespmem:$0x18710];
	_ =	sdelay $0x3  }
0xd1: {  	v57 =	vshll.u32 v3, $0x1  }
0xd2: {  	v58 =	vand.u32 $0x7, v3;
	v5 =	vand.u32 $0xFFFFFFF0, v57  }
0xd3: {  	v5 =	vor.u32 v58, v5  }
0xd4: {  	[tilespmem:$0x18780] =	vst v3;
	v3 =	vperm.xlane v5, v0  }
0xd5: {  	v4 =	vld.idx.msk [tilespmem:v56+s1+$0x0], $0xffff  }
0xd6: {  	v5 =	vperm.xlane v5, v2;
	v3 =	vadd.s32 v1, v3;
	_ =	sdelay $0x1  }
0xd7: {  	v5 =	vadd.s32 v1, v5;
	_ =	sdelay $0x1  }
0xd8: {  	[tilespmem:$0x18790] =	vst v4  }
0xd9: {  	[tilespmem:s24], [sflag:$0x1] =	stream.indirect_vreg.gather [hbm4b:s3+s1], $0x80, v3, vm0, $0xb8;
	[tilespmem:$0x1B800] =	vst v63  }
0xda: {  	_ = 	snop  }
0xdb: {  	[tilespmem:s25], [sflag:$0x1] =	stream.indirect_vreg.gather [hbm4b:s3+s1], $0x80, v5, vm0, $0xb8;
	[tilespmem:$0x1B800] =	vst v63  }
0xdc: {  	v3 =	vld [tilespmem:$0x18790];
	_ =	sdelay $0x4  }
0xdd: {  	v59 =	vshll.u32 v3, $0x1  }
0xde: {  	v3 =	vand.u32 $0x7, v3;
	v4 =	vand.u32 $0xFFFFFFF0, v59  }
0xdf: {  	v3 =	vor.u32 v3, v4  }
0xe0: {  	v4 =	vperm.xlane v3, v0;
	_ =	sdelay $0x1  }
0xe1: {  	v3 =	vperm.xlane v3, v2;
	v4 =	vadd.s32 v1, v4;
	_ =	sdelay $0x1  }
0xe2: {  	v3 =	vadd.s32 v1, v3;
	_ =	sdelay $0x2  }
0xe3: {  	[tilespmem:s26], [sflag:$0x1] =	stream.indirect_vreg.gather [hbm4b:s3+s1], $0x80, v4, vm0, $0xb8;
	[tilespmem:$0x1B800] =	vst v63  }
0xe4: {  	_ = 	snop  }
0xe5: {  	[tilespmem:s28], [sflag:$0x1] =	stream.indirect_vreg.gather [hbm4b:s3+s1], $0x80, v3, vm0, $0xb8;
	[tilespmem:$0x1B800] =	vst v63  }
0xe6: {  	_ =	swait.ge [sflag:s29], $0x2000  }
0xe7: {  	[sflag:s29] =	ssyncset.done $0x0  }
0xe8: {  	[sflag:s29] =	ssyncadd.s32 $0xFFFFE000  }
0xe9: {  	[hbm4b:s18+s1] =	stream.linear.scatter [tilespmem:s24], [sflag:$0x2], $0x2000, $0x38;
	[tilespmem:$0x1B800] =	vst v63  }
0xea: {  	_ =	swait.ge [sflag:s22], $0x2000  }
0xeb: {  	[sflag:s22] =	ssyncset.done $0x0  }
0xec: {  	[sflag:s22] =	ssyncadd.s32 $0xFFFFE000  }
0xed: {  	[tilespmem:s23], [sflag:$0x2] =	stream.linear.gather [hbm4b:s19+s1], $0x20, $0x38;
	[tilespmem:$0x1B800] =	vst v63  }
0xee: {  	_ =	swait.ge [sflag:s22], $0x20  }
0xef: {  	[sflag:s22] =	ssyncset.done $0x0  }
0xf0: {  	[sflag:s22] =	ssyncadd.s32 $0xFFFFFFE0  }
0xf1: {  	v3 =	vld [tilespmem:$0x18700];
	_ =	sdelay $0x7  }
0xf2: {  	v3 =	vld.idx.msk [tilespmem:v3+s1+$0x0], $0xffff  }
0xf3: {  	v60 =	vld [tilespmem:$0x18710];
	_ =	sdelay $0x3  }
0xf4: {  	v61 =	vshll.u32 v3, $0x1  }
0xf5: {  	v62 =	vand.u32 $0x7, v3;
	v5 =	vand.u32 $0xFFFFFFF0, v61  }
0xf6: {  	v5 =	vor.u32 v62, v5  }
0xf7: {  	[tilespmem:$0x18780] =	vst v3;
	v3 =	vperm.xlane v5, v0  }
0xf8: {  	v4 =	vld.idx.msk [tilespmem:v60+s1+$0x0], $0xffff  }
0xf9: {  	v5 =	vperm.xlane v5, v2;
	v3 =	vadd.s32 v1, v3;
	_ =	sdelay $0x1  }
0xfa: {  	v5 =	vadd.s32 v1, v5;
	_ =	sdelay $0x1  }
0xfb: {  	[tilespmem:$0x18790] =	vst v4  }
0xfc: {  	[tilespmem:s24], [sflag:$0x1] =	stream.indirect_vreg.gather [hbm4b:s3+s1], $0x80, v3, vm0, $0xb8;
	[tilespmem:$0x1B800] =	vst v63  }
0xfd: {  	_ = 	snop  }
0xfe: {  	[tilespmem:s25], [sflag:$0x1] =	stream.indirect_vreg.gather [hbm4b:s3+s1], $0x80, v5, vm0, $0xb8;
	[tilespmem:$0x1B800] =	vst v63  }
0xff: {  	v3 =	vld [tilespmem:$0x18790];
	_ =	sdelay $0x4  }
0x100: {  	v63 =	vshll.u32 v3, $0x1  }
0x101: {  	v3 =	vand.u32 $0x7, v3;
	v4 =	vand.u32 $0xFFFFFFF0, v63  }
0x102: {  	v3 =	vor.u32 v3, v4  }
0x103: {  	v4 =	vperm.xlane v3, v0;
	_ =	sdelay $0x1  }
0x104: {  	v3 =	vperm.xlane v3, v2;
	v4 =	vadd.s32 v1, v4;
	_ =	sdelay $0x1  }
0x105: {  	v3 =	vadd.s32 v1, v3;
	_ =	sdelay $0x2  }
0x106: {  	[tilespmem:s26], [sflag:$0x1] =	stream.indirect_vreg.gather [hbm4b:s3+s1], $0x80, v4, vm0, $0xb8;
	[tilespmem:$0x1B800] =	vst v63  }
0x107: {  	_ = 	snop  }
0x108: {  	[tilespmem:s28], [sflag:$0x1] =	stream.indirect_vreg.gather [hbm4b:s3+s1], $0x80, v3, vm0, $0xb8;
	[tilespmem:$0x1B800] =	vst v63  }
0x109: {  	_ =	swait.ge [sflag:s29], $0x2000  }
0x10a: {  	p0 =	sne.s32 s21, $0x1;
	[sflag:s29] =	ssyncset.done $0x0  }
.Ltmp0:
0x10b: {  	[sflag:s29] =	ssyncadd.s32 $0xFFFFE000;
	(pc) =	sbr.rel @p0 .LBB2_1-.Ltmp0, $4  }
0x10c: {  	[hbm4b:s20+s1] =	stream.linear.scatter [tilespmem:s24], [sflag:$0x2], $0x2000, $0x38;
	[tilespmem:$0x1B800] =	vst v63  }
0x10d: {  	_ =	swait.ge [sflag:s22], $0x2000  }
0x10e: {  	[sflag:s22] =	ssyncset.done $0x0  }
0x10f: {  	s21 =	sadd.s32 $0xFFFFFFFF, s21;
	[sflag:s22] =	ssyncadd.s32 $0xFFFFE000  }
0x110: {  	_ =	sfence.sel $0x180000  }
0x111: {  	[bflag:$0x0] =	sbarrier.arrive $0xFFFF  }
0x112: {  	_ =	strace $0x9000004D  }
0x113: {  	s0 =	stileid.u32;
	[bflag:$0x2] =	sbarrier.arrive $0xFFFF  }
0x114: {  	p0 =	sne.s32 s0, $0x0;
	s0 =	rddreg [dreg:$0x7]  }
0x115: {  	s0 =	sadd.s32 @!p0 $0x100000, s0  }
0x116: {  	[sflag:s0] =	ssyncadd.tile.s32 @!p0 $0x1;
	_ =	shalt  }
.Lfunc_end2:
_tile_overlayer_lowered:
.L_overlay_start_2:
0x117: {  	(tag) =	ssettag $0x2  }
0x118: {  	s0 =	rddreg [dreg:$0x0];
	s2 =	stileid.u32  }
0x119: {  	s1 =	rddreg [dreg:$0x1];
	p0 =	sne.s32 s2, $0x0  }
0x11a: {  	s3 =	rddreg [dreg:$0x2];
	[bflag:$0x3] =	sbarrier.arrive $0xFFFF;
	s2 =	simm.s32 @!p0 $0x1C02  }
0x11b: {  	[timem:s3], [sflag:s2] =	dma.local @!p0 [hbm:s0], s1  }
0x11c: {  	s0 =	simm.s32 @!p0 $0x2  }
0x11d: {  	_ =	swait.ge @!p0 [sflag:s0], s1  }
0x11e: {  	s1 =	ssub.s32 @!p0 $0x0, s1;
	[sflag:s0] =	ssyncset.done @!p0 $0x0  }
0x11f: {  	[sflag:s0] =	ssyncadd.s32 @!p0 s1  }
0x120: {  	[bflag:$0x3] =	sbarrier.arrive $0xFFFF  }
0x121: {  	_ =	shalt  }

// kernel: kernel.9.cloned.1.call-start
scs
__scs_entry_jumppad:
0x0: {  	(pc) =	sbr.rel $0x88, $3  }
0x1: {  	(tag) =	ssettag $0x0;
	lr =	simm.s32 $0x1  }
0x2: {  	[smem:$0x3F8F] =	sst lr;
	_ =	strace $0xD0000000  }
0x3: {  	_ = 	snop  }
0x4: {  	_ = 	snop  }
0x5: {  	_ = 	snop  }
0x6: {  	_ = 	snop  }
0x7: {  	_ = 	snop  }
__scs_overlays_trampoline_lowered:
0x8: {  	[smem:$0x3F9E] =	sst s0  }
0x9: {  	[smem:$0x3F9F] =	sst s1  }
0xa: {  	[smem:$0x3FA0] =	sst s2  }
0xb: {  	[smem:$0x3FA1] =	sst s3  }
0xc: {  	[smem:$0x3FA2] =	sst s4  }
0xd: {  	[smem:$0x3FA3] =	sst s5  }
0xe: {  	[smem:$0x3FA4] =	sst s6  }
0xf: {  	[smem:$0x3FA5] =	sst s7  }
0x10: {  	[smem:$0x3FA6] =	sst s8  }
0x11: {  	[smem:$0x3FA7] =	sst s9;
	s0 =	simm.s32 @!p0 $0x0  }
0x12: {  	s1 =	sld [smem:$0x3F8D];
	s0 =	simm.s32 @p0 $0x1  }
0x13: {  	[smem:$0x3FA8] =	sst s0;
	s0 =	simm.s32 @!p1 $0x0  }
0x14: {  	s2 =	sld [smem:$0x3F8C];
	s0 =	simm.s32 @p1 $0x1  }
0x15: {  	[smem:$0x3FA9] =	sst s0;
	s0 =	simm.s32 @!p2 $0x0  }
0x16: {  	s3 =	sld [smem:$0x3FDB];
	s0 =	simm.s32 @p2 $0x1  }
0x17: {  	s4 =	simm.s32 $0x1BF5;
	[smem:$0x3FAB] =	sst s0  }
0x18: {  	s0 =	sld [smem:$0x3F8E];
	_ =	swait.ge [sflag:s4], $0x0  }
0x19: {  	s7 =	sld [smem:$0x3F8F]  }
0x1a: {  	s8 =	sadd.s32 $0xFFFFE003, lr  }
0x1b: {  	s9 =	sadd.s32 $0xFFFFFEF7, lr;
	s5 =	simm.s32 $0xFFFFFFFF;
	p2 =	slt.u32 s8, $0xFFFFF086  }
0x1c: {  	p1 =	slt.u32 s9, $0xF7A;
	s5 =	simm.s32 @!p2 $0x0  }
0x1d: {  	s5 =	simm.s32 @p1 $0x1;
	p0 =	seq.s32 s7, s2  }
0x1e: {  	s7 =	smul.u32 @!p0 $0xF7A, s2;
	p2 =	seq.s32 @!p0 s5, $0x0  }
0x1f: {  	s9 =	smul.u32 $0xF7A, s1;
	s8 =	simm.s32 @!p0 $0x1BF5;
	p2 =	por !p2, p0  }
0x20: {  	[sflag:s8] =	ssyncset.s32 @!p0 $0xFFFFF086;
	s6 =	sadd.s32 @!p0 s3, s7;
	s7 =	simm.s32 @!p0 $0x108  }
0x21: {  	s3 =	sadd.s32 s3, s9;
	s6 =	sadd.s32 @!p0 $0x88, s6;
	s7 =	simm.s32 @p2 $0x1082  }
0x22: {  	[simem:s7], [sflag:s8] =	dma.local @!p0 [hbm:s6], $0xF7A  }
0x23: {  	s9 =	sor.u32 $0xD0000000, s2;
	s6 =	simm.s32 $0x108;
	_ =	swait.ge @!p0 [sflag:s8], $0x0  }
0x24: {  	s3 =	sadd.s32 $0x88, s3;
	s6 =	simm.s32 @!p1 $0x1082;
	[sflag:s4] =	ssyncset.s32 $0xFFFFF086  }
0x25: {  	[simem:s6], [sflag:s4] =	dma.local [hbm:s3], $0xF7A  }
0x26: {  	[smem:$0x3F8F] =	sst s1;
	(tag) =	ssettag s2;
	_ =	strace s9  }
0x27: {  	s1 =	sld [smem:$0x3F9F]  }
0x28: {  	s2 =	sld [smem:$0x3FA0]  }
0x29: {  	s4 =	sld [smem:$0x3FA2]  }
0x2a: {  	p0 =	seq.s32 s5, $0x0;
	s5 =	sld [smem:$0x3FA3]  }
0x2b: {  	s6 =	sld [smem:$0x3FA4]  }
0x2c: {  	s7 =	sld [smem:$0x3FA5]  }
0x2d: {  	s3 =	simm.s32 $0x108;
	s8 =	sld [smem:$0x3FA6]  }
0x2e: {  	s3 =	simm.s32 @!p0 $0x1082;
	s9 =	sld [smem:$0x3FA7]  }
0x2f: {  	lr =	sadd.s32 s0, s3;
	s0 =	sld [smem:$0x3F9E]  }
0x30: {  	s3 =	sld [smem:$0x3FA1]  }
0x31: {  	[smem:$0x3FAA] =	sst s10  }
0x32: {  	s10 =	sld [smem:$0x3FA8];
	_ =	sdelay $0x3  }
0x33: {  	p0 =	seq.s32 s10, $0x1;
	s10 =	sld [smem:$0x3FAA];
	_ =	sdelay $0x3  }
0x34: {  	[smem:$0x3FAA] =	sst s10  }
0x35: {  	s10 =	sld [smem:$0x3FA9];
	_ =	sdelay $0x3  }
0x36: {  	p1 =	seq.s32 s10, $0x1;
	s10 =	sld [smem:$0x3FAA];
	_ =	sdelay $0x3  }
0x37: {  	[smem:$0x3FAA] =	sst s10  }
0x38: {  	s10 =	sld [smem:$0x3FAB]  }
0x39: {  	_ = 	snop;
	(pc) =	sbr.ind lr, $3  }
0x3a: {  	_ = 	snop  }
0x3b: {  	_ = 	snop  }
0x3c: {  	p2 =	seq.s32 s10, $0x1;
	s10 =	sld [smem:$0x3FAA]  }
0x3d: {  	_ =	shalt  }
0x3e: {  	_ =	shalt  }
0x3f: {  	_ =	shalt  }
0x40: {  	_ =	shalt  }
0x41: {  	_ =	shalt  }
0x42: {  	_ =	shalt  }
0x43: {  	_ =	shalt  }
0x44: {  	_ =	shalt  }
0x45: {  	_ =	shalt  }
0x46: {  	_ =	shalt  }
0x47: {  	_ =	shalt  }
0x48: {  	_ =	shalt  }
0x49: {  	_ =	shalt  }
0x4a: {  	_ =	shalt  }
0x4b: {  	_ =	shalt  }
0x4c: {  	_ =	shalt  }
0x4d: {  	_ =	shalt  }
0x4e: {  	_ =	shalt  }
0x4f: {  	_ =	shalt  }
0x50: {  	_ =	shalt  }
0x51: {  	_ =	shalt  }
0x52: {  	_ =	shalt  }
0x53: {  	_ =	shalt  }
0x54: {  	_ =	shalt  }
0x55: {  	_ =	shalt  }
0x56: {  	_ =	shalt  }
0x57: {  	_ =	shalt  }
0x58: {  	_ =	shalt  }
0x59: {  	_ =	shalt  }
0x5a: {  	_ =	shalt  }
0x5b: {  	_ =	shalt  }
0x5c: {  	_ =	shalt  }
0x5d: {  	_ =	shalt  }
0x5e: {  	_ =	shalt  }
0x5f: {  	_ =	shalt  }
0x60: {  	_ =	shalt  }
0x61: {  	_ =	shalt  }
0x62: {  	_ =	shalt  }
0x63: {  	_ =	shalt  }
0x64: {  	_ =	shalt  }
0x65: {  	_ =	shalt  }
0x66: {  	_ =	shalt  }
0x67: {  	_ =	shalt  }
0x68: {  	_ =	shalt  }
0x69: {  	_ =	shalt  }
0x6a: {  	_ =	shalt  }
0x6b: {  	_ =	shalt  }
0x6c: {  	_ =	shalt  }
0x6d: {  	_ =	shalt  }
0x6e: {  	_ =	shalt  }
0x6f: {  	_ =	shalt  }
0x70: {  	_ =	shalt  }
0x71: {  	_ =	shalt  }
0x72: {  	_ =	shalt  }
0x73: {  	_ =	shalt  }
0x74: {  	_ =	shalt  }
0x75: {  	_ =	shalt  }
0x76: {  	_ =	shalt  }
0x77: {  	_ =	shalt  }
0x78: {  	_ =	shalt  }
0x79: {  	_ =	shalt  }
0x7a: {  	_ =	shalt  }
0x7b: {  	_ =	shalt  }
0x7c: {  	_ =	shalt  }
0x7d: {  	_ =	shalt  }
0x7e: {  	_ =	shalt  }
0x7f: {  	_ =	shalt  }
0x80: {  	_ =	shalt  }
0x81: {  	_ =	shalt  }
0x82: {  	_ =	shalt  }
0x83: {  	_ =	shalt  }
0x84: {  	_ =	shalt  }
0x85: {  	_ =	shalt  }
0x86: {  	_ =	shalt  }
0x87: {  	_ =	shalt  }
.Lfunc_end0:
.L_simem_size_0:
called_computation_lowered:
.L_overlay_start_0:
0x88: {  	s2 =	sld [smem:$0x3FD9]  }
0x89: {  	s3 =	sld [smem:$0x3FFE];
	_ =	sdelay $0x1  }
0x8a: {  	s1 =	srdreg.scid  }
0x8b: {  	s0 =	sand.u32 $0x1, s1  }
0x8c: {  	s17 =	sshll.u32 s0, $0xA;
	s2 =	sadd.s32 s3, s2  }
0x8d: {  	s2 =	sadd.s32 s2, s17  }
0x8e: {  	[smem:$0x3FB6] =	sst s2  }
0x8f: {  	_ = 	snop  }
0x90: {  	s2 =	sld [smem:$0x3FC6]  }
0x91: {  	s18 =	sld [smem:$0x3FC5]  }
0x92: {  	s4 =	sld [smem:$0x3FC0]  }
0x93: {  	s5 =	sld [smem:$0x3FBF];
	(tm) =	ssettm $0x1  }
0x94: {  	s6 =	sld [smem:$0x3FFB];
	_ =	sdelay $0x3  }
0x95: {  	_ =	strace s6  }
0x96: {  	s6 =	sld [smem:$0x3FFC];
	_ =	sdelay $0x3  }
0x97: {  	_ =	strace s6  }
0x98: {  	s6 =	sld [smem:$0x3FFD];
	_ =	sdelay $0x3  }
0x99: {  	_ =	strace s6  }
0x9a: {  	_ =	strace $0x8FFFFFFF  }
0x9b: {  	s19 =	sld [smem:$0x3FDB];
	_ =	sdelay $0x1  }
0x9c: {  	s7 =	simm.s32 $_scs_section_size  }
0x9d: {  	s8 =	simm.s32 $_size__tile_overlayer_lowered;
	s9 =	simm.s32 $_tile_overlayer_lowered  }
0x9e: {  	s22 =	simm.s32 $0x1BFF;
	s21 =	sshll.u32 s9, $0x1;
	s6 =	sadd.s32 s7, s19  }
0x9f: {  	s10 =	simm.s32 $0x0;
	s20 =	sshll.u32 s8, $0x1;
	s8 =	sadd.s32 s21, s6  }
0xa0: {  	[timem:s10], [sflag:s22] =	dma.local [hbm:s8], s20  }
0xa1: {  	_ =	swait.ge [sflag:s22], s20  }
0xa2: {  	s7 =	ssub.s32 $0x0, s20;
	[sflag:s22] =	ssyncset.done $0x0  }
0xa3: {  	[sflag:s22] =	ssyncadd.s32 s7;
	_ =	sdelay $0x1  }
0xa4: {  	s23 =	simm.s32 $0x1B8B  }
0xa5: {  	_ =	swait.ge [sflag:s23], $0x1  }
0xa6: {  	[sflag:s23] =	ssyncset.done $0x0  }
0xa7: {  	s25 =	simm.s32 $0x1B8E;
	s24 =	sld [smem:$0x3FFE];
	[sflag:s23] =	ssyncadd.s32 $0xFFFFFFFF  }
0xa8: {  	s26 =	simm.s32 $execute0_lowered;
	[smem:$0x3FD2] =	sst s25  }
0xa9: {  	s8 =	sshll.u32 s26, $0x1;
	_ =	strace $0x80000046;
	[dreg:$0x1] =	wrdreg $0xFFFFFFFF  }
0xaa: {  	s28 =	simm.s32 $_size_execute0_lowered;
	s6 =	sadd.s32 s6, s8;
	[dreg:$0x0] =	wrdreg $0x0  }
0xab: {  	s8 =	sshll.u32 s28, $0x1;
	[dreg:$0x2] =	wrdreg s6  }
0xac: {  	[dreg:$0x3] =	wrdreg s8  }
0xad: {  	[dreg:$0x4] =	wrdreg $0xC0  }
0xae: {  	_ =	task [dreg:s10], $0x5FFFF  }
0xaf: {  	[dreg:$0x1] =	wrdreg $0xFFFFFFFF  }
0xb0: {  	[dreg:$0x0] =	wrdreg $0x60  }
0xb1: {  	[dreg:$0x2] =	wrdreg s18  }
0xb2: {  	[dreg:$0x3] =	wrdreg s4  }
0xb3: {  	[dreg:$0x4] =	wrdreg s2  }
0xb4: {  	[dreg:$0x5] =	wrdreg s5  }
0xb5: {  	[dreg:$0x6] =	wrdreg s24  }
0xb6: {  	[dreg:$0x7] =	wrdreg $0x9  }
0xb7: {  	_ =	task.clear_ibuf [dreg:s10], $0x8FFFF;
	_ =	strace $0x90000046  }
0xb8: {  	s29 =	simm.s32 $0x9;
	_ =	strace $0x80000048  }
0xb9: {  	_ =	swait.ge [sflag:s29], $0x1  }
0xba: {  	[sflag:s29] =	ssyncadd.s32 $0xFFFFFFFF  }
0xbb: {  	_ =	strace $0x90000048  }
0xbc: {  	_ =	sfence  }
0xbd: {  	s30 =	sld [smem:$0x0];
	_ =	sdelay $0x2  }
0xbe: {  	s31 =	sshll.u32 s1, $0xD;
	s1 =	sshrl.u32 s1, $0x2  }
0xbf: {  	s3 =	sand.u32 $0x4000, s31;
	s1 =	sadd.s32 s1, s30  }
0xc0: {  	s0 =	sor.u32 s3, s0;
	s1 =	sshll.u32 s1, $0x11  }
0xc1: {  	s0 =	sor.u32 s1, s0  }
0xc2: {  	s0 =	sadd.s32 $0x8F2B, s0  }
0xc3: {  	[sflag:s0] =	ssyncadd.remote.s32 $0x1  }
0xc4: {  	_ =	sfence.sel $0xFFFF  }
0xc5: {  	[dreg:$0x0] =	wrdreg $0xFFFFFFFF;
	(pc) =	sbr.abs _section_cstart, $3  }
0xc6: {  	[dreg:$0x1] =	wrdreg $0xFFFFFFFF  }
0xc7: {  	_ =	task.clear_ibuf [dreg:s10], $0x2FFFF;
	_ =	strace $0x9FFFFFFF  }
0xc8: {  	(tm) =	ssettm $0x7FFFFFFF  }
0xc9: {  	_ =	shalt  }
tec
execute0_lowered:
.L_overlay_start_1:
0x0: {  	(tag) =	ssettag $0x1  }
0x1: {  	s1 =	rddreg [dreg:$0x0]  }
0x2: {  	s2 =	rddreg [dreg:$0x1]  }
0x3: {  	s3 =	rddreg [dreg:$0x2]  }
0x4: {  	s4 =	rddreg [dreg:$0x3]  }
0x5: {  	s9 =	rddreg [dreg:$0x4]  }
0x6: {  	s0 =	rddreg [dreg:$0x5];
	s5 =	simm.s32 $0x0;
	s10 =	srdreg.scid  }
0x7: {  	s6 =	stileid.u32;
	s17 =	simm.s32 $0x80;
	s18 =	simm.s32 $0x1  }
0x8: {  	s19 =	simm.s32 $0x2880;
	s20 =	simm.s32 $0x5080;
	s21 =	simm.s32 $0x0  }
0x9: {  	[smem:$0x7FF] =	sst s5;
	s7 =	sadd.s32 $0x2AC00, s9;
	s8 =	sadd.s32 $0x3A00, s9  }
0xa: {  	s11 =	sand.u32 $0x1, s10;
	s9 =	sadd.s32 $0x3400, s9;
	s12 =	smul.u32 $0xA0, s6  }
0xb: {  	s14 =	sshll.u32 s6, $0x1;
	s31 =	smul.u32 $0x5000, s6;
	_ =	strace $0x80000047  }
0xc: {  	s10 =	ssub.s32 $0x2, s11;
	s15 =	smul.u32 $0x50, s11;
	s30 =	sor.u32 s11, s14  }
0xd: {  	s16 =	smul.u32 $0x2800, s11;
	s14 =	simm.s32 $0x5100;
	s13 =	sshrl.u32 s10, $0x1  }
0xe: {  	p0 =	slt.u32 s30, $0x1D;
	s13 =	ssub.s32 s10, s13;
	s10 =	simm.s32 $0x4  }
0xf: {  	s12 =	sadd.s32 s15, s12;
	s15 =	simm.s32 $0x2;
	s10 =	simm.s32 @!p0 $0x3  }
0x10: {  	s11 =	smax.u32 s13, $0x1;
	s13 =	sadd.s32 s16, s31;
	s16 =	simm.s32 $0x50  }
.LBB2_1:
0x11: {  	p1 =	sne.s32 s10, $0x1  }
.Ltmp0:
0x12: {  	_ = 	snop;
	(pc) =	sbr.rel @!p1 .LBB2_2-.Ltmp0, $4  }
0x13: {  	[tilespmem:s14], [sflag:$0x2] =	stream.linear.gather [hbm4b:s4+s5], $0x18700, $0x38;
	[tilespmem:$0x1D800] =	vst v63  }
0x14: {  	_ =	swait.ge [sflag:s15], $0x18700  }
0x15: {  	s23 =	sadd.s32 $0xFFFFFFFF, s10;
	[sflag:s15] =	ssyncset.done $0x0  }
0x16: {  	s22 =	sshrl.u32 s12, $0x3;
	p0 =	por $0x0, $0x0;
	[sflag:s15] =	ssyncadd.s32 $0xFFFE7900  }
0x17: {  	s24 =	sadd.s32 s1, s22  }
0x18: {  	[tilespmem:s5], [sflag:$0x2] =	stream.linear.gather [hbm4b:s24+s5], $0x50, $0x38;
	[tilespmem:$0x1D800] =	vst v63  }
0x19: {  	_ =	swait.ge [sflag:s15], $0x50  }
0x1a: {  	[sflag:s15] =	ssyncset.done $0x0  }
0x1b: {  	[sflag:s15] =	ssyncadd.s32 $0xFFFFFFB0  }
0x1c: {  	[tilespmem:s17], [sflag:$0x1] =	stream.indirect.gather [hbm4b:s2+s16], $0x80, s5, s16, $0xb8;
	[tilespmem:$0x1D800] =	vst v63  }
0x1d: {  	_ =	swait.ge [sflag:s18], $0x2800  }
0x1e: {  	s30 =	sshrl.u32 s13, $0x3;
	[sflag:s18] =	ssyncset.done $0x0  }
0x1f: {  	s25 =	sadd.s32 s7, s30;
	[sflag:s18] =	ssyncadd.s32 $0xFFFFD800  }
0x20: {  	[hbm4b:s25+s5] =	stream.linear.scatter [tilespmem:s17], [sflag:$0x2], $0x2800, $0x38;
	[tilespmem:$0x1D800] =	vst v63  }
0x21: {  	_ =	swait.ge [sflag:s15], $0x2800  }
0x22: {  	[sflag:s15] =	ssyncset.done $0x0  }
0x23: {  	[sflag:s15] =	ssyncadd.s32 $0xFFFFD800  }
0x24: {  	[tilespmem:s19], [sflag:$0x1] =	stream.indirect.gather [hbm4b:s3+s16], $0x80, s5, s16, $0xb8;
	[tilespmem:$0x1D800] =	vst v63  }
0x25: {  	_ =	swait.ge [sflag:s18], $0x2800  }
0x26: {  	[sflag:s18] =	ssyncset.done $0x0  }
0x27: {  	s24 =	sadd.s32 s8, s30;
	[sflag:s18] =	ssyncadd.s32 $0xFFFFD800  }
0x28: {  	[hbm4b:s24+s5] =	stream.linear.scatter [tilespmem:s19], [sflag:$0x2], $0x2800, $0x38;
	[tilespmem:$0x1D800] =	vst v63  }
0x29: {  	_ =	swait.ge [sflag:s15], $0x2800  }
0x2a: {  	[sflag:s15] =	ssyncset.done $0x0  }
0x2b: {  	[sflag:s15] =	ssyncadd.s32 $0xFFFFD800  }
0x2c: {  	v0 =	vld [tilespmem:$0x0];
	_ =	sdelay $0x5  }
0x2d: {  	v1 =	vld [tilespmem:$0x10];
	_ =	sdelay $0x1  }
0x2e: {  	v0 =	vld.idx.msk [tilespmem:v0+s14+$0x0], $0xffff;
	_ =	sdelay $0x3  }
0x2f: {  	v2 =	vld [tilespmem:$0x20]  }
0x30: {  	[tilespmem:$0x5080] =	vst v0  }
0x31: {  	v0 =	vld.idx.msk [tilespmem:v1+s14+$0x0], $0xffff;
	_ =	sdelay $0x3  }
0x32: {  	v62 =	vld [tilespmem:$0x30]  }
0x33: {  	[tilespmem:$0x5090] =	vst v0  }
0x34: {  	v0 =	vld.idx.msk [tilespmem:v2+s14+$0x0], $0xffff;
	_ =	sdelay $0x3  }
0x35: {  	v63 =	vld [tilespmem:$0x40]  }
0x36: {  	[tilespmem:$0x50A0] =	vst v0  }
0x37: {  	v0 =	vld.idx.msk [tilespmem:v62+s14+$0x0], $0xffff;
	_ =	sdelay $0x4  }
0x38: {  	[tilespmem:$0x50B0] =	vst v0  }
0x39: {  	v0 =	vld.idx.msk [tilespmem:v63+s14+$0x0], $0xffff;
	_ =	sdelay $0x2  }
0x3a: {  	p1 =	sne.s32 s23, $0x1  }
.Ltmp1:
0x3b: {  	_ = 	snop;
	(pc) =	sbr.rel @!p1 .LBB2_4-.Ltmp1, $4  }
0x3c: {  	s31 =	sadd.s32 s9, s22;
	s25 =	sadd.s32 $0xA00, s12;
	[tilespmem:$0x50C0] =	vst v0  }
0x3d: {  	[hbm4b:s31+s5] =	stream.linear.scatter [tilespmem:s20], [sflag:$0x2], $0x50, $0x38;
	[tilespmem:$0x1D800] =	vst v63  }
0x3e: {  	p0 =	por $0x1, $0x1;
	s22 =	sshrl.u32 s25, $0x3;
	_ =	swait.ge [sflag:s15], $0x50  }
0x3f: {  	s24 =	sadd.s32 $0xFFFFFFFF, s23;
	s23 =	smov.u32 s13;
	[sflag:s15] =	ssyncset.done $0x0  }
.LBB2_5:
0x40: {  	s26 =	sadd.s32 s1, s22;
	[sflag:s15] =	ssyncadd.s32 $0xFFFFFFB0;
	s23 =	sadd.s32 $0x50000, s23  }
0x41: {  	[tilespmem:s5], [sflag:$0x2] =	stream.linear.gather [hbm4b:s26+s5], $0x50, $0x38;
	[tilespmem:$0x1D800] =	vst v63  }
0x42: {  	p1 =	sne.s32 s24, $0x1;
	s24 =	sadd.s32 $0xFFFFFFFF, s24;
	_ =	swait.ge [sflag:s15], $0x50  }
0x43: {  	[sflag:s15] =	ssyncset.done $0x0  }
0x44: {  	[sflag:s15] =	ssyncadd.s32 $0xFFFFFFB0  }
0x45: {  	[tilespmem:s17], [sflag:$0x1] =	stream.indirect.gather [hbm4b:s2+s16], $0x80, s5, s16, $0xb8;
	[tilespmem:$0x1D800] =	vst v63  }
0x46: {  	_ =	swait.ge [sflag:s18], $0x2800  }
0x47: {  	s26 =	sshrl.u32 s23, $0x3;
	[sflag:s18] =	ssyncset.done $0x0  }
0x48: {  	s28 =	sadd.s32 s7, s26;
	[sflag:s18] =	ssyncadd.s32 $0xFFFFD800  }
0x49: {  	[hbm4b:s28+s5] =	stream.linear.scatter [tilespmem:s17], [sflag:$0x2], $0x2800, $0x38;
	[tilespmem:$0x1D800] =	vst v63  }
0x4a: {  	_ =	swait.ge [sflag:s15], $0x2800  }
0x4b: {  	[sflag:s15] =	ssyncset.done $0x0  }
0x4c: {  	[sflag:s15] =	ssyncadd.s32 $0xFFFFD800  }
0x4d: {  	[tilespmem:s19], [sflag:$0x1] =	stream.indirect.gather [hbm4b:s3+s16], $0x80, s5, s16, $0xb8;
	[tilespmem:$0x1D800] =	vst v63  }
0x4e: {  	_ =	swait.ge [sflag:s18], $0x2800  }
0x4f: {  	[sflag:s18] =	ssyncset.done $0x0  }
0x50: {  	s26 =	sadd.s32 s8, s26;
	[sflag:s18] =	ssyncadd.s32 $0xFFFFD800  }
0x51: {  	[hbm4b:s26+s5] =	stream.linear.scatter [tilespmem:s19], [sflag:$0x2], $0x2800, $0x38;
	[tilespmem:$0x1D800] =	vst v63  }
0x52: {  	_ =	swait.ge [sflag:s15], $0x2800  }
0x53: {  	[sflag:s15] =	ssyncset.done $0x0  }
0x54: {  	[sflag:s15] =	ssyncadd.s32 $0xFFFFD800  }
0x55: {  	v0 =	vld [tilespmem:$0x0];
	_ =	sdelay $0x6  }
0x56: {  	v1 =	vld [tilespmem:$0x10]  }
0x57: {  	v0 =	vld.idx.msk [tilespmem:v0+s14+$0x0], $0xffff;
	_ =	sdelay $0x5  }
0x58: {  	[tilespmem:$0x5080] =	vst v0;
	v0 =	vld [tilespmem:$0x20]  }
0x59: {  	v1 =	vld.idx.msk [tilespmem:v1+s14+$0x0], $0xffff;
	_ =	sdelay $0x5  }
0x5a: {  	[tilespmem:$0x5090] =	vst v1;
	v1 =	vld [tilespmem:$0x30]  }
0x5b: {  	v0 =	vld.idx.msk [tilespmem:v0+s14+$0x0], $0xffff;
	_ =	sdelay $0x5  }
0x5c: {  	[tilespmem:$0x50A0] =	vst v0;
	v0 =	vld [tilespmem:$0x40]  }
0x5d: {  	v1 =	vld.idx.msk [tilespmem:v1+s14+$0x0], $0xffff;
	_ =	sdelay $0x5  }
0x5e: {  	[tilespmem:$0x50B0] =	vst v1  }
0x5f: {  	v0 =	vld.idx.msk [tilespmem:v0+s14+$0x0], $0xffff;
	_ =	sdelay $0x4  }
.Ltmp2:
0x60: {  	(pc) =	sbr.rel @p1 .LBB2_5-.Ltmp2, $4  }
0x61: {  	s22 =	sadd.s32 s9, s22;
	[tilespmem:$0x50C0] =	vst v0  }
0x62: {  	[hbm4b:s22+s5] =	stream.linear.scatter [tilespmem:s20], [sflag:$0x2], $0x50, $0x38;
	[tilespmem:$0x1D800] =	vst v63  }
0x63: {  	s25 =	sadd.s32 $0xA00, s25;
	_ =	swait.ge [sflag:s15], $0x50  }
0x64: {  	s22 =	sshrl.u32 s25, $0x3;
	[sflag:s15] =	ssyncset.done $0x0  }
.LBB2_6:
0x65: {  	s24 =	sadd.s32 s1, s22;
	[sflag:s15] =	ssyncadd.s32 @p0 $0xFFFFFFB0  }
0x66: {  	[tilespmem:s5], [sflag:$0x2] =	stream.linear.gather [hbm4b:s24+s5], $0x50, $0x38;
	[tilespmem:$0x1D800] =	vst v63  }
0x67: {  	_ =	swait.ge [sflag:s15], $0x50  }
0x68: {  	[sflag:s15] =	ssyncset.done $0x0  }
0x69: {  	s23 =	sadd.s32 @p0 $0x50000, s23;
	s24 =	smov.u32 s13;
	[sflag:s15] =	ssyncadd.s32 $0xFFFFFFB0  }
0x6a: {  	[tilespmem:s17], [sflag:$0x1] =	stream.indirect.gather [hbm4b:s2+s16], $0x80, s5, s16, $0xb8;
	[tilespmem:$0x1D800] =	vst v63  }
0x6b: {  	s24 =	smov.u32 @p0 s23;
	_ =	swait.ge [sflag:s18], $0x2800  }
0x6c: {  	s23 =	sshrl.u32 s24, $0x3;
	[sflag:s18] =	ssyncset.done $0x0  }
0x6d: {  	s24 =	sadd.s32 s7, s23;
	[sflag:s18] =	ssyncadd.s32 $0xFFFFD800  }
0x6e: {  	[hbm4b:s24+s5] =	stream.linear.scatter [tilespmem:s17], [sflag:$0x2], $0x2800, $0x38;
	[tilespmem:$0x1D800] =	vst v63  }
0x6f: {  	_ =	swait.ge [sflag:s15], $0x2800  }
0x70: {  	[sflag:s15] =	ssyncset.done $0x0  }
0x71: {  	[sflag:s15] =	ssyncadd.s32 $0xFFFFD800  }
0x72: {  	[tilespmem:s19], [sflag:$0x1] =	stream.indirect.gather [hbm4b:s3+s16], $0x80, s5, s16, $0xb8;
	[tilespmem:$0x1D800] =	vst v63  }
0x73: {  	_ =	swait.ge [sflag:s18], $0x2800  }
0x74: {  	[sflag:s18] =	ssyncset.done $0x0  }
0x75: {  	s23 =	sadd.s32 s8, s23;
	[sflag:s18] =	ssyncadd.s32 $0xFFFFD800  }
0x76: {  	[hbm4b:s23+s5] =	stream.linear.scatter [tilespmem:s19], [sflag:$0x2], $0x2800, $0x38;
	[tilespmem:$0x1D800] =	vst v63  }
0x77: {  	_ =	swait.ge [sflag:s15], $0x2800  }
0x78: {  	[sflag:s15] =	ssyncset.done $0x0  }
0x79: {  	[sflag:s15] =	ssyncadd.s32 $0xFFFFD800  }
0x7a: {  	v0 =	vld [tilespmem:$0x0];
	_ =	sdelay $0x5  }
0x7b: {  	v1 =	vld [tilespmem:$0x10];
	_ =	sdelay $0x1  }
0x7c: {  	v0 =	vld.idx.msk [tilespmem:v0+s14+$0x0], $0xffff;
	_ =	sdelay $0x3  }
0x7d: {  	v2 =	vld [tilespmem:$0x20]  }
0x7e: {  	[tilespmem:$0x5080] =	vst v0  }
0x7f: {  	v0 =	vld.idx.msk [tilespmem:v1+s14+$0x0], $0xffff;
	_ =	sdelay $0x3  }
0x80: {  	v62 =	vld [tilespmem:$0x30]  }
0x81: {  	[tilespmem:$0x5090] =	vst v0  }
0x82: {  	v0 =	vld.idx.msk [tilespmem:v2+s14+$0x0], $0xffff;
	_ =	sdelay $0x3  }
0x83: {  	v63 =	vld [tilespmem:$0x40]  }
0x84: {  	[tilespmem:$0x50A0] =	vst v0  }
0x85: {  	v0 =	vld.idx.msk [tilespmem:v62+s14+$0x0], $0xffff;
	_ =	sdelay $0x4  }
0x86: {  	[tilespmem:$0x50B0] =	vst v0  }
0x87: {  	v0 =	vld.idx.msk [tilespmem:v63+s14+$0x0], $0xffff;
	_ =	sdelay $0x3  }
0x88: {  	s21 =	sadd.s32 $0x1, s21  }
0x89: {  	s31 =	sadd.s32 s9, s22;
	p0 =	sne.s32 s21, s11;
	[tilespmem:$0x50C0] =	vst v0  }
0x8a: {  	[hbm4b:s31+s5] =	stream.linear.scatter [tilespmem:s20], [sflag:$0x2], $0x50, $0x38;
	[tilespmem:$0x1D800] =	vst v63  }
.Ltmp3:
0x8b: {  	_ = 	snop;
	(pc) =	sbr.rel @p0 .LBB2_1-.Ltmp3, $4  }
.Ltmp4:
0x8c: {  	_ = 	snop;
	(pc) =	sbr.rel @!p0 .LBB2_7-.Ltmp4, $4  }
0x8d: {  	_ =	swait.ge [sflag:s15], $0x50  }
0x8e: {  	[sflag:s15] =	ssyncset.done $0x0  }
0x8f: {  	[sflag:s15] =	ssyncadd.s32 $0xFFFFFFB0  }
0x90: {  	_ = 	snop  }
.LBB2_2:
.Ltmp5:
0x91: {  	(pc) =	sbr.rel .LBB2_6-.Ltmp5, $2  }
0x92: {  	_ =	sdelay $0x2  }
0x93: {  	s23 =	smov.u32 s13  }
.LBB2_4:
.Ltmp6:
0x94: {  	(pc) =	sbr.rel .LBB2_6-.Ltmp6, $2  }
0x95: {  	_ =	sdelay $0x2  }
0x96: {  	s23 =	smov.u32 s13  }
.LBB2_7:
0x97: {  	_ =	sfence.sel $0x180000  }
0x98: {  	[bflag:$0x0] =	sbarrier.arrive $0xFFFF  }
0x99: {  	p0 =	sne.s32 s6, $0x0;
	_ =	strace $0x90000047  }
0x9a: {  	s0 =	sadd.s32 @!p0 $0x100000, s0;
	[bflag:$0x2] =	sbarrier.arrive $0xFFFF  }
0x9b: {  	[sflag:s0] =	ssyncadd.tile.s32 @!p0 $0x1;
	_ =	shalt  }
.Lfunc_end2:
_tile_overlayer_lowered:
.L_overlay_start_2:
0x9c: {  	(tag) =	ssettag $0x2  }
0x9d: {  	s0 =	rddreg [dreg:$0x0];
	s2 =	stileid.u32  }
0x9e: {  	s1 =	rddreg [dreg:$0x1];
	p0 =	sne.s32 s2, $0x0  }
0x9f: {  	s3 =	rddreg [dreg:$0x2];
	[bflag:$0x3] =	sbarrier.arrive $0xFFFF;
	s2 =	simm.s32 @!p0 $0x1C02  }
0xa0: {  	[timem:s3], [sflag:s2] =	dma.local @!p0 [hbm:s0], s1  }
0xa1: {  	s0 =	simm.s32 @!p0 $0x2  }
0xa2: {  	_ =	swait.ge @!p0 [sflag:s0], s1  }
0xa3: {  	s1 =	ssub.s32 @!p0 $0x0, s1;
	[sflag:s0] =	ssyncset.done @!p0 $0x0  }
0xa4: {  	[sflag:s0] =	ssyncadd.s32 @!p0 s1  }
0xa5: {  	[bflag:$0x3] =	sbarrier.arrive $0xFFFF  }
0xa6: {  	_ =	shalt  }

</sc_bundles>
